<compile_context>
chip_gen: v7x
topology: tpu7x:2x2x1
jax: 0.10.2.dev20260603
libtpu: 0.0.44.dev20260713+nightly
codegen_flags: <defaults>
</compile_context>

<pallas_src>
import functools

import jax
import jax.numpy as jnp
from jax import lax
from jax.experimental import pallas as pl
from jax.experimental.pallas import tpu as pltpu
from jax.experimental.pallas import tpu_sc as plsc

NC = 2
NS = 16
K = 128


@functools.lru_cache(maxsize=None)
def _make_sc_agg(N, D, R, E):
    assert R % NC == 0
    rel_per_core = R // NC
    e_per_tile = E // NS
    n_full = e_per_tile // K
    k_rem = e_per_tile - n_full * K
    rpt = (N // NS) // 8 * 8
    tail = N - NS * rpt
    assert tail % 8 == 0 and tail // 8 <= NS
    n_z128 = rpt // K
    z_rem = rpt - n_z128 * K

    mesh = plsc.VectorSubcoreMesh(core_axis_name="c", subcore_axis_name="s")

    scratch = [
        pltpu.VMEM((n_full * K,), jnp.int32),
        pltpu.VMEM((K,), jnp.int32),
        pltpu.VMEM((K,), jnp.int32),
        pltpu.VMEM((K, D), jnp.float32),
        pltpu.VMEM((K, D), jnp.float32),
        pltpu.VMEM_SHARED((N, D), jnp.float32),
        pltpu.SemaphoreType.DMA,
        pltpu.SemaphoreType.DMA,
        pltpu.SemaphoreType.DMA,
    ]
    if k_rem:
        scratch += [
            pltpu.VMEM((k_rem,), jnp.int32),
            pltpu.VMEM((k_rem,), jnp.int32),
            pltpu.VMEM((k_rem, D), jnp.float32),
        ]

    @functools.partial(
        pl.kernel,
        mesh=mesh,
        out_type=jax.ShapeDtypeStruct((R, N, D), jnp.float32),
        scratch_types=scratch,
    )
    def sc_agg(x_hbm, ei_hbm, out_hbm, src_v, dst_a, dst_b, rows_a, rows_b,
               acc_sh, sem_a, sem_b, sem_i, *rem_bufs):
        dstb = (dst_a, dst_b)
        rowsb = (rows_a, rows_b)
        sems = (sem_a, sem_b)
        rows_v = rows_a
        c = lax.axis_index("c")
        s = lax.axis_index("s")
        ebase = s * e_per_tile
        row0 = s * rpt
        trow = NS * rpt + s * 8

        for phase in range(rel_per_core):
            r = c * rel_per_core + phase

            def _zrow(i, carry):
                for j in range(D // 16):
                    rows_v[i, pl.ds(j * 16, 16)] = jnp.zeros((16,), jnp.float32)
                return carry
            lax.fori_loop(0, K, _zrow, 0)
            for z in range(n_z128):
                pltpu.sync_copy(
                    rows_v,
                    acc_sh.at[pl.ds(row0 + z * K, K)])
            if z_rem:
                pltpu.sync_copy(
                    rows_v.at[pl.ds(0, z_rem)],
                    acc_sh.at[pl.ds(row0 + n_z128 * K, z_rem)])
            if tail:
                @pl.when(s < tail // 8)
                def _():
                    pltpu.sync_copy(rows_v.at[pl.ds(0, 8)],
                                    acc_sh.at[pl.ds(trow, 8)])
            plsc.subcore_barrier()

            src0 = (2 * r) * E + ebase
            dst0 = (2 * r + 1) * E + ebase

            if k_rem:
                srcr_v, dstr_v, rowsr_v = rem_bufs
            pltpu.sync_copy(ei_hbm.at[pl.ds(src0, n_full * K)], src_v)
            pltpu.sync_copy(ei_hbm.at[pl.ds(dst0, K)], dstb[0])
            if k_rem:
                pltpu.sync_copy(ei_hbm.at[pl.ds(src0 + n_full * K, k_rem)],
                                srcr_v)
            pltpu.async_copy(x_hbm.at[src_v.at[pl.ds(0, K)]], rowsb[0],
                             sems[0])
            for b in range(n_full):
                cur = dstb[b % 2]
                nxt = dstb[(b + 1) % 2]
                rb = rowsb[b % 2]
                rn = rowsb[(b + 1) % 2]
                if b + 1 < n_full:
                    pltpu.async_copy(
                        ei_hbm.at[pl.ds(dst0 + (b + 1) * K, K)], nxt, sem_i)
                    pltpu.async_copy(
                        x_hbm.at[src_v.at[pl.ds((b + 1) * K, K)]], rn,
                        sems[(b + 1) % 2])
                elif k_rem:
                    pltpu.async_copy(
                        ei_hbm.at[pl.ds(dst0 + n_full * K, k_rem)], dstr_v,
                        sem_i)
                    pltpu.async_copy(x_hbm.at[srcr_v], rowsr_v,
                                     sems[(b + 1) % 2])
                pltpu.make_async_copy(x_hbm.at[src_v.at[pl.ds(b * K, K)]],
                                      rb, sems[b % 2]).wait()
                pltpu.sync_copy(rb, acc_sh.at[cur], add=True)
                if b + 1 < n_full:
                    pltpu.make_async_copy(
                        ei_hbm.at[pl.ds(dst0, K)], nxt, sem_i).wait()
                elif k_rem:
                    pltpu.make_async_copy(
                        ei_hbm.at[pl.ds(dst0, k_rem)], dstr_v, sem_i).wait()
            if k_rem:
                pltpu.make_async_copy(x_hbm.at[srcr_v], rowsr_v,
                                      sems[n_full % 2]).wait()
                pltpu.sync_copy(rowsr_v, acc_sh.at[dstr_v], add=True)
            plsc.subcore_barrier()

            pltpu.sync_copy(
                acc_sh.at[pl.ds(row0, rpt)],
                out_hbm.at[r, pl.ds(row0, rpt)])
            if tail:
                @pl.when(s < tail // 8)
                def _():
                    pltpu.sync_copy(acc_sh.at[pl.ds(trow, 8)],
                                    out_hbm.at[r, pl.ds(trow, 8)])

    return sc_agg


@functools.lru_cache(maxsize=None)
def _make_tc_self(N, D, Dout, bm=1000):
    def _body(x_ref, ws_ref, o_ref):
        o_ref[...] = jnp.dot(x_ref[...], ws_ref[...],
                             preferred_element_type=jnp.float32)

    return pl.pallas_call(
        _body,
        grid=(N // bm,),
        in_specs=[
            pl.BlockSpec((bm, D), lambda i: (i, 0)),
            pl.BlockSpec((D, Dout), lambda i: (0, 0)),
        ],
        out_specs=pl.BlockSpec((bm, Dout), lambda i: (i, 0)),
        out_shape=jax.ShapeDtypeStruct((N, Dout), jnp.float32),
    )


@functools.lru_cache(maxsize=None)
def _make_tc_sum(N, D, Dout, R, bm=1000):
    def _body(s_ref, a_ref, w_ref, o_ref):
        acc = s_ref[...]
        for r in range(R):
            acc = acc + jnp.dot(a_ref[r], w_ref[r],
                                preferred_element_type=jnp.float32)
        o_ref[...] = acc

    return pl.pallas_call(
        _body,
        grid=(N // bm,),
        in_specs=[
            pl.BlockSpec((bm, Dout), lambda i: (i, 0)),
            pl.BlockSpec((R, bm, D), lambda i: (0, i, 0)),
            pl.BlockSpec((R, D, Dout), lambda i: (0, 0, 0)),
        ],
        out_specs=pl.BlockSpec((bm, Dout), lambda i: (i, 0)),
        out_shape=jax.ShapeDtypeStruct((N, Dout), jnp.float32),
    )


def kernel(x, edge_index, W, W_self):
    B, N, D = x.shape
    R, _, E = edge_index.shape
    Dout = W_self.shape[1]
    x2 = x.reshape(N, D)
    self_o = _make_tc_self(N, D, Dout)(x2, W_self)
    agg = _make_sc_agg(N, D, R, E)(x2, edge_index.reshape(-1))
    out = _make_tc_sum(N, D, Dout, R)(self_o, agg, W)
    return out.reshape(B, N, Dout)

# --- scband reference (transcript-rebuilt; emitter-appended) ---
"""Pipeline reference for scband-graph-convolution-17076789969202 (READ-ONLY COPY).

The authoritative reference and input builder live on the scoring server;
editing this copy changes nothing except your own understanding.
"""

import jax, jax.numpy as jnp
import numpy as np


def setup_inputs(seed: int = 0) -> dict:
    key = jax.random.key(seed)
    k1, k2, k3, k4 = jax.random.split(key, 4)
    B, N, D, Dout, R, E = 1, 10000, 128, 128, 4, 80000
    x = jax.random.normal(k1, (B, N, D), dtype=jnp.float32)
    edge_index = jax.random.randint(k2, (R, 2, E), 0, N, dtype=jnp.int32)
    scale = 1.0 / np.sqrt(D)
    W = jax.random.normal(k3, (R, D, Dout), dtype=jnp.float32) * scale
    W_self = jax.random.normal(k4, (D, Dout), dtype=jnp.float32) * scale
    return {"x": x, "edge_index": edge_index, "W": W, "W_self": W_self}


def reference(x, edge_index, W, W_self):
    # Faithful R-GCN-style GraphConvolution forward:
    #   for each relation r, for each edge (src, dst):
    #       out[:, dst] += x[:, src] @ W[r]
    #   nodes with zero in-degree receive zeros (scatter-add into zeros)
    #   out += x @ W_self  (self loop)
    B, N, D = x.shape
    Dout = W_self.shape[1]
    out_self = jnp.einsum('bnd,df->bnf', x, W_self)
    agg = jnp.zeros((B, N, Dout), dtype=x.dtype)
    R = edge_index.shape[0]
    for r in range(R):
        src = edge_index[r, 0]
        dst = edge_index[r, 1]
        gathered = x[:, src, :]                      # gather  [B, E, D]
        msgs = jnp.einsum('bed,df->bef', gathered, W[r])  # per-edge transform
        agg = agg.at[:, dst, :].add(msgs)            # scatter-add by dst
    return agg + out_self

if __name__ == "__main__":
    import jax
    _d = setup_inputs()
    print(jax.jit(kernel)(*tuple(_d.values())))

</pallas_src>

<mosaic_0001>
#map = affine_map<(d0, d1) -> (0, 0)>
#map1 = affine_map<(d0, d1) -> (0)>
#map2 = affine_map<(d0, d1) -> (0, 0, 0)>
module attributes {stable_mosaic.version = 14 : i64} {
  func.func @sc_agg(%arg0: i32, %arg1: i32, %arg2: memref<10000x128xf32, #tpu.memory_space<hbm>>, %arg3: memref<640000xi32, #tpu.memory_space<hbm>>, %arg4: memref<4x10000x128xf32, #tpu.memory_space<hbm>>, %arg5: memref<4992xi32, #tpu.memory_space<vmem>>, %arg6: memref<128xi32, #tpu.memory_space<vmem>>, %arg7: memref<128xi32, #tpu.memory_space<vmem>>, %arg8: memref<128x128xf32, #tpu.memory_space<vmem>>, %arg9: memref<128x128xf32, #tpu.memory_space<vmem>>, %arg10: memref<10000x128xf32, #tpu.memory_space<vmem_shared>>, %arg11: memref<!tpu.dma_semaphore, #tpu.memory_space<semaphore_mem>>, %arg12: memref<!tpu.dma_semaphore, #tpu.memory_space<semaphore_mem>>, %arg13: memref<!tpu.dma_semaphore, #tpu.memory_space<semaphore_mem>>, %arg14: memref<8xi32, #tpu.memory_space<vmem>>, %arg15: memref<8xi32, #tpu.memory_space<vmem>>, %arg16: memref<8x128xf32, #tpu.memory_space<vmem>>) attributes {dimension_semantics = [#tpu.dimension_semantics<core_parallel>, #tpu.dimension_semantics<subcore_parallel>], iteration_bounds = array<i64: 2, 16>, scalar_prefetch = 0 : i64, scratch_operands = 12 : i64, tpu.core_type = #tpu.core_type<sc_vector_subcore>, window_params = [{transform_indices = #map}, {transform_indices = #map1}, {transform_indices = #map2}]} {
    %mul3A = arith.constant 5000 : i32
    %mul3A_0 = arith.muli %arg1, %mul3A : i32
    %mul3A_1 = arith.constant 624 : i32
    %mul3A_2 = arith.muli %arg1, %mul3A_1 : i32
    %mul3A_3 = arith.constant 8 : i32
    %mul3A_4 = arith.muli %arg1, %mul3A_3 : i32
    %add3A = arith.constant 9984 : i32
    %add3A_5 = arith.addi %add3A, %mul3A_4 : i32
    %mul3A_6 = arith.constant 2 : i32
    %mul3A_7 = arith.muli %arg0, %mul3A_6 : i32
    %add3A_8 = arith.constant 0 : i32
    %add3A_9 = arith.addi %mul3A_7, %add3A_8 : i32
    %scan3A = arith.constant 0 : i32
    %scan3A_10 = arith.constant 0 : i32
    %scan3A_11 = arith.constant 128 : i32
    %scan3A_12 = arith.addi %scan3A_10, %scan3A_11 : i32
    %scan3A_13 = arith.constant 1 : i32
    scf.for %scan3A_1351 = %scan3A_10 to %scan3A_12 step %scan3A_13  : i32 {
      %broadcast_in_dim3A = arith.constant 0.000000e+00 : f32
      %broadcast_in_dim3A_1352 = vector.broadcast %broadcast_in_dim3A : f32 to vector<16xf32>
      %swap3A = arith.index_cast %scan3A_1351 : i32 to index
      %swap3A_1353 = arith.constant 0 : index
      %swap3A_1354 = tpu.vector_load %arg8[%swap3A, %swap3A_1353] {strides = array<i32>} : memref<128x128xf32, #tpu.memory_space<vmem>>, vector<1x16xf32>,
      %swap3A_1355 = vector.shape_cast %swap3A_1354 : vector<1x16xf32> to vector<16xf32>
      %swap3A_1356 = vector.shape_cast %broadcast_in_dim3A_1352 : vector<16xf32> to vector<1x16xf32>
      tpu.vector_store %arg8[%swap3A, %swap3A_1353], %swap3A_1356 {strides = array<i32>} : memref<128x128xf32, #tpu.memory_space<vmem>>, vector<1x16xf32>,
      %broadcast_in_dim3A_1357 = arith.constant 0.000000e+00 : f32
      %broadcast_in_dim3A_1358 = vector.broadcast %broadcast_in_dim3A_1357 : f32 to vector<16xf32>
      %swap3A_1359 = arith.index_cast %scan3A_1351 : i32 to index
      %swap3A_1360 = arith.constant 16 : index
      %swap3A_1361 = tpu.vector_load %arg8[%swap3A_1359, %swap3A_1360] {strides = array<i32>} : memref<128x128xf32, #tpu.memory_space<vmem>>, vector<1x16xf32>,
      %swap3A_1362 = vector.shape_cast %swap3A_1361 : vector<1x16xf32> to vector<16xf32>
      %swap3A_1363 = vector.shape_cast %broadcast_in_dim3A_1358 : vector<16xf32> to vector<1x16xf32>
      tpu.vector_store %arg8[%swap3A_1359, %swap3A_1360], %swap3A_1363 {strides = array<i32>} : memref<128x128xf32, #tpu.memory_space<vmem>>, vector<1x16xf32>,
      %broadcast_in_dim3A_1364 = arith.constant 0.000000e+00 : f32
      %broadcast_in_dim3A_1365 = vector.broadcast %broadcast_in_dim3A_1364 : f32 to vector<16xf32>
      %swap3A_1366 = arith.index_cast %scan3A_1351 : i32 to index
      %swap3A_1367 = arith.constant 32 : index
      %swap3A_1368 = tpu.vector_load %arg8[%swap3A_1366, %swap3A_1367] {strides = array<i32>} : memref<128x128xf32, #tpu.memory_space<vmem>>, vector<1x16xf32>,
      %swap3A_1369 = vector.shape_cast %swap3A_1368 : vector<1x16xf32> to vector<16xf32>
      %swap3A_1370 = vector.shape_cast %broadcast_in_dim3A_1365 : vector<16xf32> to vector<1x16xf32>
      tpu.vector_store %arg8[%swap3A_1366, %swap3A_1367], %swap3A_1370 {strides = array<i32>} : memref<128x128xf32, #tpu.memory_space<vmem>>, vector<1x16xf32>,
      %broadcast_in_dim3A_1371 = arith.constant 0.000000e+00 : f32
      %broadcast_in_dim3A_1372 = vector.broadcast %broadcast_in_dim3A_1371 : f32 to vector<16xf32>
      %swap3A_1373 = arith.index_cast %scan3A_1351 : i32 to index
      %swap3A_1374 = arith.constant 48 : index
      %swap3A_1375 = tpu.vector_load %arg8[%swap3A_1373, %swap3A_1374] {strides = array<i32>} : memref<128x128xf32, #tpu.memory_space<vmem>>, vector<1x16xf32>,
      %swap3A_1376 = vector.shape_cast %swap3A_1375 : vector<1x16xf32> to vector<16xf32>
      %swap3A_1377 = vector.shape_cast %broadcast_in_dim3A_1372 : vector<16xf32> to vector<1x16xf32>
      tpu.vector_store %arg8[%swap3A_1373, %swap3A_1374], %swap3A_1377 {strides = array<i32>} : memref<128x128xf32, #tpu.memory_space<vmem>>, vector<1x16xf32>,
      %broadcast_in_dim3A_1378 = arith.constant 0.000000e+00 : f32
      %broadcast_in_dim3A_1379 = vector.broadcast %broadcast_in_dim3A_1378 : f32 to vector<16xf32>
      %swap3A_1380 = arith.index_cast %scan3A_1351 : i32 to index
      %swap3A_1381 = arith.constant 64 : index
      %swap3A_1382 = tpu.vector_load %arg8[%swap3A_1380, %swap3A_1381] {strides = array<i32>} : memref<128x128xf32, #tpu.memory_space<vmem>>, vector<1x16xf32>,
      %swap3A_1383 = vector.shape_cast %swap3A_1382 : vector<1x16xf32> to vector<16xf32>
      %swap3A_1384 = vector.shape_cast %broadcast_in_dim3A_1379 : vector<16xf32> to vector<1x16xf32>
      tpu.vector_store %arg8[%swap3A_1380, %swap3A_1381], %swap3A_1384 {strides = array<i32>} : memref<128x128xf32, #tpu.memory_space<vmem>>, vector<1x16xf32>,
      %broadcast_in_dim3A_1385 = arith.constant 0.000000e+00 : f32
      %broadcast_in_dim3A_1386 = vector.broadcast %broadcast_in_dim3A_1385 : f32 to vector<16xf32>
      %swap3A_1387 = arith.index_cast %scan3A_1351 : i32 to index
      %swap3A_1388 = arith.constant 80 : index
      %swap3A_1389 = tpu.vector_load %arg8[%swap3A_1387, %swap3A_1388] {strides = array<i32>} : memref<128x128xf32, #tpu.memory_space<vmem>>, vector<1x16xf32>,
      %swap3A_1390 = vector.shape_cast %swap3A_1389 : vector<1x16xf32> to vector<16xf32>
      %swap3A_1391 = vector.shape_cast %broadcast_in_dim3A_1386 : vector<16xf32> to vector<1x16xf32>
      tpu.vector_store %arg8[%swap3A_1387, %swap3A_1388], %swap3A_1391 {strides = array<i32>} : memref<128x128xf32, #tpu.memory_space<vmem>>, vector<1x16xf32>,
      %broadcast_in_dim3A_1392 = arith.constant 0.000000e+00 : f32
      %broadcast_in_dim3A_1393 = vector.broadcast %broadcast_in_dim3A_1392 : f32 to vector<16xf32>
      %swap3A_1394 = arith.index_cast %scan3A_1351 : i32 to index
      %swap3A_1395 = arith.constant 96 : index
      %swap3A_1396 = tpu.vector_load %arg8[%swap3A_1394, %swap3A_1395] {strides = array<i32>} : memref<128x128xf32, #tpu.memory_space<vmem>>, vector<1x16xf32>,
      %swap3A_1397 = vector.shape_cast %swap3A_1396 : vector<1x16xf32> to vector<16xf32>
      %swap3A_1398 = vector.shape_cast %broadcast_in_dim3A_1393 : vector<16xf32> to vector<1x16xf32>
      tpu.vector_store %arg8[%swap3A_1394, %swap3A_1395], %swap3A_1398 {strides = array<i32>} : memref<128x128xf32, #tpu.memory_space<vmem>>, vector<1x16xf32>,
      %broadcast_in_dim3A_1399 = arith.constant 0.000000e+00 : f32
      %broadcast_in_dim3A_1400 = vector.broadcast %broadcast_in_dim3A_1399 : f32 to vector<16xf32>
      %swap3A_1401 = arith.index_cast %scan3A_1351 : i32 to index
      %swap3A_1402 = arith.constant 112 : index
      %swap3A_1403 = tpu.vector_load %arg8[%swap3A_1401, %swap3A_1402] {strides = array<i32>} : memref<128x128xf32, #tpu.memory_space<vmem>>, vector<1x16xf32>,
      %swap3A_1404 = vector.shape_cast %swap3A_1403 : vector<1x16xf32> to vector<16xf32>
      %swap3A_1405 = vector.shape_cast %broadcast_in_dim3A_1400 : vector<16xf32> to vector<1x16xf32>
      tpu.vector_store %arg8[%swap3A_1401, %swap3A_1402], %swap3A_1405 {strides = array<i32>} : memref<128x128xf32, #tpu.memory_space<vmem>>, vector<1x16xf32>,
    }
    %scan3A_14 = arith.constant 128 : i32
    %add3A_15 = arith.constant 0 : i32
    %add3A_16 = arith.addi %mul3A_2, %add3A_15 : i32
    "tpu.region"() ({
      %run_scoped3A = tpu.sem_alloc : memref<!tpu.dma_semaphore, #tpu.memory_space<semaphore_mem>>
      %dma_start3A_1351 = arith.constant 0 : i32
      %dma_start3A_1352 = tpu.memref_slice %arg10[%add3A_16, %dma_start3A_1351] : memref<10000x128xf32, #tpu.memory_space<vmem_shared>> -> memref<128x128xf32, #tpu.memory_space<vmem_shared>>
      %dma_start3A_1353 = arith.constant 0 : i32
      %dma_start3A_1354 = tpu.memref_slice %arg10[%add3A_16, %dma_start3A_1353] : memref<10000x128xf32, #tpu.memory_space<vmem_shared>> -> memref<128x128xf32, #tpu.memory_space<vmem_shared>>
      tpu.enqueue_dma source(%arg8 : memref<128x128xf32, #tpu.memory_space<vmem>>) target(%dma_start3A_1354 : memref<128x128xf32, #tpu.memory_space<vmem_shared>>) target_semaphore(%run_scoped3A : memref<!tpu.dma_semaphore, #tpu.memory_space<semaphore_mem>>)
      %dma_wait3A_1355 = arith.constant 0 : i32
      %dma_wait3A_1356 = tpu.memref_slice %arg10[%add3A_16, %dma_wait3A_1355] : memref<10000x128xf32, #tpu.memory_space<vmem_shared>> -> memref<128x128xf32, #tpu.memory_space<vmem_shared>>
      %dma_wait3A_1357 = arith.constant 0 : i32
      %dma_wait3A_1358 = tpu.memref_slice %arg10[%add3A_16, %dma_wait3A_1357] : memref<10000x128xf32, #tpu.memory_space<vmem_shared>> -> memref<128x128xf32, #tpu.memory_space<vmem_shared>>
      tpu.wait_dma2 semaphore(%run_scoped3A : memref<!tpu.dma_semaphore, #tpu.memory_space<semaphore_mem>>) src(%arg8 : memref<128x128xf32, #tpu.memory_space<vmem>>) dst(%dma_wait3A_1358 : memref<128x128xf32, #tpu.memory_space<vmem_shared>>)
      tpu.yield
    }) : () -> ()
    %add3A_17 = arith.constant 128 : i32
    %add3A_18 = arith.addi %mul3A_2, %add3A_17 : i32
    "tpu.region"() ({
      %run_scoped3A = tpu.sem_alloc : memref<!tpu.dma_semaphore, #tpu.memory_space<semaphore_mem>>
      %dma_start3A_1351 = arith.constant 0 : i32
      %dma_start3A_1352 = tpu.memref_slice %arg10[%add3A_18, %dma_start3A_1351] : memref<10000x128xf32, #tpu.memory_space<vmem_shared>> -> memref<128x128xf32, #tpu.memory_space<vmem_shared>>
      %dma_start3A_1353 = arith.constant 0 : i32
      %dma_start3A_1354 = tpu.memref_slice %arg10[%add3A_18, %dma_start3A_1353] : memref<10000x128xf32, #tpu.memory_space<vmem_shared>> -> memref<128x128xf32, #tpu.memory_space<vmem_shared>>
      tpu.enqueue_dma source(%arg8 : memref<128x128xf32, #tpu.memory_space<vmem>>) target(%dma_start3A_1354 : memref<128x128xf32, #tpu.memory_space<vmem_shared>>) target_semaphore(%run_scoped3A : memref<!tpu.dma_semaphore, #tpu.memory_space<semaphore_mem>>)
      %dma_wait3A_1355 = arith.constant 0 : i32
      %dma_wait3A_1356 = tpu.memref_slice %arg10[%add3A_18, %dma_wait3A_1355] : memref<10000x128xf32, #tpu.memory_space<vmem_shared>> -> memref<128x128xf32, #tpu.memory_space<vmem_shared>>
      %dma_wait3A_1357 = arith.constant 0 : i32
      %dma_wait3A_1358 = tpu.memref_slice %arg10[%add3A_18, %dma_wait3A_1357] : memref<10000x128xf32, #tpu.memory_space<vmem_shared>> -> memref<128x128xf32, #tpu.memory_space<vmem_shared>>
      tpu.wait_dma2 semaphore(%run_scoped3A : memref<!tpu.dma_semaphore, #tpu.memory_space<semaphore_mem>>) src(%arg8 : memref<128x128xf32, #tpu.memory_space<vmem>>) dst(%dma_wait3A_1358 : memref<128x128xf32, #tpu.memory_space<vmem_shared>>)
      tpu.yield
    }) : () -> ()
    %add3A_19 = arith.constant 256 : i32
    %add3A_20 = arith.addi %mul3A_2, %add3A_19 : i32
    "tpu.region"() ({
      %run_scoped3A = tpu.sem_alloc : memref<!tpu.dma_semaphore, #tpu.memory_space<semaphore_mem>>
      %dma_start3A_1351 = arith.constant 0 : i32
      %dma_start3A_1352 = tpu.memref_slice %arg10[%add3A_20, %dma_start3A_1351] : memref<10000x128xf32, #tpu.memory_space<vmem_shared>> -> memref<128x128xf32, #tpu.memory_space<vmem_shared>>
      %dma_start3A_1353 = arith.constant 0 : i32
      %dma_start3A_1354 = tpu.memref_slice %arg10[%add3A_20, %dma_start3A_1353] : memref<10000x128xf32, #tpu.memory_space<vmem_shared>> -> memref<128x128xf32, #tpu.memory_space<vmem_shared>>
      tpu.enqueue_dma source(%arg8 : memref<128x128xf32, #tpu.memory_space<vmem>>) target(%dma_start3A_1354 : memref<128x128xf32, #tpu.memory_space<vmem_shared>>) target_semaphore(%run_scoped3A : memref<!tpu.dma_semaphore, #tpu.memory_space<semaphore_mem>>)
      %dma_wait3A_1355 = arith.constant 0 : i32
      %dma_wait3A_1356 = tpu.memref_slice %arg10[%add3A_20, %dma_wait3A_1355] : memref<10000x128xf32, #tpu.memory_space<vmem_shared>> -> memref<128x128xf32, #tpu.memory_space<vmem_shared>>
      %dma_wait3A_1357 = arith.constant 0 : i32
      %dma_wait3A_1358 = tpu.memref_slice %arg10[%add3A_20, %dma_wait3A_1357] : memref<10000x128xf32, #tpu.memory_space<vmem_shared>> -> memref<128x128xf32, #tpu.memory_space<vmem_shared>>
      tpu.wait_dma2 semaphore(%run_scoped3A : memref<!tpu.dma_semaphore, #tpu.memory_space<semaphore_mem>>) src(%arg8 : memref<128x128xf32, #tpu.memory_space<vmem>>) dst(%dma_wait3A_1358 : memref<128x128xf32, #tpu.memory_space<vmem_shared>>)
      tpu.yield
    }) : () -> ()
    %add3A_21 = arith.constant 384 : i32
    %add3A_22 = arith.addi %mul3A_2, %add3A_21 : i32
    "tpu.region"() ({
      %run_scoped3A = tpu.sem_alloc : memref<!tpu.dma_semaphore, #tpu.memory_space<semaphore_mem>>
      %dma_start3A_1351 = arith.constant 0 : i32
      %dma_start3A_1352 = tpu.memref_slice %arg10[%add3A_22, %dma_start3A_1351] : memref<10000x128xf32, #tpu.memory_space<vmem_shared>> -> memref<128x128xf32, #tpu.memory_space<vmem_shared>>
      %dma_start3A_1353 = arith.constant 0 : i32
      %dma_start3A_1354 = tpu.memref_slice %arg10[%add3A_22, %dma_start3A_1353] : memref<10000x128xf32, #tpu.memory_space<vmem_shared>> -> memref<128x128xf32, #tpu.memory_space<vmem_shared>>
      tpu.enqueue_dma source(%arg8 : memref<128x128xf32, #tpu.memory_space<vmem>>) target(%dma_start3A_1354 : memref<128x128xf32, #tpu.memory_space<vmem_shared>>) target_semaphore(%run_scoped3A : memref<!tpu.dma_semaphore, #tpu.memory_space<semaphore_mem>>)
      %dma_wait3A_1355 = arith.constant 0 : i32
      %dma_wait3A_1356 = tpu.memref_slice %arg10[%add3A_22, %dma_wait3A_1355] : memref<10000x128xf32, #tpu.memory_space<vmem_shared>> -> memref<128x128xf32, #tpu.memory_space<vmem_shared>>
      %dma_wait3A_1357 = arith.constant 0 : i32
      %dma_wait3A_1358 = tpu.memref_slice %arg10[%add3A_22, %dma_wait3A_1357] : memref<10000x128xf32, #tpu.memory_space<vmem_shared>> -> memref<128x128xf32, #tpu.memory_space<vmem_shared>>
      tpu.wait_dma2 semaphore(%run_scoped3A : memref<!tpu.dma_semaphore, #tpu.memory_space<semaphore_mem>>) src(%arg8 : memref<128x128xf32, #tpu.memory_space<vmem>>) dst(%dma_wait3A_1358 : memref<128x128xf32, #tpu.memory_space<vmem_shared>>)
      tpu.yield
    }) : () -> ()
    %add3A_23 = arith.constant 512 : i32
    %add3A_24 = arith.addi %mul3A_2, %add3A_23 : i32
    "tpu.region"() ({
      %run_scoped3A = tpu.sem_alloc : memref<!tpu.dma_semaphore, #tpu.memory_space<semaphore_mem>>
      %dma_start3A_1351 = arith.constant 0 : i32
      %dma_start3A_1352 = arith.constant 0 : i32
      %dma_start3A_1353 = tpu.memref_slice %arg8[%dma_start3A_1351, %dma_start3A_1352] : memref<128x128xf32, #tpu.memory_space<vmem>> -> memref<112x128xf32, #tpu.memory_space<vmem>>
      %dma_start3A_1354 = arith.constant 0 : i32
      %dma_start3A_1355 = tpu.memref_slice %arg10[%add3A_24, %dma_start3A_1354] : memref<10000x128xf32, #tpu.memory_space<vmem_shared>> -> memref<112x128xf32, #tpu.memory_space<vmem_shared>>
      %dma_start3A_1356 = arith.constant 0 : i32
      %dma_start3A_1357 = tpu.memref_slice %arg10[%add3A_24, %dma_start3A_1356] : memref<10000x128xf32, #tpu.memory_space<vmem_shared>> -> memref<112x128xf32, #tpu.memory_space<vmem_shared>>
      %dma_start3A_1358 = arith.constant 0 : i32
      %dma_start3A_1359 = arith.constant 0 : i32
      %dma_start3A_1360 = tpu.memref_slice %arg8[%dma_start3A_1358, %dma_start3A_1359] : memref<128x128xf32, #tpu.memory_space<vmem>> -> memref<112x128xf32, #tpu.memory_space<vmem>>
      tpu.enqueue_dma source(%dma_start3A_1360 : memref<112x128xf32, #tpu.memory_space<vmem>>) target(%dma_start3A_1357 : memref<112x128xf32, #tpu.memory_space<vmem_shared>>) target_semaphore(%run_scoped3A : memref<!tpu.dma_semaphore, #tpu.memory_space<semaphore_mem>>)
      %dma_wait3A_1361 = arith.constant 0 : i32
      %dma_wait3A_1362 = arith.constant 0 : i32
      %dma_wait3A_1363 = tpu.memref_slice %arg8[%dma_wait3A_1361, %dma_wait3A_1362] : memref<128x128xf32, #tpu.memory_space<vmem>> -> memref<112x128xf32, #tpu.memory_space<vmem>>
      %dma_wait3A_1364 = arith.constant 0 : i32
      %dma_wait3A_1365 = tpu.memref_slice %arg10[%add3A_24, %dma_wait3A_1364] : memref<10000x128xf32, #tpu.memory_space<vmem_shared>> -> memref<112x128xf32, #tpu.memory_space<vmem_shared>>
      %dma_wait3A_1366 = arith.constant 0 : i32
      %dma_wait3A_1367 = tpu.memref_slice %arg10[%add3A_24, %dma_wait3A_1366] : memref<10000x128xf32, #tpu.memory_space<vmem_shared>> -> memref<112x128xf32, #tpu.memory_space<vmem_shared>>
      %dma_wait3A_1368 = arith.constant 0 : i32
      %dma_wait3A_1369 = arith.constant 0 : i32
      %dma_wait3A_1370 = tpu.memref_slice %arg8[%dma_wait3A_1368, %dma_wait3A_1369] : memref<128x128xf32, #tpu.memory_space<vmem>> -> memref<112x128xf32, #tpu.memory_space<vmem>>
      tpu.wait_dma2 semaphore(%run_scoped3A : memref<!tpu.dma_semaphore, #tpu.memory_space<semaphore_mem>>) src(%dma_wait3A_1370 : memref<112x128xf32, #tpu.memory_space<vmem>>) dst(%dma_wait3A_1367 : memref<112x128xf32, #tpu.memory_space<vmem_shared>>)
      tpu.yield
    }) : () -> ()
    %lt3A = arith.constant 2 : i32
    %lt3A_25 = arith.cmpi slt, %arg1, %lt3A : i32
    %convert_element_type3A = arith.extui %lt3A_25 : i1 to i32
    %cond3A = arith.constant 0 : i32
    %cond3A_26 = arith.cmpi ne, %convert_element_type3A, %cond3A : i32
    scf.if %cond3A_26 {
      "tpu.region"() ({
        %run_scoped3A = tpu.sem_alloc : memref<!tpu.dma_semaphore, #tpu.memory_space<semaphore_mem>>
        %dma_start3A_1351 = arith.constant 0 : i32
        %dma_start3A_1352 = arith.constant 0 : i32
        %dma_start3A_1353 = tpu.memref_slice %arg8[%dma_start3A_1351, %dma_start3A_1352] : memref<128x128xf32, #tpu.memory_space<vmem>> -> memref<8x128xf32, #tpu.memory_space<vmem>>
        %dma_start3A_1354 = arith.constant 0 : i32
        %dma_start3A_1355 = tpu.memref_slice %arg10[%add3A_5, %dma_start3A_1354] : memref<10000x128xf32, #tpu.memory_space<vmem_shared>> -> memref<8x128xf32, #tpu.memory_space<vmem_shared>>
        %dma_start3A_1356 = arith.constant 0 : i32
        %dma_start3A_1357 = tpu.memref_slice %arg10[%add3A_5, %dma_start3A_1356] : memref<10000x128xf32, #tpu.memory_space<vmem_shared>> -> memref<8x128xf32, #tpu.memory_space<vmem_shared>>
        %dma_start3A_1358 = arith.constant 0 : i32
        %dma_start3A_1359 = arith.constant 0 : i32
        %dma_start3A_1360 = tpu.memref_slice %arg8[%dma_start3A_1358, %dma_start3A_1359] : memref<128x128xf32, #tpu.memory_space<vmem>> -> memref<8x128xf32, #tpu.memory_space<vmem>>
        tpu.enqueue_dma source(%dma_start3A_1360 : memref<8x128xf32, #tpu.memory_space<vmem>>) target(%dma_start3A_1357 : memref<8x128xf32, #tpu.memory_space<vmem_shared>>) target_semaphore(%run_scoped3A : memref<!tpu.dma_semaphore, #tpu.memory_space<semaphore_mem>>)
        %dma_wait3A_1361 = arith.constant 0 : i32
        %dma_wait3A_1362 = arith.constant 0 : i32
        %dma_wait3A_1363 = tpu.memref_slice %arg8[%dma_wait3A_1361, %dma_wait3A_1362] : memref<128x128xf32, #tpu.memory_space<vmem>> -> memref<8x128xf32, #tpu.memory_space<vmem>>
        %dma_wait3A_1364 = arith.constant 0 : i32
        %dma_wait3A_1365 = tpu.memref_slice %arg10[%add3A_5, %dma_wait3A_1364] : memref<10000x128xf32, #tpu.memory_space<vmem_shared>> -> memref<8x128xf32, #tpu.memory_space<vmem_shared>>
        %dma_wait3A_1366 = arith.constant 0 : i32
        %dma_wait3A_1367 = tpu.memref_slice %arg10[%add3A_5, %dma_wait3A_1366] : memref<10000x128xf32, #tpu.memory_space<vmem_shared>> -> memref<8x128xf32, #tpu.memory_space<vmem_shared>>
        %dma_wait3A_1368 = arith.constant 0 : i32
        %dma_wait3A_1369 = arith.constant 0 : i32
        %dma_wait3A_1370 = tpu.memref_slice %arg8[%dma_wait3A_1368, %dma_wait3A_1369] : memref<128x128xf32, #tpu.memory_space<vmem>> -> memref<8x128xf32, #tpu.memory_space<vmem>>
        tpu.wait_dma2 semaphore(%run_scoped3A : memref<!tpu.dma_semaphore, #tpu.memory_space<semaphore_mem>>) src(%dma_wait3A_1370 : memref<8x128xf32, #tpu.memory_space<vmem>>) dst(%dma_wait3A_1367 : memref<8x128xf32, #tpu.memory_space<vmem_shared>>)
        tpu.yield
      }) : () -> ()
    } else {
    }
    %barrier3A = arith.constant 0 : index
    tpu.barrier barrier_id(%barrier3A)
    %mul3A_27 = arith.constant 2 : i32
    %mul3A_28 = arith.muli %mul3A_27, %add3A_9 : i32
    %mul3A_29 = arith.constant 80000 : i32
    %mul3A_30 = arith.muli %mul3A_28, %mul3A_29 : i32
    %add3A_31 = arith.addi %mul3A_30, %mul3A_0 : i32
    %mul3A_32 = arith.constant 2 : i32
    %mul3A_33 = arith.muli %mul3A_32, %add3A_9 : i32
    %add3A_34 = arith.constant 1 : i32
    %add3A_35 = arith.addi %mul3A_33, %add3A_34 : i32
    %mul3A_36 = arith.constant 80000 : i32
    %mul3A_37 = arith.muli %add3A_35, %mul3A_36 : i32
    %add3A_38 = arith.addi %mul3A_37, %mul3A_0 : i32
    "tpu.region"() ({
      %run_scoped3A = tpu.sem_alloc : memref<!tpu.dma_semaphore, #tpu.memory_space<semaphore_mem>>
      %dma_start3A_1351 = tpu.memref_slice %arg3[%add3A_31] : memref<640000xi32, #tpu.memory_space<hbm>> -> memref<4992xi32, #tpu.memory_space<hbm>>
      %dma_start3A_1352 = tpu.memref_slice %arg3[%add3A_31] : memref<640000xi32, #tpu.memory_space<hbm>> -> memref<4992xi32, #tpu.memory_space<hbm>>
      tpu.enqueue_dma source(%dma_start3A_1352 : memref<4992xi32, #tpu.memory_space<hbm>>) target(%arg5 : memref<4992xi32, #tpu.memory_space<vmem>>) target_semaphore(%run_scoped3A : memref<!tpu.dma_semaphore, #tpu.memory_space<semaphore_mem>>)
      %dma_wait3A_1353 = tpu.memref_slice %arg3[%add3A_31] : memref<640000xi32, #tpu.memory_space<hbm>> -> memref<4992xi32, #tpu.memory_space<hbm>>
      %dma_wait3A_1354 = tpu.memref_slice %arg3[%add3A_31] : memref<640000xi32, #tpu.memory_space<hbm>> -> memref<4992xi32, #tpu.memory_space<hbm>>
      tpu.wait_dma2 semaphore(%run_scoped3A : memref<!tpu.dma_semaphore, #tpu.memory_space<semaphore_mem>>) src(%dma_wait3A_1354 : memref<4992xi32, #tpu.memory_space<hbm>>) dst(%arg5 : memref<4992xi32, #tpu.memory_space<vmem>>)
      tpu.yield
    }) : () -> ()
    "tpu.region"() ({
      %run_scoped3A = tpu.sem_alloc : memref<!tpu.dma_semaphore, #tpu.memory_space<semaphore_mem>>
      %dma_start3A_1351 = tpu.memref_slice %arg3[%add3A_38] : memref<640000xi32, #tpu.memory_space<hbm>> -> memref<128xi32, #tpu.memory_space<hbm>>
      %dma_start3A_1352 = tpu.memref_slice %arg3[%add3A_38] : memref<640000xi32, #tpu.memory_space<hbm>> -> memref<128xi32, #tpu.memory_space<hbm>>
      tpu.enqueue_dma source(%dma_start3A_1352 : memref<128xi32, #tpu.memory_space<hbm>>) target(%arg6 : memref<128xi32, #tpu.memory_space<vmem>>) target_semaphore(%run_scoped3A : memref<!tpu.dma_semaphore, #tpu.memory_space<semaphore_mem>>)
      %dma_wait3A_1353 = tpu.memref_slice %arg3[%add3A_38] : memref<640000xi32, #tpu.memory_space<hbm>> -> memref<128xi32, #tpu.memory_space<hbm>>
      %dma_wait3A_1354 = tpu.memref_slice %arg3[%add3A_38] : memref<640000xi32, #tpu.memory_space<hbm>> -> memref<128xi32, #tpu.memory_space<hbm>>
      tpu.wait_dma2 semaphore(%run_scoped3A : memref<!tpu.dma_semaphore, #tpu.memory_space<semaphore_mem>>) src(%dma_wait3A_1354 : memref<128xi32, #tpu.memory_space<hbm>>) dst(%arg6 : memref<128xi32, #tpu.memory_space<vmem>>)
      tpu.yield
    }) : () -> ()
    %add3A_39 = arith.constant 4992 : i32
    %add3A_40 = arith.addi %add3A_31, %add3A_39 : i32
    "tpu.region"() ({
      %run_scoped3A = tpu.sem_alloc : memref<!tpu.dma_semaphore, #tpu.memory_space<semaphore_mem>>
      %dma_start3A_1351 = tpu.memref_slice %arg3[%add3A_40] : memref<640000xi32, #tpu.memory_space<hbm>> -> memref<8xi32, #tpu.memory_space<hbm>>
      %dma_start3A_1352 = tpu.memref_slice %arg3[%add3A_40] : memref<640000xi32, #tpu.memory_space<hbm>> -> memref<8xi32, #tpu.memory_space<hbm>>
      tpu.enqueue_dma source(%dma_start3A_1352 : memref<8xi32, #tpu.memory_space<hbm>>) target(%arg14 : memref<8xi32, #tpu.memory_space<vmem>>) target_semaphore(%run_scoped3A : memref<!tpu.dma_semaphore, #tpu.memory_space<semaphore_mem>>)
      %dma_wait3A_1353 = tpu.memref_slice %arg3[%add3A_40] : memref<640000xi32, #tpu.memory_space<hbm>> -> memref<8xi32, #tpu.memory_space<hbm>>
      %dma_wait3A_1354 = tpu.memref_slice %arg3[%add3A_40] : memref<640000xi32, #tpu.memory_space<hbm>> -> memref<8xi32, #tpu.memory_space<hbm>>
      tpu.wait_dma2 semaphore(%run_scoped3A : memref<!tpu.dma_semaphore, #tpu.memory_space<semaphore_mem>>) src(%dma_wait3A_1354 : memref<8xi32, #tpu.memory_space<hbm>>) dst(%arg14 : memref<8xi32, #tpu.memory_space<vmem>>)
      tpu.yield
    }) : () -> ()
    %dma_start3A = arith.constant 0 : i32
    %dma_start3A_41 = tpu.memref_slice %arg5[%dma_start3A] : memref<4992xi32, #tpu.memory_space<vmem>> -> memref<128xi32, #tpu.memory_space<vmem>>
    %dma_start3A_42 = arith.constant 0 : i32
    %dma_start3A_43 = arith.constant 0 : i32
    %dma_start3A_44 = tpu.memref_slice %arg2[%dma_start3A_42, %dma_start3A_43] : memref<10000x128xf32, #tpu.memory_space<hbm>> -> memref<10000x128xf32, #tpu.memory_space<hbm>>
    tpu.enqueue_indirect_dma source(%dma_start3A_44 : memref<10000x128xf32, #tpu.memory_space<hbm>>) target(%arg8 : memref<128x128xf32, #tpu.memory_space<vmem>>) offsets(%dma_start3A_41 : memref<128xi32, #tpu.memory_space<vmem>>) semaphore(%arg11 : memref<!tpu.dma_semaphore, #tpu.memory_space<semaphore_mem>>)
    %add3A_45 = arith.constant 128 : i32
    %add3A_46 = arith.addi %add3A_38, %add3A_45 : i32
    %dma_start3A_47 = tpu.memref_slice %arg3[%add3A_46] : memref<640000xi32, #tpu.memory_space<hbm>> -> memref<128xi32, #tpu.memory_space<hbm>>
    %dma_start3A_48 = tpu.memref_slice %arg3[%add3A_46] : memref<640000xi32, #tpu.memory_space<hbm>> -> memref<128xi32, #tpu.memory_space<hbm>>
    tpu.enqueue_dma source(%dma_start3A_48 : memref<128xi32, #tpu.memory_space<hbm>>) target(%arg7 : memref<128xi32, #tpu.memory_space<vmem>>) target_semaphore(%arg13 : memref<!tpu.dma_semaphore, #tpu.memory_space<semaphore_mem>>)
    %dma_start3A_49 = arith.constant 128 : i32
    %dma_start3A_50 = tpu.memref_slice %arg5[%dma_start3A_49] : memref<4992xi32, #tpu.memory_space<vmem>> -> memref<128xi32, #tpu.memory_space<vmem>>
    %dma_start3A_51 = arith.constant 0 : i32
    %dma_start3A_52 = arith.constant 0 : i32
    %dma_start3A_53 = tpu.memref_slice %arg2[%dma_start3A_51, %dma_start3A_52] : memref<10000x128xf32, #tpu.memory_space<hbm>> -> memref<10000x128xf32, #tpu.memory_space<hbm>>
    tpu.enqueue_indirect_dma source(%dma_start3A_53 : memref<10000x128xf32, #tpu.memory_space<hbm>>) target(%arg9 : memref<128x128xf32, #tpu.memory_space<vmem>>) offsets(%dma_start3A_50 : memref<128xi32, #tpu.memory_space<vmem>>) semaphore(%arg12 : memref<!tpu.dma_semaphore, #tpu.memory_space<semaphore_mem>>)
    %dma_wait3A = arith.constant 0 : i32
    %dma_wait3A_54 = tpu.memref_slice %arg5[%dma_wait3A] : memref<4992xi32, #tpu.memory_space<vmem>> -> memref<128xi32, #tpu.memory_space<vmem>>
    %dma_wait3A_55 = arith.constant 0 : i32
    %dma_wait3A_56 = arith.constant 0 : i32
    %dma_wait3A_57 = tpu.memref_slice %arg2[%dma_wait3A_55, %dma_wait3A_56] : memref<10000x128xf32, #tpu.memory_space<hbm>> -> memref<10000x128xf32, #tpu.memory_space<hbm>>
    tpu.wait_indirect_dma semaphore(%arg11 : memref<!tpu.dma_semaphore, #tpu.memory_space<semaphore_mem>>) src(%dma_wait3A_57 : memref<10000x128xf32, #tpu.memory_space<hbm>>) dst(%arg8 : memref<128x128xf32, #tpu.memory_space<vmem>>)
    "tpu.region"() ({
      %run_scoped3A = tpu.sem_alloc : memref<!tpu.dma_semaphore, #tpu.memory_space<semaphore_mem>>
      %dma_start3A_1351 = arith.constant 0 : i32
      %dma_start3A_1352 = arith.constant 0 : i32
      %dma_start3A_1353 = tpu.memref_slice %arg10[%dma_start3A_1351, %dma_start3A_1352] : memref<10000x128xf32, #tpu.memory_space<vmem_shared>> -> memref<10000x128xf32, #tpu.memory_space<vmem_shared>>
      tpu.enqueue_indirect_dma source(%arg8 : memref<128x128xf32, #tpu.memory_space<vmem>>) target(%dma_start3A_1353 : memref<10000x128xf32, #tpu.memory_space<vmem_shared>>) offsets(%arg6 : memref<128xi32, #tpu.memory_space<vmem>>) semaphore(%run_scoped3A : memref<!tpu.dma_semaphore, #tpu.memory_space<semaphore_mem>>) {add = true}
      %dma_wait3A_1354 = arith.constant 0 : i32
      %dma_wait3A_1355 = arith.constant 0 : i32
      %dma_wait3A_1356 = tpu.memref_slice %arg10[%dma_wait3A_1354, %dma_wait3A_1355] : memref<10000x128xf32, #tpu.memory_space<vmem_shared>> -> memref<10000x128xf32, #tpu.memory_space<vmem_shared>>
      tpu.wait_indirect_dma semaphore(%run_scoped3A : memref<!tpu.dma_semaphore, #tpu.memory_space<semaphore_mem>>) src(%arg8 : memref<128x128xf32, #tpu.memory_space<vmem>>) dst(%dma_wait3A_1356 : memref<10000x128xf32, #tpu.memory_space<vmem_shared>>)
      tpu.yield
    }) : () -> ()
    %dma_wait3A_58 = tpu.memref_slice %arg3[%add3A_38] : memref<640000xi32, #tpu.memory_space<hbm>> -> memref<128xi32, #tpu.memory_space<hbm>>
    %dma_wait3A_59 = tpu.memref_slice %arg3[%add3A_38] : memref<640000xi32, #tpu.memory_space<hbm>> -> memref<128xi32, #tpu.memory_space<hbm>>
    tpu.wait_dma2 semaphore(%arg13 : memref<!tpu.dma_semaphore, #tpu.memory_space<semaphore_mem>>) src(%dma_wait3A_59 : memref<128xi32, #tpu.memory_space<hbm>>) dst(%arg7 : memref<128xi32, #tpu.memory_space<vmem>>)
    %add3A_60 = arith.constant 256 : i32
    %add3A_61 = arith.addi %add3A_38, %add3A_60 : i32
    %dma_start3A_62 = tpu.memref_slice %arg3[%add3A_61] : memref<640000xi32, #tpu.memory_space<hbm>> -> memref<128xi32, #tpu.memory_space<hbm>>
    %dma_start3A_63 = tpu.memref_slice %arg3[%add3A_61] : memref<640000xi32, #tpu.memory_space<hbm>> -> memref<128xi32, #tpu.memory_space<hbm>>
    tpu.enqueue_dma source(%dma_start3A_63 : memref<128xi32, #tpu.memory_space<hbm>>) target(%arg6 : memref<128xi32, #tpu.memory_space<vmem>>) target_semaphore(%arg13 : memref<!tpu.dma_semaphore, #tpu.memory_space<semaphore_mem>>)
    %dma_start3A_64 = arith.constant 256 : i32
    %dma_start3A_65 = tpu.memref_slice %arg5[%dma_start3A_64] : memref<4992xi32, #tpu.memory_space<vmem>> -> memref<128xi32, #tpu.memory_space<vmem>>
    %dma_start3A_66 = arith.constant 0 : i32
    %dma_start3A_67 = arith.constant 0 : i32
    %dma_start3A_68 = tpu.memref_slice %arg2[%dma_start3A_66, %dma_start3A_67] : memref<10000x128xf32, #tpu.memory_space<hbm>> -> memref<10000x128xf32, #tpu.memory_space<hbm>>
    tpu.enqueue_indirect_dma source(%dma_start3A_68 : memref<10000x128xf32, #tpu.memory_space<hbm>>) target(%arg8 : memref<128x128xf32, #tpu.memory_space<vmem>>) offsets(%dma_start3A_65 : memref<128xi32, #tpu.memory_space<vmem>>) semaphore(%arg11 : memref<!tpu.dma_semaphore, #tpu.memory_space<semaphore_mem>>)
    %dma_wait3A_69 = arith.constant 128 : i32
    %dma_wait3A_70 = tpu.memref_slice %arg5[%dma_wait3A_69] : memref<4992xi32, #tpu.memory_space<vmem>> -> memref<128xi32, #tpu.memory_space<vmem>>
    %dma_wait3A_71 = arith.constant 0 : i32
    %dma_wait3A_72 = arith.constant 0 : i32
    %dma_wait3A_73 = tpu.memref_slice %arg2[%dma_wait3A_71, %dma_wait3A_72] : memref<10000x128xf32, #tpu.memory_space<hbm>> -> memref<10000x128xf32, #tpu.memory_space<hbm>>
    tpu.wait_indirect_dma semaphore(%arg12 : memref<!tpu.dma_semaphore, #tpu.memory_space<semaphore_mem>>) src(%dma_wait3A_73 : memref<10000x128xf32, #tpu.memory_space<hbm>>) dst(%arg9 : memref<128x128xf32, #tpu.memory_space<vmem>>)
    "tpu.region"() ({
      %run_scoped3A = tpu.sem_alloc : memref<!tpu.dma_semaphore, #tpu.memory_space<semaphore_mem>>
      %dma_start3A_1351 = arith.constant 0 : i32
      %dma_start3A_1352 = arith.constant 0 : i32
      %dma_start3A_1353 = tpu.memref_slice %arg10[%dma_start3A_1351, %dma_start3A_1352] : memref<10000x128xf32, #tpu.memory_space<vmem_shared>> -> memref<10000x128xf32, #tpu.memory_space<vmem_shared>>
      tpu.enqueue_indirect_dma source(%arg9 : memref<128x128xf32, #tpu.memory_space<vmem>>) target(%dma_start3A_1353 : memref<10000x128xf32, #tpu.memory_space<vmem_shared>>) offsets(%arg7 : memref<128xi32, #tpu.memory_space<vmem>>) semaphore(%run_scoped3A : memref<!tpu.dma_semaphore, #tpu.memory_space<semaphore_mem>>) {add = true}
      %dma_wait3A_1354 = arith.constant 0 : i32
      %dma_wait3A_1355 = arith.constant 0 : i32
      %dma_wait3A_1356 = tpu.memref_slice %arg10[%dma_wait3A_1354, %dma_wait3A_1355] : memref<10000x128xf32, #tpu.memory_space<vmem_shared>> -> memref<10000x128xf32, #tpu.memory_space<vmem_shared>>
      tpu.wait_indirect_dma semaphore(%run_scoped3A : memref<!tpu.dma_semaphore, #tpu.memory_space<semaphore_mem>>) src(%arg9 : memref<128x128xf32, #tpu.memory_space<vmem>>) dst(%dma_wait3A_1356 : memref<10000x128xf32, #tpu.memory_space<vmem_shared>>)
      tpu.yield
    }) : () -> ()
    %dma_wait3A_74 = tpu.memref_slice %arg3[%add3A_38] : memref<640000xi32, #tpu.memory_space<hbm>> -> memref<128xi32, #tpu.memory_space<hbm>>
    %dma_wait3A_75 = tpu.memref_slice %arg3[%add3A_38] : memref<640000xi32, #tpu.memory_space<hbm>> -> memref<128xi32, #tpu.memory_space<hbm>>
    tpu.wait_dma2 semaphore(%arg13 : memref<!tpu.dma_semaphore, #tpu.memory_space<semaphore_mem>>) src(%dma_wait3A_75 : memref<128xi32, #tpu.memory_space<hbm>>) dst(%arg6 : memref<128xi32, #tpu.memory_space<vmem>>)
    %add3A_76 = arith.constant 384 : i32
    %add3A_77 = arith.addi %add3A_38, %add3A_76 : i32
    %dma_start3A_78 = tpu.memref_slice %arg3[%add3A_77] : memref<640000xi32, #tpu.memory_space<hbm>> -> memref<128xi32, #tpu.memory_space<hbm>>
    %dma_start3A_79 = tpu.memref_slice %arg3[%add3A_77] : memref<640000xi32, #tpu.memory_space<hbm>> -> memref<128xi32, #tpu.memory_space<hbm>>
    tpu.enqueue_dma source(%dma_start3A_79 : memref<128xi32, #tpu.memory_space<hbm>>) target(%arg7 : memref<128xi32, #tpu.memory_space<vmem>>) target_semaphore(%arg13 : memref<!tpu.dma_semaphore, #tpu.memory_space<semaphore_mem>>)
    %dma_start3A_80 = arith.constant 384 : i32
    %dma_start3A_81 = tpu.memref_slice %arg5[%dma_start3A_80] : memref<4992xi32, #tpu.memory_space<vmem>> -> memref<128xi32, #tpu.memory_space<vmem>>
    %dma_start3A_82 = arith.constant 0 : i32
    %dma_start3A_83 = arith.constant 0 : i32
    %dma_start3A_84 = tpu.memref_slice %arg2[%dma_start3A_82, %dma_start3A_83] : memref<10000x128xf32, #tpu.memory_space<hbm>> -> memref<10000x128xf32, #tpu.memory_space<hbm>>
    tpu.enqueue_indirect_dma source(%dma_start3A_84 : memref<10000x128xf32, #tpu.memory_space<hbm>>) target(%arg9 : memref<128x128xf32, #tpu.memory_space<vmem>>) offsets(%dma_start3A_81 : memref<128xi32, #tpu.memory_space<vmem>>) semaphore(%arg12 : memref<!tpu.dma_semaphore, #tpu.memory_space<semaphore_mem>>)
    %dma_wait3A_85 = arith.constant 256 : i32
    %dma_wait3A_86 = tpu.memref_slice %arg5[%dma_wait3A_85] : memref<4992xi32, #tpu.memory_space<vmem>> -> memref<128xi32, #tpu.memory_space<vmem>>
    %dma_wait3A_87 = arith.constant 0 : i32
    %dma_wait3A_88 = arith.constant 0 : i32
    %dma_wait3A_89 = tpu.memref_slice %arg2[%dma_wait3A_87, %dma_wait3A_88] : memref<10000x128xf32, #tpu.memory_space<hbm>> -> memref<10000x128xf32, #tpu.memory_space<hbm>>
    tpu.wait_indirect_dma semaphore(%arg11 : memref<!tpu.dma_semaphore, #tpu.memory_space<semaphore_mem>>) src(%dma_wait3A_89 : memref<10000x128xf32, #tpu.memory_space<hbm>>) dst(%arg8 : memref<128x128xf32, #tpu.memory_space<vmem>>)
    "tpu.region"() ({
      %run_scoped3A = tpu.sem_alloc : memref<!tpu.dma_semaphore, #tpu.memory_space<semaphore_mem>>
      %dma_start3A_1351 = arith.constant 0 : i32
      %dma_start3A_1352 = arith.constant 0 : i32
      %dma_start3A_1353 = tpu.memref_slice %arg10[%dma_start3A_1351, %dma_start3A_1352] : memref<10000x128xf32, #tpu.memory_space<vmem_shared>> -> memref<10000x128xf32, #tpu.memory_space<vmem_shared>>
      tpu.enqueue_indirect_dma source(%arg8 : memref<128x128xf32, #tpu.memory_space<vmem>>) target(%dma_start3A_1353 : memref<10000x128xf32, #tpu.memory_space<vmem_shared>>) offsets(%arg6 : memref<128xi32, #tpu.memory_space<vmem>>) semaphore(%run_scoped3A : memref<!tpu.dma_semaphore, #tpu.memory_space<semaphore_mem>>) {add = true}
      %dma_wait3A_1354 = arith.constant 0 : i32
      %dma_wait3A_1355 = arith.constant 0 : i32
      %dma_wait3A_1356 = tpu.memref_slice %arg10[%dma_wait3A_1354, %dma_wait3A_1355] : memref<10000x128xf32, #tpu.memory_space<vmem_shared>> -> memref<10000x128xf32, #tpu.memory_space<vmem_shared>>
      tpu.wait_indirect_dma semaphore(%run_scoped3A : memref<!tpu.dma_semaphore, #tpu.memory_space<semaphore_mem>>) src(%arg8 : memref<128x128xf32, #tpu.memory_space<vmem>>) dst(%dma_wait3A_1356 : memref<10000x128xf32, #tpu.memory_space<vmem_shared>>)
      tpu.yield
    }) : () -> ()
    %dma_wait3A_90 = tpu.memref_slice %arg3[%add3A_38] : memref<640000xi32, #tpu.memory_space<hbm>> -> memref<128xi32, #tpu.memory_space<hbm>>
    %dma_wait3A_91 = tpu.memref_slice %arg3[%add3A_38] : memref<640000xi32, #tpu.memory_space<hbm>> -> memref<128xi32, #tpu.memory_space<hbm>>
    tpu.wait_dma2 semaphore(%arg13 : memref<!tpu.dma_semaphore, #tpu.memory_space<semaphore_mem>>) src(%dma_wait3A_91 : memref<128xi32, #tpu.memory_space<hbm>>) dst(%arg7 : memref<128xi32, #tpu.memory_space<vmem>>)
    %add3A_92 = arith.constant 512 : i32
    %add3A_93 = arith.addi %add3A_38, %add3A_92 : i32
    %dma_start3A_94 = tpu.memref_slice %arg3[%add3A_93] : memref<640000xi32, #tpu.memory_space<hbm>> -> memref<128xi32, #tpu.memory_space<hbm>>
    %dma_start3A_95 = tpu.memref_slice %arg3[%add3A_93] : memref<640000xi32, #tpu.memory_space<hbm>> -> memref<128xi32, #tpu.memory_space<hbm>>
    tpu.enqueue_dma source(%dma_start3A_95 : memref<128xi32, #tpu.memory_space<hbm>>) target(%arg6 : memref<128xi32, #tpu.memory_space<vmem>>) target_semaphore(%arg13 : memref<!tpu.dma_semaphore, #tpu.memory_space<semaphore_mem>>)
    %dma_start3A_96 = arith.constant 512 : i32
    %dma_start3A_97 = tpu.memref_slice %arg5[%dma_start3A_96] : memref<4992xi32, #tpu.memory_space<vmem>> -> memref<128xi32, #tpu.memory_space<vmem>>
    %dma_start3A_98 = arith.constant 0 : i32
    %dma_start3A_99 = arith.constant 0 : i32
    %dma_start3A_100 = tpu.memref_slice %arg2[%dma_start3A_98, %dma_start3A_99] : memref<10000x128xf32, #tpu.memory_space<hbm>> -> memref<10000x128xf32, #tpu.memory_space<hbm>>
    tpu.enqueue_indirect_dma source(%dma_start3A_100 : memref<10000x128xf32, #tpu.memory_space<hbm>>) target(%arg8 : memref<128x128xf32, #tpu.memory_space<vmem>>) offsets(%dma_start3A_97 : memref<128xi32, #tpu.memory_space<vmem>>) semaphore(%arg11 : memref<!tpu.dma_semaphore, #tpu.memory_space<semaphore_mem>>)
    %dma_wait3A_101 = arith.constant 384 : i32
    %dma_wait3A_102 = tpu.memref_slice %arg5[%dma_wait3A_101] : memref<4992xi32, #tpu.memory_space<vmem>> -> memref<128xi32, #tpu.memory_space<vmem>>
    %dma_wait3A_103 = arith.constant 0 : i32
    %dma_wait3A_104 = arith.constant 0 : i32
    %dma_wait3A_105 = tpu.memref_slice %arg2[%dma_wait3A_103, %dma_wait3A_104] : memref<10000x128xf32, #tpu.memory_space<hbm>> -> memref<10000x128xf32, #tpu.memory_space<hbm>>
    tpu.wait_indirect_dma semaphore(%arg12 : memref<!tpu.dma_semaphore, #tpu.memory_space<semaphore_mem>>) src(%dma_wait3A_105 : memref<10000x128xf32, #tpu.memory_space<hbm>>) dst(%arg9 : memref<128x128xf32, #tpu.memory_space<vmem>>)
    "tpu.region"() ({
      %run_scoped3A = tpu.sem_alloc : memref<!tpu.dma_semaphore, #tpu.memory_space<semaphore_mem>>
      %dma_start3A_1351 = arith.constant 0 : i32
      %dma_start3A_1352 = arith.constant 0 : i32
      %dma_start3A_1353 = tpu.memref_slice %arg10[%dma_start3A_1351, %dma_start3A_1352] : memref<10000x128xf32, #tpu.memory_space<vmem_shared>> -> memref<10000x128xf32, #tpu.memory_space<vmem_shared>>
      tpu.enqueue_indirect_dma source(%arg9 : memref<128x128xf32, #tpu.memory_space<vmem>>) target(%dma_start3A_1353 : memref<10000x128xf32, #tpu.memory_space<vmem_shared>>) offsets(%arg7 : memref<128xi32, #tpu.memory_space<vmem>>) semaphore(%run_scoped3A : memref<!tpu.dma_semaphore, #tpu.memory_space<semaphore_mem>>) {add = true}
      %dma_wait3A_1354 = arith.constant 0 : i32
      %dma_wait3A_1355 = arith.constant 0 : i32
      %dma_wait3A_1356 = tpu.memref_slice %arg10[%dma_wait3A_1354, %dma_wait3A_1355] : memref<10000x128xf32, #tpu.memory_space<vmem_shared>> -> memref<10000x128xf32, #tpu.memory_space<vmem_shared>>
      tpu.wait_indirect_dma semaphore(%run_scoped3A : memref<!tpu.dma_semaphore, #tpu.memory_space<semaphore_mem>>) src(%arg9 : memref<128x128xf32, #tpu.memory_space<vmem>>) dst(%dma_wait3A_1356 : memref<10000x128xf32, #tpu.memory_space<vmem_shared>>)
      tpu.yield
    }) : () -> ()
    %dma_wait3A_106 = tpu.memref_slice %arg3[%add3A_38] : memref<640000xi32, #tpu.memory_space<hbm>> -> memref<128xi32, #tpu.memory_space<hbm>>
    %dma_wait3A_107 = tpu.memref_slice %arg3[%add3A_38] : memref<640000xi32, #tpu.memory_space<hbm>> -> memref<128xi32, #tpu.memory_space<hbm>>
    tpu.wait_dma2 semaphore(%arg13 : memref<!tpu.dma_semaphore, #tpu.memory_space<semaphore_mem>>) src(%dma_wait3A_107 : memref<128xi32, #tpu.memory_space<hbm>>) dst(%arg6 : memref<128xi32, #tpu.memory_space<vmem>>)
    %add3A_108 = arith.constant 640 : i32
    %add3A_109 = arith.addi %add3A_38, %add3A_108 : i32
    %dma_start3A_110 = tpu.memref_slice %arg3[%add3A_109] : memref<640000xi32, #tpu.memory_space<hbm>> -> memref<128xi32, #tpu.memory_space<hbm>>
    %dma_start3A_111 = tpu.memref_slice %arg3[%add3A_109] : memref<640000xi32, #tpu.memory_space<hbm>> -> memref<128xi32, #tpu.memory_space<hbm>>
    tpu.enqueue_dma source(%dma_start3A_111 : memref<128xi32, #tpu.memory_space<hbm>>) target(%arg7 : memref<128xi32, #tpu.memory_space<vmem>>) target_semaphore(%arg13 : memref<!tpu.dma_semaphore, #tpu.memory_space<semaphore_mem>>)
    %dma_start3A_112 = arith.constant 640 : i32
    %dma_start3A_113 = tpu.memref_slice %arg5[%dma_start3A_112] : memref<4992xi32, #tpu.memory_space<vmem>> -> memref<128xi32, #tpu.memory_space<vmem>>
    %dma_start3A_114 = arith.constant 0 : i32
    %dma_start3A_115 = arith.constant 0 : i32
    %dma_start3A_116 = tpu.memref_slice %arg2[%dma_start3A_114, %dma_start3A_115] : memref<10000x128xf32, #tpu.memory_space<hbm>> -> memref<10000x128xf32, #tpu.memory_space<hbm>>
    tpu.enqueue_indirect_dma source(%dma_start3A_116 : memref<10000x128xf32, #tpu.memory_space<hbm>>) target(%arg9 : memref<128x128xf32, #tpu.memory_space<vmem>>) offsets(%dma_start3A_113 : memref<128xi32, #tpu.memory_space<vmem>>) semaphore(%arg12 : memref<!tpu.dma_semaphore, #tpu.memory_space<semaphore_mem>>)
    %dma_wait3A_117 = arith.constant 512 : i32
    %dma_wait3A_118 = tpu.memref_slice %arg5[%dma_wait3A_117] : memref<4992xi32, #tpu.memory_space<vmem>> -> memref<128xi32, #tpu.memory_space<vmem>>
    %dma_wait3A_119 = arith.constant 0 : i32
    %dma_wait3A_120 = arith.constant 0 : i32
    %dma_wait3A_121 = tpu.memref_slice %arg2[%dma_wait3A_119, %dma_wait3A_120] : memref<10000x128xf32, #tpu.memory_space<hbm>> -> memref<10000x128xf32, #tpu.memory_space<hbm>>
    tpu.wait_indirect_dma semaphore(%arg11 : memref<!tpu.dma_semaphore, #tpu.memory_space<semaphore_mem>>) src(%dma_wait3A_121 : memref<10000x128xf32, #tpu.memory_space<hbm>>) dst(%arg8 : memref<128x128xf32, #tpu.memory_space<vmem>>)
    "tpu.region"() ({
      %run_scoped3A = tpu.sem_alloc : memref<!tpu.dma_semaphore, #tpu.memory_space<semaphore_mem>>
      %dma_start3A_1351 = arith.constant 0 : i32
      %dma_start3A_1352 = arith.constant 0 : i32
      %dma_start3A_1353 = tpu.memref_slice %arg10[%dma_start3A_1351, %dma_start3A_1352] : memref<10000x128xf32, #tpu.memory_space<vmem_shared>> -> memref<10000x128xf32, #tpu.memory_space<vmem_shared>>
      tpu.enqueue_indirect_dma source(%arg8 : memref<128x128xf32, #tpu.memory_space<vmem>>) target(%dma_start3A_1353 : memref<10000x128xf32, #tpu.memory_space<vmem_shared>>) offsets(%arg6 : memref<128xi32, #tpu.memory_space<vmem>>) semaphore(%run_scoped3A : memref<!tpu.dma_semaphore, #tpu.memory_space<semaphore_mem>>) {add = true}
      %dma_wait3A_1354 = arith.constant 0 : i32
      %dma_wait3A_1355 = arith.constant 0 : i32
      %dma_wait3A_1356 = tpu.memref_slice %arg10[%dma_wait3A_1354, %dma_wait3A_1355] : memref<10000x128xf32, #tpu.memory_space<vmem_shared>> -> memref<10000x128xf32, #tpu.memory_space<vmem_shared>>
      tpu.wait_indirect_dma semaphore(%run_scoped3A : memref<!tpu.dma_semaphore, #tpu.memory_space<semaphore_mem>>) src(%arg8 : memref<128x128xf32, #tpu.memory_space<vmem>>) dst(%dma_wait3A_1356 : memref<10000x128xf32, #tpu.memory_space<vmem_shared>>)
      tpu.yield
    }) : () -> ()
    %dma_wait3A_122 = tpu.memref_slice %arg3[%add3A_38] : memref<640000xi32, #tpu.memory_space<hbm>> -> memref<128xi32, #tpu.memory_space<hbm>>
    %dma_wait3A_123 = tpu.memref_slice %arg3[%add3A_38] : memref<640000xi32, #tpu.memory_space<hbm>> -> memref<128xi32, #tpu.memory_space<hbm>>
    tpu.wait_dma2 semaphore(%arg13 : memref<!tpu.dma_semaphore, #tpu.memory_space<semaphore_mem>>) src(%dma_wait3A_123 : memref<128xi32, #tpu.memory_space<hbm>>) dst(%arg7 : memref<128xi32, #tpu.memory_space<vmem>>)
    %add3A_124 = arith.constant 768 : i32
    %add3A_125 = arith.addi %add3A_38, %add3A_124 : i32
    %dma_start3A_126 = tpu.memref_slice %arg3[%add3A_125] : memref<640000xi32, #tpu.memory_space<hbm>> -> memref<128xi32, #tpu.memory_space<hbm>>
    %dma_start3A_127 = tpu.memref_slice %arg3[%add3A_125] : memref<640000xi32, #tpu.memory_space<hbm>> -> memref<128xi32, #tpu.memory_space<hbm>>
    tpu.enqueue_dma source(%dma_start3A_127 : memref<128xi32, #tpu.memory_space<hbm>>) target(%arg6 : memref<128xi32, #tpu.memory_space<vmem>>) target_semaphore(%arg13 : memref<!tpu.dma_semaphore, #tpu.memory_space<semaphore_mem>>)
    %dma_start3A_128 = arith.constant 768 : i32
    %dma_start3A_129 = tpu.memref_slice %arg5[%dma_start3A_128] : memref<4992xi32, #tpu.memory_space<vmem>> -> memref<128xi32, #tpu.memory_space<vmem>>
    %dma_start3A_130 = arith.constant 0 : i32
    %dma_start3A_131 = arith.constant 0 : i32
    %dma_start3A_132 = tpu.memref_slice %arg2[%dma_start3A_130, %dma_start3A_131] : memref<10000x128xf32, #tpu.memory_space<hbm>> -> memref<10000x128xf32, #tpu.memory_space<hbm>>
    tpu.enqueue_indirect_dma source(%dma_start3A_132 : memref<10000x128xf32, #tpu.memory_space<hbm>>) target(%arg8 : memref<128x128xf32, #tpu.memory_space<vmem>>) offsets(%dma_start3A_129 : memref<128xi32, #tpu.memory_space<vmem>>) semaphore(%arg11 : memref<!tpu.dma_semaphore, #tpu.memory_space<semaphore_mem>>)
    %dma_wait3A_133 = arith.constant 640 : i32
    %dma_wait3A_134 = tpu.memref_slice %arg5[%dma_wait3A_133] : memref<4992xi32, #tpu.memory_space<vmem>> -> memref<128xi32, #tpu.memory_space<vmem>>
    %dma_wait3A_135 = arith.constant 0 : i32
    %dma_wait3A_136 = arith.constant 0 : i32
    %dma_wait3A_137 = tpu.memref_slice %arg2[%dma_wait3A_135, %dma_wait3A_136] : memref<10000x128xf32, #tpu.memory_space<hbm>> -> memref<10000x128xf32, #tpu.memory_space<hbm>>
    tpu.wait_indirect_dma semaphore(%arg12 : memref<!tpu.dma_semaphore, #tpu.memory_space<semaphore_mem>>) src(%dma_wait3A_137 : memref<10000x128xf32, #tpu.memory_space<hbm>>) dst(%arg9 : memref<128x128xf32, #tpu.memory_space<vmem>>)
    "tpu.region"() ({
      %run_scoped3A = tpu.sem_alloc : memref<!tpu.dma_semaphore, #tpu.memory_space<semaphore_mem>>
      %dma_start3A_1351 = arith.constant 0 : i32
      %dma_start3A_1352 = arith.constant 0 : i32
      %dma_start3A_1353 = tpu.memref_slice %arg10[%dma_start3A_1351, %dma_start3A_1352] : memref<10000x128xf32, #tpu.memory_space<vmem_shared>> -> memref<10000x128xf32, #tpu.memory_space<vmem_shared>>
      tpu.enqueue_indirect_dma source(%arg9 : memref<128x128xf32, #tpu.memory_space<vmem>>) target(%dma_start3A_1353 : memref<10000x128xf32, #tpu.memory_space<vmem_shared>>) offsets(%arg7 : memref<128xi32, #tpu.memory_space<vmem>>) semaphore(%run_scoped3A : memref<!tpu.dma_semaphore, #tpu.memory_space<semaphore_mem>>) {add = true}
      %dma_wait3A_1354 = arith.constant 0 : i32
      %dma_wait3A_1355 = arith.constant 0 : i32
      %dma_wait3A_1356 = tpu.memref_slice %arg10[%dma_wait3A_1354, %dma_wait3A_1355] : memref<10000x128xf32, #tpu.memory_space<vmem_shared>> -> memref<10000x128xf32, #tpu.memory_space<vmem_shared>>
      tpu.wait_indirect_dma semaphore(%run_scoped3A : memref<!tpu.dma_semaphore, #tpu.memory_space<semaphore_mem>>) src(%arg9 : memref<128x128xf32, #tpu.memory_space<vmem>>) dst(%dma_wait3A_1356 : memref<10000x128xf32, #tpu.memory_space<vmem_shared>>)
      tpu.yield
    }) : () -> ()
    %dma_wait3A_138 = tpu.memref_slice %arg3[%add3A_38] : memref<640000xi32, #tpu.memory_space<hbm>> -> memref<128xi32, #tpu.memory_space<hbm>>
    %dma_wait3A_139 = tpu.memref_slice %arg3[%add3A_38] : memref<640000xi32, #tpu.memory_space<hbm>> -> memref<128xi32, #tpu.memory_space<hbm>>
    tpu.wait_dma2 semaphore(%arg13 : memref<!tpu.dma_semaphore, #tpu.memory_space<semaphore_mem>>) src(%dma_wait3A_139 : memref<128xi32, #tpu.memory_space<hbm>>) dst(%arg6 : memref<128xi32, #tpu.memory_space<vmem>>)
    %add3A_140 = arith.constant 896 : i32
    %add3A_141 = arith.addi %add3A_38, %add3A_140 : i32
    %dma_start3A_142 = tpu.memref_slice %arg3[%add3A_141] : memref<640000xi32, #tpu.memory_space<hbm>> -> memref<128xi32, #tpu.memory_space<hbm>>
    %dma_start3A_143 = tpu.memref_slice %arg3[%add3A_141] : memref<640000xi32, #tpu.memory_space<hbm>> -> memref<128xi32, #tpu.memory_space<hbm>>
    tpu.enqueue_dma source(%dma_start3A_143 : memref<128xi32, #tpu.memory_space<hbm>>) target(%arg7 : memref<128xi32, #tpu.memory_space<vmem>>) target_semaphore(%arg13 : memref<!tpu.dma_semaphore, #tpu.memory_space<semaphore_mem>>)
    %dma_start3A_144 = arith.constant 896 : i32
    %dma_start3A_145 = tpu.memref_slice %arg5[%dma_start3A_144] : memref<4992xi32, #tpu.memory_space<vmem>> -> memref<128xi32, #tpu.memory_space<vmem>>
    %dma_start3A_146 = arith.constant 0 : i32
    %dma_start3A_147 = arith.constant 0 : i32
    %dma_start3A_148 = tpu.memref_slice %arg2[%dma_start3A_146, %dma_start3A_147] : memref<10000x128xf32, #tpu.memory_space<hbm>> -> memref<10000x128xf32, #tpu.memory_space<hbm>>
    tpu.enqueue_indirect_dma source(%dma_start3A_148 : memref<10000x128xf32, #tpu.memory_space<hbm>>) target(%arg9 : memref<128x128xf32, #tpu.memory_space<vmem>>) offsets(%dma_start3A_145 : memref<128xi32, #tpu.memory_space<vmem>>) semaphore(%arg12 : memref<!tpu.dma_semaphore, #tpu.memory_space<semaphore_mem>>)
    %dma_wait3A_149 = arith.constant 768 : i32
    %dma_wait3A_150 = tpu.memref_slice %arg5[%dma_wait3A_149] : memref<4992xi32, #tpu.memory_space<vmem>> -> memref<128xi32, #tpu.memory_space<vmem>>
    %dma_wait3A_151 = arith.constant 0 : i32
    %dma_wait3A_152 = arith.constant 0 : i32
    %dma_wait3A_153 = tpu.memref_slice %arg2[%dma_wait3A_151, %dma_wait3A_152] : memref<10000x128xf32, #tpu.memory_space<hbm>> -> memref<10000x128xf32, #tpu.memory_space<hbm>>
    tpu.wait_indirect_dma semaphore(%arg11 : memref<!tpu.dma_semaphore, #tpu.memory_space<semaphore_mem>>) src(%dma_wait3A_153 : memref<10000x128xf32, #tpu.memory_space<hbm>>) dst(%arg8 : memref<128x128xf32, #tpu.memory_space<vmem>>)
    "tpu.region"() ({
      %run_scoped3A = tpu.sem_alloc : memref<!tpu.dma_semaphore, #tpu.memory_space<semaphore_mem>>
      %dma_start3A_1351 = arith.constant 0 : i32
      %dma_start3A_1352 = arith.constant 0 : i32
      %dma_start3A_1353 = tpu.memref_slice %arg10[%dma_start3A_1351, %dma_start3A_1352] : memref<10000x128xf32, #tpu.memory_space<vmem_shared>> -> memref<10000x128xf32, #tpu.memory_space<vmem_shared>>
      tpu.enqueue_indirect_dma source(%arg8 : memref<128x128xf32, #tpu.memory_space<vmem>>) target(%dma_start3A_1353 : memref<10000x128xf32, #tpu.memory_space<vmem_shared>>) offsets(%arg6 : memref<128xi32, #tpu.memory_space<vmem>>) semaphore(%run_scoped3A : memref<!tpu.dma_semaphore, #tpu.memory_space<semaphore_mem>>) {add = true}
      %dma_wait3A_1354 = arith.constant 0 : i32
      %dma_wait3A_1355 = arith.constant 0 : i32
      %dma_wait3A_1356 = tpu.memref_slice %arg10[%dma_wait3A_1354, %dma_wait3A_1355] : memref<10000x128xf32, #tpu.memory_space<vmem_shared>> -> memref<10000x128xf32, #tpu.memory_space<vmem_shared>>
      tpu.wait_indirect_dma semaphore(%run_scoped3A : memref<!tpu.dma_semaphore, #tpu.memory_space<semaphore_mem>>) src(%arg8 : memref<128x128xf32, #tpu.memory_space<vmem>>) dst(%dma_wait3A_1356 : memref<10000x128xf32, #tpu.memory_space<vmem_shared>>)
      tpu.yield
    }) : () -> ()
    %dma_wait3A_154 = tpu.memref_slice %arg3[%add3A_38] : memref<640000xi32, #tpu.memory_space<hbm>> -> memref<128xi32, #tpu.memory_space<hbm>>
    %dma_wait3A_155 = tpu.memref_slice %arg3[%add3A_38] : memref<640000xi32, #tpu.memory_space<hbm>> -> memref<128xi32, #tpu.memory_space<hbm>>
    tpu.wait_dma2 semaphore(%arg13 : memref<!tpu.dma_semaphore, #tpu.memory_space<semaphore_mem>>) src(%dma_wait3A_155 : memref<128xi32, #tpu.memory_space<hbm>>) dst(%arg7 : memref<128xi32, #tpu.memory_space<vmem>>)
    %add3A_156 = arith.constant 1024 : i32
    %add3A_157 = arith.addi %add3A_38, %add3A_156 : i32
    %dma_start3A_158 = tpu.memref_slice %arg3[%add3A_157] : memref<640000xi32, #tpu.memory_space<hbm>> -> memref<128xi32, #tpu.memory_space<hbm>>
    %dma_start3A_159 = tpu.memref_slice %arg3[%add3A_157] : memref<640000xi32, #tpu.memory_space<hbm>> -> memref<128xi32, #tpu.memory_space<hbm>>
    tpu.enqueue_dma source(%dma_start3A_159 : memref<128xi32, #tpu.memory_space<hbm>>) target(%arg6 : memref<128xi32, #tpu.memory_space<vmem>>) target_semaphore(%arg13 : memref<!tpu.dma_semaphore, #tpu.memory_space<semaphore_mem>>)
    %dma_start3A_160 = arith.constant 1024 : i32
    %dma_start3A_161 = tpu.memref_slice %arg5[%dma_start3A_160] : memref<4992xi32, #tpu.memory_space<vmem>> -> memref<128xi32, #tpu.memory_space<vmem>>
    %dma_start3A_162 = arith.constant 0 : i32
    %dma_start3A_163 = arith.constant 0 : i32
    %dma_start3A_164 = tpu.memref_slice %arg2[%dma_start3A_162, %dma_start3A_163] : memref<10000x128xf32, #tpu.memory_space<hbm>> -> memref<10000x128xf32, #tpu.memory_space<hbm>>
    tpu.enqueue_indirect_dma source(%dma_start3A_164 : memref<10000x128xf32, #tpu.memory_space<hbm>>) target(%arg8 : memref<128x128xf32, #tpu.memory_space<vmem>>) offsets(%dma_start3A_161 : memref<128xi32, #tpu.memory_space<vmem>>) semaphore(%arg11 : memref<!tpu.dma_semaphore, #tpu.memory_space<semaphore_mem>>)
    %dma_wait3A_165 = arith.constant 896 : i32
    %dma_wait3A_166 = tpu.memref_slice %arg5[%dma_wait3A_165] : memref<4992xi32, #tpu.memory_space<vmem>> -> memref<128xi32, #tpu.memory_space<vmem>>
    %dma_wait3A_167 = arith.constant 0 : i32
    %dma_wait3A_168 = arith.constant 0 : i32
    %dma_wait3A_169 = tpu.memref_slice %arg2[%dma_wait3A_167, %dma_wait3A_168] : memref<10000x128xf32, #tpu.memory_space<hbm>> -> memref<10000x128xf32, #tpu.memory_space<hbm>>
    tpu.wait_indirect_dma semaphore(%arg12 : memref<!tpu.dma_semaphore, #tpu.memory_space<semaphore_mem>>) src(%dma_wait3A_169 : memref<10000x128xf32, #tpu.memory_space<hbm>>) dst(%arg9 : memref<128x128xf32, #tpu.memory_space<vmem>>)
    "tpu.region"() ({
      %run_scoped3A = tpu.sem_alloc : memref<!tpu.dma_semaphore, #tpu.memory_space<semaphore_mem>>
      %dma_start3A_1351 = arith.constant 0 : i32
      %dma_start3A_1352 = arith.constant 0 : i32
      %dma_start3A_1353 = tpu.memref_slice %arg10[%dma_start3A_1351, %dma_start3A_1352] : memref<10000x128xf32, #tpu.memory_space<vmem_shared>> -> memref<10000x128xf32, #tpu.memory_space<vmem_shared>>
      tpu.enqueue_indirect_dma source(%arg9 : memref<128x128xf32, #tpu.memory_space<vmem>>) target(%dma_start3A_1353 : memref<10000x128xf32, #tpu.memory_space<vmem_shared>>) offsets(%arg7 : memref<128xi32, #tpu.memory_space<vmem>>) semaphore(%run_scoped3A : memref<!tpu.dma_semaphore, #tpu.memory_space<semaphore_mem>>) {add = true}
      %dma_wait3A_1354 = arith.constant 0 : i32
      %dma_wait3A_1355 = arith.constant 0 : i32
      %dma_wait3A_1356 = tpu.memref_slice %arg10[%dma_wait3A_1354, %dma_wait3A_1355] : memref<10000x128xf32, #tpu.memory_space<vmem_shared>> -> memref<10000x128xf32, #tpu.memory_space<vmem_shared>>
      tpu.wait_indirect_dma semaphore(%run_scoped3A : memref<!tpu.dma_semaphore, #tpu.memory_space<semaphore_mem>>) src(%arg9 : memref<128x128xf32, #tpu.memory_space<vmem>>) dst(%dma_wait3A_1356 : memref<10000x128xf32, #tpu.memory_space<vmem_shared>>)
      tpu.yield
    }) : () -> ()
    %dma_wait3A_170 = tpu.memref_slice %arg3[%add3A_38] : memref<640000xi32, #tpu.memory_space<hbm>> -> memref<128xi32, #tpu.memory_space<hbm>>
    %dma_wait3A_171 = tpu.memref_slice %arg3[%add3A_38] : memref<640000xi32, #tpu.memory_space<hbm>> -> memref<128xi32, #tpu.memory_space<hbm>>
    tpu.wait_dma2 semaphore(%arg13 : memref<!tpu.dma_semaphore, #tpu.memory_space<semaphore_mem>>) src(%dma_wait3A_171 : memref<128xi32, #tpu.memory_space<hbm>>) dst(%arg6 : memref<128xi32, #tpu.memory_space<vmem>>)
    %add3A_172 = arith.constant 1152 : i32
    %add3A_173 = arith.addi %add3A_38, %add3A_172 : i32
    %dma_start3A_174 = tpu.memref_slice %arg3[%add3A_173] : memref<640000xi32, #tpu.memory_space<hbm>> -> memref<128xi32, #tpu.memory_space<hbm>>
    %dma_start3A_175 = tpu.memref_slice %arg3[%add3A_173] : memref<640000xi32, #tpu.memory_space<hbm>> -> memref<128xi32, #tpu.memory_space<hbm>>
    tpu.enqueue_dma source(%dma_start3A_175 : memref<128xi32, #tpu.memory_space<hbm>>) target(%arg7 : memref<128xi32, #tpu.memory_space<vmem>>) target_semaphore(%arg13 : memref<!tpu.dma_semaphore, #tpu.memory_space<semaphore_mem>>)
    %dma_start3A_176 = arith.constant 1152 : i32
    %dma_start3A_177 = tpu.memref_slice %arg5[%dma_start3A_176] : memref<4992xi32, #tpu.memory_space<vmem>> -> memref<128xi32, #tpu.memory_space<vmem>>
    %dma_start3A_178 = arith.constant 0 : i32
    %dma_start3A_179 = arith.constant 0 : i32
    %dma_start3A_180 = tpu.memref_slice %arg2[%dma_start3A_178, %dma_start3A_179] : memref<10000x128xf32, #tpu.memory_space<hbm>> -> memref<10000x128xf32, #tpu.memory_space<hbm>>
    tpu.enqueue_indirect_dma source(%dma_start3A_180 : memref<10000x128xf32, #tpu.memory_space<hbm>>) target(%arg9 : memref<128x128xf32, #tpu.memory_space<vmem>>) offsets(%dma_start3A_177 : memref<128xi32, #tpu.memory_space<vmem>>) semaphore(%arg12 : memref<!tpu.dma_semaphore, #tpu.memory_space<semaphore_mem>>)
    %dma_wait3A_181 = arith.constant 1024 : i32
    %dma_wait3A_182 = tpu.memref_slice %arg5[%dma_wait3A_181] : memref<4992xi32, #tpu.memory_space<vmem>> -> memref<128xi32, #tpu.memory_space<vmem>>
    %dma_wait3A_183 = arith.constant 0 : i32
    %dma_wait3A_184 = arith.constant 0 : i32
    %dma_wait3A_185 = tpu.memref_slice %arg2[%dma_wait3A_183, %dma_wait3A_184] : memref<10000x128xf32, #tpu.memory_space<hbm>> -> memref<10000x128xf32, #tpu.memory_space<hbm>>
    tpu.wait_indirect_dma semaphore(%arg11 : memref<!tpu.dma_semaphore, #tpu.memory_space<semaphore_mem>>) src(%dma_wait3A_185 : memref<10000x128xf32, #tpu.memory_space<hbm>>) dst(%arg8 : memref<128x128xf32, #tpu.memory_space<vmem>>)
    "tpu.region"() ({
      %run_scoped3A = tpu.sem_alloc : memref<!tpu.dma_semaphore, #tpu.memory_space<semaphore_mem>>
      %dma_start3A_1351 = arith.constant 0 : i32
      %dma_start3A_1352 = arith.constant 0 : i32
      %dma_start3A_1353 = tpu.memref_slice %arg10[%dma_start3A_1351, %dma_start3A_1352] : memref<10000x128xf32, #tpu.memory_space<vmem_shared>> -> memref<10000x128xf32, #tpu.memory_space<vmem_shared>>
      tpu.enqueue_indirect_dma source(%arg8 : memref<128x128xf32, #tpu.memory_space<vmem>>) target(%dma_start3A_1353 : memref<10000x128xf32, #tpu.memory_space<vmem_shared>>) offsets(%arg6 : memref<128xi32, #tpu.memory_space<vmem>>) semaphore(%run_scoped3A : memref<!tpu.dma_semaphore, #tpu.memory_space<semaphore_mem>>) {add = true}
      %dma_wait3A_1354 = arith.constant 0 : i32
      %dma_wait3A_1355 = arith.constant 0 : i32
      %dma_wait3A_1356 = tpu.memref_slice %arg10[%dma_wait3A_1354, %dma_wait3A_1355] : memref<10000x128xf32, #tpu.memory_space<vmem_shared>> -> memref<10000x128xf32, #tpu.memory_space<vmem_shared>>
      tpu.wait_indirect_dma semaphore(%run_scoped3A : memref<!tpu.dma_semaphore, #tpu.memory_space<semaphore_mem>>) src(%arg8 : memref<128x128xf32, #tpu.memory_space<vmem>>) dst(%dma_wait3A_1356 : memref<10000x128xf32, #tpu.memory_space<vmem_shared>>)
      tpu.yield
    }) : () -> ()
    %dma_wait3A_186 = tpu.memref_slice %arg3[%add3A_38] : memref<640000xi32, #tpu.memory_space<hbm>> -> memref<128xi32, #tpu.memory_space<hbm>>
    %dma_wait3A_187 = tpu.memref_slice %arg3[%add3A_38] : memref<640000xi32, #tpu.memory_space<hbm>> -> memref<128xi32, #tpu.memory_space<hbm>>
    tpu.wait_dma2 semaphore(%arg13 : memref<!tpu.dma_semaphore, #tpu.memory_space<semaphore_mem>>) src(%dma_wait3A_187 : memref<128xi32, #tpu.memory_space<hbm>>) dst(%arg7 : memref<128xi32, #tpu.memory_space<vmem>>)
    %add3A_188 = arith.constant 1280 : i32
    %add3A_189 = arith.addi %add3A_38, %add3A_188 : i32
    %dma_start3A_190 = tpu.memref_slice %arg3[%add3A_189] : memref<640000xi32, #tpu.memory_space<hbm>> -> memref<128xi32, #tpu.memory_space<hbm>>
    %dma_start3A_191 = tpu.memref_slice %arg3[%add3A_189] : memref<640000xi32, #tpu.memory_space<hbm>> -> memref<128xi32, #tpu.memory_space<hbm>>
    tpu.enqueue_dma source(%dma_start3A_191 : memref<128xi32, #tpu.memory_space<hbm>>) target(%arg6 : memref<128xi32, #tpu.memory_space<vmem>>) target_semaphore(%arg13 : memref<!tpu.dma_semaphore, #tpu.memory_space<semaphore_mem>>)
    %dma_start3A_192 = arith.constant 1280 : i32
    %dma_start3A_193 = tpu.memref_slice %arg5[%dma_start3A_192] : memref<4992xi32, #tpu.memory_space<vmem>> -> memref<128xi32, #tpu.memory_space<vmem>>
    %dma_start3A_194 = arith.constant 0 : i32
    %dma_start3A_195 = arith.constant 0 : i32
    %dma_start3A_196 = tpu.memref_slice %arg2[%dma_start3A_194, %dma_start3A_195] : memref<10000x128xf32, #tpu.memory_space<hbm>> -> memref<10000x128xf32, #tpu.memory_space<hbm>>
    tpu.enqueue_indirect_dma source(%dma_start3A_196 : memref<10000x128xf32, #tpu.memory_space<hbm>>) target(%arg8 : memref<128x128xf32, #tpu.memory_space<vmem>>) offsets(%dma_start3A_193 : memref<128xi32, #tpu.memory_space<vmem>>) semaphore(%arg11 : memref<!tpu.dma_semaphore, #tpu.memory_space<semaphore_mem>>)
    %dma_wait3A_197 = arith.constant 1152 : i32
    %dma_wait3A_198 = tpu.memref_slice %arg5[%dma_wait3A_197] : memref<4992xi32, #tpu.memory_space<vmem>> -> memref<128xi32, #tpu.memory_space<vmem>>
    %dma_wait3A_199 = arith.constant 0 : i32
    %dma_wait3A_200 = arith.constant 0 : i32
    %dma_wait3A_201 = tpu.memref_slice %arg2[%dma_wait3A_199, %dma_wait3A_200] : memref<10000x128xf32, #tpu.memory_space<hbm>> -> memref<10000x128xf32, #tpu.memory_space<hbm>>
    tpu.wait_indirect_dma semaphore(%arg12 : memref<!tpu.dma_semaphore, #tpu.memory_space<semaphore_mem>>) src(%dma_wait3A_201 : memref<10000x128xf32, #tpu.memory_space<hbm>>) dst(%arg9 : memref<128x128xf32, #tpu.memory_space<vmem>>)
    "tpu.region"() ({
      %run_scoped3A = tpu.sem_alloc : memref<!tpu.dma_semaphore, #tpu.memory_space<semaphore_mem>>
      %dma_start3A_1351 = arith.constant 0 : i32
      %dma_start3A_1352 = arith.constant 0 : i32
      %dma_start3A_1353 = tpu.memref_slice %arg10[%dma_start3A_1351, %dma_start3A_1352] : memref<10000x128xf32, #tpu.memory_space<vmem_shared>> -> memref<10000x128xf32, #tpu.memory_space<vmem_shared>>
      tpu.enqueue_indirect_dma source(%arg9 : memref<128x128xf32, #tpu.memory_space<vmem>>) target(%dma_start3A_1353 : memref<10000x128xf32, #tpu.memory_space<vmem_shared>>) offsets(%arg7 : memref<128xi32, #tpu.memory_space<vmem>>) semaphore(%run_scoped3A : memref<!tpu.dma_semaphore, #tpu.memory_space<semaphore_mem>>) {add = true}
      %dma_wait3A_1354 = arith.constant 0 : i32
      %dma_wait3A_1355 = arith.constant 0 : i32
      %dma_wait3A_1356 = tpu.memref_slice %arg10[%dma_wait3A_1354, %dma_wait3A_1355] : memref<10000x128xf32, #tpu.memory_space<vmem_shared>> -> memref<10000x128xf32, #tpu.memory_space<vmem_shared>>
      tpu.wait_indirect_dma semaphore(%run_scoped3A : memref<!tpu.dma_semaphore, #tpu.memory_space<semaphore_mem>>) src(%arg9 : memref<128x128xf32, #tpu.memory_space<vmem>>) dst(%dma_wait3A_1356 : memref<10000x128xf32, #tpu.memory_space<vmem_shared>>)
      tpu.yield
    }) : () -> ()
    %dma_wait3A_202 = tpu.memref_slice %arg3[%add3A_38] : memref<640000xi32, #tpu.memory_space<hbm>> -> memref<128xi32, #tpu.memory_space<hbm>>
    %dma_wait3A_203 = tpu.memref_slice %arg3[%add3A_38] : memref<640000xi32, #tpu.memory_space<hbm>> -> memref<128xi32, #tpu.memory_space<hbm>>
    tpu.wait_dma2 semaphore(%arg13 : memref<!tpu.dma_semaphore, #tpu.memory_space<semaphore_mem>>) src(%dma_wait3A_203 : memref<128xi32, #tpu.memory_space<hbm>>) dst(%arg6 : memref<128xi32, #tpu.memory_space<vmem>>)
    %add3A_204 = arith.constant 1408 : i32
    %add3A_205 = arith.addi %add3A_38, %add3A_204 : i32
    %dma_start3A_206 = tpu.memref_slice %arg3[%add3A_205] : memref<640000xi32, #tpu.memory_space<hbm>> -> memref<128xi32, #tpu.memory_space<hbm>>
    %dma_start3A_207 = tpu.memref_slice %arg3[%add3A_205] : memref<640000xi32, #tpu.memory_space<hbm>> -> memref<128xi32, #tpu.memory_space<hbm>>
    tpu.enqueue_dma source(%dma_start3A_207 : memref<128xi32, #tpu.memory_space<hbm>>) target(%arg7 : memref<128xi32, #tpu.memory_space<vmem>>) target_semaphore(%arg13 : memref<!tpu.dma_semaphore, #tpu.memory_space<semaphore_mem>>)
    %dma_start3A_208 = arith.constant 1408 : i32
    %dma_start3A_209 = tpu.memref_slice %arg5[%dma_start3A_208] : memref<4992xi32, #tpu.memory_space<vmem>> -> memref<128xi32, #tpu.memory_space<vmem>>
    %dma_start3A_210 = arith.constant 0 : i32
    %dma_start3A_211 = arith.constant 0 : i32
    %dma_start3A_212 = tpu.memref_slice %arg2[%dma_start3A_210, %dma_start3A_211] : memref<10000x128xf32, #tpu.memory_space<hbm>> -> memref<10000x128xf32, #tpu.memory_space<hbm>>
    tpu.enqueue_indirect_dma source(%dma_start3A_212 : memref<10000x128xf32, #tpu.memory_space<hbm>>) target(%arg9 : memref<128x128xf32, #tpu.memory_space<vmem>>) offsets(%dma_start3A_209 : memref<128xi32, #tpu.memory_space<vmem>>) semaphore(%arg12 : memref<!tpu.dma_semaphore, #tpu.memory_space<semaphore_mem>>)
    %dma_wait3A_213 = arith.constant 1280 : i32
    %dma_wait3A_214 = tpu.memref_slice %arg5[%dma_wait3A_213] : memref<4992xi32, #tpu.memory_space<vmem>> -> memref<128xi32, #tpu.memory_space<vmem>>
    %dma_wait3A_215 = arith.constant 0 : i32
    %dma_wait3A_216 = arith.constant 0 : i32
    %dma_wait3A_217 = tpu.memref_slice %arg2[%dma_wait3A_215, %dma_wait3A_216] : memref<10000x128xf32, #tpu.memory_space<hbm>> -> memref<10000x128xf32, #tpu.memory_space<hbm>>
    tpu.wait_indirect_dma semaphore(%arg11 : memref<!tpu.dma_semaphore, #tpu.memory_space<semaphore_mem>>) src(%dma_wait3A_217 : memref<10000x128xf32, #tpu.memory_space<hbm>>) dst(%arg8 : memref<128x128xf32, #tpu.memory_space<vmem>>)
    "tpu.region"() ({
      %run_scoped3A = tpu.sem_alloc : memref<!tpu.dma_semaphore, #tpu.memory_space<semaphore_mem>>
      %dma_start3A_1351 = arith.constant 0 : i32
      %dma_start3A_1352 = arith.constant 0 : i32
      %dma_start3A_1353 = tpu.memref_slice %arg10[%dma_start3A_1351, %dma_start3A_1352] : memref<10000x128xf32, #tpu.memory_space<vmem_shared>> -> memref<10000x128xf32, #tpu.memory_space<vmem_shared>>
      tpu.enqueue_indirect_dma source(%arg8 : memref<128x128xf32, #tpu.memory_space<vmem>>) target(%dma_start3A_1353 : memref<10000x128xf32, #tpu.memory_space<vmem_shared>>) offsets(%arg6 : memref<128xi32, #tpu.memory_space<vmem>>) semaphore(%run_scoped3A : memref<!tpu.dma_semaphore, #tpu.memory_space<semaphore_mem>>) {add = true}
      %dma_wait3A_1354 = arith.constant 0 : i32
      %dma_wait3A_1355 = arith.constant 0 : i32
      %dma_wait3A_1356 = tpu.memref_slice %arg10[%dma_wait3A_1354, %dma_wait3A_1355] : memref<10000x128xf32, #tpu.memory_space<vmem_shared>> -> memref<10000x128xf32, #tpu.memory_space<vmem_shared>>
      tpu.wait_indirect_dma semaphore(%run_scoped3A : memref<!tpu.dma_semaphore, #tpu.memory_space<semaphore_mem>>) src(%arg8 : memref<128x128xf32, #tpu.memory_space<vmem>>) dst(%dma_wait3A_1356 : memref<10000x128xf32, #tpu.memory_space<vmem_shared>>)
      tpu.yield
    }) : () -> ()
    %dma_wait3A_218 = tpu.memref_slice %arg3[%add3A_38] : memref<640000xi32, #tpu.memory_space<hbm>> -> memref<128xi32, #tpu.memory_space<hbm>>
    %dma_wait3A_219 = tpu.memref_slice %arg3[%add3A_38] : memref<640000xi32, #tpu.memory_space<hbm>> -> memref<128xi32, #tpu.memory_space<hbm>>
    tpu.wait_dma2 semaphore(%arg13 : memref<!tpu.dma_semaphore, #tpu.memory_space<semaphore_mem>>) src(%dma_wait3A_219 : memref<128xi32, #tpu.memory_space<hbm>>) dst(%arg7 : memref<128xi32, #tpu.memory_space<vmem>>)
    %add3A_220 = arith.constant 1536 : i32
    %add3A_221 = arith.addi %add3A_38, %add3A_220 : i32
    %dma_start3A_222 = tpu.memref_slice %arg3[%add3A_221] : memref<640000xi32, #tpu.memory_space<hbm>> -> memref<128xi32, #tpu.memory_space<hbm>>
    %dma_start3A_223 = tpu.memref_slice %arg3[%add3A_221] : memref<640000xi32, #tpu.memory_space<hbm>> -> memref<128xi32, #tpu.memory_space<hbm>>
    tpu.enqueue_dma source(%dma_start3A_223 : memref<128xi32, #tpu.memory_space<hbm>>) target(%arg6 : memref<128xi32, #tpu.memory_space<vmem>>) target_semaphore(%arg13 : memref<!tpu.dma_semaphore, #tpu.memory_space<semaphore_mem>>)
    %dma_start3A_224 = arith.constant 1536 : i32
    %dma_start3A_225 = tpu.memref_slice %arg5[%dma_start3A_224] : memref<4992xi32, #tpu.memory_space<vmem>> -> memref<128xi32, #tpu.memory_space<vmem>>
    %dma_start3A_226 = arith.constant 0 : i32
    %dma_start3A_227 = arith.constant 0 : i32
    %dma_start3A_228 = tpu.memref_slice %arg2[%dma_start3A_226, %dma_start3A_227] : memref<10000x128xf32, #tpu.memory_space<hbm>> -> memref<10000x128xf32, #tpu.memory_space<hbm>>
    tpu.enqueue_indirect_dma source(%dma_start3A_228 : memref<10000x128xf32, #tpu.memory_space<hbm>>) target(%arg8 : memref<128x128xf32, #tpu.memory_space<vmem>>) offsets(%dma_start3A_225 : memref<128xi32, #tpu.memory_space<vmem>>) semaphore(%arg11 : memref<!tpu.dma_semaphore, #tpu.memory_space<semaphore_mem>>)
    %dma_wait3A_229 = arith.constant 1408 : i32
    %dma_wait3A_230 = tpu.memref_slice %arg5[%dma_wait3A_229] : memref<4992xi32, #tpu.memory_space<vmem>> -> memref<128xi32, #tpu.memory_space<vmem>>
    %dma_wait3A_231 = arith.constant 0 : i32
    %dma_wait3A_232 = arith.constant 0 : i32
    %dma_wait3A_233 = tpu.memref_slice %arg2[%dma_wait3A_231, %dma_wait3A_232] : memref<10000x128xf32, #tpu.memory_space<hbm>> -> memref<10000x128xf32, #tpu.memory_space<hbm>>
    tpu.wait_indirect_dma semaphore(%arg12 : memref<!tpu.dma_semaphore, #tpu.memory_space<semaphore_mem>>) src(%dma_wait3A_233 : memref<10000x128xf32, #tpu.memory_space<hbm>>) dst(%arg9 : memref<128x128xf32, #tpu.memory_space<vmem>>)
    "tpu.region"() ({
      %run_scoped3A = tpu.sem_alloc : memref<!tpu.dma_semaphore, #tpu.memory_space<semaphore_mem>>
      %dma_start3A_1351 = arith.constant 0 : i32
      %dma_start3A_1352 = arith.constant 0 : i32
      %dma_start3A_1353 = tpu.memref_slice %arg10[%dma_start3A_1351, %dma_start3A_1352] : memref<10000x128xf32, #tpu.memory_space<vmem_shared>> -> memref<10000x128xf32, #tpu.memory_space<vmem_shared>>
      tpu.enqueue_indirect_dma source(%arg9 : memref<128x128xf32, #tpu.memory_space<vmem>>) target(%dma_start3A_1353 : memref<10000x128xf32, #tpu.memory_space<vmem_shared>>) offsets(%arg7 : memref<128xi32, #tpu.memory_space<vmem>>) semaphore(%run_scoped3A : memref<!tpu.dma_semaphore, #tpu.memory_space<semaphore_mem>>) {add = true}
      %dma_wait3A_1354 = arith.constant 0 : i32
      %dma_wait3A_1355 = arith.constant 0 : i32
      %dma_wait3A_1356 = tpu.memref_slice %arg10[%dma_wait3A_1354, %dma_wait3A_1355] : memref<10000x128xf32, #tpu.memory_space<vmem_shared>> -> memref<10000x128xf32, #tpu.memory_space<vmem_shared>>
      tpu.wait_indirect_dma semaphore(%run_scoped3A : memref<!tpu.dma_semaphore, #tpu.memory_space<semaphore_mem>>) src(%arg9 : memref<128x128xf32, #tpu.memory_space<vmem>>) dst(%dma_wait3A_1356 : memref<10000x128xf32, #tpu.memory_space<vmem_shared>>)
      tpu.yield
    }) : () -> ()
    %dma_wait3A_234 = tpu.memref_slice %arg3[%add3A_38] : memref<640000xi32, #tpu.memory_space<hbm>> -> memref<128xi32, #tpu.memory_space<hbm>>
    %dma_wait3A_235 = tpu.memref_slice %arg3[%add3A_38] : memref<640000xi32, #tpu.memory_space<hbm>> -> memref<128xi32, #tpu.memory_space<hbm>>
    tpu.wait_dma2 semaphore(%arg13 : memref<!tpu.dma_semaphore, #tpu.memory_space<semaphore_mem>>) src(%dma_wait3A_235 : memref<128xi32, #tpu.memory_space<hbm>>) dst(%arg6 : memref<128xi32, #tpu.memory_space<vmem>>)
    %add3A_236 = arith.constant 1664 : i32
    %add3A_237 = arith.addi %add3A_38, %add3A_236 : i32
    %dma_start3A_238 = tpu.memref_slice %arg3[%add3A_237] : memref<640000xi32, #tpu.memory_space<hbm>> -> memref<128xi32, #tpu.memory_space<hbm>>
    %dma_start3A_239 = tpu.memref_slice %arg3[%add3A_237] : memref<640000xi32, #tpu.memory_space<hbm>> -> memref<128xi32, #tpu.memory_space<hbm>>
    tpu.enqueue_dma source(%dma_start3A_239 : memref<128xi32, #tpu.memory_space<hbm>>) target(%arg7 : memref<128xi32, #tpu.memory_space<vmem>>) target_semaphore(%arg13 : memref<!tpu.dma_semaphore, #tpu.memory_space<semaphore_mem>>)
    %dma_start3A_240 = arith.constant 1664 : i32
    %dma_start3A_241 = tpu.memref_slice %arg5[%dma_start3A_240] : memref<4992xi32, #tpu.memory_space<vmem>> -> memref<128xi32, #tpu.memory_space<vmem>>
    %dma_start3A_242 = arith.constant 0 : i32
    %dma_start3A_243 = arith.constant 0 : i32
    %dma_start3A_244 = tpu.memref_slice %arg2[%dma_start3A_242, %dma_start3A_243] : memref<10000x128xf32, #tpu.memory_space<hbm>> -> memref<10000x128xf32, #tpu.memory_space<hbm>>
    tpu.enqueue_indirect_dma source(%dma_start3A_244 : memref<10000x128xf32, #tpu.memory_space<hbm>>) target(%arg9 : memref<128x128xf32, #tpu.memory_space<vmem>>) offsets(%dma_start3A_241 : memref<128xi32, #tpu.memory_space<vmem>>) semaphore(%arg12 : memref<!tpu.dma_semaphore, #tpu.memory_space<semaphore_mem>>)
    %dma_wait3A_245 = arith.constant 1536 : i32
    %dma_wait3A_246 = tpu.memref_slice %arg5[%dma_wait3A_245] : memref<4992xi32, #tpu.memory_space<vmem>> -> memref<128xi32, #tpu.memory_space<vmem>>
    %dma_wait3A_247 = arith.constant 0 : i32
    %dma_wait3A_248 = arith.constant 0 : i32
    %dma_wait3A_249 = tpu.memref_slice %arg2[%dma_wait3A_247, %dma_wait3A_248] : memref<10000x128xf32, #tpu.memory_space<hbm>> -> memref<10000x128xf32, #tpu.memory_space<hbm>>
    tpu.wait_indirect_dma semaphore(%arg11 : memref<!tpu.dma_semaphore, #tpu.memory_space<semaphore_mem>>) src(%dma_wait3A_249 : memref<10000x128xf32, #tpu.memory_space<hbm>>) dst(%arg8 : memref<128x128xf32, #tpu.memory_space<vmem>>)
    "tpu.region"() ({
      %run_scoped3A = tpu.sem_alloc : memref<!tpu.dma_semaphore, #tpu.memory_space<semaphore_mem>>
      %dma_start3A_1351 = arith.constant 0 : i32
      %dma_start3A_1352 = arith.constant 0 : i32
      %dma_start3A_1353 = tpu.memref_slice %arg10[%dma_start3A_1351, %dma_start3A_1352] : memref<10000x128xf32, #tpu.memory_space<vmem_shared>> -> memref<10000x128xf32, #tpu.memory_space<vmem_shared>>
      tpu.enqueue_indirect_dma source(%arg8 : memref<128x128xf32, #tpu.memory_space<vmem>>) target(%dma_start3A_1353 : memref<10000x128xf32, #tpu.memory_space<vmem_shared>>) offsets(%arg6 : memref<128xi32, #tpu.memory_space<vmem>>) semaphore(%run_scoped3A : memref<!tpu.dma_semaphore, #tpu.memory_space<semaphore_mem>>) {add = true}
      %dma_wait3A_1354 = arith.constant 0 : i32
      %dma_wait3A_1355 = arith.constant 0 : i32
      %dma_wait3A_1356 = tpu.memref_slice %arg10[%dma_wait3A_1354, %dma_wait3A_1355] : memref<10000x128xf32, #tpu.memory_space<vmem_shared>> -> memref<10000x128xf32, #tpu.memory_space<vmem_shared>>
      tpu.wait_indirect_dma semaphore(%run_scoped3A : memref<!tpu.dma_semaphore, #tpu.memory_space<semaphore_mem>>) src(%arg8 : memref<128x128xf32, #tpu.memory_space<vmem>>) dst(%dma_wait3A_1356 : memref<10000x128xf32, #tpu.memory_space<vmem_shared>>)
      tpu.yield
    }) : () -> ()
    %dma_wait3A_250 = tpu.memref_slice %arg3[%add3A_38] : memref<640000xi32, #tpu.memory_space<hbm>> -> memref<128xi32, #tpu.memory_space<hbm>>
    %dma_wait3A_251 = tpu.memref_slice %arg3[%add3A_38] : memref<640000xi32, #tpu.memory_space<hbm>> -> memref<128xi32, #tpu.memory_space<hbm>>
    tpu.wait_dma2 semaphore(%arg13 : memref<!tpu.dma_semaphore, #tpu.memory_space<semaphore_mem>>) src(%dma_wait3A_251 : memref<128xi32, #tpu.memory_space<hbm>>) dst(%arg7 : memref<128xi32, #tpu.memory_space<vmem>>)
    %add3A_252 = arith.constant 1792 : i32
    %add3A_253 = arith.addi %add3A_38, %add3A_252 : i32
    %dma_start3A_254 = tpu.memref_slice %arg3[%add3A_253] : memref<640000xi32, #tpu.memory_space<hbm>> -> memref<128xi32, #tpu.memory_space<hbm>>
    %dma_start3A_255 = tpu.memref_slice %arg3[%add3A_253] : memref<640000xi32, #tpu.memory_space<hbm>> -> memref<128xi32, #tpu.memory_space<hbm>>
    tpu.enqueue_dma source(%dma_start3A_255 : memref<128xi32, #tpu.memory_space<hbm>>) target(%arg6 : memref<128xi32, #tpu.memory_space<vmem>>) target_semaphore(%arg13 : memref<!tpu.dma_semaphore, #tpu.memory_space<semaphore_mem>>)
    %dma_start3A_256 = arith.constant 1792 : i32
    %dma_start3A_257 = tpu.memref_slice %arg5[%dma_start3A_256] : memref<4992xi32, #tpu.memory_space<vmem>> -> memref<128xi32, #tpu.memory_space<vmem>>
    %dma_start3A_258 = arith.constant 0 : i32
    %dma_start3A_259 = arith.constant 0 : i32
    %dma_start3A_260 = tpu.memref_slice %arg2[%dma_start3A_258, %dma_start3A_259] : memref<10000x128xf32, #tpu.memory_space<hbm>> -> memref<10000x128xf32, #tpu.memory_space<hbm>>
    tpu.enqueue_indirect_dma source(%dma_start3A_260 : memref<10000x128xf32, #tpu.memory_space<hbm>>) target(%arg8 : memref<128x128xf32, #tpu.memory_space<vmem>>) offsets(%dma_start3A_257 : memref<128xi32, #tpu.memory_space<vmem>>) semaphore(%arg11 : memref<!tpu.dma_semaphore, #tpu.memory_space<semaphore_mem>>)
    %dma_wait3A_261 = arith.constant 1664 : i32
    %dma_wait3A_262 = tpu.memref_slice %arg5[%dma_wait3A_261] : memref<4992xi32, #tpu.memory_space<vmem>> -> memref<128xi32, #tpu.memory_space<vmem>>
    %dma_wait3A_263 = arith.constant 0 : i32
    %dma_wait3A_264 = arith.constant 0 : i32
    %dma_wait3A_265 = tpu.memref_slice %arg2[%dma_wait3A_263, %dma_wait3A_264] : memref<10000x128xf32, #tpu.memory_space<hbm>> -> memref<10000x128xf32, #tpu.memory_space<hbm>>
    tpu.wait_indirect_dma semaphore(%arg12 : memref<!tpu.dma_semaphore, #tpu.memory_space<semaphore_mem>>) src(%dma_wait3A_265 : memref<10000x128xf32, #tpu.memory_space<hbm>>) dst(%arg9 : memref<128x128xf32, #tpu.memory_space<vmem>>)
    "tpu.region"() ({
      %run_scoped3A = tpu.sem_alloc : memref<!tpu.dma_semaphore, #tpu.memory_space<semaphore_mem>>
      %dma_start3A_1351 = arith.constant 0 : i32
      %dma_start3A_1352 = arith.constant 0 : i32
      %dma_start3A_1353 = tpu.memref_slice %arg10[%dma_start3A_1351, %dma_start3A_1352] : memref<10000x128xf32, #tpu.memory_space<vmem_shared>> -> memref<10000x128xf32, #tpu.memory_space<vmem_shared>>
      tpu.enqueue_indirect_dma source(%arg9 : memref<128x128xf32, #tpu.memory_space<vmem>>) target(%dma_start3A_1353 : memref<10000x128xf32, #tpu.memory_space<vmem_shared>>) offsets(%arg7 : memref<128xi32, #tpu.memory_space<vmem>>) semaphore(%run_scoped3A : memref<!tpu.dma_semaphore, #tpu.memory_space<semaphore_mem>>) {add = true}
      %dma_wait3A_1354 = arith.constant 0 : i32
      %dma_wait3A_1355 = arith.constant 0 : i32
      %dma_wait3A_1356 = tpu.memref_slice %arg10[%dma_wait3A_1354, %dma_wait3A_1355] : memref<10000x128xf32, #tpu.memory_space<vmem_shared>> -> memref<10000x128xf32, #tpu.memory_space<vmem_shared>>
      tpu.wait_indirect_dma semaphore(%run_scoped3A : memref<!tpu.dma_semaphore, #tpu.memory_space<semaphore_mem>>) src(%arg9 : memref<128x128xf32, #tpu.memory_space<vmem>>) dst(%dma_wait3A_1356 : memref<10000x128xf32, #tpu.memory_space<vmem_shared>>)
      tpu.yield
    }) : () -> ()
    %dma_wait3A_266 = tpu.memref_slice %arg3[%add3A_38] : memref<640000xi32, #tpu.memory_space<hbm>> -> memref<128xi32, #tpu.memory_space<hbm>>
    %dma_wait3A_267 = tpu.memref_slice %arg3[%add3A_38] : memref<640000xi32, #tpu.memory_space<hbm>> -> memref<128xi32, #tpu.memory_space<hbm>>
    tpu.wait_dma2 semaphore(%arg13 : memref<!tpu.dma_semaphore, #tpu.memory_space<semaphore_mem>>) src(%dma_wait3A_267 : memref<128xi32, #tpu.memory_space<hbm>>) dst(%arg6 : memref<128xi32, #tpu.memory_space<vmem>>)
    %add3A_268 = arith.constant 1920 : i32
    %add3A_269 = arith.addi %add3A_38, %add3A_268 : i32
    %dma_start3A_270 = tpu.memref_slice %arg3[%add3A_269] : memref<640000xi32, #tpu.memory_space<hbm>> -> memref<128xi32, #tpu.memory_space<hbm>>
    %dma_start3A_271 = tpu.memref_slice %arg3[%add3A_269] : memref<640000xi32, #tpu.memory_space<hbm>> -> memref<128xi32, #tpu.memory_space<hbm>>
    tpu.enqueue_dma source(%dma_start3A_271 : memref<128xi32, #tpu.memory_space<hbm>>) target(%arg7 : memref<128xi32, #tpu.memory_space<vmem>>) target_semaphore(%arg13 : memref<!tpu.dma_semaphore, #tpu.memory_space<semaphore_mem>>)
    %dma_start3A_272 = arith.constant 1920 : i32
    %dma_start3A_273 = tpu.memref_slice %arg5[%dma_start3A_272] : memref<4992xi32, #tpu.memory_space<vmem>> -> memref<128xi32, #tpu.memory_space<vmem>>
    %dma_start3A_274 = arith.constant 0 : i32
    %dma_start3A_275 = arith.constant 0 : i32
    %dma_start3A_276 = tpu.memref_slice %arg2[%dma_start3A_274, %dma_start3A_275] : memref<10000x128xf32, #tpu.memory_space<hbm>> -> memref<10000x128xf32, #tpu.memory_space<hbm>>
    tpu.enqueue_indirect_dma source(%dma_start3A_276 : memref<10000x128xf32, #tpu.memory_space<hbm>>) target(%arg9 : memref<128x128xf32, #tpu.memory_space<vmem>>) offsets(%dma_start3A_273 : memref<128xi32, #tpu.memory_space<vmem>>) semaphore(%arg12 : memref<!tpu.dma_semaphore, #tpu.memory_space<semaphore_mem>>)
    %dma_wait3A_277 = arith.constant 1792 : i32
    %dma_wait3A_278 = tpu.memref_slice %arg5[%dma_wait3A_277] : memref<4992xi32, #tpu.memory_space<vmem>> -> memref<128xi32, #tpu.memory_space<vmem>>
    %dma_wait3A_279 = arith.constant 0 : i32
    %dma_wait3A_280 = arith.constant 0 : i32
    %dma_wait3A_281 = tpu.memref_slice %arg2[%dma_wait3A_279, %dma_wait3A_280] : memref<10000x128xf32, #tpu.memory_space<hbm>> -> memref<10000x128xf32, #tpu.memory_space<hbm>>
    tpu.wait_indirect_dma semaphore(%arg11 : memref<!tpu.dma_semaphore, #tpu.memory_space<semaphore_mem>>) src(%dma_wait3A_281 : memref<10000x128xf32, #tpu.memory_space<hbm>>) dst(%arg8 : memref<128x128xf32, #tpu.memory_space<vmem>>)
    "tpu.region"() ({
      %run_scoped3A = tpu.sem_alloc : memref<!tpu.dma_semaphore, #tpu.memory_space<semaphore_mem>>
      %dma_start3A_1351 = arith.constant 0 : i32
      %dma_start3A_1352 = arith.constant 0 : i32
      %dma_start3A_1353 = tpu.memref_slice %arg10[%dma_start3A_1351, %dma_start3A_1352] : memref<10000x128xf32, #tpu.memory_space<vmem_shared>> -> memref<10000x128xf32, #tpu.memory_space<vmem_shared>>
      tpu.enqueue_indirect_dma source(%arg8 : memref<128x128xf32, #tpu.memory_space<vmem>>) target(%dma_start3A_1353 : memref<10000x128xf32, #tpu.memory_space<vmem_shared>>) offsets(%arg6 : memref<128xi32, #tpu.memory_space<vmem>>) semaphore(%run_scoped3A : memref<!tpu.dma_semaphore, #tpu.memory_space<semaphore_mem>>) {add = true}
      %dma_wait3A_1354 = arith.constant 0 : i32
      %dma_wait3A_1355 = arith.constant 0 : i32
      %dma_wait3A_1356 = tpu.memref_slice %arg10[%dma_wait3A_1354, %dma_wait3A_1355] : memref<10000x128xf32, #tpu.memory_space<vmem_shared>> -> memref<10000x128xf32, #tpu.memory_space<vmem_shared>>
      tpu.wait_indirect_dma semaphore(%run_scoped3A : memref<!tpu.dma_semaphore, #tpu.memory_space<semaphore_mem>>) src(%arg8 : memref<128x128xf32, #tpu.memory_space<vmem>>) dst(%dma_wait3A_1356 : memref<10000x128xf32, #tpu.memory_space<vmem_shared>>)
      tpu.yield
    }) : () -> ()
    %dma_wait3A_282 = tpu.memref_slice %arg3[%add3A_38] : memref<640000xi32, #tpu.memory_space<hbm>> -> memref<128xi32, #tpu.memory_space<hbm>>
    %dma_wait3A_283 = tpu.memref_slice %arg3[%add3A_38] : memref<640000xi32, #tpu.memory_space<hbm>> -> memref<128xi32, #tpu.memory_space<hbm>>
    tpu.wait_dma2 semaphore(%arg13 : memref<!tpu.dma_semaphore, #tpu.memory_space<semaphore_mem>>) src(%dma_wait3A_283 : memref<128xi32, #tpu.memory_space<hbm>>) dst(%arg7 : memref<128xi32, #tpu.memory_space<vmem>>)
    %add3A_284 = arith.constant 2048 : i32
    %add3A_285 = arith.addi %add3A_38, %add3A_284 : i32
    %dma_start3A_286 = tpu.memref_slice %arg3[%add3A_285] : memref<640000xi32, #tpu.memory_space<hbm>> -> memref<128xi32, #tpu.memory_space<hbm>>
    %dma_start3A_287 = tpu.memref_slice %arg3[%add3A_285] : memref<640000xi32, #tpu.memory_space<hbm>> -> memref<128xi32, #tpu.memory_space<hbm>>
    tpu.enqueue_dma source(%dma_start3A_287 : memref<128xi32, #tpu.memory_space<hbm>>) target(%arg6 : memref<128xi32, #tpu.memory_space<vmem>>) target_semaphore(%arg13 : memref<!tpu.dma_semaphore, #tpu.memory_space<semaphore_mem>>)
    %dma_start3A_288 = arith.constant 2048 : i32
    %dma_start3A_289 = tpu.memref_slice %arg5[%dma_start3A_288] : memref<4992xi32, #tpu.memory_space<vmem>> -> memref<128xi32, #tpu.memory_space<vmem>>
    %dma_start3A_290 = arith.constant 0 : i32
    %dma_start3A_291 = arith.constant 0 : i32
    %dma_start3A_292 = tpu.memref_slice %arg2[%dma_start3A_290, %dma_start3A_291] : memref<10000x128xf32, #tpu.memory_space<hbm>> -> memref<10000x128xf32, #tpu.memory_space<hbm>>
    tpu.enqueue_indirect_dma source(%dma_start3A_292 : memref<10000x128xf32, #tpu.memory_space<hbm>>) target(%arg8 : memref<128x128xf32, #tpu.memory_space<vmem>>) offsets(%dma_start3A_289 : memref<128xi32, #tpu.memory_space<vmem>>) semaphore(%arg11 : memref<!tpu.dma_semaphore, #tpu.memory_space<semaphore_mem>>)
    %dma_wait3A_293 = arith.constant 1920 : i32
    %dma_wait3A_294 = tpu.memref_slice %arg5[%dma_wait3A_293] : memref<4992xi32, #tpu.memory_space<vmem>> -> memref<128xi32, #tpu.memory_space<vmem>>
    %dma_wait3A_295 = arith.constant 0 : i32
    %dma_wait3A_296 = arith.constant 0 : i32
    %dma_wait3A_297 = tpu.memref_slice %arg2[%dma_wait3A_295, %dma_wait3A_296] : memref<10000x128xf32, #tpu.memory_space<hbm>> -> memref<10000x128xf32, #tpu.memory_space<hbm>>
    tpu.wait_indirect_dma semaphore(%arg12 : memref<!tpu.dma_semaphore, #tpu.memory_space<semaphore_mem>>) src(%dma_wait3A_297 : memref<10000x128xf32, #tpu.memory_space<hbm>>) dst(%arg9 : memref<128x128xf32, #tpu.memory_space<vmem>>)
    "tpu.region"() ({
      %run_scoped3A = tpu.sem_alloc : memref<!tpu.dma_semaphore, #tpu.memory_space<semaphore_mem>>
      %dma_start3A_1351 = arith.constant 0 : i32
      %dma_start3A_1352 = arith.constant 0 : i32
      %dma_start3A_1353 = tpu.memref_slice %arg10[%dma_start3A_1351, %dma_start3A_1352] : memref<10000x128xf32, #tpu.memory_space<vmem_shared>> -> memref<10000x128xf32, #tpu.memory_space<vmem_shared>>
      tpu.enqueue_indirect_dma source(%arg9 : memref<128x128xf32, #tpu.memory_space<vmem>>) target(%dma_start3A_1353 : memref<10000x128xf32, #tpu.memory_space<vmem_shared>>) offsets(%arg7 : memref<128xi32, #tpu.memory_space<vmem>>) semaphore(%run_scoped3A : memref<!tpu.dma_semaphore, #tpu.memory_space<semaphore_mem>>) {add = true}
      %dma_wait3A_1354 = arith.constant 0 : i32
      %dma_wait3A_1355 = arith.constant 0 : i32
      %dma_wait3A_1356 = tpu.memref_slice %arg10[%dma_wait3A_1354, %dma_wait3A_1355] : memref<10000x128xf32, #tpu.memory_space<vmem_shared>> -> memref<10000x128xf32, #tpu.memory_space<vmem_shared>>
      tpu.wait_indirect_dma semaphore(%run_scoped3A : memref<!tpu.dma_semaphore, #tpu.memory_space<semaphore_mem>>) src(%arg9 : memref<128x128xf32, #tpu.memory_space<vmem>>) dst(%dma_wait3A_1356 : memref<10000x128xf32, #tpu.memory_space<vmem_shared>>)
      tpu.yield
    }) : () -> ()
    %dma_wait3A_298 = tpu.memref_slice %arg3[%add3A_38] : memref<640000xi32, #tpu.memory_space<hbm>> -> memref<128xi32, #tpu.memory_space<hbm>>
    %dma_wait3A_299 = tpu.memref_slice %arg3[%add3A_38] : memref<640000xi32, #tpu.memory_space<hbm>> -> memref<128xi32, #tpu.memory_space<hbm>>
    tpu.wait_dma2 semaphore(%arg13 : memref<!tpu.dma_semaphore, #tpu.memory_space<semaphore_mem>>) src(%dma_wait3A_299 : memref<128xi32, #tpu.memory_space<hbm>>) dst(%arg6 : memref<128xi32, #tpu.memory_space<vmem>>)
    %add3A_300 = arith.constant 2176 : i32
    %add3A_301 = arith.addi %add3A_38, %add3A_300 : i32
    %dma_start3A_302 = tpu.memref_slice %arg3[%add3A_301] : memref<640000xi32, #tpu.memory_space<hbm>> -> memref<128xi32, #tpu.memory_space<hbm>>
    %dma_start3A_303 = tpu.memref_slice %arg3[%add3A_301] : memref<640000xi32, #tpu.memory_space<hbm>> -> memref<128xi32, #tpu.memory_space<hbm>>
    tpu.enqueue_dma source(%dma_start3A_303 : memref<128xi32, #tpu.memory_space<hbm>>) target(%arg7 : memref<128xi32, #tpu.memory_space<vmem>>) target_semaphore(%arg13 : memref<!tpu.dma_semaphore, #tpu.memory_space<semaphore_mem>>)
    %dma_start3A_304 = arith.constant 2176 : i32
    %dma_start3A_305 = tpu.memref_slice %arg5[%dma_start3A_304] : memref<4992xi32, #tpu.memory_space<vmem>> -> memref<128xi32, #tpu.memory_space<vmem>>
    %dma_start3A_306 = arith.constant 0 : i32
    %dma_start3A_307 = arith.constant 0 : i32
    %dma_start3A_308 = tpu.memref_slice %arg2[%dma_start3A_306, %dma_start3A_307] : memref<10000x128xf32, #tpu.memory_space<hbm>> -> memref<10000x128xf32, #tpu.memory_space<hbm>>
    tpu.enqueue_indirect_dma source(%dma_start3A_308 : memref<10000x128xf32, #tpu.memory_space<hbm>>) target(%arg9 : memref<128x128xf32, #tpu.memory_space<vmem>>) offsets(%dma_start3A_305 : memref<128xi32, #tpu.memory_space<vmem>>) semaphore(%arg12 : memref<!tpu.dma_semaphore, #tpu.memory_space<semaphore_mem>>)
    %dma_wait3A_309 = arith.constant 2048 : i32
    %dma_wait3A_310 = tpu.memref_slice %arg5[%dma_wait3A_309] : memref<4992xi32, #tpu.memory_space<vmem>> -> memref<128xi32, #tpu.memory_space<vmem>>
    %dma_wait3A_311 = arith.constant 0 : i32
    %dma_wait3A_312 = arith.constant 0 : i32
    %dma_wait3A_313 = tpu.memref_slice %arg2[%dma_wait3A_311, %dma_wait3A_312] : memref<10000x128xf32, #tpu.memory_space<hbm>> -> memref<10000x128xf32, #tpu.memory_space<hbm>>
    tpu.wait_indirect_dma semaphore(%arg11 : memref<!tpu.dma_semaphore, #tpu.memory_space<semaphore_mem>>) src(%dma_wait3A_313 : memref<10000x128xf32, #tpu.memory_space<hbm>>) dst(%arg8 : memref<128x128xf32, #tpu.memory_space<vmem>>)
    "tpu.region"() ({
      %run_scoped3A = tpu.sem_alloc : memref<!tpu.dma_semaphore, #tpu.memory_space<semaphore_mem>>
      %dma_start3A_1351 = arith.constant 0 : i32
      %dma_start3A_1352 = arith.constant 0 : i32
      %dma_start3A_1353 = tpu.memref_slice %arg10[%dma_start3A_1351, %dma_start3A_1352] : memref<10000x128xf32, #tpu.memory_space<vmem_shared>> -> memref<10000x128xf32, #tpu.memory_space<vmem_shared>>
      tpu.enqueue_indirect_dma source(%arg8 : memref<128x128xf32, #tpu.memory_space<vmem>>) target(%dma_start3A_1353 : memref<10000x128xf32, #tpu.memory_space<vmem_shared>>) offsets(%arg6 : memref<128xi32, #tpu.memory_space<vmem>>) semaphore(%run_scoped3A : memref<!tpu.dma_semaphore, #tpu.memory_space<semaphore_mem>>) {add = true}
      %dma_wait3A_1354 = arith.constant 0 : i32
      %dma_wait3A_1355 = arith.constant 0 : i32
      %dma_wait3A_1356 = tpu.memref_slice %arg10[%dma_wait3A_1354, %dma_wait3A_1355] : memref<10000x128xf32, #tpu.memory_space<vmem_shared>> -> memref<10000x128xf32, #tpu.memory_space<vmem_shared>>
      tpu.wait_indirect_dma semaphore(%run_scoped3A : memref<!tpu.dma_semaphore, #tpu.memory_space<semaphore_mem>>) src(%arg8 : memref<128x128xf32, #tpu.memory_space<vmem>>) dst(%dma_wait3A_1356 : memref<10000x128xf32, #tpu.memory_space<vmem_shared>>)
      tpu.yield
    }) : () -> ()
    %dma_wait3A_314 = tpu.memref_slice %arg3[%add3A_38] : memref<640000xi32, #tpu.memory_space<hbm>> -> memref<128xi32, #tpu.memory_space<hbm>>
    %dma_wait3A_315 = tpu.memref_slice %arg3[%add3A_38] : memref<640000xi32, #tpu.memory_space<hbm>> -> memref<128xi32, #tpu.memory_space<hbm>>
    tpu.wait_dma2 semaphore(%arg13 : memref<!tpu.dma_semaphore, #tpu.memory_space<semaphore_mem>>) src(%dma_wait3A_315 : memref<128xi32, #tpu.memory_space<hbm>>) dst(%arg7 : memref<128xi32, #tpu.memory_space<vmem>>)
    %add3A_316 = arith.constant 2304 : i32
    %add3A_317 = arith.addi %add3A_38, %add3A_316 : i32
    %dma_start3A_318 = tpu.memref_slice %arg3[%add3A_317] : memref<640000xi32, #tpu.memory_space<hbm>> -> memref<128xi32, #tpu.memory_space<hbm>>
    %dma_start3A_319 = tpu.memref_slice %arg3[%add3A_317] : memref<640000xi32, #tpu.memory_space<hbm>> -> memref<128xi32, #tpu.memory_space<hbm>>
    tpu.enqueue_dma source(%dma_start3A_319 : memref<128xi32, #tpu.memory_space<hbm>>) target(%arg6 : memref<128xi32, #tpu.memory_space<vmem>>) target_semaphore(%arg13 : memref<!tpu.dma_semaphore, #tpu.memory_space<semaphore_mem>>)
    %dma_start3A_320 = arith.constant 2304 : i32
    %dma_start3A_321 = tpu.memref_slice %arg5[%dma_start3A_320] : memref<4992xi32, #tpu.memory_space<vmem>> -> memref<128xi32, #tpu.memory_space<vmem>>
    %dma_start3A_322 = arith.constant 0 : i32
    %dma_start3A_323 = arith.constant 0 : i32
    %dma_start3A_324 = tpu.memref_slice %arg2[%dma_start3A_322, %dma_start3A_323] : memref<10000x128xf32, #tpu.memory_space<hbm>> -> memref<10000x128xf32, #tpu.memory_space<hbm>>
    tpu.enqueue_indirect_dma source(%dma_start3A_324 : memref<10000x128xf32, #tpu.memory_space<hbm>>) target(%arg8 : memref<128x128xf32, #tpu.memory_space<vmem>>) offsets(%dma_start3A_321 : memref<128xi32, #tpu.memory_space<vmem>>) semaphore(%arg11 : memref<!tpu.dma_semaphore, #tpu.memory_space<semaphore_mem>>)
    %dma_wait3A_325 = arith.constant 2176 : i32
    %dma_wait3A_326 = tpu.memref_slice %arg5[%dma_wait3A_325] : memref<4992xi32, #tpu.memory_space<vmem>> -> memref<128xi32, #tpu.memory_space<vmem>>
    %dma_wait3A_327 = arith.constant 0 : i32
    %dma_wait3A_328 = arith.constant 0 : i32
    %dma_wait3A_329 = tpu.memref_slice %arg2[%dma_wait3A_327, %dma_wait3A_328] : memref<10000x128xf32, #tpu.memory_space<hbm>> -> memref<10000x128xf32, #tpu.memory_space<hbm>>
    tpu.wait_indirect_dma semaphore(%arg12 : memref<!tpu.dma_semaphore, #tpu.memory_space<semaphore_mem>>) src(%dma_wait3A_329 : memref<10000x128xf32, #tpu.memory_space<hbm>>) dst(%arg9 : memref<128x128xf32, #tpu.memory_space<vmem>>)
    "tpu.region"() ({
      %run_scoped3A = tpu.sem_alloc : memref<!tpu.dma_semaphore, #tpu.memory_space<semaphore_mem>>
      %dma_start3A_1351 = arith.constant 0 : i32
      %dma_start3A_1352 = arith.constant 0 : i32
      %dma_start3A_1353 = tpu.memref_slice %arg10[%dma_start3A_1351, %dma_start3A_1352] : memref<10000x128xf32, #tpu.memory_space<vmem_shared>> -> memref<10000x128xf32, #tpu.memory_space<vmem_shared>>
      tpu.enqueue_indirect_dma source(%arg9 : memref<128x128xf32, #tpu.memory_space<vmem>>) target(%dma_start3A_1353 : memref<10000x128xf32, #tpu.memory_space<vmem_shared>>) offsets(%arg7 : memref<128xi32, #tpu.memory_space<vmem>>) semaphore(%run_scoped3A : memref<!tpu.dma_semaphore, #tpu.memory_space<semaphore_mem>>) {add = true}
      %dma_wait3A_1354 = arith.constant 0 : i32
      %dma_wait3A_1355 = arith.constant 0 : i32
      %dma_wait3A_1356 = tpu.memref_slice %arg10[%dma_wait3A_1354, %dma_wait3A_1355] : memref<10000x128xf32, #tpu.memory_space<vmem_shared>> -> memref<10000x128xf32, #tpu.memory_space<vmem_shared>>
      tpu.wait_indirect_dma semaphore(%run_scoped3A : memref<!tpu.dma_semaphore, #tpu.memory_space<semaphore_mem>>) src(%arg9 : memref<128x128xf32, #tpu.memory_space<vmem>>) dst(%dma_wait3A_1356 : memref<10000x128xf32, #tpu.memory_space<vmem_shared>>)
      tpu.yield
    }) : () -> ()
    %dma_wait3A_330 = tpu.memref_slice %arg3[%add3A_38] : memref<640000xi32, #tpu.memory_space<hbm>> -> memref<128xi32, #tpu.memory_space<hbm>>
    %dma_wait3A_331 = tpu.memref_slice %arg3[%add3A_38] : memref<640000xi32, #tpu.memory_space<hbm>> -> memref<128xi32, #tpu.memory_space<hbm>>
    tpu.wait_dma2 semaphore(%arg13 : memref<!tpu.dma_semaphore, #tpu.memory_space<semaphore_mem>>) src(%dma_wait3A_331 : memref<128xi32, #tpu.memory_space<hbm>>) dst(%arg6 : memref<128xi32, #tpu.memory_space<vmem>>)
    %add3A_332 = arith.constant 2432 : i32
    %add3A_333 = arith.addi %add3A_38, %add3A_332 : i32
    %dma_start3A_334 = tpu.memref_slice %arg3[%add3A_333] : memref<640000xi32, #tpu.memory_space<hbm>> -> memref<128xi32, #tpu.memory_space<hbm>>
    %dma_start3A_335 = tpu.memref_slice %arg3[%add3A_333] : memref<640000xi32, #tpu.memory_space<hbm>> -> memref<128xi32, #tpu.memory_space<hbm>>
    tpu.enqueue_dma source(%dma_start3A_335 : memref<128xi32, #tpu.memory_space<hbm>>) target(%arg7 : memref<128xi32, #tpu.memory_space<vmem>>) target_semaphore(%arg13 : memref<!tpu.dma_semaphore, #tpu.memory_space<semaphore_mem>>)
    %dma_start3A_336 = arith.constant 2432 : i32
    %dma_start3A_337 = tpu.memref_slice %arg5[%dma_start3A_336] : memref<4992xi32, #tpu.memory_space<vmem>> -> memref<128xi32, #tpu.memory_space<vmem>>
    %dma_start3A_338 = arith.constant 0 : i32
    %dma_start3A_339 = arith.constant 0 : i32
    %dma_start3A_340 = tpu.memref_slice %arg2[%dma_start3A_338, %dma_start3A_339] : memref<10000x128xf32, #tpu.memory_space<hbm>> -> memref<10000x128xf32, #tpu.memory_space<hbm>>
    tpu.enqueue_indirect_dma source(%dma_start3A_340 : memref<10000x128xf32, #tpu.memory_space<hbm>>) target(%arg9 : memref<128x128xf32, #tpu.memory_space<vmem>>) offsets(%dma_start3A_337 : memref<128xi32, #tpu.memory_space<vmem>>) semaphore(%arg12 : memref<!tpu.dma_semaphore, #tpu.memory_space<semaphore_mem>>)
    %dma_wait3A_341 = arith.constant 2304 : i32
    %dma_wait3A_342 = tpu.memref_slice %arg5[%dma_wait3A_341] : memref<4992xi32, #tpu.memory_space<vmem>> -> memref<128xi32, #tpu.memory_space<vmem>>
    %dma_wait3A_343 = arith.constant 0 : i32
    %dma_wait3A_344 = arith.constant 0 : i32
    %dma_wait3A_345 = tpu.memref_slice %arg2[%dma_wait3A_343, %dma_wait3A_344] : memref<10000x128xf32, #tpu.memory_space<hbm>> -> memref<10000x128xf32, #tpu.memory_space<hbm>>
    tpu.wait_indirect_dma semaphore(%arg11 : memref<!tpu.dma_semaphore, #tpu.memory_space<semaphore_mem>>) src(%dma_wait3A_345 : memref<10000x128xf32, #tpu.memory_space<hbm>>) dst(%arg8 : memref<128x128xf32, #tpu.memory_space<vmem>>)
    "tpu.region"() ({
      %run_scoped3A = tpu.sem_alloc : memref<!tpu.dma_semaphore, #tpu.memory_space<semaphore_mem>>
      %dma_start3A_1351 = arith.constant 0 : i32
      %dma_start3A_1352 = arith.constant 0 : i32
      %dma_start3A_1353 = tpu.memref_slice %arg10[%dma_start3A_1351, %dma_start3A_1352] : memref<10000x128xf32, #tpu.memory_space<vmem_shared>> -> memref<10000x128xf32, #tpu.memory_space<vmem_shared>>
      tpu.enqueue_indirect_dma source(%arg8 : memref<128x128xf32, #tpu.memory_space<vmem>>) target(%dma_start3A_1353 : memref<10000x128xf32, #tpu.memory_space<vmem_shared>>) offsets(%arg6 : memref<128xi32, #tpu.memory_space<vmem>>) semaphore(%run_scoped3A : memref<!tpu.dma_semaphore, #tpu.memory_space<semaphore_mem>>) {add = true}
      %dma_wait3A_1354 = arith.constant 0 : i32
      %dma_wait3A_1355 = arith.constant 0 : i32
      %dma_wait3A_1356 = tpu.memref_slice %arg10[%dma_wait3A_1354, %dma_wait3A_1355] : memref<10000x128xf32, #tpu.memory_space<vmem_shared>> -> memref<10000x128xf32, #tpu.memory_space<vmem_shared>>
      tpu.wait_indirect_dma semaphore(%run_scoped3A : memref<!tpu.dma_semaphore, #tpu.memory_space<semaphore_mem>>) src(%arg8 : memref<128x128xf32, #tpu.memory_space<vmem>>) dst(%dma_wait3A_1356 : memref<10000x128xf32, #tpu.memory_space<vmem_shared>>)
      tpu.yield
    }) : () -> ()
    %dma_wait3A_346 = tpu.memref_slice %arg3[%add3A_38] : memref<640000xi32, #tpu.memory_space<hbm>> -> memref<128xi32, #tpu.memory_space<hbm>>
    %dma_wait3A_347 = tpu.memref_slice %arg3[%add3A_38] : memref<640000xi32, #tpu.memory_space<hbm>> -> memref<128xi32, #tpu.memory_space<hbm>>
    tpu.wait_dma2 semaphore(%arg13 : memref<!tpu.dma_semaphore, #tpu.memory_space<semaphore_mem>>) src(%dma_wait3A_347 : memref<128xi32, #tpu.memory_space<hbm>>) dst(%arg7 : memref<128xi32, #tpu.memory_space<vmem>>)
    %add3A_348 = arith.constant 2560 : i32
    %add3A_349 = arith.addi %add3A_38, %add3A_348 : i32
    %dma_start3A_350 = tpu.memref_slice %arg3[%add3A_349] : memref<640000xi32, #tpu.memory_space<hbm>> -> memref<128xi32, #tpu.memory_space<hbm>>
    %dma_start3A_351 = tpu.memref_slice %arg3[%add3A_349] : memref<640000xi32, #tpu.memory_space<hbm>> -> memref<128xi32, #tpu.memory_space<hbm>>
    tpu.enqueue_dma source(%dma_start3A_351 : memref<128xi32, #tpu.memory_space<hbm>>) target(%arg6 : memref<128xi32, #tpu.memory_space<vmem>>) target_semaphore(%arg13 : memref<!tpu.dma_semaphore, #tpu.memory_space<semaphore_mem>>)
    %dma_start3A_352 = arith.constant 2560 : i32
    %dma_start3A_353 = tpu.memref_slice %arg5[%dma_start3A_352] : memref<4992xi32, #tpu.memory_space<vmem>> -> memref<128xi32, #tpu.memory_space<vmem>>
    %dma_start3A_354 = arith.constant 0 : i32
    %dma_start3A_355 = arith.constant 0 : i32
    %dma_start3A_356 = tpu.memref_slice %arg2[%dma_start3A_354, %dma_start3A_355] : memref<10000x128xf32, #tpu.memory_space<hbm>> -> memref<10000x128xf32, #tpu.memory_space<hbm>>
    tpu.enqueue_indirect_dma source(%dma_start3A_356 : memref<10000x128xf32, #tpu.memory_space<hbm>>) target(%arg8 : memref<128x128xf32, #tpu.memory_space<vmem>>) offsets(%dma_start3A_353 : memref<128xi32, #tpu.memory_space<vmem>>) semaphore(%arg11 : memref<!tpu.dma_semaphore, #tpu.memory_space<semaphore_mem>>)
    %dma_wait3A_357 = arith.constant 2432 : i32
    %dma_wait3A_358 = tpu.memref_slice %arg5[%dma_wait3A_357] : memref<4992xi32, #tpu.memory_space<vmem>> -> memref<128xi32, #tpu.memory_space<vmem>>
    %dma_wait3A_359 = arith.constant 0 : i32
    %dma_wait3A_360 = arith.constant 0 : i32
    %dma_wait3A_361 = tpu.memref_slice %arg2[%dma_wait3A_359, %dma_wait3A_360] : memref<10000x128xf32, #tpu.memory_space<hbm>> -> memref<10000x128xf32, #tpu.memory_space<hbm>>
    tpu.wait_indirect_dma semaphore(%arg12 : memref<!tpu.dma_semaphore, #tpu.memory_space<semaphore_mem>>) src(%dma_wait3A_361 : memref<10000x128xf32, #tpu.memory_space<hbm>>) dst(%arg9 : memref<128x128xf32, #tpu.memory_space<vmem>>)
    "tpu.region"() ({
      %run_scoped3A = tpu.sem_alloc : memref<!tpu.dma_semaphore, #tpu.memory_space<semaphore_mem>>
      %dma_start3A_1351 = arith.constant 0 : i32
      %dma_start3A_1352 = arith.constant 0 : i32
      %dma_start3A_1353 = tpu.memref_slice %arg10[%dma_start3A_1351, %dma_start3A_1352] : memref<10000x128xf32, #tpu.memory_space<vmem_shared>> -> memref<10000x128xf32, #tpu.memory_space<vmem_shared>>
      tpu.enqueue_indirect_dma source(%arg9 : memref<128x128xf32, #tpu.memory_space<vmem>>) target(%dma_start3A_1353 : memref<10000x128xf32, #tpu.memory_space<vmem_shared>>) offsets(%arg7 : memref<128xi32, #tpu.memory_space<vmem>>) semaphore(%run_scoped3A : memref<!tpu.dma_semaphore, #tpu.memory_space<semaphore_mem>>) {add = true}
      %dma_wait3A_1354 = arith.constant 0 : i32
      %dma_wait3A_1355 = arith.constant 0 : i32
      %dma_wait3A_1356 = tpu.memref_slice %arg10[%dma_wait3A_1354, %dma_wait3A_1355] : memref<10000x128xf32, #tpu.memory_space<vmem_shared>> -> memref<10000x128xf32, #tpu.memory_space<vmem_shared>>
      tpu.wait_indirect_dma semaphore(%run_scoped3A : memref<!tpu.dma_semaphore, #tpu.memory_space<semaphore_mem>>) src(%arg9 : memref<128x128xf32, #tpu.memory_space<vmem>>) dst(%dma_wait3A_1356 : memref<10000x128xf32, #tpu.memory_space<vmem_shared>>)
      tpu.yield
    }) : () -> ()
    %dma_wait3A_362 = tpu.memref_slice %arg3[%add3A_38] : memref<640000xi32, #tpu.memory_space<hbm>> -> memref<128xi32, #tpu.memory_space<hbm>>
    %dma_wait3A_363 = tpu.memref_slice %arg3[%add3A_38] : memref<640000xi32, #tpu.memory_space<hbm>> -> memref<128xi32, #tpu.memory_space<hbm>>
    tpu.wait_dma2 semaphore(%arg13 : memref<!tpu.dma_semaphore, #tpu.memory_space<semaphore_mem>>) src(%dma_wait3A_363 : memref<128xi32, #tpu.memory_space<hbm>>) dst(%arg6 : memref<128xi32, #tpu.memory_space<vmem>>)
    %add3A_364 = arith.constant 2688 : i32
    %add3A_365 = arith.addi %add3A_38, %add3A_364 : i32
    %dma_start3A_366 = tpu.memref_slice %arg3[%add3A_365] : memref<640000xi32, #tpu.memory_space<hbm>> -> memref<128xi32, #tpu.memory_space<hbm>>
    %dma_start3A_367 = tpu.memref_slice %arg3[%add3A_365] : memref<640000xi32, #tpu.memory_space<hbm>> -> memref<128xi32, #tpu.memory_space<hbm>>
    tpu.enqueue_dma source(%dma_start3A_367 : memref<128xi32, #tpu.memory_space<hbm>>) target(%arg7 : memref<128xi32, #tpu.memory_space<vmem>>) target_semaphore(%arg13 : memref<!tpu.dma_semaphore, #tpu.memory_space<semaphore_mem>>)
    %dma_start3A_368 = arith.constant 2688 : i32
    %dma_start3A_369 = tpu.memref_slice %arg5[%dma_start3A_368] : memref<4992xi32, #tpu.memory_space<vmem>> -> memref<128xi32, #tpu.memory_space<vmem>>
    %dma_start3A_370 = arith.constant 0 : i32
    %dma_start3A_371 = arith.constant 0 : i32
    %dma_start3A_372 = tpu.memref_slice %arg2[%dma_start3A_370, %dma_start3A_371] : memref<10000x128xf32, #tpu.memory_space<hbm>> -> memref<10000x128xf32, #tpu.memory_space<hbm>>
    tpu.enqueue_indirect_dma source(%dma_start3A_372 : memref<10000x128xf32, #tpu.memory_space<hbm>>) target(%arg9 : memref<128x128xf32, #tpu.memory_space<vmem>>) offsets(%dma_start3A_369 : memref<128xi32, #tpu.memory_space<vmem>>) semaphore(%arg12 : memref<!tpu.dma_semaphore, #tpu.memory_space<semaphore_mem>>)
    %dma_wait3A_373 = arith.constant 2560 : i32
    %dma_wait3A_374 = tpu.memref_slice %arg5[%dma_wait3A_373] : memref<4992xi32, #tpu.memory_space<vmem>> -> memref<128xi32, #tpu.memory_space<vmem>>
    %dma_wait3A_375 = arith.constant 0 : i32
    %dma_wait3A_376 = arith.constant 0 : i32
    %dma_wait3A_377 = tpu.memref_slice %arg2[%dma_wait3A_375, %dma_wait3A_376] : memref<10000x128xf32, #tpu.memory_space<hbm>> -> memref<10000x128xf32, #tpu.memory_space<hbm>>
    tpu.wait_indirect_dma semaphore(%arg11 : memref<!tpu.dma_semaphore, #tpu.memory_space<semaphore_mem>>) src(%dma_wait3A_377 : memref<10000x128xf32, #tpu.memory_space<hbm>>) dst(%arg8 : memref<128x128xf32, #tpu.memory_space<vmem>>)
    "tpu.region"() ({
      %run_scoped3A = tpu.sem_alloc : memref<!tpu.dma_semaphore, #tpu.memory_space<semaphore_mem>>
      %dma_start3A_1351 = arith.constant 0 : i32
      %dma_start3A_1352 = arith.constant 0 : i32
      %dma_start3A_1353 = tpu.memref_slice %arg10[%dma_start3A_1351, %dma_start3A_1352] : memref<10000x128xf32, #tpu.memory_space<vmem_shared>> -> memref<10000x128xf32, #tpu.memory_space<vmem_shared>>
      tpu.enqueue_indirect_dma source(%arg8 : memref<128x128xf32, #tpu.memory_space<vmem>>) target(%dma_start3A_1353 : memref<10000x128xf32, #tpu.memory_space<vmem_shared>>) offsets(%arg6 : memref<128xi32, #tpu.memory_space<vmem>>) semaphore(%run_scoped3A : memref<!tpu.dma_semaphore, #tpu.memory_space<semaphore_mem>>) {add = true}
      %dma_wait3A_1354 = arith.constant 0 : i32
      %dma_wait3A_1355 = arith.constant 0 : i32
      %dma_wait3A_1356 = tpu.memref_slice %arg10[%dma_wait3A_1354, %dma_wait3A_1355] : memref<10000x128xf32, #tpu.memory_space<vmem_shared>> -> memref<10000x128xf32, #tpu.memory_space<vmem_shared>>
      tpu.wait_indirect_dma semaphore(%run_scoped3A : memref<!tpu.dma_semaphore, #tpu.memory_space<semaphore_mem>>) src(%arg8 : memref<128x128xf32, #tpu.memory_space<vmem>>) dst(%dma_wait3A_1356 : memref<10000x128xf32, #tpu.memory_space<vmem_shared>>)
      tpu.yield
    }) : () -> ()
    %dma_wait3A_378 = tpu.memref_slice %arg3[%add3A_38] : memref<640000xi32, #tpu.memory_space<hbm>> -> memref<128xi32, #tpu.memory_space<hbm>>
    %dma_wait3A_379 = tpu.memref_slice %arg3[%add3A_38] : memref<640000xi32, #tpu.memory_space<hbm>> -> memref<128xi32, #tpu.memory_space<hbm>>
    tpu.wait_dma2 semaphore(%arg13 : memref<!tpu.dma_semaphore, #tpu.memory_space<semaphore_mem>>) src(%dma_wait3A_379 : memref<128xi32, #tpu.memory_space<hbm>>) dst(%arg7 : memref<128xi32, #tpu.memory_space<vmem>>)
    %add3A_380 = arith.constant 2816 : i32
    %add3A_381 = arith.addi %add3A_38, %add3A_380 : i32
    %dma_start3A_382 = tpu.memref_slice %arg3[%add3A_381] : memref<640000xi32, #tpu.memory_space<hbm>> -> memref<128xi32, #tpu.memory_space<hbm>>
    %dma_start3A_383 = tpu.memref_slice %arg3[%add3A_381] : memref<640000xi32, #tpu.memory_space<hbm>> -> memref<128xi32, #tpu.memory_space<hbm>>
    tpu.enqueue_dma source(%dma_start3A_383 : memref<128xi32, #tpu.memory_space<hbm>>) target(%arg6 : memref<128xi32, #tpu.memory_space<vmem>>) target_semaphore(%arg13 : memref<!tpu.dma_semaphore, #tpu.memory_space<semaphore_mem>>)
    %dma_start3A_384 = arith.constant 2816 : i32
    %dma_start3A_385 = tpu.memref_slice %arg5[%dma_start3A_384] : memref<4992xi32, #tpu.memory_space<vmem>> -> memref<128xi32, #tpu.memory_space<vmem>>
    %dma_start3A_386 = arith.constant 0 : i32
    %dma_start3A_387 = arith.constant 0 : i32
    %dma_start3A_388 = tpu.memref_slice %arg2[%dma_start3A_386, %dma_start3A_387] : memref<10000x128xf32, #tpu.memory_space<hbm>> -> memref<10000x128xf32, #tpu.memory_space<hbm>>
    tpu.enqueue_indirect_dma source(%dma_start3A_388 : memref<10000x128xf32, #tpu.memory_space<hbm>>) target(%arg8 : memref<128x128xf32, #tpu.memory_space<vmem>>) offsets(%dma_start3A_385 : memref<128xi32, #tpu.memory_space<vmem>>) semaphore(%arg11 : memref<!tpu.dma_semaphore, #tpu.memory_space<semaphore_mem>>)
    %dma_wait3A_389 = arith.constant 2688 : i32
    %dma_wait3A_390 = tpu.memref_slice %arg5[%dma_wait3A_389] : memref<4992xi32, #tpu.memory_space<vmem>> -> memref<128xi32, #tpu.memory_space<vmem>>
    %dma_wait3A_391 = arith.constant 0 : i32
    %dma_wait3A_392 = arith.constant 0 : i32
    %dma_wait3A_393 = tpu.memref_slice %arg2[%dma_wait3A_391, %dma_wait3A_392] : memref<10000x128xf32, #tpu.memory_space<hbm>> -> memref<10000x128xf32, #tpu.memory_space<hbm>>
    tpu.wait_indirect_dma semaphore(%arg12 : memref<!tpu.dma_semaphore, #tpu.memory_space<semaphore_mem>>) src(%dma_wait3A_393 : memref<10000x128xf32, #tpu.memory_space<hbm>>) dst(%arg9 : memref<128x128xf32, #tpu.memory_space<vmem>>)
    "tpu.region"() ({
      %run_scoped3A = tpu.sem_alloc : memref<!tpu.dma_semaphore, #tpu.memory_space<semaphore_mem>>
      %dma_start3A_1351 = arith.constant 0 : i32
      %dma_start3A_1352 = arith.constant 0 : i32
      %dma_start3A_1353 = tpu.memref_slice %arg10[%dma_start3A_1351, %dma_start3A_1352] : memref<10000x128xf32, #tpu.memory_space<vmem_shared>> -> memref<10000x128xf32, #tpu.memory_space<vmem_shared>>
      tpu.enqueue_indirect_dma source(%arg9 : memref<128x128xf32, #tpu.memory_space<vmem>>) target(%dma_start3A_1353 : memref<10000x128xf32, #tpu.memory_space<vmem_shared>>) offsets(%arg7 : memref<128xi32, #tpu.memory_space<vmem>>) semaphore(%run_scoped3A : memref<!tpu.dma_semaphore, #tpu.memory_space<semaphore_mem>>) {add = true}
      %dma_wait3A_1354 = arith.constant 0 : i32
      %dma_wait3A_1355 = arith.constant 0 : i32
      %dma_wait3A_1356 = tpu.memref_slice %arg10[%dma_wait3A_1354, %dma_wait3A_1355] : memref<10000x128xf32, #tpu.memory_space<vmem_shared>> -> memref<10000x128xf32, #tpu.memory_space<vmem_shared>>
      tpu.wait_indirect_dma semaphore(%run_scoped3A : memref<!tpu.dma_semaphore, #tpu.memory_space<semaphore_mem>>) src(%arg9 : memref<128x128xf32, #tpu.memory_space<vmem>>) dst(%dma_wait3A_1356 : memref<10000x128xf32, #tpu.memory_space<vmem_shared>>)
      tpu.yield
    }) : () -> ()
    %dma_wait3A_394 = tpu.memref_slice %arg3[%add3A_38] : memref<640000xi32, #tpu.memory_space<hbm>> -> memref<128xi32, #tpu.memory_space<hbm>>
    %dma_wait3A_395 = tpu.memref_slice %arg3[%add3A_38] : memref<640000xi32, #tpu.memory_space<hbm>> -> memref<128xi32, #tpu.memory_space<hbm>>
    tpu.wait_dma2 semaphore(%arg13 : memref<!tpu.dma_semaphore, #tpu.memory_space<semaphore_mem>>) src(%dma_wait3A_395 : memref<128xi32, #tpu.memory_space<hbm>>) dst(%arg6 : memref<128xi32, #tpu.memory_space<vmem>>)
    %add3A_396 = arith.constant 2944 : i32
    %add3A_397 = arith.addi %add3A_38, %add3A_396 : i32
    %dma_start3A_398 = tpu.memref_slice %arg3[%add3A_397] : memref<640000xi32, #tpu.memory_space<hbm>> -> memref<128xi32, #tpu.memory_space<hbm>>
    %dma_start3A_399 = tpu.memref_slice %arg3[%add3A_397] : memref<640000xi32, #tpu.memory_space<hbm>> -> memref<128xi32, #tpu.memory_space<hbm>>
    tpu.enqueue_dma source(%dma_start3A_399 : memref<128xi32, #tpu.memory_space<hbm>>) target(%arg7 : memref<128xi32, #tpu.memory_space<vmem>>) target_semaphore(%arg13 : memref<!tpu.dma_semaphore, #tpu.memory_space<semaphore_mem>>)
    %dma_start3A_400 = arith.constant 2944 : i32
    %dma_start3A_401 = tpu.memref_slice %arg5[%dma_start3A_400] : memref<4992xi32, #tpu.memory_space<vmem>> -> memref<128xi32, #tpu.memory_space<vmem>>
    %dma_start3A_402 = arith.constant 0 : i32
    %dma_start3A_403 = arith.constant 0 : i32
    %dma_start3A_404 = tpu.memref_slice %arg2[%dma_start3A_402, %dma_start3A_403] : memref<10000x128xf32, #tpu.memory_space<hbm>> -> memref<10000x128xf32, #tpu.memory_space<hbm>>
    tpu.enqueue_indirect_dma source(%dma_start3A_404 : memref<10000x128xf32, #tpu.memory_space<hbm>>) target(%arg9 : memref<128x128xf32, #tpu.memory_space<vmem>>) offsets(%dma_start3A_401 : memref<128xi32, #tpu.memory_space<vmem>>) semaphore(%arg12 : memref<!tpu.dma_semaphore, #tpu.memory_space<semaphore_mem>>)
    %dma_wait3A_405 = arith.constant 2816 : i32
    %dma_wait3A_406 = tpu.memref_slice %arg5[%dma_wait3A_405] : memref<4992xi32, #tpu.memory_space<vmem>> -> memref<128xi32, #tpu.memory_space<vmem>>
    %dma_wait3A_407 = arith.constant 0 : i32
    %dma_wait3A_408 = arith.constant 0 : i32
    %dma_wait3A_409 = tpu.memref_slice %arg2[%dma_wait3A_407, %dma_wait3A_408] : memref<10000x128xf32, #tpu.memory_space<hbm>> -> memref<10000x128xf32, #tpu.memory_space<hbm>>
    tpu.wait_indirect_dma semaphore(%arg11 : memref<!tpu.dma_semaphore, #tpu.memory_space<semaphore_mem>>) src(%dma_wait3A_409 : memref<10000x128xf32, #tpu.memory_space<hbm>>) dst(%arg8 : memref<128x128xf32, #tpu.memory_space<vmem>>)
    "tpu.region"() ({
      %run_scoped3A = tpu.sem_alloc : memref<!tpu.dma_semaphore, #tpu.memory_space<semaphore_mem>>
      %dma_start3A_1351 = arith.constant 0 : i32
      %dma_start3A_1352 = arith.constant 0 : i32
      %dma_start3A_1353 = tpu.memref_slice %arg10[%dma_start3A_1351, %dma_start3A_1352] : memref<10000x128xf32, #tpu.memory_space<vmem_shared>> -> memref<10000x128xf32, #tpu.memory_space<vmem_shared>>
      tpu.enqueue_indirect_dma source(%arg8 : memref<128x128xf32, #tpu.memory_space<vmem>>) target(%dma_start3A_1353 : memref<10000x128xf32, #tpu.memory_space<vmem_shared>>) offsets(%arg6 : memref<128xi32, #tpu.memory_space<vmem>>) semaphore(%run_scoped3A : memref<!tpu.dma_semaphore, #tpu.memory_space<semaphore_mem>>) {add = true}
      %dma_wait3A_1354 = arith.constant 0 : i32
      %dma_wait3A_1355 = arith.constant 0 : i32
      %dma_wait3A_1356 = tpu.memref_slice %arg10[%dma_wait3A_1354, %dma_wait3A_1355] : memref<10000x128xf32, #tpu.memory_space<vmem_shared>> -> memref<10000x128xf32, #tpu.memory_space<vmem_shared>>
      tpu.wait_indirect_dma semaphore(%run_scoped3A : memref<!tpu.dma_semaphore, #tpu.memory_space<semaphore_mem>>) src(%arg8 : memref<128x128xf32, #tpu.memory_space<vmem>>) dst(%dma_wait3A_1356 : memref<10000x128xf32, #tpu.memory_space<vmem_shared>>)
      tpu.yield
    }) : () -> ()
    %dma_wait3A_410 = tpu.memref_slice %arg3[%add3A_38] : memref<640000xi32, #tpu.memory_space<hbm>> -> memref<128xi32, #tpu.memory_space<hbm>>
    %dma_wait3A_411 = tpu.memref_slice %arg3[%add3A_38] : memref<640000xi32, #tpu.memory_space<hbm>> -> memref<128xi32, #tpu.memory_space<hbm>>
    tpu.wait_dma2 semaphore(%arg13 : memref<!tpu.dma_semaphore, #tpu.memory_space<semaphore_mem>>) src(%dma_wait3A_411 : memref<128xi32, #tpu.memory_space<hbm>>) dst(%arg7 : memref<128xi32, #tpu.memory_space<vmem>>)
    %add3A_412 = arith.constant 3072 : i32
    %add3A_413 = arith.addi %add3A_38, %add3A_412 : i32
    %dma_start3A_414 = tpu.memref_slice %arg3[%add3A_413] : memref<640000xi32, #tpu.memory_space<hbm>> -> memref<128xi32, #tpu.memory_space<hbm>>
    %dma_start3A_415 = tpu.memref_slice %arg3[%add3A_413] : memref<640000xi32, #tpu.memory_space<hbm>> -> memref<128xi32, #tpu.memory_space<hbm>>
    tpu.enqueue_dma source(%dma_start3A_415 : memref<128xi32, #tpu.memory_space<hbm>>) target(%arg6 : memref<128xi32, #tpu.memory_space<vmem>>) target_semaphore(%arg13 : memref<!tpu.dma_semaphore, #tpu.memory_space<semaphore_mem>>)
    %dma_start3A_416 = arith.constant 3072 : i32
    %dma_start3A_417 = tpu.memref_slice %arg5[%dma_start3A_416] : memref<4992xi32, #tpu.memory_space<vmem>> -> memref<128xi32, #tpu.memory_space<vmem>>
    %dma_start3A_418 = arith.constant 0 : i32
    %dma_start3A_419 = arith.constant 0 : i32
    %dma_start3A_420 = tpu.memref_slice %arg2[%dma_start3A_418, %dma_start3A_419] : memref<10000x128xf32, #tpu.memory_space<hbm>> -> memref<10000x128xf32, #tpu.memory_space<hbm>>
    tpu.enqueue_indirect_dma source(%dma_start3A_420 : memref<10000x128xf32, #tpu.memory_space<hbm>>) target(%arg8 : memref<128x128xf32, #tpu.memory_space<vmem>>) offsets(%dma_start3A_417 : memref<128xi32, #tpu.memory_space<vmem>>) semaphore(%arg11 : memref<!tpu.dma_semaphore, #tpu.memory_space<semaphore_mem>>)
    %dma_wait3A_421 = arith.constant 2944 : i32
    %dma_wait3A_422 = tpu.memref_slice %arg5[%dma_wait3A_421] : memref<4992xi32, #tpu.memory_space<vmem>> -> memref<128xi32, #tpu.memory_space<vmem>>
    %dma_wait3A_423 = arith.constant 0 : i32
    %dma_wait3A_424 = arith.constant 0 : i32
    %dma_wait3A_425 = tpu.memref_slice %arg2[%dma_wait3A_423, %dma_wait3A_424] : memref<10000x128xf32, #tpu.memory_space<hbm>> -> memref<10000x128xf32, #tpu.memory_space<hbm>>
    tpu.wait_indirect_dma semaphore(%arg12 : memref<!tpu.dma_semaphore, #tpu.memory_space<semaphore_mem>>) src(%dma_wait3A_425 : memref<10000x128xf32, #tpu.memory_space<hbm>>) dst(%arg9 : memref<128x128xf32, #tpu.memory_space<vmem>>)
    "tpu.region"() ({
      %run_scoped3A = tpu.sem_alloc : memref<!tpu.dma_semaphore, #tpu.memory_space<semaphore_mem>>
      %dma_start3A_1351 = arith.constant 0 : i32
      %dma_start3A_1352 = arith.constant 0 : i32
      %dma_start3A_1353 = tpu.memref_slice %arg10[%dma_start3A_1351, %dma_start3A_1352] : memref<10000x128xf32, #tpu.memory_space<vmem_shared>> -> memref<10000x128xf32, #tpu.memory_space<vmem_shared>>
      tpu.enqueue_indirect_dma source(%arg9 : memref<128x128xf32, #tpu.memory_space<vmem>>) target(%dma_start3A_1353 : memref<10000x128xf32, #tpu.memory_space<vmem_shared>>) offsets(%arg7 : memref<128xi32, #tpu.memory_space<vmem>>) semaphore(%run_scoped3A : memref<!tpu.dma_semaphore, #tpu.memory_space<semaphore_mem>>) {add = true}
      %dma_wait3A_1354 = arith.constant 0 : i32
      %dma_wait3A_1355 = arith.constant 0 : i32
      %dma_wait3A_1356 = tpu.memref_slice %arg10[%dma_wait3A_1354, %dma_wait3A_1355] : memref<10000x128xf32, #tpu.memory_space<vmem_shared>> -> memref<10000x128xf32, #tpu.memory_space<vmem_shared>>
      tpu.wait_indirect_dma semaphore(%run_scoped3A : memref<!tpu.dma_semaphore, #tpu.memory_space<semaphore_mem>>) src(%arg9 : memref<128x128xf32, #tpu.memory_space<vmem>>) dst(%dma_wait3A_1356 : memref<10000x128xf32, #tpu.memory_space<vmem_shared>>)
      tpu.yield
    }) : () -> ()
    %dma_wait3A_426 = tpu.memref_slice %arg3[%add3A_38] : memref<640000xi32, #tpu.memory_space<hbm>> -> memref<128xi32, #tpu.memory_space<hbm>>
    %dma_wait3A_427 = tpu.memref_slice %arg3[%add3A_38] : memref<640000xi32, #tpu.memory_space<hbm>> -> memref<128xi32, #tpu.memory_space<hbm>>
    tpu.wait_dma2 semaphore(%arg13 : memref<!tpu.dma_semaphore, #tpu.memory_space<semaphore_mem>>) src(%dma_wait3A_427 : memref<128xi32, #tpu.memory_space<hbm>>) dst(%arg6 : memref<128xi32, #tpu.memory_space<vmem>>)
    %add3A_428 = arith.constant 3200 : i32
    %add3A_429 = arith.addi %add3A_38, %add3A_428 : i32
    %dma_start3A_430 = tpu.memref_slice %arg3[%add3A_429] : memref<640000xi32, #tpu.memory_space<hbm>> -> memref<128xi32, #tpu.memory_space<hbm>>
    %dma_start3A_431 = tpu.memref_slice %arg3[%add3A_429] : memref<640000xi32, #tpu.memory_space<hbm>> -> memref<128xi32, #tpu.memory_space<hbm>>
    tpu.enqueue_dma source(%dma_start3A_431 : memref<128xi32, #tpu.memory_space<hbm>>) target(%arg7 : memref<128xi32, #tpu.memory_space<vmem>>) target_semaphore(%arg13 : memref<!tpu.dma_semaphore, #tpu.memory_space<semaphore_mem>>)
    %dma_start3A_432 = arith.constant 3200 : i32
    %dma_start3A_433 = tpu.memref_slice %arg5[%dma_start3A_432] : memref<4992xi32, #tpu.memory_space<vmem>> -> memref<128xi32, #tpu.memory_space<vmem>>
    %dma_start3A_434 = arith.constant 0 : i32
    %dma_start3A_435 = arith.constant 0 : i32
    %dma_start3A_436 = tpu.memref_slice %arg2[%dma_start3A_434, %dma_start3A_435] : memref<10000x128xf32, #tpu.memory_space<hbm>> -> memref<10000x128xf32, #tpu.memory_space<hbm>>
    tpu.enqueue_indirect_dma source(%dma_start3A_436 : memref<10000x128xf32, #tpu.memory_space<hbm>>) target(%arg9 : memref<128x128xf32, #tpu.memory_space<vmem>>) offsets(%dma_start3A_433 : memref<128xi32, #tpu.memory_space<vmem>>) semaphore(%arg12 : memref<!tpu.dma_semaphore, #tpu.memory_space<semaphore_mem>>)
    %dma_wait3A_437 = arith.constant 3072 : i32
    %dma_wait3A_438 = tpu.memref_slice %arg5[%dma_wait3A_437] : memref<4992xi32, #tpu.memory_space<vmem>> -> memref<128xi32, #tpu.memory_space<vmem>>
    %dma_wait3A_439 = arith.constant 0 : i32
    %dma_wait3A_440 = arith.constant 0 : i32
    %dma_wait3A_441 = tpu.memref_slice %arg2[%dma_wait3A_439, %dma_wait3A_440] : memref<10000x128xf32, #tpu.memory_space<hbm>> -> memref<10000x128xf32, #tpu.memory_space<hbm>>
    tpu.wait_indirect_dma semaphore(%arg11 : memref<!tpu.dma_semaphore, #tpu.memory_space<semaphore_mem>>) src(%dma_wait3A_441 : memref<10000x128xf32, #tpu.memory_space<hbm>>) dst(%arg8 : memref<128x128xf32, #tpu.memory_space<vmem>>)
    "tpu.region"() ({
      %run_scoped3A = tpu.sem_alloc : memref<!tpu.dma_semaphore, #tpu.memory_space<semaphore_mem>>
      %dma_start3A_1351 = arith.constant 0 : i32
      %dma_start3A_1352 = arith.constant 0 : i32
      %dma_start3A_1353 = tpu.memref_slice %arg10[%dma_start3A_1351, %dma_start3A_1352] : memref<10000x128xf32, #tpu.memory_space<vmem_shared>> -> memref<10000x128xf32, #tpu.memory_space<vmem_shared>>
      tpu.enqueue_indirect_dma source(%arg8 : memref<128x128xf32, #tpu.memory_space<vmem>>) target(%dma_start3A_1353 : memref<10000x128xf32, #tpu.memory_space<vmem_shared>>) offsets(%arg6 : memref<128xi32, #tpu.memory_space<vmem>>) semaphore(%run_scoped3A : memref<!tpu.dma_semaphore, #tpu.memory_space<semaphore_mem>>) {add = true}
      %dma_wait3A_1354 = arith.constant 0 : i32
      %dma_wait3A_1355 = arith.constant 0 : i32
      %dma_wait3A_1356 = tpu.memref_slice %arg10[%dma_wait3A_1354, %dma_wait3A_1355] : memref<10000x128xf32, #tpu.memory_space<vmem_shared>> -> memref<10000x128xf32, #tpu.memory_space<vmem_shared>>
      tpu.wait_indirect_dma semaphore(%run_scoped3A : memref<!tpu.dma_semaphore, #tpu.memory_space<semaphore_mem>>) src(%arg8 : memref<128x128xf32, #tpu.memory_space<vmem>>) dst(%dma_wait3A_1356 : memref<10000x128xf32, #tpu.memory_space<vmem_shared>>)
      tpu.yield
    }) : () -> ()
    %dma_wait3A_442 = tpu.memref_slice %arg3[%add3A_38] : memref<640000xi32, #tpu.memory_space<hbm>> -> memref<128xi32, #tpu.memory_space<hbm>>
    %dma_wait3A_443 = tpu.memref_slice %arg3[%add3A_38] : memref<640000xi32, #tpu.memory_space<hbm>> -> memref<128xi32, #tpu.memory_space<hbm>>
    tpu.wait_dma2 semaphore(%arg13 : memref<!tpu.dma_semaphore, #tpu.memory_space<semaphore_mem>>) src(%dma_wait3A_443 : memref<128xi32, #tpu.memory_space<hbm>>) dst(%arg7 : memref<128xi32, #tpu.memory_space<vmem>>)
    %add3A_444 = arith.constant 3328 : i32
    %add3A_445 = arith.addi %add3A_38, %add3A_444 : i32
    %dma_start3A_446 = tpu.memref_slice %arg3[%add3A_445] : memref<640000xi32, #tpu.memory_space<hbm>> -> memref<128xi32, #tpu.memory_space<hbm>>
    %dma_start3A_447 = tpu.memref_slice %arg3[%add3A_445] : memref<640000xi32, #tpu.memory_space<hbm>> -> memref<128xi32, #tpu.memory_space<hbm>>
    tpu.enqueue_dma source(%dma_start3A_447 : memref<128xi32, #tpu.memory_space<hbm>>) target(%arg6 : memref<128xi32, #tpu.memory_space<vmem>>) target_semaphore(%arg13 : memref<!tpu.dma_semaphore, #tpu.memory_space<semaphore_mem>>)
    %dma_start3A_448 = arith.constant 3328 : i32
    %dma_start3A_449 = tpu.memref_slice %arg5[%dma_start3A_448] : memref<4992xi32, #tpu.memory_space<vmem>> -> memref<128xi32, #tpu.memory_space<vmem>>
    %dma_start3A_450 = arith.constant 0 : i32
    %dma_start3A_451 = arith.constant 0 : i32
    %dma_start3A_452 = tpu.memref_slice %arg2[%dma_start3A_450, %dma_start3A_451] : memref<10000x128xf32, #tpu.memory_space<hbm>> -> memref<10000x128xf32, #tpu.memory_space<hbm>>
    tpu.enqueue_indirect_dma source(%dma_start3A_452 : memref<10000x128xf32, #tpu.memory_space<hbm>>) target(%arg8 : memref<128x128xf32, #tpu.memory_space<vmem>>) offsets(%dma_start3A_449 : memref<128xi32, #tpu.memory_space<vmem>>) semaphore(%arg11 : memref<!tpu.dma_semaphore, #tpu.memory_space<semaphore_mem>>)
    %dma_wait3A_453 = arith.constant 3200 : i32
    %dma_wait3A_454 = tpu.memref_slice %arg5[%dma_wait3A_453] : memref<4992xi32, #tpu.memory_space<vmem>> -> memref<128xi32, #tpu.memory_space<vmem>>
    %dma_wait3A_455 = arith.constant 0 : i32
    %dma_wait3A_456 = arith.constant 0 : i32
    %dma_wait3A_457 = tpu.memref_slice %arg2[%dma_wait3A_455, %dma_wait3A_456] : memref<10000x128xf32, #tpu.memory_space<hbm>> -> memref<10000x128xf32, #tpu.memory_space<hbm>>
    tpu.wait_indirect_dma semaphore(%arg12 : memref<!tpu.dma_semaphore, #tpu.memory_space<semaphore_mem>>) src(%dma_wait3A_457 : memref<10000x128xf32, #tpu.memory_space<hbm>>) dst(%arg9 : memref<128x128xf32, #tpu.memory_space<vmem>>)
    "tpu.region"() ({
      %run_scoped3A = tpu.sem_alloc : memref<!tpu.dma_semaphore, #tpu.memory_space<semaphore_mem>>
      %dma_start3A_1351 = arith.constant 0 : i32
      %dma_start3A_1352 = arith.constant 0 : i32
      %dma_start3A_1353 = tpu.memref_slice %arg10[%dma_start3A_1351, %dma_start3A_1352] : memref<10000x128xf32, #tpu.memory_space<vmem_shared>> -> memref<10000x128xf32, #tpu.memory_space<vmem_shared>>
      tpu.enqueue_indirect_dma source(%arg9 : memref<128x128xf32, #tpu.memory_space<vmem>>) target(%dma_start3A_1353 : memref<10000x128xf32, #tpu.memory_space<vmem_shared>>) offsets(%arg7 : memref<128xi32, #tpu.memory_space<vmem>>) semaphore(%run_scoped3A : memref<!tpu.dma_semaphore, #tpu.memory_space<semaphore_mem>>) {add = true}
      %dma_wait3A_1354 = arith.constant 0 : i32
      %dma_wait3A_1355 = arith.constant 0 : i32
      %dma_wait3A_1356 = tpu.memref_slice %arg10[%dma_wait3A_1354, %dma_wait3A_1355] : memref<10000x128xf32, #tpu.memory_space<vmem_shared>> -> memref<10000x128xf32, #tpu.memory_space<vmem_shared>>
      tpu.wait_indirect_dma semaphore(%run_scoped3A : memref<!tpu.dma_semaphore, #tpu.memory_space<semaphore_mem>>) src(%arg9 : memref<128x128xf32, #tpu.memory_space<vmem>>) dst(%dma_wait3A_1356 : memref<10000x128xf32, #tpu.memory_space<vmem_shared>>)
      tpu.yield
    }) : () -> ()
    %dma_wait3A_458 = tpu.memref_slice %arg3[%add3A_38] : memref<640000xi32, #tpu.memory_space<hbm>> -> memref<128xi32, #tpu.memory_space<hbm>>
    %dma_wait3A_459 = tpu.memref_slice %arg3[%add3A_38] : memref<640000xi32, #tpu.memory_space<hbm>> -> memref<128xi32, #tpu.memory_space<hbm>>
    tpu.wait_dma2 semaphore(%arg13 : memref<!tpu.dma_semaphore, #tpu.memory_space<semaphore_mem>>) src(%dma_wait3A_459 : memref<128xi32, #tpu.memory_space<hbm>>) dst(%arg6 : memref<128xi32, #tpu.memory_space<vmem>>)
    %add3A_460 = arith.constant 3456 : i32
    %add3A_461 = arith.addi %add3A_38, %add3A_460 : i32
    %dma_start3A_462 = tpu.memref_slice %arg3[%add3A_461] : memref<640000xi32, #tpu.memory_space<hbm>> -> memref<128xi32, #tpu.memory_space<hbm>>
    %dma_start3A_463 = tpu.memref_slice %arg3[%add3A_461] : memref<640000xi32, #tpu.memory_space<hbm>> -> memref<128xi32, #tpu.memory_space<hbm>>
    tpu.enqueue_dma source(%dma_start3A_463 : memref<128xi32, #tpu.memory_space<hbm>>) target(%arg7 : memref<128xi32, #tpu.memory_space<vmem>>) target_semaphore(%arg13 : memref<!tpu.dma_semaphore, #tpu.memory_space<semaphore_mem>>)
    %dma_start3A_464 = arith.constant 3456 : i32
    %dma_start3A_465 = tpu.memref_slice %arg5[%dma_start3A_464] : memref<4992xi32, #tpu.memory_space<vmem>> -> memref<128xi32, #tpu.memory_space<vmem>>
    %dma_start3A_466 = arith.constant 0 : i32
    %dma_start3A_467 = arith.constant 0 : i32
    %dma_start3A_468 = tpu.memref_slice %arg2[%dma_start3A_466, %dma_start3A_467] : memref<10000x128xf32, #tpu.memory_space<hbm>> -> memref<10000x128xf32, #tpu.memory_space<hbm>>
    tpu.enqueue_indirect_dma source(%dma_start3A_468 : memref<10000x128xf32, #tpu.memory_space<hbm>>) target(%arg9 : memref<128x128xf32, #tpu.memory_space<vmem>>) offsets(%dma_start3A_465 : memref<128xi32, #tpu.memory_space<vmem>>) semaphore(%arg12 : memref<!tpu.dma_semaphore, #tpu.memory_space<semaphore_mem>>)
    %dma_wait3A_469 = arith.constant 3328 : i32
    %dma_wait3A_470 = tpu.memref_slice %arg5[%dma_wait3A_469] : memref<4992xi32, #tpu.memory_space<vmem>> -> memref<128xi32, #tpu.memory_space<vmem>>
    %dma_wait3A_471 = arith.constant 0 : i32
    %dma_wait3A_472 = arith.constant 0 : i32
    %dma_wait3A_473 = tpu.memref_slice %arg2[%dma_wait3A_471, %dma_wait3A_472] : memref<10000x128xf32, #tpu.memory_space<hbm>> -> memref<10000x128xf32, #tpu.memory_space<hbm>>
    tpu.wait_indirect_dma semaphore(%arg11 : memref<!tpu.dma_semaphore, #tpu.memory_space<semaphore_mem>>) src(%dma_wait3A_473 : memref<10000x128xf32, #tpu.memory_space<hbm>>) dst(%arg8 : memref<128x128xf32, #tpu.memory_space<vmem>>)
    "tpu.region"() ({
      %run_scoped3A = tpu.sem_alloc : memref<!tpu.dma_semaphore, #tpu.memory_space<semaphore_mem>>
      %dma_start3A_1351 = arith.constant 0 : i32
      %dma_start3A_1352 = arith.constant 0 : i32
      %dma_start3A_1353 = tpu.memref_slice %arg10[%dma_start3A_1351, %dma_start3A_1352] : memref<10000x128xf32, #tpu.memory_space<vmem_shared>> -> memref<10000x128xf32, #tpu.memory_space<vmem_shared>>
      tpu.enqueue_indirect_dma source(%arg8 : memref<128x128xf32, #tpu.memory_space<vmem>>) target(%dma_start3A_1353 : memref<10000x128xf32, #tpu.memory_space<vmem_shared>>) offsets(%arg6 : memref<128xi32, #tpu.memory_space<vmem>>) semaphore(%run_scoped3A : memref<!tpu.dma_semaphore, #tpu.memory_space<semaphore_mem>>) {add = true}
      %dma_wait3A_1354 = arith.constant 0 : i32
      %dma_wait3A_1355 = arith.constant 0 : i32
      %dma_wait3A_1356 = tpu.memref_slice %arg10[%dma_wait3A_1354, %dma_wait3A_1355] : memref<10000x128xf32, #tpu.memory_space<vmem_shared>> -> memref<10000x128xf32, #tpu.memory_space<vmem_shared>>
      tpu.wait_indirect_dma semaphore(%run_scoped3A : memref<!tpu.dma_semaphore, #tpu.memory_space<semaphore_mem>>) src(%arg8 : memref<128x128xf32, #tpu.memory_space<vmem>>) dst(%dma_wait3A_1356 : memref<10000x128xf32, #tpu.memory_space<vmem_shared>>)
      tpu.yield
    }) : () -> ()
    %dma_wait3A_474 = tpu.memref_slice %arg3[%add3A_38] : memref<640000xi32, #tpu.memory_space<hbm>> -> memref<128xi32, #tpu.memory_space<hbm>>
    %dma_wait3A_475 = tpu.memref_slice %arg3[%add3A_38] : memref<640000xi32, #tpu.memory_space<hbm>> -> memref<128xi32, #tpu.memory_space<hbm>>
    tpu.wait_dma2 semaphore(%arg13 : memref<!tpu.dma_semaphore, #tpu.memory_space<semaphore_mem>>) src(%dma_wait3A_475 : memref<128xi32, #tpu.memory_space<hbm>>) dst(%arg7 : memref<128xi32, #tpu.memory_space<vmem>>)
    %add3A_476 = arith.constant 3584 : i32
    %add3A_477 = arith.addi %add3A_38, %add3A_476 : i32
    %dma_start3A_478 = tpu.memref_slice %arg3[%add3A_477] : memref<640000xi32, #tpu.memory_space<hbm>> -> memref<128xi32, #tpu.memory_space<hbm>>
    %dma_start3A_479 = tpu.memref_slice %arg3[%add3A_477] : memref<640000xi32, #tpu.memory_space<hbm>> -> memref<128xi32, #tpu.memory_space<hbm>>
    tpu.enqueue_dma source(%dma_start3A_479 : memref<128xi32, #tpu.memory_space<hbm>>) target(%arg6 : memref<128xi32, #tpu.memory_space<vmem>>) target_semaphore(%arg13 : memref<!tpu.dma_semaphore, #tpu.memory_space<semaphore_mem>>)
    %dma_start3A_480 = arith.constant 3584 : i32
    %dma_start3A_481 = tpu.memref_slice %arg5[%dma_start3A_480] : memref<4992xi32, #tpu.memory_space<vmem>> -> memref<128xi32, #tpu.memory_space<vmem>>
    %dma_start3A_482 = arith.constant 0 : i32
    %dma_start3A_483 = arith.constant 0 : i32
    %dma_start3A_484 = tpu.memref_slice %arg2[%dma_start3A_482, %dma_start3A_483] : memref<10000x128xf32, #tpu.memory_space<hbm>> -> memref<10000x128xf32, #tpu.memory_space<hbm>>
    tpu.enqueue_indirect_dma source(%dma_start3A_484 : memref<10000x128xf32, #tpu.memory_space<hbm>>) target(%arg8 : memref<128x128xf32, #tpu.memory_space<vmem>>) offsets(%dma_start3A_481 : memref<128xi32, #tpu.memory_space<vmem>>) semaphore(%arg11 : memref<!tpu.dma_semaphore, #tpu.memory_space<semaphore_mem>>)
    %dma_wait3A_485 = arith.constant 3456 : i32
    %dma_wait3A_486 = tpu.memref_slice %arg5[%dma_wait3A_485] : memref<4992xi32, #tpu.memory_space<vmem>> -> memref<128xi32, #tpu.memory_space<vmem>>
    %dma_wait3A_487 = arith.constant 0 : i32
    %dma_wait3A_488 = arith.constant 0 : i32
    %dma_wait3A_489 = tpu.memref_slice %arg2[%dma_wait3A_487, %dma_wait3A_488] : memref<10000x128xf32, #tpu.memory_space<hbm>> -> memref<10000x128xf32, #tpu.memory_space<hbm>>
    tpu.wait_indirect_dma semaphore(%arg12 : memref<!tpu.dma_semaphore, #tpu.memory_space<semaphore_mem>>) src(%dma_wait3A_489 : memref<10000x128xf32, #tpu.memory_space<hbm>>) dst(%arg9 : memref<128x128xf32, #tpu.memory_space<vmem>>)
    "tpu.region"() ({
      %run_scoped3A = tpu.sem_alloc : memref<!tpu.dma_semaphore, #tpu.memory_space<semaphore_mem>>
      %dma_start3A_1351 = arith.constant 0 : i32
      %dma_start3A_1352 = arith.constant 0 : i32
      %dma_start3A_1353 = tpu.memref_slice %arg10[%dma_start3A_1351, %dma_start3A_1352] : memref<10000x128xf32, #tpu.memory_space<vmem_shared>> -> memref<10000x128xf32, #tpu.memory_space<vmem_shared>>
      tpu.enqueue_indirect_dma source(%arg9 : memref<128x128xf32, #tpu.memory_space<vmem>>) target(%dma_start3A_1353 : memref<10000x128xf32, #tpu.memory_space<vmem_shared>>) offsets(%arg7 : memref<128xi32, #tpu.memory_space<vmem>>) semaphore(%run_scoped3A : memref<!tpu.dma_semaphore, #tpu.memory_space<semaphore_mem>>) {add = true}
      %dma_wait3A_1354 = arith.constant 0 : i32
      %dma_wait3A_1355 = arith.constant 0 : i32
      %dma_wait3A_1356 = tpu.memref_slice %arg10[%dma_wait3A_1354, %dma_wait3A_1355] : memref<10000x128xf32, #tpu.memory_space<vmem_shared>> -> memref<10000x128xf32, #tpu.memory_space<vmem_shared>>
      tpu.wait_indirect_dma semaphore(%run_scoped3A : memref<!tpu.dma_semaphore, #tpu.memory_space<semaphore_mem>>) src(%arg9 : memref<128x128xf32, #tpu.memory_space<vmem>>) dst(%dma_wait3A_1356 : memref<10000x128xf32, #tpu.memory_space<vmem_shared>>)
      tpu.yield
    }) : () -> ()
    %dma_wait3A_490 = tpu.memref_slice %arg3[%add3A_38] : memref<640000xi32, #tpu.memory_space<hbm>> -> memref<128xi32, #tpu.memory_space<hbm>>
    %dma_wait3A_491 = tpu.memref_slice %arg3[%add3A_38] : memref<640000xi32, #tpu.memory_space<hbm>> -> memref<128xi32, #tpu.memory_space<hbm>>
    tpu.wait_dma2 semaphore(%arg13 : memref<!tpu.dma_semaphore, #tpu.memory_space<semaphore_mem>>) src(%dma_wait3A_491 : memref<128xi32, #tpu.memory_space<hbm>>) dst(%arg6 : memref<128xi32, #tpu.memory_space<vmem>>)
    %add3A_492 = arith.constant 3712 : i32
    %add3A_493 = arith.addi %add3A_38, %add3A_492 : i32
    %dma_start3A_494 = tpu.memref_slice %arg3[%add3A_493] : memref<640000xi32, #tpu.memory_space<hbm>> -> memref<128xi32, #tpu.memory_space<hbm>>
    %dma_start3A_495 = tpu.memref_slice %arg3[%add3A_493] : memref<640000xi32, #tpu.memory_space<hbm>> -> memref<128xi32, #tpu.memory_space<hbm>>
    tpu.enqueue_dma source(%dma_start3A_495 : memref<128xi32, #tpu.memory_space<hbm>>) target(%arg7 : memref<128xi32, #tpu.memory_space<vmem>>) target_semaphore(%arg13 : memref<!tpu.dma_semaphore, #tpu.memory_space<semaphore_mem>>)
    %dma_start3A_496 = arith.constant 3712 : i32
    %dma_start3A_497 = tpu.memref_slice %arg5[%dma_start3A_496] : memref<4992xi32, #tpu.memory_space<vmem>> -> memref<128xi32, #tpu.memory_space<vmem>>
    %dma_start3A_498 = arith.constant 0 : i32
    %dma_start3A_499 = arith.constant 0 : i32
    %dma_start3A_500 = tpu.memref_slice %arg2[%dma_start3A_498, %dma_start3A_499] : memref<10000x128xf32, #tpu.memory_space<hbm>> -> memref<10000x128xf32, #tpu.memory_space<hbm>>
    tpu.enqueue_indirect_dma source(%dma_start3A_500 : memref<10000x128xf32, #tpu.memory_space<hbm>>) target(%arg9 : memref<128x128xf32, #tpu.memory_space<vmem>>) offsets(%dma_start3A_497 : memref<128xi32, #tpu.memory_space<vmem>>) semaphore(%arg12 : memref<!tpu.dma_semaphore, #tpu.memory_space<semaphore_mem>>)
    %dma_wait3A_501 = arith.constant 3584 : i32
    %dma_wait3A_502 = tpu.memref_slice %arg5[%dma_wait3A_501] : memref<4992xi32, #tpu.memory_space<vmem>> -> memref<128xi32, #tpu.memory_space<vmem>>
    %dma_wait3A_503 = arith.constant 0 : i32
    %dma_wait3A_504 = arith.constant 0 : i32
    %dma_wait3A_505 = tpu.memref_slice %arg2[%dma_wait3A_503, %dma_wait3A_504] : memref<10000x128xf32, #tpu.memory_space<hbm>> -> memref<10000x128xf32, #tpu.memory_space<hbm>>
    tpu.wait_indirect_dma semaphore(%arg11 : memref<!tpu.dma_semaphore, #tpu.memory_space<semaphore_mem>>) src(%dma_wait3A_505 : memref<10000x128xf32, #tpu.memory_space<hbm>>) dst(%arg8 : memref<128x128xf32, #tpu.memory_space<vmem>>)
    "tpu.region"() ({
      %run_scoped3A = tpu.sem_alloc : memref<!tpu.dma_semaphore, #tpu.memory_space<semaphore_mem>>
      %dma_start3A_1351 = arith.constant 0 : i32
      %dma_start3A_1352 = arith.constant 0 : i32
      %dma_start3A_1353 = tpu.memref_slice %arg10[%dma_start3A_1351, %dma_start3A_1352] : memref<10000x128xf32, #tpu.memory_space<vmem_shared>> -> memref<10000x128xf32, #tpu.memory_space<vmem_shared>>
      tpu.enqueue_indirect_dma source(%arg8 : memref<128x128xf32, #tpu.memory_space<vmem>>) target(%dma_start3A_1353 : memref<10000x128xf32, #tpu.memory_space<vmem_shared>>) offsets(%arg6 : memref<128xi32, #tpu.memory_space<vmem>>) semaphore(%run_scoped3A : memref<!tpu.dma_semaphore, #tpu.memory_space<semaphore_mem>>) {add = true}
      %dma_wait3A_1354 = arith.constant 0 : i32
      %dma_wait3A_1355 = arith.constant 0 : i32
      %dma_wait3A_1356 = tpu.memref_slice %arg10[%dma_wait3A_1354, %dma_wait3A_1355] : memref<10000x128xf32, #tpu.memory_space<vmem_shared>> -> memref<10000x128xf32, #tpu.memory_space<vmem_shared>>
      tpu.wait_indirect_dma semaphore(%run_scoped3A : memref<!tpu.dma_semaphore, #tpu.memory_space<semaphore_mem>>) src(%arg8 : memref<128x128xf32, #tpu.memory_space<vmem>>) dst(%dma_wait3A_1356 : memref<10000x128xf32, #tpu.memory_space<vmem_shared>>)
      tpu.yield
    }) : () -> ()
    %dma_wait3A_506 = tpu.memref_slice %arg3[%add3A_38] : memref<640000xi32, #tpu.memory_space<hbm>> -> memref<128xi32, #tpu.memory_space<hbm>>
    %dma_wait3A_507 = tpu.memref_slice %arg3[%add3A_38] : memref<640000xi32, #tpu.memory_space<hbm>> -> memref<128xi32, #tpu.memory_space<hbm>>
    tpu.wait_dma2 semaphore(%arg13 : memref<!tpu.dma_semaphore, #tpu.memory_space<semaphore_mem>>) src(%dma_wait3A_507 : memref<128xi32, #tpu.memory_space<hbm>>) dst(%arg7 : memref<128xi32, #tpu.memory_space<vmem>>)
    %add3A_508 = arith.constant 3840 : i32
    %add3A_509 = arith.addi %add3A_38, %add3A_508 : i32
    %dma_start3A_510 = tpu.memref_slice %arg3[%add3A_509] : memref<640000xi32, #tpu.memory_space<hbm>> -> memref<128xi32, #tpu.memory_space<hbm>>
    %dma_start3A_511 = tpu.memref_slice %arg3[%add3A_509] : memref<640000xi32, #tpu.memory_space<hbm>> -> memref<128xi32, #tpu.memory_space<hbm>>
    tpu.enqueue_dma source(%dma_start3A_511 : memref<128xi32, #tpu.memory_space<hbm>>) target(%arg6 : memref<128xi32, #tpu.memory_space<vmem>>) target_semaphore(%arg13 : memref<!tpu.dma_semaphore, #tpu.memory_space<semaphore_mem>>)
    %dma_start3A_512 = arith.constant 3840 : i32
    %dma_start3A_513 = tpu.memref_slice %arg5[%dma_start3A_512] : memref<4992xi32, #tpu.memory_space<vmem>> -> memref<128xi32, #tpu.memory_space<vmem>>
    %dma_start3A_514 = arith.constant 0 : i32
    %dma_start3A_515 = arith.constant 0 : i32
    %dma_start3A_516 = tpu.memref_slice %arg2[%dma_start3A_514, %dma_start3A_515] : memref<10000x128xf32, #tpu.memory_space<hbm>> -> memref<10000x128xf32, #tpu.memory_space<hbm>>
    tpu.enqueue_indirect_dma source(%dma_start3A_516 : memref<10000x128xf32, #tpu.memory_space<hbm>>) target(%arg8 : memref<128x128xf32, #tpu.memory_space<vmem>>) offsets(%dma_start3A_513 : memref<128xi32, #tpu.memory_space<vmem>>) semaphore(%arg11 : memref<!tpu.dma_semaphore, #tpu.memory_space<semaphore_mem>>)
    %dma_wait3A_517 = arith.constant 3712 : i32
    %dma_wait3A_518 = tpu.memref_slice %arg5[%dma_wait3A_517] : memref<4992xi32, #tpu.memory_space<vmem>> -> memref<128xi32, #tpu.memory_space<vmem>>
    %dma_wait3A_519 = arith.constant 0 : i32
    %dma_wait3A_520 = arith.constant 0 : i32
    %dma_wait3A_521 = tpu.memref_slice %arg2[%dma_wait3A_519, %dma_wait3A_520] : memref<10000x128xf32, #tpu.memory_space<hbm>> -> memref<10000x128xf32, #tpu.memory_space<hbm>>
    tpu.wait_indirect_dma semaphore(%arg12 : memref<!tpu.dma_semaphore, #tpu.memory_space<semaphore_mem>>) src(%dma_wait3A_521 : memref<10000x128xf32, #tpu.memory_space<hbm>>) dst(%arg9 : memref<128x128xf32, #tpu.memory_space<vmem>>)
    "tpu.region"() ({
      %run_scoped3A = tpu.sem_alloc : memref<!tpu.dma_semaphore, #tpu.memory_space<semaphore_mem>>
      %dma_start3A_1351 = arith.constant 0 : i32
      %dma_start3A_1352 = arith.constant 0 : i32
      %dma_start3A_1353 = tpu.memref_slice %arg10[%dma_start3A_1351, %dma_start3A_1352] : memref<10000x128xf32, #tpu.memory_space<vmem_shared>> -> memref<10000x128xf32, #tpu.memory_space<vmem_shared>>
      tpu.enqueue_indirect_dma source(%arg9 : memref<128x128xf32, #tpu.memory_space<vmem>>) target(%dma_start3A_1353 : memref<10000x128xf32, #tpu.memory_space<vmem_shared>>) offsets(%arg7 : memref<128xi32, #tpu.memory_space<vmem>>) semaphore(%run_scoped3A : memref<!tpu.dma_semaphore, #tpu.memory_space<semaphore_mem>>) {add = true}
      %dma_wait3A_1354 = arith.constant 0 : i32
      %dma_wait3A_1355 = arith.constant 0 : i32
      %dma_wait3A_1356 = tpu.memref_slice %arg10[%dma_wait3A_1354, %dma_wait3A_1355] : memref<10000x128xf32, #tpu.memory_space<vmem_shared>> -> memref<10000x128xf32, #tpu.memory_space<vmem_shared>>
      tpu.wait_indirect_dma semaphore(%run_scoped3A : memref<!tpu.dma_semaphore, #tpu.memory_space<semaphore_mem>>) src(%arg9 : memref<128x128xf32, #tpu.memory_space<vmem>>) dst(%dma_wait3A_1356 : memref<10000x128xf32, #tpu.memory_space<vmem_shared>>)
      tpu.yield
    }) : () -> ()
    %dma_wait3A_522 = tpu.memref_slice %arg3[%add3A_38] : memref<640000xi32, #tpu.memory_space<hbm>> -> memref<128xi32, #tpu.memory_space<hbm>>
    %dma_wait3A_523 = tpu.memref_slice %arg3[%add3A_38] : memref<640000xi32, #tpu.memory_space<hbm>> -> memref<128xi32, #tpu.memory_space<hbm>>
    tpu.wait_dma2 semaphore(%arg13 : memref<!tpu.dma_semaphore, #tpu.memory_space<semaphore_mem>>) src(%dma_wait3A_523 : memref<128xi32, #tpu.memory_space<hbm>>) dst(%arg6 : memref<128xi32, #tpu.memory_space<vmem>>)
    %add3A_524 = arith.constant 3968 : i32
    %add3A_525 = arith.addi %add3A_38, %add3A_524 : i32
    %dma_start3A_526 = tpu.memref_slice %arg3[%add3A_525] : memref<640000xi32, #tpu.memory_space<hbm>> -> memref<128xi32, #tpu.memory_space<hbm>>
    %dma_start3A_527 = tpu.memref_slice %arg3[%add3A_525] : memref<640000xi32, #tpu.memory_space<hbm>> -> memref<128xi32, #tpu.memory_space<hbm>>
    tpu.enqueue_dma source(%dma_start3A_527 : memref<128xi32, #tpu.memory_space<hbm>>) target(%arg7 : memref<128xi32, #tpu.memory_space<vmem>>) target_semaphore(%arg13 : memref<!tpu.dma_semaphore, #tpu.memory_space<semaphore_mem>>)
    %dma_start3A_528 = arith.constant 3968 : i32
    %dma_start3A_529 = tpu.memref_slice %arg5[%dma_start3A_528] : memref<4992xi32, #tpu.memory_space<vmem>> -> memref<128xi32, #tpu.memory_space<vmem>>
    %dma_start3A_530 = arith.constant 0 : i32
    %dma_start3A_531 = arith.constant 0 : i32
    %dma_start3A_532 = tpu.memref_slice %arg2[%dma_start3A_530, %dma_start3A_531] : memref<10000x128xf32, #tpu.memory_space<hbm>> -> memref<10000x128xf32, #tpu.memory_space<hbm>>
    tpu.enqueue_indirect_dma source(%dma_start3A_532 : memref<10000x128xf32, #tpu.memory_space<hbm>>) target(%arg9 : memref<128x128xf32, #tpu.memory_space<vmem>>) offsets(%dma_start3A_529 : memref<128xi32, #tpu.memory_space<vmem>>) semaphore(%arg12 : memref<!tpu.dma_semaphore, #tpu.memory_space<semaphore_mem>>)
    %dma_wait3A_533 = arith.constant 3840 : i32
    %dma_wait3A_534 = tpu.memref_slice %arg5[%dma_wait3A_533] : memref<4992xi32, #tpu.memory_space<vmem>> -> memref<128xi32, #tpu.memory_space<vmem>>
    %dma_wait3A_535 = arith.constant 0 : i32
    %dma_wait3A_536 = arith.constant 0 : i32
    %dma_wait3A_537 = tpu.memref_slice %arg2[%dma_wait3A_535, %dma_wait3A_536] : memref<10000x128xf32, #tpu.memory_space<hbm>> -> memref<10000x128xf32, #tpu.memory_space<hbm>>
    tpu.wait_indirect_dma semaphore(%arg11 : memref<!tpu.dma_semaphore, #tpu.memory_space<semaphore_mem>>) src(%dma_wait3A_537 : memref<10000x128xf32, #tpu.memory_space<hbm>>) dst(%arg8 : memref<128x128xf32, #tpu.memory_space<vmem>>)
    "tpu.region"() ({
      %run_scoped3A = tpu.sem_alloc : memref<!tpu.dma_semaphore, #tpu.memory_space<semaphore_mem>>
      %dma_start3A_1351 = arith.constant 0 : i32
      %dma_start3A_1352 = arith.constant 0 : i32
      %dma_start3A_1353 = tpu.memref_slice %arg10[%dma_start3A_1351, %dma_start3A_1352] : memref<10000x128xf32, #tpu.memory_space<vmem_shared>> -> memref<10000x128xf32, #tpu.memory_space<vmem_shared>>
      tpu.enqueue_indirect_dma source(%arg8 : memref<128x128xf32, #tpu.memory_space<vmem>>) target(%dma_start3A_1353 : memref<10000x128xf32, #tpu.memory_space<vmem_shared>>) offsets(%arg6 : memref<128xi32, #tpu.memory_space<vmem>>) semaphore(%run_scoped3A : memref<!tpu.dma_semaphore, #tpu.memory_space<semaphore_mem>>) {add = true}
      %dma_wait3A_1354 = arith.constant 0 : i32
      %dma_wait3A_1355 = arith.constant 0 : i32
      %dma_wait3A_1356 = tpu.memref_slice %arg10[%dma_wait3A_1354, %dma_wait3A_1355] : memref<10000x128xf32, #tpu.memory_space<vmem_shared>> -> memref<10000x128xf32, #tpu.memory_space<vmem_shared>>
      tpu.wait_indirect_dma semaphore(%run_scoped3A : memref<!tpu.dma_semaphore, #tpu.memory_space<semaphore_mem>>) src(%arg8 : memref<128x128xf32, #tpu.memory_space<vmem>>) dst(%dma_wait3A_1356 : memref<10000x128xf32, #tpu.memory_space<vmem_shared>>)
      tpu.yield
    }) : () -> ()
    %dma_wait3A_538 = tpu.memref_slice %arg3[%add3A_38] : memref<640000xi32, #tpu.memory_space<hbm>> -> memref<128xi32, #tpu.memory_space<hbm>>
    %dma_wait3A_539 = tpu.memref_slice %arg3[%add3A_38] : memref<640000xi32, #tpu.memory_space<hbm>> -> memref<128xi32, #tpu.memory_space<hbm>>
    tpu.wait_dma2 semaphore(%arg13 : memref<!tpu.dma_semaphore, #tpu.memory_space<semaphore_mem>>) src(%dma_wait3A_539 : memref<128xi32, #tpu.memory_space<hbm>>) dst(%arg7 : memref<128xi32, #tpu.memory_space<vmem>>)
    %add3A_540 = arith.constant 4096 : i32
    %add3A_541 = arith.addi %add3A_38, %add3A_540 : i32
    %dma_start3A_542 = tpu.memref_slice %arg3[%add3A_541] : memref<640000xi32, #tpu.memory_space<hbm>> -> memref<128xi32, #tpu.memory_space<hbm>>
    %dma_start3A_543 = tpu.memref_slice %arg3[%add3A_541] : memref<640000xi32, #tpu.memory_space<hbm>> -> memref<128xi32, #tpu.memory_space<hbm>>
    tpu.enqueue_dma source(%dma_start3A_543 : memref<128xi32, #tpu.memory_space<hbm>>) target(%arg6 : memref<128xi32, #tpu.memory_space<vmem>>) target_semaphore(%arg13 : memref<!tpu.dma_semaphore, #tpu.memory_space<semaphore_mem>>)
    %dma_start3A_544 = arith.constant 4096 : i32
    %dma_start3A_545 = tpu.memref_slice %arg5[%dma_start3A_544] : memref<4992xi32, #tpu.memory_space<vmem>> -> memref<128xi32, #tpu.memory_space<vmem>>
    %dma_start3A_546 = arith.constant 0 : i32
    %dma_start3A_547 = arith.constant 0 : i32
    %dma_start3A_548 = tpu.memref_slice %arg2[%dma_start3A_546, %dma_start3A_547] : memref<10000x128xf32, #tpu.memory_space<hbm>> -> memref<10000x128xf32, #tpu.memory_space<hbm>>
    tpu.enqueue_indirect_dma source(%dma_start3A_548 : memref<10000x128xf32, #tpu.memory_space<hbm>>) target(%arg8 : memref<128x128xf32, #tpu.memory_space<vmem>>) offsets(%dma_start3A_545 : memref<128xi32, #tpu.memory_space<vmem>>) semaphore(%arg11 : memref<!tpu.dma_semaphore, #tpu.memory_space<semaphore_mem>>)
    %dma_wait3A_549 = arith.constant 3968 : i32
    %dma_wait3A_550 = tpu.memref_slice %arg5[%dma_wait3A_549] : memref<4992xi32, #tpu.memory_space<vmem>> -> memref<128xi32, #tpu.memory_space<vmem>>
    %dma_wait3A_551 = arith.constant 0 : i32
    %dma_wait3A_552 = arith.constant 0 : i32
    %dma_wait3A_553 = tpu.memref_slice %arg2[%dma_wait3A_551, %dma_wait3A_552] : memref<10000x128xf32, #tpu.memory_space<hbm>> -> memref<10000x128xf32, #tpu.memory_space<hbm>>
    tpu.wait_indirect_dma semaphore(%arg12 : memref<!tpu.dma_semaphore, #tpu.memory_space<semaphore_mem>>) src(%dma_wait3A_553 : memref<10000x128xf32, #tpu.memory_space<hbm>>) dst(%arg9 : memref<128x128xf32, #tpu.memory_space<vmem>>)
    "tpu.region"() ({
      %run_scoped3A = tpu.sem_alloc : memref<!tpu.dma_semaphore, #tpu.memory_space<semaphore_mem>>
      %dma_start3A_1351 = arith.constant 0 : i32
      %dma_start3A_1352 = arith.constant 0 : i32
      %dma_start3A_1353 = tpu.memref_slice %arg10[%dma_start3A_1351, %dma_start3A_1352] : memref<10000x128xf32, #tpu.memory_space<vmem_shared>> -> memref<10000x128xf32, #tpu.memory_space<vmem_shared>>
      tpu.enqueue_indirect_dma source(%arg9 : memref<128x128xf32, #tpu.memory_space<vmem>>) target(%dma_start3A_1353 : memref<10000x128xf32, #tpu.memory_space<vmem_shared>>) offsets(%arg7 : memref<128xi32, #tpu.memory_space<vmem>>) semaphore(%run_scoped3A : memref<!tpu.dma_semaphore, #tpu.memory_space<semaphore_mem>>) {add = true}
      %dma_wait3A_1354 = arith.constant 0 : i32
      %dma_wait3A_1355 = arith.constant 0 : i32
      %dma_wait3A_1356 = tpu.memref_slice %arg10[%dma_wait3A_1354, %dma_wait3A_1355] : memref<10000x128xf32, #tpu.memory_space<vmem_shared>> -> memref<10000x128xf32, #tpu.memory_space<vmem_shared>>
      tpu.wait_indirect_dma semaphore(%run_scoped3A : memref<!tpu.dma_semaphore, #tpu.memory_space<semaphore_mem>>) src(%arg9 : memref<128x128xf32, #tpu.memory_space<vmem>>) dst(%dma_wait3A_1356 : memref<10000x128xf32, #tpu.memory_space<vmem_shared>>)
      tpu.yield
    }) : () -> ()
    %dma_wait3A_554 = tpu.memref_slice %arg3[%add3A_38] : memref<640000xi32, #tpu.memory_space<hbm>> -> memref<128xi32, #tpu.memory_space<hbm>>
    %dma_wait3A_555 = tpu.memref_slice %arg3[%add3A_38] : memref<640000xi32, #tpu.memory_space<hbm>> -> memref<128xi32, #tpu.memory_space<hbm>>
    tpu.wait_dma2 semaphore(%arg13 : memref<!tpu.dma_semaphore, #tpu.memory_space<semaphore_mem>>) src(%dma_wait3A_555 : memref<128xi32, #tpu.memory_space<hbm>>) dst(%arg6 : memref<128xi32, #tpu.memory_space<vmem>>)
    %add3A_556 = arith.constant 4224 : i32
    %add3A_557 = arith.addi %add3A_38, %add3A_556 : i32
    %dma_start3A_558 = tpu.memref_slice %arg3[%add3A_557] : memref<640000xi32, #tpu.memory_space<hbm>> -> memref<128xi32, #tpu.memory_space<hbm>>
    %dma_start3A_559 = tpu.memref_slice %arg3[%add3A_557] : memref<640000xi32, #tpu.memory_space<hbm>> -> memref<128xi32, #tpu.memory_space<hbm>>
    tpu.enqueue_dma source(%dma_start3A_559 : memref<128xi32, #tpu.memory_space<hbm>>) target(%arg7 : memref<128xi32, #tpu.memory_space<vmem>>) target_semaphore(%arg13 : memref<!tpu.dma_semaphore, #tpu.memory_space<semaphore_mem>>)
    %dma_start3A_560 = arith.constant 4224 : i32
    %dma_start3A_561 = tpu.memref_slice %arg5[%dma_start3A_560] : memref<4992xi32, #tpu.memory_space<vmem>> -> memref<128xi32, #tpu.memory_space<vmem>>
    %dma_start3A_562 = arith.constant 0 : i32
    %dma_start3A_563 = arith.constant 0 : i32
    %dma_start3A_564 = tpu.memref_slice %arg2[%dma_start3A_562, %dma_start3A_563] : memref<10000x128xf32, #tpu.memory_space<hbm>> -> memref<10000x128xf32, #tpu.memory_space<hbm>>
    tpu.enqueue_indirect_dma source(%dma_start3A_564 : memref<10000x128xf32, #tpu.memory_space<hbm>>) target(%arg9 : memref<128x128xf32, #tpu.memory_space<vmem>>) offsets(%dma_start3A_561 : memref<128xi32, #tpu.memory_space<vmem>>) semaphore(%arg12 : memref<!tpu.dma_semaphore, #tpu.memory_space<semaphore_mem>>)
    %dma_wait3A_565 = arith.constant 4096 : i32
    %dma_wait3A_566 = tpu.memref_slice %arg5[%dma_wait3A_565] : memref<4992xi32, #tpu.memory_space<vmem>> -> memref<128xi32, #tpu.memory_space<vmem>>
    %dma_wait3A_567 = arith.constant 0 : i32
    %dma_wait3A_568 = arith.constant 0 : i32
    %dma_wait3A_569 = tpu.memref_slice %arg2[%dma_wait3A_567, %dma_wait3A_568] : memref<10000x128xf32, #tpu.memory_space<hbm>> -> memref<10000x128xf32, #tpu.memory_space<hbm>>
    tpu.wait_indirect_dma semaphore(%arg11 : memref<!tpu.dma_semaphore, #tpu.memory_space<semaphore_mem>>) src(%dma_wait3A_569 : memref<10000x128xf32, #tpu.memory_space<hbm>>) dst(%arg8 : memref<128x128xf32, #tpu.memory_space<vmem>>)
    "tpu.region"() ({
      %run_scoped3A = tpu.sem_alloc : memref<!tpu.dma_semaphore, #tpu.memory_space<semaphore_mem>>
      %dma_start3A_1351 = arith.constant 0 : i32
      %dma_start3A_1352 = arith.constant 0 : i32
      %dma_start3A_1353 = tpu.memref_slice %arg10[%dma_start3A_1351, %dma_start3A_1352] : memref<10000x128xf32, #tpu.memory_space<vmem_shared>> -> memref<10000x128xf32, #tpu.memory_space<vmem_shared>>
      tpu.enqueue_indirect_dma source(%arg8 : memref<128x128xf32, #tpu.memory_space<vmem>>) target(%dma_start3A_1353 : memref<10000x128xf32, #tpu.memory_space<vmem_shared>>) offsets(%arg6 : memref<128xi32, #tpu.memory_space<vmem>>) semaphore(%run_scoped3A : memref<!tpu.dma_semaphore, #tpu.memory_space<semaphore_mem>>) {add = true}
      %dma_wait3A_1354 = arith.constant 0 : i32
      %dma_wait3A_1355 = arith.constant 0 : i32
      %dma_wait3A_1356 = tpu.memref_slice %arg10[%dma_wait3A_1354, %dma_wait3A_1355] : memref<10000x128xf32, #tpu.memory_space<vmem_shared>> -> memref<10000x128xf32, #tpu.memory_space<vmem_shared>>
      tpu.wait_indirect_dma semaphore(%run_scoped3A : memref<!tpu.dma_semaphore, #tpu.memory_space<semaphore_mem>>) src(%arg8 : memref<128x128xf32, #tpu.memory_space<vmem>>) dst(%dma_wait3A_1356 : memref<10000x128xf32, #tpu.memory_space<vmem_shared>>)
      tpu.yield
    }) : () -> ()
    %dma_wait3A_570 = tpu.memref_slice %arg3[%add3A_38] : memref<640000xi32, #tpu.memory_space<hbm>> -> memref<128xi32, #tpu.memory_space<hbm>>
    %dma_wait3A_571 = tpu.memref_slice %arg3[%add3A_38] : memref<640000xi32, #tpu.memory_space<hbm>> -> memref<128xi32, #tpu.memory_space<hbm>>
    tpu.wait_dma2 semaphore(%arg13 : memref<!tpu.dma_semaphore, #tpu.memory_space<semaphore_mem>>) src(%dma_wait3A_571 : memref<128xi32, #tpu.memory_space<hbm>>) dst(%arg7 : memref<128xi32, #tpu.memory_space<vmem>>)
    %add3A_572 = arith.constant 4352 : i32
    %add3A_573 = arith.addi %add3A_38, %add3A_572 : i32
    %dma_start3A_574 = tpu.memref_slice %arg3[%add3A_573] : memref<640000xi32, #tpu.memory_space<hbm>> -> memref<128xi32, #tpu.memory_space<hbm>>
    %dma_start3A_575 = tpu.memref_slice %arg3[%add3A_573] : memref<640000xi32, #tpu.memory_space<hbm>> -> memref<128xi32, #tpu.memory_space<hbm>>
    tpu.enqueue_dma source(%dma_start3A_575 : memref<128xi32, #tpu.memory_space<hbm>>) target(%arg6 : memref<128xi32, #tpu.memory_space<vmem>>) target_semaphore(%arg13 : memref<!tpu.dma_semaphore, #tpu.memory_space<semaphore_mem>>)
    %dma_start3A_576 = arith.constant 4352 : i32
    %dma_start3A_577 = tpu.memref_slice %arg5[%dma_start3A_576] : memref<4992xi32, #tpu.memory_space<vmem>> -> memref<128xi32, #tpu.memory_space<vmem>>
    %dma_start3A_578 = arith.constant 0 : i32
    %dma_start3A_579 = arith.constant 0 : i32
    %dma_start3A_580 = tpu.memref_slice %arg2[%dma_start3A_578, %dma_start3A_579] : memref<10000x128xf32, #tpu.memory_space<hbm>> -> memref<10000x128xf32, #tpu.memory_space<hbm>>
    tpu.enqueue_indirect_dma source(%dma_start3A_580 : memref<10000x128xf32, #tpu.memory_space<hbm>>) target(%arg8 : memref<128x128xf32, #tpu.memory_space<vmem>>) offsets(%dma_start3A_577 : memref<128xi32, #tpu.memory_space<vmem>>) semaphore(%arg11 : memref<!tpu.dma_semaphore, #tpu.memory_space<semaphore_mem>>)
    %dma_wait3A_581 = arith.constant 4224 : i32
    %dma_wait3A_582 = tpu.memref_slice %arg5[%dma_wait3A_581] : memref<4992xi32, #tpu.memory_space<vmem>> -> memref<128xi32, #tpu.memory_space<vmem>>
    %dma_wait3A_583 = arith.constant 0 : i32
    %dma_wait3A_584 = arith.constant 0 : i32
    %dma_wait3A_585 = tpu.memref_slice %arg2[%dma_wait3A_583, %dma_wait3A_584] : memref<10000x128xf32, #tpu.memory_space<hbm>> -> memref<10000x128xf32, #tpu.memory_space<hbm>>
    tpu.wait_indirect_dma semaphore(%arg12 : memref<!tpu.dma_semaphore, #tpu.memory_space<semaphore_mem>>) src(%dma_wait3A_585 : memref<10000x128xf32, #tpu.memory_space<hbm>>) dst(%arg9 : memref<128x128xf32, #tpu.memory_space<vmem>>)
    "tpu.region"() ({
      %run_scoped3A = tpu.sem_alloc : memref<!tpu.dma_semaphore, #tpu.memory_space<semaphore_mem>>
      %dma_start3A_1351 = arith.constant 0 : i32
      %dma_start3A_1352 = arith.constant 0 : i32
      %dma_start3A_1353 = tpu.memref_slice %arg10[%dma_start3A_1351, %dma_start3A_1352] : memref<10000x128xf32, #tpu.memory_space<vmem_shared>> -> memref<10000x128xf32, #tpu.memory_space<vmem_shared>>
      tpu.enqueue_indirect_dma source(%arg9 : memref<128x128xf32, #tpu.memory_space<vmem>>) target(%dma_start3A_1353 : memref<10000x128xf32, #tpu.memory_space<vmem_shared>>) offsets(%arg7 : memref<128xi32, #tpu.memory_space<vmem>>) semaphore(%run_scoped3A : memref<!tpu.dma_semaphore, #tpu.memory_space<semaphore_mem>>) {add = true}
      %dma_wait3A_1354 = arith.constant 0 : i32
      %dma_wait3A_1355 = arith.constant 0 : i32
      %dma_wait3A_1356 = tpu.memref_slice %arg10[%dma_wait3A_1354, %dma_wait3A_1355] : memref<10000x128xf32, #tpu.memory_space<vmem_shared>> -> memref<10000x128xf32, #tpu.memory_space<vmem_shared>>
      tpu.wait_indirect_dma semaphore(%run_scoped3A : memref<!tpu.dma_semaphore, #tpu.memory_space<semaphore_mem>>) src(%arg9 : memref<128x128xf32, #tpu.memory_space<vmem>>) dst(%dma_wait3A_1356 : memref<10000x128xf32, #tpu.memory_space<vmem_shared>>)
      tpu.yield
    }) : () -> ()
    %dma_wait3A_586 = tpu.memref_slice %arg3[%add3A_38] : memref<640000xi32, #tpu.memory_space<hbm>> -> memref<128xi32, #tpu.memory_space<hbm>>
    %dma_wait3A_587 = tpu.memref_slice %arg3[%add3A_38] : memref<640000xi32, #tpu.memory_space<hbm>> -> memref<128xi32, #tpu.memory_space<hbm>>
    tpu.wait_dma2 semaphore(%arg13 : memref<!tpu.dma_semaphore, #tpu.memory_space<semaphore_mem>>) src(%dma_wait3A_587 : memref<128xi32, #tpu.memory_space<hbm>>) dst(%arg6 : memref<128xi32, #tpu.memory_space<vmem>>)
    %add3A_588 = arith.constant 4480 : i32
    %add3A_589 = arith.addi %add3A_38, %add3A_588 : i32
    %dma_start3A_590 = tpu.memref_slice %arg3[%add3A_589] : memref<640000xi32, #tpu.memory_space<hbm>> -> memref<128xi32, #tpu.memory_space<hbm>>
    %dma_start3A_591 = tpu.memref_slice %arg3[%add3A_589] : memref<640000xi32, #tpu.memory_space<hbm>> -> memref<128xi32, #tpu.memory_space<hbm>>
    tpu.enqueue_dma source(%dma_start3A_591 : memref<128xi32, #tpu.memory_space<hbm>>) target(%arg7 : memref<128xi32, #tpu.memory_space<vmem>>) target_semaphore(%arg13 : memref<!tpu.dma_semaphore, #tpu.memory_space<semaphore_mem>>)
    %dma_start3A_592 = arith.constant 4480 : i32
    %dma_start3A_593 = tpu.memref_slice %arg5[%dma_start3A_592] : memref<4992xi32, #tpu.memory_space<vmem>> -> memref<128xi32, #tpu.memory_space<vmem>>
    %dma_start3A_594 = arith.constant 0 : i32
    %dma_start3A_595 = arith.constant 0 : i32
    %dma_start3A_596 = tpu.memref_slice %arg2[%dma_start3A_594, %dma_start3A_595] : memref<10000x128xf32, #tpu.memory_space<hbm>> -> memref<10000x128xf32, #tpu.memory_space<hbm>>
    tpu.enqueue_indirect_dma source(%dma_start3A_596 : memref<10000x128xf32, #tpu.memory_space<hbm>>) target(%arg9 : memref<128x128xf32, #tpu.memory_space<vmem>>) offsets(%dma_start3A_593 : memref<128xi32, #tpu.memory_space<vmem>>) semaphore(%arg12 : memref<!tpu.dma_semaphore, #tpu.memory_space<semaphore_mem>>)
    %dma_wait3A_597 = arith.constant 4352 : i32
    %dma_wait3A_598 = tpu.memref_slice %arg5[%dma_wait3A_597] : memref<4992xi32, #tpu.memory_space<vmem>> -> memref<128xi32, #tpu.memory_space<vmem>>
    %dma_wait3A_599 = arith.constant 0 : i32
    %dma_wait3A_600 = arith.constant 0 : i32
    %dma_wait3A_601 = tpu.memref_slice %arg2[%dma_wait3A_599, %dma_wait3A_600] : memref<10000x128xf32, #tpu.memory_space<hbm>> -> memref<10000x128xf32, #tpu.memory_space<hbm>>
    tpu.wait_indirect_dma semaphore(%arg11 : memref<!tpu.dma_semaphore, #tpu.memory_space<semaphore_mem>>) src(%dma_wait3A_601 : memref<10000x128xf32, #tpu.memory_space<hbm>>) dst(%arg8 : memref<128x128xf32, #tpu.memory_space<vmem>>)
    "tpu.region"() ({
      %run_scoped3A = tpu.sem_alloc : memref<!tpu.dma_semaphore, #tpu.memory_space<semaphore_mem>>
      %dma_start3A_1351 = arith.constant 0 : i32
      %dma_start3A_1352 = arith.constant 0 : i32
      %dma_start3A_1353 = tpu.memref_slice %arg10[%dma_start3A_1351, %dma_start3A_1352] : memref<10000x128xf32, #tpu.memory_space<vmem_shared>> -> memref<10000x128xf32, #tpu.memory_space<vmem_shared>>
      tpu.enqueue_indirect_dma source(%arg8 : memref<128x128xf32, #tpu.memory_space<vmem>>) target(%dma_start3A_1353 : memref<10000x128xf32, #tpu.memory_space<vmem_shared>>) offsets(%arg6 : memref<128xi32, #tpu.memory_space<vmem>>) semaphore(%run_scoped3A : memref<!tpu.dma_semaphore, #tpu.memory_space<semaphore_mem>>) {add = true}
      %dma_wait3A_1354 = arith.constant 0 : i32
      %dma_wait3A_1355 = arith.constant 0 : i32
      %dma_wait3A_1356 = tpu.memref_slice %arg10[%dma_wait3A_1354, %dma_wait3A_1355] : memref<10000x128xf32, #tpu.memory_space<vmem_shared>> -> memref<10000x128xf32, #tpu.memory_space<vmem_shared>>
      tpu.wait_indirect_dma semaphore(%run_scoped3A : memref<!tpu.dma_semaphore, #tpu.memory_space<semaphore_mem>>) src(%arg8 : memref<128x128xf32, #tpu.memory_space<vmem>>) dst(%dma_wait3A_1356 : memref<10000x128xf32, #tpu.memory_space<vmem_shared>>)
      tpu.yield
    }) : () -> ()
    %dma_wait3A_602 = tpu.memref_slice %arg3[%add3A_38] : memref<640000xi32, #tpu.memory_space<hbm>> -> memref<128xi32, #tpu.memory_space<hbm>>
    %dma_wait3A_603 = tpu.memref_slice %arg3[%add3A_38] : memref<640000xi32, #tpu.memory_space<hbm>> -> memref<128xi32, #tpu.memory_space<hbm>>
    tpu.wait_dma2 semaphore(%arg13 : memref<!tpu.dma_semaphore, #tpu.memory_space<semaphore_mem>>) src(%dma_wait3A_603 : memref<128xi32, #tpu.memory_space<hbm>>) dst(%arg7 : memref<128xi32, #tpu.memory_space<vmem>>)
    %add3A_604 = arith.constant 4608 : i32
    %add3A_605 = arith.addi %add3A_38, %add3A_604 : i32
    %dma_start3A_606 = tpu.memref_slice %arg3[%add3A_605] : memref<640000xi32, #tpu.memory_space<hbm>> -> memref<128xi32, #tpu.memory_space<hbm>>
    %dma_start3A_607 = tpu.memref_slice %arg3[%add3A_605] : memref<640000xi32, #tpu.memory_space<hbm>> -> memref<128xi32, #tpu.memory_space<hbm>>
    tpu.enqueue_dma source(%dma_start3A_607 : memref<128xi32, #tpu.memory_space<hbm>>) target(%arg6 : memref<128xi32, #tpu.memory_space<vmem>>) target_semaphore(%arg13 : memref<!tpu.dma_semaphore, #tpu.memory_space<semaphore_mem>>)
    %dma_start3A_608 = arith.constant 4608 : i32
    %dma_start3A_609 = tpu.memref_slice %arg5[%dma_start3A_608] : memref<4992xi32, #tpu.memory_space<vmem>> -> memref<128xi32, #tpu.memory_space<vmem>>
    %dma_start3A_610 = arith.constant 0 : i32
    %dma_start3A_611 = arith.constant 0 : i32
    %dma_start3A_612 = tpu.memref_slice %arg2[%dma_start3A_610, %dma_start3A_611] : memref<10000x128xf32, #tpu.memory_space<hbm>> -> memref<10000x128xf32, #tpu.memory_space<hbm>>
    tpu.enqueue_indirect_dma source(%dma_start3A_612 : memref<10000x128xf32, #tpu.memory_space<hbm>>) target(%arg8 : memref<128x128xf32, #tpu.memory_space<vmem>>) offsets(%dma_start3A_609 : memref<128xi32, #tpu.memory_space<vmem>>) semaphore(%arg11 : memref<!tpu.dma_semaphore, #tpu.memory_space<semaphore_mem>>)
    %dma_wait3A_613 = arith.constant 4480 : i32
    %dma_wait3A_614 = tpu.memref_slice %arg5[%dma_wait3A_613] : memref<4992xi32, #tpu.memory_space<vmem>> -> memref<128xi32, #tpu.memory_space<vmem>>
    %dma_wait3A_615 = arith.constant 0 : i32
    %dma_wait3A_616 = arith.constant 0 : i32
    %dma_wait3A_617 = tpu.memref_slice %arg2[%dma_wait3A_615, %dma_wait3A_616] : memref<10000x128xf32, #tpu.memory_space<hbm>> -> memref<10000x128xf32, #tpu.memory_space<hbm>>
    tpu.wait_indirect_dma semaphore(%arg12 : memref<!tpu.dma_semaphore, #tpu.memory_space<semaphore_mem>>) src(%dma_wait3A_617 : memref<10000x128xf32, #tpu.memory_space<hbm>>) dst(%arg9 : memref<128x128xf32, #tpu.memory_space<vmem>>)
    "tpu.region"() ({
      %run_scoped3A = tpu.sem_alloc : memref<!tpu.dma_semaphore, #tpu.memory_space<semaphore_mem>>
      %dma_start3A_1351 = arith.constant 0 : i32
      %dma_start3A_1352 = arith.constant 0 : i32
      %dma_start3A_1353 = tpu.memref_slice %arg10[%dma_start3A_1351, %dma_start3A_1352] : memref<10000x128xf32, #tpu.memory_space<vmem_shared>> -> memref<10000x128xf32, #tpu.memory_space<vmem_shared>>
      tpu.enqueue_indirect_dma source(%arg9 : memref<128x128xf32, #tpu.memory_space<vmem>>) target(%dma_start3A_1353 : memref<10000x128xf32, #tpu.memory_space<vmem_shared>>) offsets(%arg7 : memref<128xi32, #tpu.memory_space<vmem>>) semaphore(%run_scoped3A : memref<!tpu.dma_semaphore, #tpu.memory_space<semaphore_mem>>) {add = true}
      %dma_wait3A_1354 = arith.constant 0 : i32
      %dma_wait3A_1355 = arith.constant 0 : i32
      %dma_wait3A_1356 = tpu.memref_slice %arg10[%dma_wait3A_1354, %dma_wait3A_1355] : memref<10000x128xf32, #tpu.memory_space<vmem_shared>> -> memref<10000x128xf32, #tpu.memory_space<vmem_shared>>
      tpu.wait_indirect_dma semaphore(%run_scoped3A : memref<!tpu.dma_semaphore, #tpu.memory_space<semaphore_mem>>) src(%arg9 : memref<128x128xf32, #tpu.memory_space<vmem>>) dst(%dma_wait3A_1356 : memref<10000x128xf32, #tpu.memory_space<vmem_shared>>)
      tpu.yield
    }) : () -> ()
    %dma_wait3A_618 = tpu.memref_slice %arg3[%add3A_38] : memref<640000xi32, #tpu.memory_space<hbm>> -> memref<128xi32, #tpu.memory_space<hbm>>
    %dma_wait3A_619 = tpu.memref_slice %arg3[%add3A_38] : memref<640000xi32, #tpu.memory_space<hbm>> -> memref<128xi32, #tpu.memory_space<hbm>>
    tpu.wait_dma2 semaphore(%arg13 : memref<!tpu.dma_semaphore, #tpu.memory_space<semaphore_mem>>) src(%dma_wait3A_619 : memref<128xi32, #tpu.memory_space<hbm>>) dst(%arg6 : memref<128xi32, #tpu.memory_space<vmem>>)
    %add3A_620 = arith.constant 4736 : i32
    %add3A_621 = arith.addi %add3A_38, %add3A_620 : i32
    %dma_start3A_622 = tpu.memref_slice %arg3[%add3A_621] : memref<640000xi32, #tpu.memory_space<hbm>> -> memref<128xi32, #tpu.memory_space<hbm>>
    %dma_start3A_623 = tpu.memref_slice %arg3[%add3A_621] : memref<640000xi32, #tpu.memory_space<hbm>> -> memref<128xi32, #tpu.memory_space<hbm>>
    tpu.enqueue_dma source(%dma_start3A_623 : memref<128xi32, #tpu.memory_space<hbm>>) target(%arg7 : memref<128xi32, #tpu.memory_space<vmem>>) target_semaphore(%arg13 : memref<!tpu.dma_semaphore, #tpu.memory_space<semaphore_mem>>)
    %dma_start3A_624 = arith.constant 4736 : i32
    %dma_start3A_625 = tpu.memref_slice %arg5[%dma_start3A_624] : memref<4992xi32, #tpu.memory_space<vmem>> -> memref<128xi32, #tpu.memory_space<vmem>>
    %dma_start3A_626 = arith.constant 0 : i32
    %dma_start3A_627 = arith.constant 0 : i32
    %dma_start3A_628 = tpu.memref_slice %arg2[%dma_start3A_626, %dma_start3A_627] : memref<10000x128xf32, #tpu.memory_space<hbm>> -> memref<10000x128xf32, #tpu.memory_space<hbm>>
    tpu.enqueue_indirect_dma source(%dma_start3A_628 : memref<10000x128xf32, #tpu.memory_space<hbm>>) target(%arg9 : memref<128x128xf32, #tpu.memory_space<vmem>>) offsets(%dma_start3A_625 : memref<128xi32, #tpu.memory_space<vmem>>) semaphore(%arg12 : memref<!tpu.dma_semaphore, #tpu.memory_space<semaphore_mem>>)
    %dma_wait3A_629 = arith.constant 4608 : i32
    %dma_wait3A_630 = tpu.memref_slice %arg5[%dma_wait3A_629] : memref<4992xi32, #tpu.memory_space<vmem>> -> memref<128xi32, #tpu.memory_space<vmem>>
    %dma_wait3A_631 = arith.constant 0 : i32
    %dma_wait3A_632 = arith.constant 0 : i32
    %dma_wait3A_633 = tpu.memref_slice %arg2[%dma_wait3A_631, %dma_wait3A_632] : memref<10000x128xf32, #tpu.memory_space<hbm>> -> memref<10000x128xf32, #tpu.memory_space<hbm>>
    tpu.wait_indirect_dma semaphore(%arg11 : memref<!tpu.dma_semaphore, #tpu.memory_space<semaphore_mem>>) src(%dma_wait3A_633 : memref<10000x128xf32, #tpu.memory_space<hbm>>) dst(%arg8 : memref<128x128xf32, #tpu.memory_space<vmem>>)
    "tpu.region"() ({
      %run_scoped3A = tpu.sem_alloc : memref<!tpu.dma_semaphore, #tpu.memory_space<semaphore_mem>>
      %dma_start3A_1351 = arith.constant 0 : i32
      %dma_start3A_1352 = arith.constant 0 : i32
      %dma_start3A_1353 = tpu.memref_slice %arg10[%dma_start3A_1351, %dma_start3A_1352] : memref<10000x128xf32, #tpu.memory_space<vmem_shared>> -> memref<10000x128xf32, #tpu.memory_space<vmem_shared>>
      tpu.enqueue_indirect_dma source(%arg8 : memref<128x128xf32, #tpu.memory_space<vmem>>) target(%dma_start3A_1353 : memref<10000x128xf32, #tpu.memory_space<vmem_shared>>) offsets(%arg6 : memref<128xi32, #tpu.memory_space<vmem>>) semaphore(%run_scoped3A : memref<!tpu.dma_semaphore, #tpu.memory_space<semaphore_mem>>) {add = true}
      %dma_wait3A_1354 = arith.constant 0 : i32
      %dma_wait3A_1355 = arith.constant 0 : i32
      %dma_wait3A_1356 = tpu.memref_slice %arg10[%dma_wait3A_1354, %dma_wait3A_1355] : memref<10000x128xf32, #tpu.memory_space<vmem_shared>> -> memref<10000x128xf32, #tpu.memory_space<vmem_shared>>
      tpu.wait_indirect_dma semaphore(%run_scoped3A : memref<!tpu.dma_semaphore, #tpu.memory_space<semaphore_mem>>) src(%arg8 : memref<128x128xf32, #tpu.memory_space<vmem>>) dst(%dma_wait3A_1356 : memref<10000x128xf32, #tpu.memory_space<vmem_shared>>)
      tpu.yield
    }) : () -> ()
    %dma_wait3A_634 = tpu.memref_slice %arg3[%add3A_38] : memref<640000xi32, #tpu.memory_space<hbm>> -> memref<128xi32, #tpu.memory_space<hbm>>
    %dma_wait3A_635 = tpu.memref_slice %arg3[%add3A_38] : memref<640000xi32, #tpu.memory_space<hbm>> -> memref<128xi32, #tpu.memory_space<hbm>>
    tpu.wait_dma2 semaphore(%arg13 : memref<!tpu.dma_semaphore, #tpu.memory_space<semaphore_mem>>) src(%dma_wait3A_635 : memref<128xi32, #tpu.memory_space<hbm>>) dst(%arg7 : memref<128xi32, #tpu.memory_space<vmem>>)
    %add3A_636 = arith.constant 4864 : i32
    %add3A_637 = arith.addi %add3A_38, %add3A_636 : i32
    %dma_start3A_638 = tpu.memref_slice %arg3[%add3A_637] : memref<640000xi32, #tpu.memory_space<hbm>> -> memref<128xi32, #tpu.memory_space<hbm>>
    %dma_start3A_639 = tpu.memref_slice %arg3[%add3A_637] : memref<640000xi32, #tpu.memory_space<hbm>> -> memref<128xi32, #tpu.memory_space<hbm>>
    tpu.enqueue_dma source(%dma_start3A_639 : memref<128xi32, #tpu.memory_space<hbm>>) target(%arg6 : memref<128xi32, #tpu.memory_space<vmem>>) target_semaphore(%arg13 : memref<!tpu.dma_semaphore, #tpu.memory_space<semaphore_mem>>)
    %dma_start3A_640 = arith.constant 4864 : i32
    %dma_start3A_641 = tpu.memref_slice %arg5[%dma_start3A_640] : memref<4992xi32, #tpu.memory_space<vmem>> -> memref<128xi32, #tpu.memory_space<vmem>>
    %dma_start3A_642 = arith.constant 0 : i32
    %dma_start3A_643 = arith.constant 0 : i32
    %dma_start3A_644 = tpu.memref_slice %arg2[%dma_start3A_642, %dma_start3A_643] : memref<10000x128xf32, #tpu.memory_space<hbm>> -> memref<10000x128xf32, #tpu.memory_space<hbm>>
    tpu.enqueue_indirect_dma source(%dma_start3A_644 : memref<10000x128xf32, #tpu.memory_space<hbm>>) target(%arg8 : memref<128x128xf32, #tpu.memory_space<vmem>>) offsets(%dma_start3A_641 : memref<128xi32, #tpu.memory_space<vmem>>) semaphore(%arg11 : memref<!tpu.dma_semaphore, #tpu.memory_space<semaphore_mem>>)
    %dma_wait3A_645 = arith.constant 4736 : i32
    %dma_wait3A_646 = tpu.memref_slice %arg5[%dma_wait3A_645] : memref<4992xi32, #tpu.memory_space<vmem>> -> memref<128xi32, #tpu.memory_space<vmem>>
    %dma_wait3A_647 = arith.constant 0 : i32
    %dma_wait3A_648 = arith.constant 0 : i32
    %dma_wait3A_649 = tpu.memref_slice %arg2[%dma_wait3A_647, %dma_wait3A_648] : memref<10000x128xf32, #tpu.memory_space<hbm>> -> memref<10000x128xf32, #tpu.memory_space<hbm>>
    tpu.wait_indirect_dma semaphore(%arg12 : memref<!tpu.dma_semaphore, #tpu.memory_space<semaphore_mem>>) src(%dma_wait3A_649 : memref<10000x128xf32, #tpu.memory_space<hbm>>) dst(%arg9 : memref<128x128xf32, #tpu.memory_space<vmem>>)
    "tpu.region"() ({
      %run_scoped3A = tpu.sem_alloc : memref<!tpu.dma_semaphore, #tpu.memory_space<semaphore_mem>>
      %dma_start3A_1351 = arith.constant 0 : i32
      %dma_start3A_1352 = arith.constant 0 : i32
      %dma_start3A_1353 = tpu.memref_slice %arg10[%dma_start3A_1351, %dma_start3A_1352] : memref<10000x128xf32, #tpu.memory_space<vmem_shared>> -> memref<10000x128xf32, #tpu.memory_space<vmem_shared>>
      tpu.enqueue_indirect_dma source(%arg9 : memref<128x128xf32, #tpu.memory_space<vmem>>) target(%dma_start3A_1353 : memref<10000x128xf32, #tpu.memory_space<vmem_shared>>) offsets(%arg7 : memref<128xi32, #tpu.memory_space<vmem>>) semaphore(%run_scoped3A : memref<!tpu.dma_semaphore, #tpu.memory_space<semaphore_mem>>) {add = true}
      %dma_wait3A_1354 = arith.constant 0 : i32
      %dma_wait3A_1355 = arith.constant 0 : i32
      %dma_wait3A_1356 = tpu.memref_slice %arg10[%dma_wait3A_1354, %dma_wait3A_1355] : memref<10000x128xf32, #tpu.memory_space<vmem_shared>> -> memref<10000x128xf32, #tpu.memory_space<vmem_shared>>
      tpu.wait_indirect_dma semaphore(%run_scoped3A : memref<!tpu.dma_semaphore, #tpu.memory_space<semaphore_mem>>) src(%arg9 : memref<128x128xf32, #tpu.memory_space<vmem>>) dst(%dma_wait3A_1356 : memref<10000x128xf32, #tpu.memory_space<vmem_shared>>)
      tpu.yield
    }) : () -> ()
    %dma_wait3A_650 = tpu.memref_slice %arg3[%add3A_38] : memref<640000xi32, #tpu.memory_space<hbm>> -> memref<128xi32, #tpu.memory_space<hbm>>
    %dma_wait3A_651 = tpu.memref_slice %arg3[%add3A_38] : memref<640000xi32, #tpu.memory_space<hbm>> -> memref<128xi32, #tpu.memory_space<hbm>>
    tpu.wait_dma2 semaphore(%arg13 : memref<!tpu.dma_semaphore, #tpu.memory_space<semaphore_mem>>) src(%dma_wait3A_651 : memref<128xi32, #tpu.memory_space<hbm>>) dst(%arg6 : memref<128xi32, #tpu.memory_space<vmem>>)
    %add3A_652 = arith.constant 4992 : i32
    %add3A_653 = arith.addi %add3A_38, %add3A_652 : i32
    %dma_start3A_654 = tpu.memref_slice %arg3[%add3A_653] : memref<640000xi32, #tpu.memory_space<hbm>> -> memref<8xi32, #tpu.memory_space<hbm>>
    %dma_start3A_655 = tpu.memref_slice %arg3[%add3A_653] : memref<640000xi32, #tpu.memory_space<hbm>> -> memref<8xi32, #tpu.memory_space<hbm>>
    tpu.enqueue_dma source(%dma_start3A_655 : memref<8xi32, #tpu.memory_space<hbm>>) target(%arg15 : memref<8xi32, #tpu.memory_space<vmem>>) target_semaphore(%arg13 : memref<!tpu.dma_semaphore, #tpu.memory_space<semaphore_mem>>)
    %dma_start3A_656 = arith.constant 0 : i32
    %dma_start3A_657 = arith.constant 0 : i32
    %dma_start3A_658 = tpu.memref_slice %arg2[%dma_start3A_656, %dma_start3A_657] : memref<10000x128xf32, #tpu.memory_space<hbm>> -> memref<10000x128xf32, #tpu.memory_space<hbm>>
    tpu.enqueue_indirect_dma source(%dma_start3A_658 : memref<10000x128xf32, #tpu.memory_space<hbm>>) target(%arg16 : memref<8x128xf32, #tpu.memory_space<vmem>>) offsets(%arg14 : memref<8xi32, #tpu.memory_space<vmem>>) semaphore(%arg12 : memref<!tpu.dma_semaphore, #tpu.memory_space<semaphore_mem>>)
    %dma_wait3A_659 = arith.constant 4864 : i32
    %dma_wait3A_660 = tpu.memref_slice %arg5[%dma_wait3A_659] : memref<4992xi32, #tpu.memory_space<vmem>> -> memref<128xi32, #tpu.memory_space<vmem>>
    %dma_wait3A_661 = arith.constant 0 : i32
    %dma_wait3A_662 = arith.constant 0 : i32
    %dma_wait3A_663 = tpu.memref_slice %arg2[%dma_wait3A_661, %dma_wait3A_662] : memref<10000x128xf32, #tpu.memory_space<hbm>> -> memref<10000x128xf32, #tpu.memory_space<hbm>>
    tpu.wait_indirect_dma semaphore(%arg11 : memref<!tpu.dma_semaphore, #tpu.memory_space<semaphore_mem>>) src(%dma_wait3A_663 : memref<10000x128xf32, #tpu.memory_space<hbm>>) dst(%arg8 : memref<128x128xf32, #tpu.memory_space<vmem>>)
    "tpu.region"() ({
      %run_scoped3A = tpu.sem_alloc : memref<!tpu.dma_semaphore, #tpu.memory_space<semaphore_mem>>
      %dma_start3A_1351 = arith.constant 0 : i32
      %dma_start3A_1352 = arith.constant 0 : i32
      %dma_start3A_1353 = tpu.memref_slice %arg10[%dma_start3A_1351, %dma_start3A_1352] : memref<10000x128xf32, #tpu.memory_space<vmem_shared>> -> memref<10000x128xf32, #tpu.memory_space<vmem_shared>>
      tpu.enqueue_indirect_dma source(%arg8 : memref<128x128xf32, #tpu.memory_space<vmem>>) target(%dma_start3A_1353 : memref<10000x128xf32, #tpu.memory_space<vmem_shared>>) offsets(%arg6 : memref<128xi32, #tpu.memory_space<vmem>>) semaphore(%run_scoped3A : memref<!tpu.dma_semaphore, #tpu.memory_space<semaphore_mem>>) {add = true}
      %dma_wait3A_1354 = arith.constant 0 : i32
      %dma_wait3A_1355 = arith.constant 0 : i32
      %dma_wait3A_1356 = tpu.memref_slice %arg10[%dma_wait3A_1354, %dma_wait3A_1355] : memref<10000x128xf32, #tpu.memory_space<vmem_shared>> -> memref<10000x128xf32, #tpu.memory_space<vmem_shared>>
      tpu.wait_indirect_dma semaphore(%run_scoped3A : memref<!tpu.dma_semaphore, #tpu.memory_space<semaphore_mem>>) src(%arg8 : memref<128x128xf32, #tpu.memory_space<vmem>>) dst(%dma_wait3A_1356 : memref<10000x128xf32, #tpu.memory_space<vmem_shared>>)
      tpu.yield
    }) : () -> ()
    %dma_wait3A_664 = tpu.memref_slice %arg3[%add3A_38] : memref<640000xi32, #tpu.memory_space<hbm>> -> memref<8xi32, #tpu.memory_space<hbm>>
    %dma_wait3A_665 = tpu.memref_slice %arg3[%add3A_38] : memref<640000xi32, #tpu.memory_space<hbm>> -> memref<8xi32, #tpu.memory_space<hbm>>
    tpu.wait_dma2 semaphore(%arg13 : memref<!tpu.dma_semaphore, #tpu.memory_space<semaphore_mem>>) src(%dma_wait3A_665 : memref<8xi32, #tpu.memory_space<hbm>>) dst(%arg15 : memref<8xi32, #tpu.memory_space<vmem>>)
    %dma_wait3A_666 = arith.constant 0 : i32
    %dma_wait3A_667 = arith.constant 0 : i32
    %dma_wait3A_668 = tpu.memref_slice %arg2[%dma_wait3A_666, %dma_wait3A_667] : memref<10000x128xf32, #tpu.memory_space<hbm>> -> memref<10000x128xf32, #tpu.memory_space<hbm>>
    tpu.wait_indirect_dma semaphore(%arg12 : memref<!tpu.dma_semaphore, #tpu.memory_space<semaphore_mem>>) src(%dma_wait3A_668 : memref<10000x128xf32, #tpu.memory_space<hbm>>) dst(%arg16 : memref<8x128xf32, #tpu.memory_space<vmem>>)
    "tpu.region"() ({
      %run_scoped3A = tpu.sem_alloc : memref<!tpu.dma_semaphore, #tpu.memory_space<semaphore_mem>>
      %dma_start3A_1351 = arith.constant 0 : i32
      %dma_start3A_1352 = arith.constant 0 : i32
      %dma_start3A_1353 = tpu.memref_slice %arg10[%dma_start3A_1351, %dma_start3A_1352] : memref<10000x128xf32, #tpu.memory_space<vmem_shared>> -> memref<10000x128xf32, #tpu.memory_space<vmem_shared>>
      tpu.enqueue_indirect_dma source(%arg16 : memref<8x128xf32, #tpu.memory_space<vmem>>) target(%dma_start3A_1353 : memref<10000x128xf32, #tpu.memory_space<vmem_shared>>) offsets(%arg15 : memref<8xi32, #tpu.memory_space<vmem>>) semaphore(%run_scoped3A : memref<!tpu.dma_semaphore, #tpu.memory_space<semaphore_mem>>) {add = true}
      %dma_wait3A_1354 = arith.constant 0 : i32
      %dma_wait3A_1355 = arith.constant 0 : i32
      %dma_wait3A_1356 = tpu.memref_slice %arg10[%dma_wait3A_1354, %dma_wait3A_1355] : memref<10000x128xf32, #tpu.memory_space<vmem_shared>> -> memref<10000x128xf32, #tpu.memory_space<vmem_shared>>
      tpu.wait_indirect_dma semaphore(%run_scoped3A : memref<!tpu.dma_semaphore, #tpu.memory_space<semaphore_mem>>) src(%arg16 : memref<8x128xf32, #tpu.memory_space<vmem>>) dst(%dma_wait3A_1356 : memref<10000x128xf32, #tpu.memory_space<vmem_shared>>)
      tpu.yield
    }) : () -> ()
    %barrier3A_669 = arith.constant 0 : index
    tpu.barrier barrier_id(%barrier3A_669)
    "tpu.region"() ({
      %run_scoped3A = tpu.sem_alloc : memref<!tpu.dma_semaphore, #tpu.memory_space<semaphore_mem>>
      %dma_start3A_1351 = arith.constant 0 : i32
      %dma_start3A_1352 = tpu.memref_slice %arg4[%add3A_9, %mul3A_2, %dma_start3A_1351] : memref<4x10000x128xf32, #tpu.memory_space<hbm>> -> memref<1x624x128xf32, #tpu.memory_space<hbm>>
      %dma_start3A_1353 = tpu.memref_squeeze %dma_start3A_1352 : memref<1x624x128xf32, #tpu.memory_space<hbm>> -> memref<624x128xf32, #tpu.memory_space<hbm>>
      %dma_start3A_1354 = arith.constant 0 : i32
      %dma_start3A_1355 = tpu.memref_slice %arg10[%mul3A_2, %dma_start3A_1354] : memref<10000x128xf32, #tpu.memory_space<vmem_shared>> -> memref<624x128xf32, #tpu.memory_space<vmem_shared>>
      tpu.enqueue_dma source(%dma_start3A_1355 : memref<624x128xf32, #tpu.memory_space<vmem_shared>>) target(%dma_start3A_1353 : memref<624x128xf32, #tpu.memory_space<hbm>>) target_semaphore(%run_scoped3A : memref<!tpu.dma_semaphore, #tpu.memory_space<semaphore_mem>>)
      %dma_wait3A_1356 = arith.constant 0 : i32
      %dma_wait3A_1357 = tpu.memref_slice %arg4[%add3A_9, %mul3A_2, %dma_wait3A_1356] : memref<4x10000x128xf32, #tpu.memory_space<hbm>> -> memref<1x624x128xf32, #tpu.memory_space<hbm>>
      %dma_wait3A_1358 = tpu.memref_squeeze %dma_wait3A_1357 : memref<1x624x128xf32, #tpu.memory_space<hbm>> -> memref<624x128xf32, #tpu.memory_space<hbm>>
      %dma_wait3A_1359 = arith.constant 0 : i32
      %dma_wait3A_1360 = tpu.memref_slice %arg10[%mul3A_2, %dma_wait3A_1359] : memref<10000x128xf32, #tpu.memory_space<vmem_shared>> -> memref<624x128xf32, #tpu.memory_space<vmem_shared>>
      tpu.wait_dma2 semaphore(%run_scoped3A : memref<!tpu.dma_semaphore, #tpu.memory_space<semaphore_mem>>) src(%dma_wait3A_1360 : memref<624x128xf32, #tpu.memory_space<vmem_shared>>) dst(%dma_wait3A_1358 : memref<624x128xf32, #tpu.memory_space<hbm>>)
      tpu.yield
    }) : () -> ()
    %lt3A_670 = arith.constant 2 : i32
    %lt3A_671 = arith.cmpi slt, %arg1, %lt3A_670 : i32
    %convert_element_type3A_672 = arith.extui %lt3A_671 : i1 to i32
    %cond3A_673 = arith.constant 0 : i32
    %cond3A_674 = arith.cmpi ne, %convert_element_type3A_672, %cond3A_673 : i32
    scf.if %cond3A_674 {
      "tpu.region"() ({
        %run_scoped3A = tpu.sem_alloc : memref<!tpu.dma_semaphore, #tpu.memory_space<semaphore_mem>>
        %dma_start3A_1351 = arith.constant 0 : i32
        %dma_start3A_1352 = tpu.memref_slice %arg4[%add3A_9, %add3A_5, %dma_start3A_1351] : memref<4x10000x128xf32, #tpu.memory_space<hbm>> -> memref<1x8x128xf32, #tpu.memory_space<hbm>>
        %dma_start3A_1353 = tpu.memref_squeeze %dma_start3A_1352 : memref<1x8x128xf32, #tpu.memory_space<hbm>> -> memref<8x128xf32, #tpu.memory_space<hbm>>
        %dma_start3A_1354 = arith.constant 0 : i32
        %dma_start3A_1355 = tpu.memref_slice %arg10[%add3A_5, %dma_start3A_1354] : memref<10000x128xf32, #tpu.memory_space<vmem_shared>> -> memref<8x128xf32, #tpu.memory_space<vmem_shared>>
        tpu.enqueue_dma source(%dma_start3A_1355 : memref<8x128xf32, #tpu.memory_space<vmem_shared>>) target(%dma_start3A_1353 : memref<8x128xf32, #tpu.memory_space<hbm>>) target_semaphore(%run_scoped3A : memref<!tpu.dma_semaphore, #tpu.memory_space<semaphore_mem>>)
        %dma_wait3A_1356 = arith.constant 0 : i32
        %dma_wait3A_1357 = tpu.memref_slice %arg4[%add3A_9, %add3A_5, %dma_wait3A_1356] : memref<4x10000x128xf32, #tpu.memory_space<hbm>> -> memref<1x8x128xf32, #tpu.memory_space<hbm>>
        %dma_wait3A_1358 = tpu.memref_squeeze %dma_wait3A_1357 : memref<1x8x128xf32, #tpu.memory_space<hbm>> -> memref<8x128xf32, #tpu.memory_space<hbm>>
        %dma_wait3A_1359 = arith.constant 0 : i32
        %dma_wait3A_1360 = tpu.memref_slice %arg10[%add3A_5, %dma_wait3A_1359] : memref<10000x128xf32, #tpu.memory_space<vmem_shared>> -> memref<8x128xf32, #tpu.memory_space<vmem_shared>>
        tpu.wait_dma2 semaphore(%run_scoped3A : memref<!tpu.dma_semaphore, #tpu.memory_space<semaphore_mem>>) src(%dma_wait3A_1360 : memref<8x128xf32, #tpu.memory_space<vmem_shared>>) dst(%dma_wait3A_1358 : memref<8x128xf32, #tpu.memory_space<hbm>>)
        tpu.yield
      }) : () -> ()
    } else {
    }
    %mul3A_675 = arith.constant 2 : i32
    %mul3A_676 = arith.muli %arg0, %mul3A_675 : i32
    %add3A_677 = arith.constant 1 : i32
    %add3A_678 = arith.addi %mul3A_676, %add3A_677 : i32
    %scan3A_679 = arith.constant 0 : i32
    %scan3A_680 = arith.constant 0 : i32
    %scan3A_681 = arith.constant 128 : i32
    %scan3A_682 = arith.addi %scan3A_680, %scan3A_681 : i32
    %scan3A_683 = arith.constant 1 : i32
    scf.for %scan3A_1351 = %scan3A_680 to %scan3A_682 step %scan3A_683  : i32 {
      %broadcast_in_dim3A = arith.constant 0.000000e+00 : f32
      %broadcast_in_dim3A_1352 = vector.broadcast %broadcast_in_dim3A : f32 to vector<16xf32>
      %swap3A = arith.index_cast %scan3A_1351 : i32 to index
      %swap3A_1353 = arith.constant 0 : index
      %swap3A_1354 = tpu.vector_load %arg8[%swap3A, %swap3A_1353] {strides = array<i32>} : memref<128x128xf32, #tpu.memory_space<vmem>>, vector<1x16xf32>,
      %swap3A_1355 = vector.shape_cast %swap3A_1354 : vector<1x16xf32> to vector<16xf32>
      %swap3A_1356 = vector.shape_cast %broadcast_in_dim3A_1352 : vector<16xf32> to vector<1x16xf32>
      tpu.vector_store %arg8[%swap3A, %swap3A_1353], %swap3A_1356 {strides = array<i32>} : memref<128x128xf32, #tpu.memory_space<vmem>>, vector<1x16xf32>,
      %broadcast_in_dim3A_1357 = arith.constant 0.000000e+00 : f32
      %broadcast_in_dim3A_1358 = vector.broadcast %broadcast_in_dim3A_1357 : f32 to vector<16xf32>
      %swap3A_1359 = arith.index_cast %scan3A_1351 : i32 to index
      %swap3A_1360 = arith.constant 16 : index
      %swap3A_1361 = tpu.vector_load %arg8[%swap3A_1359, %swap3A_1360] {strides = array<i32>} : memref<128x128xf32, #tpu.memory_space<vmem>>, vector<1x16xf32>,
      %swap3A_1362 = vector.shape_cast %swap3A_1361 : vector<1x16xf32> to vector<16xf32>
      %swap3A_1363 = vector.shape_cast %broadcast_in_dim3A_1358 : vector<16xf32> to vector<1x16xf32>
      tpu.vector_store %arg8[%swap3A_1359, %swap3A_1360], %swap3A_1363 {strides = array<i32>} : memref<128x128xf32, #tpu.memory_space<vmem>>, vector<1x16xf32>,
      %broadcast_in_dim3A_1364 = arith.constant 0.000000e+00 : f32
      %broadcast_in_dim3A_1365 = vector.broadcast %broadcast_in_dim3A_1364 : f32 to vector<16xf32>
      %swap3A_1366 = arith.index_cast %scan3A_1351 : i32 to index
      %swap3A_1367 = arith.constant 32 : index
      %swap3A_1368 = tpu.vector_load %arg8[%swap3A_1366, %swap3A_1367] {strides = array<i32>} : memref<128x128xf32, #tpu.memory_space<vmem>>, vector<1x16xf32>,
      %swap3A_1369 = vector.shape_cast %swap3A_1368 : vector<1x16xf32> to vector<16xf32>
      %swap3A_1370 = vector.shape_cast %broadcast_in_dim3A_1365 : vector<16xf32> to vector<1x16xf32>
      tpu.vector_store %arg8[%swap3A_1366, %swap3A_1367], %swap3A_1370 {strides = array<i32>} : memref<128x128xf32, #tpu.memory_space<vmem>>, vector<1x16xf32>,
      %broadcast_in_dim3A_1371 = arith.constant 0.000000e+00 : f32
      %broadcast_in_dim3A_1372 = vector.broadcast %broadcast_in_dim3A_1371 : f32 to vector<16xf32>
      %swap3A_1373 = arith.index_cast %scan3A_1351 : i32 to index
      %swap3A_1374 = arith.constant 48 : index
      %swap3A_1375 = tpu.vector_load %arg8[%swap3A_1373, %swap3A_1374] {strides = array<i32>} : memref<128x128xf32, #tpu.memory_space<vmem>>, vector<1x16xf32>,
      %swap3A_1376 = vector.shape_cast %swap3A_1375 : vector<1x16xf32> to vector<16xf32>
      %swap3A_1377 = vector.shape_cast %broadcast_in_dim3A_1372 : vector<16xf32> to vector<1x16xf32>
      tpu.vector_store %arg8[%swap3A_1373, %swap3A_1374], %swap3A_1377 {strides = array<i32>} : memref<128x128xf32, #tpu.memory_space<vmem>>, vector<1x16xf32>,
      %broadcast_in_dim3A_1378 = arith.constant 0.000000e+00 : f32
      %broadcast_in_dim3A_1379 = vector.broadcast %broadcast_in_dim3A_1378 : f32 to vector<16xf32>
      %swap3A_1380 = arith.index_cast %scan3A_1351 : i32 to index
      %swap3A_1381 = arith.constant 64 : index
      %swap3A_1382 = tpu.vector_load %arg8[%swap3A_1380, %swap3A_1381] {strides = array<i32>} : memref<128x128xf32, #tpu.memory_space<vmem>>, vector<1x16xf32>,
      %swap3A_1383 = vector.shape_cast %swap3A_1382 : vector<1x16xf32> to vector<16xf32>
      %swap3A_1384 = vector.shape_cast %broadcast_in_dim3A_1379 : vector<16xf32> to vector<1x16xf32>
      tpu.vector_store %arg8[%swap3A_1380, %swap3A_1381], %swap3A_1384 {strides = array<i32>} : memref<128x128xf32, #tpu.memory_space<vmem>>, vector<1x16xf32>,
      %broadcast_in_dim3A_1385 = arith.constant 0.000000e+00 : f32
      %broadcast_in_dim3A_1386 = vector.broadcast %broadcast_in_dim3A_1385 : f32 to vector<16xf32>
      %swap3A_1387 = arith.index_cast %scan3A_1351 : i32 to index
      %swap3A_1388 = arith.constant 80 : index
      %swap3A_1389 = tpu.vector_load %arg8[%swap3A_1387, %swap3A_1388] {strides = array<i32>} : memref<128x128xf32, #tpu.memory_space<vmem>>, vector<1x16xf32>,
      %swap3A_1390 = vector.shape_cast %swap3A_1389 : vector<1x16xf32> to vector<16xf32>
      %swap3A_1391 = vector.shape_cast %broadcast_in_dim3A_1386 : vector<16xf32> to vector<1x16xf32>
      tpu.vector_store %arg8[%swap3A_1387, %swap3A_1388], %swap3A_1391 {strides = array<i32>} : memref<128x128xf32, #tpu.memory_space<vmem>>, vector<1x16xf32>,
      %broadcast_in_dim3A_1392 = arith.constant 0.000000e+00 : f32
      %broadcast_in_dim3A_1393 = vector.broadcast %broadcast_in_dim3A_1392 : f32 to vector<16xf32>
      %swap3A_1394 = arith.index_cast %scan3A_1351 : i32 to index
      %swap3A_1395 = arith.constant 96 : index
      %swap3A_1396 = tpu.vector_load %arg8[%swap3A_1394, %swap3A_1395] {strides = array<i32>} : memref<128x128xf32, #tpu.memory_space<vmem>>, vector<1x16xf32>,
      %swap3A_1397 = vector.shape_cast %swap3A_1396 : vector<1x16xf32> to vector<16xf32>
      %swap3A_1398 = vector.shape_cast %broadcast_in_dim3A_1393 : vector<16xf32> to vector<1x16xf32>
      tpu.vector_store %arg8[%swap3A_1394, %swap3A_1395], %swap3A_1398 {strides = array<i32>} : memref<128x128xf32, #tpu.memory_space<vmem>>, vector<1x16xf32>,
      %broadcast_in_dim3A_1399 = arith.constant 0.000000e+00 : f32
      %broadcast_in_dim3A_1400 = vector.broadcast %broadcast_in_dim3A_1399 : f32 to vector<16xf32>
      %swap3A_1401 = arith.index_cast %scan3A_1351 : i32 to index
      %swap3A_1402 = arith.constant 112 : index
      %swap3A_1403 = tpu.vector_load %arg8[%swap3A_1401, %swap3A_1402] {strides = array<i32>} : memref<128x128xf32, #tpu.memory_space<vmem>>, vector<1x16xf32>,
      %swap3A_1404 = vector.shape_cast %swap3A_1403 : vector<1x16xf32> to vector<16xf32>
      %swap3A_1405 = vector.shape_cast %broadcast_in_dim3A_1400 : vector<16xf32> to vector<1x16xf32>
      tpu.vector_store %arg8[%swap3A_1401, %swap3A_1402], %swap3A_1405 {strides = array<i32>} : memref<128x128xf32, #tpu.memory_space<vmem>>, vector<1x16xf32>,
    }
    %scan3A_684 = arith.constant 128 : i32
    %add3A_685 = arith.constant 0 : i32
    %add3A_686 = arith.addi %mul3A_2, %add3A_685 : i32
    "tpu.region"() ({
      %run_scoped3A = tpu.sem_alloc : memref<!tpu.dma_semaphore, #tpu.memory_space<semaphore_mem>>
      %dma_start3A_1351 = arith.constant 0 : i32
      %dma_start3A_1352 = tpu.memref_slice %arg10[%add3A_686, %dma_start3A_1351] : memref<10000x128xf32, #tpu.memory_space<vmem_shared>> -> memref<128x128xf32, #tpu.memory_space<vmem_shared>>
      %dma_start3A_1353 = arith.constant 0 : i32
      %dma_start3A_1354 = tpu.memref_slice %arg10[%add3A_686, %dma_start3A_1353] : memref<10000x128xf32, #tpu.memory_space<vmem_shared>> -> memref<128x128xf32, #tpu.memory_space<vmem_shared>>
      tpu.enqueue_dma source(%arg8 : memref<128x128xf32, #tpu.memory_space<vmem>>) target(%dma_start3A_1354 : memref<128x128xf32, #tpu.memory_space<vmem_shared>>) target_semaphore(%run_scoped3A : memref<!tpu.dma_semaphore, #tpu.memory_space<semaphore_mem>>)
      %dma_wait3A_1355 = arith.constant 0 : i32
      %dma_wait3A_1356 = tpu.memref_slice %arg10[%add3A_686, %dma_wait3A_1355] : memref<10000x128xf32, #tpu.memory_space<vmem_shared>> -> memref<128x128xf32, #tpu.memory_space<vmem_shared>>
      %dma_wait3A_1357 = arith.constant 0 : i32
      %dma_wait3A_1358 = tpu.memref_slice %arg10[%add3A_686, %dma_wait3A_1357] : memref<10000x128xf32, #tpu.memory_space<vmem_shared>> -> memref<128x128xf32, #tpu.memory_space<vmem_shared>>
      tpu.wait_dma2 semaphore(%run_scoped3A : memref<!tpu.dma_semaphore, #tpu.memory_space<semaphore_mem>>) src(%arg8 : memref<128x128xf32, #tpu.memory_space<vmem>>) dst(%dma_wait3A_1358 : memref<128x128xf32, #tpu.memory_space<vmem_shared>>)
      tpu.yield
    }) : () -> ()
    %add3A_687 = arith.constant 128 : i32
    %add3A_688 = arith.addi %mul3A_2, %add3A_687 : i32
    "tpu.region"() ({
      %run_scoped3A = tpu.sem_alloc : memref<!tpu.dma_semaphore, #tpu.memory_space<semaphore_mem>>
      %dma_start3A_1351 = arith.constant 0 : i32
      %dma_start3A_1352 = tpu.memref_slice %arg10[%add3A_688, %dma_start3A_1351] : memref<10000x128xf32, #tpu.memory_space<vmem_shared>> -> memref<128x128xf32, #tpu.memory_space<vmem_shared>>
      %dma_start3A_1353 = arith.constant 0 : i32
      %dma_start3A_1354 = tpu.memref_slice %arg10[%add3A_688, %dma_start3A_1353] : memref<10000x128xf32, #tpu.memory_space<vmem_shared>> -> memref<128x128xf32, #tpu.memory_space<vmem_shared>>
      tpu.enqueue_dma source(%arg8 : memref<128x128xf32, #tpu.memory_space<vmem>>) target(%dma_start3A_1354 : memref<128x128xf32, #tpu.memory_space<vmem_shared>>) target_semaphore(%run_scoped3A : memref<!tpu.dma_semaphore, #tpu.memory_space<semaphore_mem>>)
      %dma_wait3A_1355 = arith.constant 0 : i32
      %dma_wait3A_1356 = tpu.memref_slice %arg10[%add3A_688, %dma_wait3A_1355] : memref<10000x128xf32, #tpu.memory_space<vmem_shared>> -> memref<128x128xf32, #tpu.memory_space<vmem_shared>>
      %dma_wait3A_1357 = arith.constant 0 : i32
      %dma_wait3A_1358 = tpu.memref_slice %arg10[%add3A_688, %dma_wait3A_1357] : memref<10000x128xf32, #tpu.memory_space<vmem_shared>> -> memref<128x128xf32, #tpu.memory_space<vmem_shared>>
      tpu.wait_dma2 semaphore(%run_scoped3A : memref<!tpu.dma_semaphore, #tpu.memory_space<semaphore_mem>>) src(%arg8 : memref<128x128xf32, #tpu.memory_space<vmem>>) dst(%dma_wait3A_1358 : memref<128x128xf32, #tpu.memory_space<vmem_shared>>)
      tpu.yield
    }) : () -> ()
    %add3A_689 = arith.constant 256 : i32
    %add3A_690 = arith.addi %mul3A_2, %add3A_689 : i32
    "tpu.region"() ({
      %run_scoped3A = tpu.sem_alloc : memref<!tpu.dma_semaphore, #tpu.memory_space<semaphore_mem>>
      %dma_start3A_1351 = arith.constant 0 : i32
      %dma_start3A_1352 = tpu.memref_slice %arg10[%add3A_690, %dma_start3A_1351] : memref<10000x128xf32, #tpu.memory_space<vmem_shared>> -> memref<128x128xf32, #tpu.memory_space<vmem_shared>>
      %dma_start3A_1353 = arith.constant 0 : i32
      %dma_start3A_1354 = tpu.memref_slice %arg10[%add3A_690, %dma_start3A_1353] : memref<10000x128xf32, #tpu.memory_space<vmem_shared>> -> memref<128x128xf32, #tpu.memory_space<vmem_shared>>
      tpu.enqueue_dma source(%arg8 : memref<128x128xf32, #tpu.memory_space<vmem>>) target(%dma_start3A_1354 : memref<128x128xf32, #tpu.memory_space<vmem_shared>>) target_semaphore(%run_scoped3A : memref<!tpu.dma_semaphore, #tpu.memory_space<semaphore_mem>>)
      %dma_wait3A_1355 = arith.constant 0 : i32
      %dma_wait3A_1356 = tpu.memref_slice %arg10[%add3A_690, %dma_wait3A_1355] : memref<10000x128xf32, #tpu.memory_space<vmem_shared>> -> memref<128x128xf32, #tpu.memory_space<vmem_shared>>
      %dma_wait3A_1357 = arith.constant 0 : i32
      %dma_wait3A_1358 = tpu.memref_slice %arg10[%add3A_690, %dma_wait3A_1357] : memref<10000x128xf32, #tpu.memory_space<vmem_shared>> -> memref<128x128xf32, #tpu.memory_space<vmem_shared>>
      tpu.wait_dma2 semaphore(%run_scoped3A : memref<!tpu.dma_semaphore, #tpu.memory_space<semaphore_mem>>) src(%arg8 : memref<128x128xf32, #tpu.memory_space<vmem>>) dst(%dma_wait3A_1358 : memref<128x128xf32, #tpu.memory_space<vmem_shared>>)
      tpu.yield
    }) : () -> ()
    %add3A_691 = arith.constant 384 : i32
    %add3A_692 = arith.addi %mul3A_2, %add3A_691 : i32
    "tpu.region"() ({
      %run_scoped3A = tpu.sem_alloc : memref<!tpu.dma_semaphore, #tpu.memory_space<semaphore_mem>>
      %dma_start3A_1351 = arith.constant 0 : i32
      %dma_start3A_1352 = tpu.memref_slice %arg10[%add3A_692, %dma_start3A_1351] : memref<10000x128xf32, #tpu.memory_space<vmem_shared>> -> memref<128x128xf32, #tpu.memory_space<vmem_shared>>
      %dma_start3A_1353 = arith.constant 0 : i32
      %dma_start3A_1354 = tpu.memref_slice %arg10[%add3A_692, %dma_start3A_1353] : memref<10000x128xf32, #tpu.memory_space<vmem_shared>> -> memref<128x128xf32, #tpu.memory_space<vmem_shared>>
      tpu.enqueue_dma source(%arg8 : memref<128x128xf32, #tpu.memory_space<vmem>>) target(%dma_start3A_1354 : memref<128x128xf32, #tpu.memory_space<vmem_shared>>) target_semaphore(%run_scoped3A : memref<!tpu.dma_semaphore, #tpu.memory_space<semaphore_mem>>)
      %dma_wait3A_1355 = arith.constant 0 : i32
      %dma_wait3A_1356 = tpu.memref_slice %arg10[%add3A_692, %dma_wait3A_1355] : memref<10000x128xf32, #tpu.memory_space<vmem_shared>> -> memref<128x128xf32, #tpu.memory_space<vmem_shared>>
      %dma_wait3A_1357 = arith.constant 0 : i32
      %dma_wait3A_1358 = tpu.memref_slice %arg10[%add3A_692, %dma_wait3A_1357] : memref<10000x128xf32, #tpu.memory_space<vmem_shared>> -> memref<128x128xf32, #tpu.memory_space<vmem_shared>>
      tpu.wait_dma2 semaphore(%run_scoped3A : memref<!tpu.dma_semaphore, #tpu.memory_space<semaphore_mem>>) src(%arg8 : memref<128x128xf32, #tpu.memory_space<vmem>>) dst(%dma_wait3A_1358 : memref<128x128xf32, #tpu.memory_space<vmem_shared>>)
      tpu.yield
    }) : () -> ()
    %add3A_693 = arith.constant 512 : i32
    %add3A_694 = arith.addi %mul3A_2, %add3A_693 : i32
    "tpu.region"() ({
      %run_scoped3A = tpu.sem_alloc : memref<!tpu.dma_semaphore, #tpu.memory_space<semaphore_mem>>
      %dma_start3A_1351 = arith.constant 0 : i32
      %dma_start3A_1352 = arith.constant 0 : i32
      %dma_start3A_1353 = tpu.memref_slice %arg8[%dma_start3A_1351, %dma_start3A_1352] : memref<128x128xf32, #tpu.memory_space<vmem>> -> memref<112x128xf32, #tpu.memory_space<vmem>>
      %dma_start3A_1354 = arith.constant 0 : i32
      %dma_start3A_1355 = tpu.memref_slice %arg10[%add3A_694, %dma_start3A_1354] : memref<10000x128xf32, #tpu.memory_space<vmem_shared>> -> memref<112x128xf32, #tpu.memory_space<vmem_shared>>
      %dma_start3A_1356 = arith.constant 0 : i32
      %dma_start3A_1357 = tpu.memref_slice %arg10[%add3A_694, %dma_start3A_1356] : memref<10000x128xf32, #tpu.memory_space<vmem_shared>> -> memref<112x128xf32, #tpu.memory_space<vmem_shared>>
      %dma_start3A_1358 = arith.constant 0 : i32
      %dma_start3A_1359 = arith.constant 0 : i32
      %dma_start3A_1360 = tpu.memref_slice %arg8[%dma_start3A_1358, %dma_start3A_1359] : memref<128x128xf32, #tpu.memory_space<vmem>> -> memref<112x128xf32, #tpu.memory_space<vmem>>
      tpu.enqueue_dma source(%dma_start3A_1360 : memref<112x128xf32, #tpu.memory_space<vmem>>) target(%dma_start3A_1357 : memref<112x128xf32, #tpu.memory_space<vmem_shared>>) target_semaphore(%run_scoped3A : memref<!tpu.dma_semaphore, #tpu.memory_space<semaphore_mem>>)
      %dma_wait3A_1361 = arith.constant 0 : i32
      %dma_wait3A_1362 = arith.constant 0 : i32
      %dma_wait3A_1363 = tpu.memref_slice %arg8[%dma_wait3A_1361, %dma_wait3A_1362] : memref<128x128xf32, #tpu.memory_space<vmem>> -> memref<112x128xf32, #tpu.memory_space<vmem>>
      %dma_wait3A_1364 = arith.constant 0 : i32
      %dma_wait3A_1365 = tpu.memref_slice %arg10[%add3A_694, %dma_wait3A_1364] : memref<10000x128xf32, #tpu.memory_space<vmem_shared>> -> memref<112x128xf32, #tpu.memory_space<vmem_shared>>
      %dma_wait3A_1366 = arith.constant 0 : i32
      %dma_wait3A_1367 = tpu.memref_slice %arg10[%add3A_694, %dma_wait3A_1366] : memref<10000x128xf32, #tpu.memory_space<vmem_shared>> -> memref<112x128xf32, #tpu.memory_space<vmem_shared>>
      %dma_wait3A_1368 = arith.constant 0 : i32
      %dma_wait3A_1369 = arith.constant 0 : i32
      %dma_wait3A_1370 = tpu.memref_slice %arg8[%dma_wait3A_1368, %dma_wait3A_1369] : memref<128x128xf32, #tpu.memory_space<vmem>> -> memref<112x128xf32, #tpu.memory_space<vmem>>
      tpu.wait_dma2 semaphore(%run_scoped3A : memref<!tpu.dma_semaphore, #tpu.memory_space<semaphore_mem>>) src(%dma_wait3A_1370 : memref<112x128xf32, #tpu.memory_space<vmem>>) dst(%dma_wait3A_1367 : memref<112x128xf32, #tpu.memory_space<vmem_shared>>)
      tpu.yield
    }) : () -> ()
    %lt3A_695 = arith.constant 2 : i32
    %lt3A_696 = arith.cmpi slt, %arg1, %lt3A_695 : i32
    %convert_element_type3A_697 = arith.extui %lt3A_696 : i1 to i32
    %cond3A_698 = arith.constant 0 : i32
    %cond3A_699 = arith.cmpi ne, %convert_element_type3A_697, %cond3A_698 : i32
    scf.if %cond3A_699 {
      "tpu.region"() ({
        %run_scoped3A = tpu.sem_alloc : memref<!tpu.dma_semaphore, #tpu.memory_space<semaphore_mem>>
        %dma_start3A_1351 = arith.constant 0 : i32
        %dma_start3A_1352 = arith.constant 0 : i32
        %dma_start3A_1353 = tpu.memref_slice %arg8[%dma_start3A_1351, %dma_start3A_1352] : memref<128x128xf32, #tpu.memory_space<vmem>> -> memref<8x128xf32, #tpu.memory_space<vmem>>
        %dma_start3A_1354 = arith.constant 0 : i32
        %dma_start3A_1355 = tpu.memref_slice %arg10[%add3A_5, %dma_start3A_1354] : memref<10000x128xf32, #tpu.memory_space<vmem_shared>> -> memref<8x128xf32, #tpu.memory_space<vmem_shared>>
        %dma_start3A_1356 = arith.constant 0 : i32
        %dma_start3A_1357 = tpu.memref_slice %arg10[%add3A_5, %dma_start3A_1356] : memref<10000x128xf32, #tpu.memory_space<vmem_shared>> -> memref<8x128xf32, #tpu.memory_space<vmem_shared>>
        %dma_start3A_1358 = arith.constant 0 : i32
        %dma_start3A_1359 = arith.constant 0 : i32
        %dma_start3A_1360 = tpu.memref_slice %arg8[%dma_start3A_1358, %dma_start3A_1359] : memref<128x128xf32, #tpu.memory_space<vmem>> -> memref<8x128xf32, #tpu.memory_space<vmem>>
        tpu.enqueue_dma source(%dma_start3A_1360 : memref<8x128xf32, #tpu.memory_space<vmem>>) target(%dma_start3A_1357 : memref<8x128xf32, #tpu.memory_space<vmem_shared>>) target_semaphore(%run_scoped3A : memref<!tpu.dma_semaphore, #tpu.memory_space<semaphore_mem>>)
        %dma_wait3A_1361 = arith.constant 0 : i32
        %dma_wait3A_1362 = arith.constant 0 : i32
        %dma_wait3A_1363 = tpu.memref_slice %arg8[%dma_wait3A_1361, %dma_wait3A_1362] : memref<128x128xf32, #tpu.memory_space<vmem>> -> memref<8x128xf32, #tpu.memory_space<vmem>>
        %dma_wait3A_1364 = arith.constant 0 : i32
        %dma_wait3A_1365 = tpu.memref_slice %arg10[%add3A_5, %dma_wait3A_1364] : memref<10000x128xf32, #tpu.memory_space<vmem_shared>> -> memref<8x128xf32, #tpu.memory_space<vmem_shared>>
        %dma_wait3A_1366 = arith.constant 0 : i32
        %dma_wait3A_1367 = tpu.memref_slice %arg10[%add3A_5, %dma_wait3A_1366] : memref<10000x128xf32, #tpu.memory_space<vmem_shared>> -> memref<8x128xf32, #tpu.memory_space<vmem_shared>>
        %dma_wait3A_1368 = arith.constant 0 : i32
        %dma_wait3A_1369 = arith.constant 0 : i32
        %dma_wait3A_1370 = tpu.memref_slice %arg8[%dma_wait3A_1368, %dma_wait3A_1369] : memref<128x128xf32, #tpu.memory_space<vmem>> -> memref<8x128xf32, #tpu.memory_space<vmem>>
        tpu.wait_dma2 semaphore(%run_scoped3A : memref<!tpu.dma_semaphore, #tpu.memory_space<semaphore_mem>>) src(%dma_wait3A_1370 : memref<8x128xf32, #tpu.memory_space<vmem>>) dst(%dma_wait3A_1367 : memref<8x128xf32, #tpu.memory_space<vmem_shared>>)
        tpu.yield
      }) : () -> ()
    } else {
    }
    %barrier3A_700 = arith.constant 0 : index
    tpu.barrier barrier_id(%barrier3A_700)
    %mul3A_701 = arith.constant 2 : i32
    %mul3A_702 = arith.muli %mul3A_701, %add3A_678 : i32
    %mul3A_703 = arith.constant 80000 : i32
    %mul3A_704 = arith.muli %mul3A_702, %mul3A_703 : i32
    %add3A_705 = arith.addi %mul3A_704, %mul3A_0 : i32
    %mul3A_706 = arith.constant 2 : i32
    %mul3A_707 = arith.muli %mul3A_706, %add3A_678 : i32
    %add3A_708 = arith.constant 1 : i32
    %add3A_709 = arith.addi %mul3A_707, %add3A_708 : i32
    %mul3A_710 = arith.constant 80000 : i32
    %mul3A_711 = arith.muli %add3A_709, %mul3A_710 : i32
    %add3A_712 = arith.addi %mul3A_711, %mul3A_0 : i32
    "tpu.region"() ({
      %run_scoped3A = tpu.sem_alloc : memref<!tpu.dma_semaphore, #tpu.memory_space<semaphore_mem>>
      %dma_start3A_1351 = tpu.memref_slice %arg3[%add3A_705] : memref<640000xi32, #tpu.memory_space<hbm>> -> memref<4992xi32, #tpu.memory_space<hbm>>
      %dma_start3A_1352 = tpu.memref_slice %arg3[%add3A_705] : memref<640000xi32, #tpu.memory_space<hbm>> -> memref<4992xi32, #tpu.memory_space<hbm>>
      tpu.enqueue_dma source(%dma_start3A_1352 : memref<4992xi32, #tpu.memory_space<hbm>>) target(%arg5 : memref<4992xi32, #tpu.memory_space<vmem>>) target_semaphore(%run_scoped3A : memref<!tpu.dma_semaphore, #tpu.memory_space<semaphore_mem>>)
      %dma_wait3A_1353 = tpu.memref_slice %arg3[%add3A_705] : memref<640000xi32, #tpu.memory_space<hbm>> -> memref<4992xi32, #tpu.memory_space<hbm>>
      %dma_wait3A_1354 = tpu.memref_slice %arg3[%add3A_705] : memref<640000xi32, #tpu.memory_space<hbm>> -> memref<4992xi32, #tpu.memory_space<hbm>>
      tpu.wait_dma2 semaphore(%run_scoped3A : memref<!tpu.dma_semaphore, #tpu.memory_space<semaphore_mem>>) src(%dma_wait3A_1354 : memref<4992xi32, #tpu.memory_space<hbm>>) dst(%arg5 : memref<4992xi32, #tpu.memory_space<vmem>>)
      tpu.yield
    }) : () -> ()
    "tpu.region"() ({
      %run_scoped3A = tpu.sem_alloc : memref<!tpu.dma_semaphore, #tpu.memory_space<semaphore_mem>>
      %dma_start3A_1351 = tpu.memref_slice %arg3[%add3A_712] : memref<640000xi32, #tpu.memory_space<hbm>> -> memref<128xi32, #tpu.memory_space<hbm>>
      %dma_start3A_1352 = tpu.memref_slice %arg3[%add3A_712] : memref<640000xi32, #tpu.memory_space<hbm>> -> memref<128xi32, #tpu.memory_space<hbm>>
      tpu.enqueue_dma source(%dma_start3A_1352 : memref<128xi32, #tpu.memory_space<hbm>>) target(%arg6 : memref<128xi32, #tpu.memory_space<vmem>>) target_semaphore(%run_scoped3A : memref<!tpu.dma_semaphore, #tpu.memory_space<semaphore_mem>>)
      %dma_wait3A_1353 = tpu.memref_slice %arg3[%add3A_712] : memref<640000xi32, #tpu.memory_space<hbm>> -> memref<128xi32, #tpu.memory_space<hbm>>
      %dma_wait3A_1354 = tpu.memref_slice %arg3[%add3A_712] : memref<640000xi32, #tpu.memory_space<hbm>> -> memref<128xi32, #tpu.memory_space<hbm>>
      tpu.wait_dma2 semaphore(%run_scoped3A : memref<!tpu.dma_semaphore, #tpu.memory_space<semaphore_mem>>) src(%dma_wait3A_1354 : memref<128xi32, #tpu.memory_space<hbm>>) dst(%arg6 : memref<128xi32, #tpu.memory_space<vmem>>)
      tpu.yield
    }) : () -> ()
    %add3A_713 = arith.constant 4992 : i32
    %add3A_714 = arith.addi %add3A_705, %add3A_713 : i32
    "tpu.region"() ({
      %run_scoped3A = tpu.sem_alloc : memref<!tpu.dma_semaphore, #tpu.memory_space<semaphore_mem>>
      %dma_start3A_1351 = tpu.memref_slice %arg3[%add3A_714] : memref<640000xi32, #tpu.memory_space<hbm>> -> memref<8xi32, #tpu.memory_space<hbm>>
      %dma_start3A_1352 = tpu.memref_slice %arg3[%add3A_714] : memref<640000xi32, #tpu.memory_space<hbm>> -> memref<8xi32, #tpu.memory_space<hbm>>
      tpu.enqueue_dma source(%dma_start3A_1352 : memref<8xi32, #tpu.memory_space<hbm>>) target(%arg14 : memref<8xi32, #tpu.memory_space<vmem>>) target_semaphore(%run_scoped3A : memref<!tpu.dma_semaphore, #tpu.memory_space<semaphore_mem>>)
      %dma_wait3A_1353 = tpu.memref_slice %arg3[%add3A_714] : memref<640000xi32, #tpu.memory_space<hbm>> -> memref<8xi32, #tpu.memory_space<hbm>>
      %dma_wait3A_1354 = tpu.memref_slice %arg3[%add3A_714] : memref<640000xi32, #tpu.memory_space<hbm>> -> memref<8xi32, #tpu.memory_space<hbm>>
      tpu.wait_dma2 semaphore(%run_scoped3A : memref<!tpu.dma_semaphore, #tpu.memory_space<semaphore_mem>>) src(%dma_wait3A_1354 : memref<8xi32, #tpu.memory_space<hbm>>) dst(%arg14 : memref<8xi32, #tpu.memory_space<vmem>>)
      tpu.yield
    }) : () -> ()
    %dma_start3A_715 = arith.constant 0 : i32
    %dma_start3A_716 = tpu.memref_slice %arg5[%dma_start3A_715] : memref<4992xi32, #tpu.memory_space<vmem>> -> memref<128xi32, #tpu.memory_space<vmem>>
    %dma_start3A_717 = arith.constant 0 : i32
    %dma_start3A_718 = arith.constant 0 : i32
    %dma_start3A_719 = tpu.memref_slice %arg2[%dma_start3A_717, %dma_start3A_718] : memref<10000x128xf32, #tpu.memory_space<hbm>> -> memref<10000x128xf32, #tpu.memory_space<hbm>>
    tpu.enqueue_indirect_dma source(%dma_start3A_719 : memref<10000x128xf32, #tpu.memory_space<hbm>>) target(%arg8 : memref<128x128xf32, #tpu.memory_space<vmem>>) offsets(%dma_start3A_716 : memref<128xi32, #tpu.memory_space<vmem>>) semaphore(%arg11 : memref<!tpu.dma_semaphore, #tpu.memory_space<semaphore_mem>>)
    %add3A_720 = arith.constant 128 : i32
    %add3A_721 = arith.addi %add3A_712, %add3A_720 : i32
    %dma_start3A_722 = tpu.memref_slice %arg3[%add3A_721] : memref<640000xi32, #tpu.memory_space<hbm>> -> memref<128xi32, #tpu.memory_space<hbm>>
    %dma_start3A_723 = tpu.memref_slice %arg3[%add3A_721] : memref<640000xi32, #tpu.memory_space<hbm>> -> memref<128xi32, #tpu.memory_space<hbm>>
    tpu.enqueue_dma source(%dma_start3A_723 : memref<128xi32, #tpu.memory_space<hbm>>) target(%arg7 : memref<128xi32, #tpu.memory_space<vmem>>) target_semaphore(%arg13 : memref<!tpu.dma_semaphore, #tpu.memory_space<semaphore_mem>>)
    %dma_start3A_724 = arith.constant 128 : i32
    %dma_start3A_725 = tpu.memref_slice %arg5[%dma_start3A_724] : memref<4992xi32, #tpu.memory_space<vmem>> -> memref<128xi32, #tpu.memory_space<vmem>>
    %dma_start3A_726 = arith.constant 0 : i32
    %dma_start3A_727 = arith.constant 0 : i32
    %dma_start3A_728 = tpu.memref_slice %arg2[%dma_start3A_726, %dma_start3A_727] : memref<10000x128xf32, #tpu.memory_space<hbm>> -> memref<10000x128xf32, #tpu.memory_space<hbm>>
    tpu.enqueue_indirect_dma source(%dma_start3A_728 : memref<10000x128xf32, #tpu.memory_space<hbm>>) target(%arg9 : memref<128x128xf32, #tpu.memory_space<vmem>>) offsets(%dma_start3A_725 : memref<128xi32, #tpu.memory_space<vmem>>) semaphore(%arg12 : memref<!tpu.dma_semaphore, #tpu.memory_space<semaphore_mem>>)
    %dma_wait3A_729 = arith.constant 0 : i32
    %dma_wait3A_730 = tpu.memref_slice %arg5[%dma_wait3A_729] : memref<4992xi32, #tpu.memory_space<vmem>> -> memref<128xi32, #tpu.memory_space<vmem>>
    %dma_wait3A_731 = arith.constant 0 : i32
    %dma_wait3A_732 = arith.constant 0 : i32
    %dma_wait3A_733 = tpu.memref_slice %arg2[%dma_wait3A_731, %dma_wait3A_732] : memref<10000x128xf32, #tpu.memory_space<hbm>> -> memref<10000x128xf32, #tpu.memory_space<hbm>>
    tpu.wait_indirect_dma semaphore(%arg11 : memref<!tpu.dma_semaphore, #tpu.memory_space<semaphore_mem>>) src(%dma_wait3A_733 : memref<10000x128xf32, #tpu.memory_space<hbm>>) dst(%arg8 : memref<128x128xf32, #tpu.memory_space<vmem>>)
    "tpu.region"() ({
      %run_scoped3A = tpu.sem_alloc : memref<!tpu.dma_semaphore, #tpu.memory_space<semaphore_mem>>
      %dma_start3A_1351 = arith.constant 0 : i32
      %dma_start3A_1352 = arith.constant 0 : i32
      %dma_start3A_1353 = tpu.memref_slice %arg10[%dma_start3A_1351, %dma_start3A_1352] : memref<10000x128xf32, #tpu.memory_space<vmem_shared>> -> memref<10000x128xf32, #tpu.memory_space<vmem_shared>>
      tpu.enqueue_indirect_dma source(%arg8 : memref<128x128xf32, #tpu.memory_space<vmem>>) target(%dma_start3A_1353 : memref<10000x128xf32, #tpu.memory_space<vmem_shared>>) offsets(%arg6 : memref<128xi32, #tpu.memory_space<vmem>>) semaphore(%run_scoped3A : memref<!tpu.dma_semaphore, #tpu.memory_space<semaphore_mem>>) {add = true}
      %dma_wait3A_1354 = arith.constant 0 : i32
      %dma_wait3A_1355 = arith.constant 0 : i32
      %dma_wait3A_1356 = tpu.memref_slice %arg10[%dma_wait3A_1354, %dma_wait3A_1355] : memref<10000x128xf32, #tpu.memory_space<vmem_shared>> -> memref<10000x128xf32, #tpu.memory_space<vmem_shared>>
      tpu.wait_indirect_dma semaphore(%run_scoped3A : memref<!tpu.dma_semaphore, #tpu.memory_space<semaphore_mem>>) src(%arg8 : memref<128x128xf32, #tpu.memory_space<vmem>>) dst(%dma_wait3A_1356 : memref<10000x128xf32, #tpu.memory_space<vmem_shared>>)
      tpu.yield
    }) : () -> ()
    %dma_wait3A_734 = tpu.memref_slice %arg3[%add3A_712] : memref<640000xi32, #tpu.memory_space<hbm>> -> memref<128xi32, #tpu.memory_space<hbm>>
    %dma_wait3A_735 = tpu.memref_slice %arg3[%add3A_712] : memref<640000xi32, #tpu.memory_space<hbm>> -> memref<128xi32, #tpu.memory_space<hbm>>
    tpu.wait_dma2 semaphore(%arg13 : memref<!tpu.dma_semaphore, #tpu.memory_space<semaphore_mem>>) src(%dma_wait3A_735 : memref<128xi32, #tpu.memory_space<hbm>>) dst(%arg7 : memref<128xi32, #tpu.memory_space<vmem>>)
    %add3A_736 = arith.constant 256 : i32
    %add3A_737 = arith.addi %add3A_712, %add3A_736 : i32
    %dma_start3A_738 = tpu.memref_slice %arg3[%add3A_737] : memref<640000xi32, #tpu.memory_space<hbm>> -> memref<128xi32, #tpu.memory_space<hbm>>
    %dma_start3A_739 = tpu.memref_slice %arg3[%add3A_737] : memref<640000xi32, #tpu.memory_space<hbm>> -> memref<128xi32, #tpu.memory_space<hbm>>
    tpu.enqueue_dma source(%dma_start3A_739 : memref<128xi32, #tpu.memory_space<hbm>>) target(%arg6 : memref<128xi32, #tpu.memory_space<vmem>>) target_semaphore(%arg13 : memref<!tpu.dma_semaphore, #tpu.memory_space<semaphore_mem>>)
    %dma_start3A_740 = arith.constant 256 : i32
    %dma_start3A_741 = tpu.memref_slice %arg5[%dma_start3A_740] : memref<4992xi32, #tpu.memory_space<vmem>> -> memref<128xi32, #tpu.memory_space<vmem>>
    %dma_start3A_742 = arith.constant 0 : i32
    %dma_start3A_743 = arith.constant 0 : i32
    %dma_start3A_744 = tpu.memref_slice %arg2[%dma_start3A_742, %dma_start3A_743] : memref<10000x128xf32, #tpu.memory_space<hbm>> -> memref<10000x128xf32, #tpu.memory_space<hbm>>
    tpu.enqueue_indirect_dma source(%dma_start3A_744 : memref<10000x128xf32, #tpu.memory_space<hbm>>) target(%arg8 : memref<128x128xf32, #tpu.memory_space<vmem>>) offsets(%dma_start3A_741 : memref<128xi32, #tpu.memory_space<vmem>>) semaphore(%arg11 : memref<!tpu.dma_semaphore, #tpu.memory_space<semaphore_mem>>)
    %dma_wait3A_745 = arith.constant 128 : i32
    %dma_wait3A_746 = tpu.memref_slice %arg5[%dma_wait3A_745] : memref<4992xi32, #tpu.memory_space<vmem>> -> memref<128xi32, #tpu.memory_space<vmem>>
    %dma_wait3A_747 = arith.constant 0 : i32
    %dma_wait3A_748 = arith.constant 0 : i32
    %dma_wait3A_749 = tpu.memref_slice %arg2[%dma_wait3A_747, %dma_wait3A_748] : memref<10000x128xf32, #tpu.memory_space<hbm>> -> memref<10000x128xf32, #tpu.memory_space<hbm>>
    tpu.wait_indirect_dma semaphore(%arg12 : memref<!tpu.dma_semaphore, #tpu.memory_space<semaphore_mem>>) src(%dma_wait3A_749 : memref<10000x128xf32, #tpu.memory_space<hbm>>) dst(%arg9 : memref<128x128xf32, #tpu.memory_space<vmem>>)
    "tpu.region"() ({
      %run_scoped3A = tpu.sem_alloc : memref<!tpu.dma_semaphore, #tpu.memory_space<semaphore_mem>>
      %dma_start3A_1351 = arith.constant 0 : i32
      %dma_start3A_1352 = arith.constant 0 : i32
      %dma_start3A_1353 = tpu.memref_slice %arg10[%dma_start3A_1351, %dma_start3A_1352] : memref<10000x128xf32, #tpu.memory_space<vmem_shared>> -> memref<10000x128xf32, #tpu.memory_space<vmem_shared>>
      tpu.enqueue_indirect_dma source(%arg9 : memref<128x128xf32, #tpu.memory_space<vmem>>) target(%dma_start3A_1353 : memref<10000x128xf32, #tpu.memory_space<vmem_shared>>) offsets(%arg7 : memref<128xi32, #tpu.memory_space<vmem>>) semaphore(%run_scoped3A : memref<!tpu.dma_semaphore, #tpu.memory_space<semaphore_mem>>) {add = true}
      %dma_wait3A_1354 = arith.constant 0 : i32
      %dma_wait3A_1355 = arith.constant 0 : i32
      %dma_wait3A_1356 = tpu.memref_slice %arg10[%dma_wait3A_1354, %dma_wait3A_1355] : memref<10000x128xf32, #tpu.memory_space<vmem_shared>> -> memref<10000x128xf32, #tpu.memory_space<vmem_shared>>
      tpu.wait_indirect_dma semaphore(%run_scoped3A : memref<!tpu.dma_semaphore, #tpu.memory_space<semaphore_mem>>) src(%arg9 : memref<128x128xf32, #tpu.memory_space<vmem>>) dst(%dma_wait3A_1356 : memref<10000x128xf32, #tpu.memory_space<vmem_shared>>)
      tpu.yield
    }) : () -> ()
    %dma_wait3A_750 = tpu.memref_slice %arg3[%add3A_712] : memref<640000xi32, #tpu.memory_space<hbm>> -> memref<128xi32, #tpu.memory_space<hbm>>
    %dma_wait3A_751 = tpu.memref_slice %arg3[%add3A_712] : memref<640000xi32, #tpu.memory_space<hbm>> -> memref<128xi32, #tpu.memory_space<hbm>>
    tpu.wait_dma2 semaphore(%arg13 : memref<!tpu.dma_semaphore, #tpu.memory_space<semaphore_mem>>) src(%dma_wait3A_751 : memref<128xi32, #tpu.memory_space<hbm>>) dst(%arg6 : memref<128xi32, #tpu.memory_space<vmem>>)
    %add3A_752 = arith.constant 384 : i32
    %add3A_753 = arith.addi %add3A_712, %add3A_752 : i32
    %dma_start3A_754 = tpu.memref_slice %arg3[%add3A_753] : memref<640000xi32, #tpu.memory_space<hbm>> -> memref<128xi32, #tpu.memory_space<hbm>>
    %dma_start3A_755 = tpu.memref_slice %arg3[%add3A_753] : memref<640000xi32, #tpu.memory_space<hbm>> -> memref<128xi32, #tpu.memory_space<hbm>>
    tpu.enqueue_dma source(%dma_start3A_755 : memref<128xi32, #tpu.memory_space<hbm>>) target(%arg7 : memref<128xi32, #tpu.memory_space<vmem>>) target_semaphore(%arg13 : memref<!tpu.dma_semaphore, #tpu.memory_space<semaphore_mem>>)
    %dma_start3A_756 = arith.constant 384 : i32
    %dma_start3A_757 = tpu.memref_slice %arg5[%dma_start3A_756] : memref<4992xi32, #tpu.memory_space<vmem>> -> memref<128xi32, #tpu.memory_space<vmem>>
    %dma_start3A_758 = arith.constant 0 : i32
    %dma_start3A_759 = arith.constant 0 : i32
    %dma_start3A_760 = tpu.memref_slice %arg2[%dma_start3A_758, %dma_start3A_759] : memref<10000x128xf32, #tpu.memory_space<hbm>> -> memref<10000x128xf32, #tpu.memory_space<hbm>>
    tpu.enqueue_indirect_dma source(%dma_start3A_760 : memref<10000x128xf32, #tpu.memory_space<hbm>>) target(%arg9 : memref<128x128xf32, #tpu.memory_space<vmem>>) offsets(%dma_start3A_757 : memref<128xi32, #tpu.memory_space<vmem>>) semaphore(%arg12 : memref<!tpu.dma_semaphore, #tpu.memory_space<semaphore_mem>>)
    %dma_wait3A_761 = arith.constant 256 : i32
    %dma_wait3A_762 = tpu.memref_slice %arg5[%dma_wait3A_761] : memref<4992xi32, #tpu.memory_space<vmem>> -> memref<128xi32, #tpu.memory_space<vmem>>
    %dma_wait3A_763 = arith.constant 0 : i32
    %dma_wait3A_764 = arith.constant 0 : i32
    %dma_wait3A_765 = tpu.memref_slice %arg2[%dma_wait3A_763, %dma_wait3A_764] : memref<10000x128xf32, #tpu.memory_space<hbm>> -> memref<10000x128xf32, #tpu.memory_space<hbm>>
    tpu.wait_indirect_dma semaphore(%arg11 : memref<!tpu.dma_semaphore, #tpu.memory_space<semaphore_mem>>) src(%dma_wait3A_765 : memref<10000x128xf32, #tpu.memory_space<hbm>>) dst(%arg8 : memref<128x128xf32, #tpu.memory_space<vmem>>)
    "tpu.region"() ({
      %run_scoped3A = tpu.sem_alloc : memref<!tpu.dma_semaphore, #tpu.memory_space<semaphore_mem>>
      %dma_start3A_1351 = arith.constant 0 : i32
      %dma_start3A_1352 = arith.constant 0 : i32
      %dma_start3A_1353 = tpu.memref_slice %arg10[%dma_start3A_1351, %dma_start3A_1352] : memref<10000x128xf32, #tpu.memory_space<vmem_shared>> -> memref<10000x128xf32, #tpu.memory_space<vmem_shared>>
      tpu.enqueue_indirect_dma source(%arg8 : memref<128x128xf32, #tpu.memory_space<vmem>>) target(%dma_start3A_1353 : memref<10000x128xf32, #tpu.memory_space<vmem_shared>>) offsets(%arg6 : memref<128xi32, #tpu.memory_space<vmem>>) semaphore(%run_scoped3A : memref<!tpu.dma_semaphore, #tpu.memory_space<semaphore_mem>>) {add = true}
      %dma_wait3A_1354 = arith.constant 0 : i32
      %dma_wait3A_1355 = arith.constant 0 : i32
      %dma_wait3A_1356 = tpu.memref_slice %arg10[%dma_wait3A_1354, %dma_wait3A_1355] : memref<10000x128xf32, #tpu.memory_space<vmem_shared>> -> memref<10000x128xf32, #tpu.memory_space<vmem_shared>>
      tpu.wait_indirect_dma semaphore(%run_scoped3A : memref<!tpu.dma_semaphore, #tpu.memory_space<semaphore_mem>>) src(%arg8 : memref<128x128xf32, #tpu.memory_space<vmem>>) dst(%dma_wait3A_1356 : memref<10000x128xf32, #tpu.memory_space<vmem_shared>>)
      tpu.yield
    }) : () -> ()
    %dma_wait3A_766 = tpu.memref_slice %arg3[%add3A_712] : memref<640000xi32, #tpu.memory_space<hbm>> -> memref<128xi32, #tpu.memory_space<hbm>>
    %dma_wait3A_767 = tpu.memref_slice %arg3[%add3A_712] : memref<640000xi32, #tpu.memory_space<hbm>> -> memref<128xi32, #tpu.memory_space<hbm>>
    tpu.wait_dma2 semaphore(%arg13 : memref<!tpu.dma_semaphore, #tpu.memory_space<semaphore_mem>>) src(%dma_wait3A_767 : memref<128xi32, #tpu.memory_space<hbm>>) dst(%arg7 : memref<128xi32, #tpu.memory_space<vmem>>)
    %add3A_768 = arith.constant 512 : i32
    %add3A_769 = arith.addi %add3A_712, %add3A_768 : i32
    %dma_start3A_770 = tpu.memref_slice %arg3[%add3A_769] : memref<640000xi32, #tpu.memory_space<hbm>> -> memref<128xi32, #tpu.memory_space<hbm>>
    %dma_start3A_771 = tpu.memref_slice %arg3[%add3A_769] : memref<640000xi32, #tpu.memory_space<hbm>> -> memref<128xi32, #tpu.memory_space<hbm>>
    tpu.enqueue_dma source(%dma_start3A_771 : memref<128xi32, #tpu.memory_space<hbm>>) target(%arg6 : memref<128xi32, #tpu.memory_space<vmem>>) target_semaphore(%arg13 : memref<!tpu.dma_semaphore, #tpu.memory_space<semaphore_mem>>)
    %dma_start3A_772 = arith.constant 512 : i32
    %dma_start3A_773 = tpu.memref_slice %arg5[%dma_start3A_772] : memref<4992xi32, #tpu.memory_space<vmem>> -> memref<128xi32, #tpu.memory_space<vmem>>
    %dma_start3A_774 = arith.constant 0 : i32
    %dma_start3A_775 = arith.constant 0 : i32
    %dma_start3A_776 = tpu.memref_slice %arg2[%dma_start3A_774, %dma_start3A_775] : memref<10000x128xf32, #tpu.memory_space<hbm>> -> memref<10000x128xf32, #tpu.memory_space<hbm>>
    tpu.enqueue_indirect_dma source(%dma_start3A_776 : memref<10000x128xf32, #tpu.memory_space<hbm>>) target(%arg8 : memref<128x128xf32, #tpu.memory_space<vmem>>) offsets(%dma_start3A_773 : memref<128xi32, #tpu.memory_space<vmem>>) semaphore(%arg11 : memref<!tpu.dma_semaphore, #tpu.memory_space<semaphore_mem>>)
    %dma_wait3A_777 = arith.constant 384 : i32
    %dma_wait3A_778 = tpu.memref_slice %arg5[%dma_wait3A_777] : memref<4992xi32, #tpu.memory_space<vmem>> -> memref<128xi32, #tpu.memory_space<vmem>>
    %dma_wait3A_779 = arith.constant 0 : i32
    %dma_wait3A_780 = arith.constant 0 : i32
    %dma_wait3A_781 = tpu.memref_slice %arg2[%dma_wait3A_779, %dma_wait3A_780] : memref<10000x128xf32, #tpu.memory_space<hbm>> -> memref<10000x128xf32, #tpu.memory_space<hbm>>
    tpu.wait_indirect_dma semaphore(%arg12 : memref<!tpu.dma_semaphore, #tpu.memory_space<semaphore_mem>>) src(%dma_wait3A_781 : memref<10000x128xf32, #tpu.memory_space<hbm>>) dst(%arg9 : memref<128x128xf32, #tpu.memory_space<vmem>>)
    "tpu.region"() ({
      %run_scoped3A = tpu.sem_alloc : memref<!tpu.dma_semaphore, #tpu.memory_space<semaphore_mem>>
      %dma_start3A_1351 = arith.constant 0 : i32
      %dma_start3A_1352 = arith.constant 0 : i32
      %dma_start3A_1353 = tpu.memref_slice %arg10[%dma_start3A_1351, %dma_start3A_1352] : memref<10000x128xf32, #tpu.memory_space<vmem_shared>> -> memref<10000x128xf32, #tpu.memory_space<vmem_shared>>
      tpu.enqueue_indirect_dma source(%arg9 : memref<128x128xf32, #tpu.memory_space<vmem>>) target(%dma_start3A_1353 : memref<10000x128xf32, #tpu.memory_space<vmem_shared>>) offsets(%arg7 : memref<128xi32, #tpu.memory_space<vmem>>) semaphore(%run_scoped3A : memref<!tpu.dma_semaphore, #tpu.memory_space<semaphore_mem>>) {add = true}
      %dma_wait3A_1354 = arith.constant 0 : i32
      %dma_wait3A_1355 = arith.constant 0 : i32
      %dma_wait3A_1356 = tpu.memref_slice %arg10[%dma_wait3A_1354, %dma_wait3A_1355] : memref<10000x128xf32, #tpu.memory_space<vmem_shared>> -> memref<10000x128xf32, #tpu.memory_space<vmem_shared>>
      tpu.wait_indirect_dma semaphore(%run_scoped3A : memref<!tpu.dma_semaphore, #tpu.memory_space<semaphore_mem>>) src(%arg9 : memref<128x128xf32, #tpu.memory_space<vmem>>) dst(%dma_wait3A_1356 : memref<10000x128xf32, #tpu.memory_space<vmem_shared>>)
      tpu.yield
    }) : () -> ()
    %dma_wait3A_782 = tpu.memref_slice %arg3[%add3A_712] : memref<640000xi32, #tpu.memory_space<hbm>> -> memref<128xi32, #tpu.memory_space<hbm>>
    %dma_wait3A_783 = tpu.memref_slice %arg3[%add3A_712] : memref<640000xi32, #tpu.memory_space<hbm>> -> memref<128xi32, #tpu.memory_space<hbm>>
    tpu.wait_dma2 semaphore(%arg13 : memref<!tpu.dma_semaphore, #tpu.memory_space<semaphore_mem>>) src(%dma_wait3A_783 : memref<128xi32, #tpu.memory_space<hbm>>) dst(%arg6 : memref<128xi32, #tpu.memory_space<vmem>>)
    %add3A_784 = arith.constant 640 : i32
    %add3A_785 = arith.addi %add3A_712, %add3A_784 : i32
    %dma_start3A_786 = tpu.memref_slice %arg3[%add3A_785] : memref<640000xi32, #tpu.memory_space<hbm>> -> memref<128xi32, #tpu.memory_space<hbm>>
    %dma_start3A_787 = tpu.memref_slice %arg3[%add3A_785] : memref<640000xi32, #tpu.memory_space<hbm>> -> memref<128xi32, #tpu.memory_space<hbm>>
    tpu.enqueue_dma source(%dma_start3A_787 : memref<128xi32, #tpu.memory_space<hbm>>) target(%arg7 : memref<128xi32, #tpu.memory_space<vmem>>) target_semaphore(%arg13 : memref<!tpu.dma_semaphore, #tpu.memory_space<semaphore_mem>>)
    %dma_start3A_788 = arith.constant 640 : i32
    %dma_start3A_789 = tpu.memref_slice %arg5[%dma_start3A_788] : memref<4992xi32, #tpu.memory_space<vmem>> -> memref<128xi32, #tpu.memory_space<vmem>>
    %dma_start3A_790 = arith.constant 0 : i32
    %dma_start3A_791 = arith.constant 0 : i32
    %dma_start3A_792 = tpu.memref_slice %arg2[%dma_start3A_790, %dma_start3A_791] : memref<10000x128xf32, #tpu.memory_space<hbm>> -> memref<10000x128xf32, #tpu.memory_space<hbm>>
    tpu.enqueue_indirect_dma source(%dma_start3A_792 : memref<10000x128xf32, #tpu.memory_space<hbm>>) target(%arg9 : memref<128x128xf32, #tpu.memory_space<vmem>>) offsets(%dma_start3A_789 : memref<128xi32, #tpu.memory_space<vmem>>) semaphore(%arg12 : memref<!tpu.dma_semaphore, #tpu.memory_space<semaphore_mem>>)
    %dma_wait3A_793 = arith.constant 512 : i32
    %dma_wait3A_794 = tpu.memref_slice %arg5[%dma_wait3A_793] : memref<4992xi32, #tpu.memory_space<vmem>> -> memref<128xi32, #tpu.memory_space<vmem>>
    %dma_wait3A_795 = arith.constant 0 : i32
    %dma_wait3A_796 = arith.constant 0 : i32
    %dma_wait3A_797 = tpu.memref_slice %arg2[%dma_wait3A_795, %dma_wait3A_796] : memref<10000x128xf32, #tpu.memory_space<hbm>> -> memref<10000x128xf32, #tpu.memory_space<hbm>>
    tpu.wait_indirect_dma semaphore(%arg11 : memref<!tpu.dma_semaphore, #tpu.memory_space<semaphore_mem>>) src(%dma_wait3A_797 : memref<10000x128xf32, #tpu.memory_space<hbm>>) dst(%arg8 : memref<128x128xf32, #tpu.memory_space<vmem>>)
    "tpu.region"() ({
      %run_scoped3A = tpu.sem_alloc : memref<!tpu.dma_semaphore, #tpu.memory_space<semaphore_mem>>
      %dma_start3A_1351 = arith.constant 0 : i32
      %dma_start3A_1352 = arith.constant 0 : i32
      %dma_start3A_1353 = tpu.memref_slice %arg10[%dma_start3A_1351, %dma_start3A_1352] : memref<10000x128xf32, #tpu.memory_space<vmem_shared>> -> memref<10000x128xf32, #tpu.memory_space<vmem_shared>>
      tpu.enqueue_indirect_dma source(%arg8 : memref<128x128xf32, #tpu.memory_space<vmem>>) target(%dma_start3A_1353 : memref<10000x128xf32, #tpu.memory_space<vmem_shared>>) offsets(%arg6 : memref<128xi32, #tpu.memory_space<vmem>>) semaphore(%run_scoped3A : memref<!tpu.dma_semaphore, #tpu.memory_space<semaphore_mem>>) {add = true}
      %dma_wait3A_1354 = arith.constant 0 : i32
      %dma_wait3A_1355 = arith.constant 0 : i32
      %dma_wait3A_1356 = tpu.memref_slice %arg10[%dma_wait3A_1354, %dma_wait3A_1355] : memref<10000x128xf32, #tpu.memory_space<vmem_shared>> -> memref<10000x128xf32, #tpu.memory_space<vmem_shared>>
      tpu.wait_indirect_dma semaphore(%run_scoped3A : memref<!tpu.dma_semaphore, #tpu.memory_space<semaphore_mem>>) src(%arg8 : memref<128x128xf32, #tpu.memory_space<vmem>>) dst(%dma_wait3A_1356 : memref<10000x128xf32, #tpu.memory_space<vmem_shared>>)
      tpu.yield
    }) : () -> ()
    %dma_wait3A_798 = tpu.memref_slice %arg3[%add3A_712] : memref<640000xi32, #tpu.memory_space<hbm>> -> memref<128xi32, #tpu.memory_space<hbm>>
    %dma_wait3A_799 = tpu.memref_slice %arg3[%add3A_712] : memref<640000xi32, #tpu.memory_space<hbm>> -> memref<128xi32, #tpu.memory_space<hbm>>
    tpu.wait_dma2 semaphore(%arg13 : memref<!tpu.dma_semaphore, #tpu.memory_space<semaphore_mem>>) src(%dma_wait3A_799 : memref<128xi32, #tpu.memory_space<hbm>>) dst(%arg7 : memref<128xi32, #tpu.memory_space<vmem>>)
    %add3A_800 = arith.constant 768 : i32
    %add3A_801 = arith.addi %add3A_712, %add3A_800 : i32
    %dma_start3A_802 = tpu.memref_slice %arg3[%add3A_801] : memref<640000xi32, #tpu.memory_space<hbm>> -> memref<128xi32, #tpu.memory_space<hbm>>
    %dma_start3A_803 = tpu.memref_slice %arg3[%add3A_801] : memref<640000xi32, #tpu.memory_space<hbm>> -> memref<128xi32, #tpu.memory_space<hbm>>
    tpu.enqueue_dma source(%dma_start3A_803 : memref<128xi32, #tpu.memory_space<hbm>>) target(%arg6 : memref<128xi32, #tpu.memory_space<vmem>>) target_semaphore(%arg13 : memref<!tpu.dma_semaphore, #tpu.memory_space<semaphore_mem>>)
    %dma_start3A_804 = arith.constant 768 : i32
    %dma_start3A_805 = tpu.memref_slice %arg5[%dma_start3A_804] : memref<4992xi32, #tpu.memory_space<vmem>> -> memref<128xi32, #tpu.memory_space<vmem>>
    %dma_start3A_806 = arith.constant 0 : i32
    %dma_start3A_807 = arith.constant 0 : i32
    %dma_start3A_808 = tpu.memref_slice %arg2[%dma_start3A_806, %dma_start3A_807] : memref<10000x128xf32, #tpu.memory_space<hbm>> -> memref<10000x128xf32, #tpu.memory_space<hbm>>
    tpu.enqueue_indirect_dma source(%dma_start3A_808 : memref<10000x128xf32, #tpu.memory_space<hbm>>) target(%arg8 : memref<128x128xf32, #tpu.memory_space<vmem>>) offsets(%dma_start3A_805 : memref<128xi32, #tpu.memory_space<vmem>>) semaphore(%arg11 : memref<!tpu.dma_semaphore, #tpu.memory_space<semaphore_mem>>)
    %dma_wait3A_809 = arith.constant 640 : i32
    %dma_wait3A_810 = tpu.memref_slice %arg5[%dma_wait3A_809] : memref<4992xi32, #tpu.memory_space<vmem>> -> memref<128xi32, #tpu.memory_space<vmem>>
    %dma_wait3A_811 = arith.constant 0 : i32
    %dma_wait3A_812 = arith.constant 0 : i32
    %dma_wait3A_813 = tpu.memref_slice %arg2[%dma_wait3A_811, %dma_wait3A_812] : memref<10000x128xf32, #tpu.memory_space<hbm>> -> memref<10000x128xf32, #tpu.memory_space<hbm>>
    tpu.wait_indirect_dma semaphore(%arg12 : memref<!tpu.dma_semaphore, #tpu.memory_space<semaphore_mem>>) src(%dma_wait3A_813 : memref<10000x128xf32, #tpu.memory_space<hbm>>) dst(%arg9 : memref<128x128xf32, #tpu.memory_space<vmem>>)
    "tpu.region"() ({
      %run_scoped3A = tpu.sem_alloc : memref<!tpu.dma_semaphore, #tpu.memory_space<semaphore_mem>>
      %dma_start3A_1351 = arith.constant 0 : i32
      %dma_start3A_1352 = arith.constant 0 : i32
      %dma_start3A_1353 = tpu.memref_slice %arg10[%dma_start3A_1351, %dma_start3A_1352] : memref<10000x128xf32, #tpu.memory_space<vmem_shared>> -> memref<10000x128xf32, #tpu.memory_space<vmem_shared>>
      tpu.enqueue_indirect_dma source(%arg9 : memref<128x128xf32, #tpu.memory_space<vmem>>) target(%dma_start3A_1353 : memref<10000x128xf32, #tpu.memory_space<vmem_shared>>) offsets(%arg7 : memref<128xi32, #tpu.memory_space<vmem>>) semaphore(%run_scoped3A : memref<!tpu.dma_semaphore, #tpu.memory_space<semaphore_mem>>) {add = true}
      %dma_wait3A_1354 = arith.constant 0 : i32
      %dma_wait3A_1355 = arith.constant 0 : i32
      %dma_wait3A_1356 = tpu.memref_slice %arg10[%dma_wait3A_1354, %dma_wait3A_1355] : memref<10000x128xf32, #tpu.memory_space<vmem_shared>> -> memref<10000x128xf32, #tpu.memory_space<vmem_shared>>
      tpu.wait_indirect_dma semaphore(%run_scoped3A : memref<!tpu.dma_semaphore, #tpu.memory_space<semaphore_mem>>) src(%arg9 : memref<128x128xf32, #tpu.memory_space<vmem>>) dst(%dma_wait3A_1356 : memref<10000x128xf32, #tpu.memory_space<vmem_shared>>)
      tpu.yield
    }) : () -> ()
    %dma_wait3A_814 = tpu.memref_slice %arg3[%add3A_712] : memref<640000xi32, #tpu.memory_space<hbm>> -> memref<128xi32, #tpu.memory_space<hbm>>
    %dma_wait3A_815 = tpu.memref_slice %arg3[%add3A_712] : memref<640000xi32, #tpu.memory_space<hbm>> -> memref<128xi32, #tpu.memory_space<hbm>>
    tpu.wait_dma2 semaphore(%arg13 : memref<!tpu.dma_semaphore, #tpu.memory_space<semaphore_mem>>) src(%dma_wait3A_815 : memref<128xi32, #tpu.memory_space<hbm>>) dst(%arg6 : memref<128xi32, #tpu.memory_space<vmem>>)
    %add3A_816 = arith.constant 896 : i32
    %add3A_817 = arith.addi %add3A_712, %add3A_816 : i32
    %dma_start3A_818 = tpu.memref_slice %arg3[%add3A_817] : memref<640000xi32, #tpu.memory_space<hbm>> -> memref<128xi32, #tpu.memory_space<hbm>>
    %dma_start3A_819 = tpu.memref_slice %arg3[%add3A_817] : memref<640000xi32, #tpu.memory_space<hbm>> -> memref<128xi32, #tpu.memory_space<hbm>>
    tpu.enqueue_dma source(%dma_start3A_819 : memref<128xi32, #tpu.memory_space<hbm>>) target(%arg7 : memref<128xi32, #tpu.memory_space<vmem>>) target_semaphore(%arg13 : memref<!tpu.dma_semaphore, #tpu.memory_space<semaphore_mem>>)
    %dma_start3A_820 = arith.constant 896 : i32
    %dma_start3A_821 = tpu.memref_slice %arg5[%dma_start3A_820] : memref<4992xi32, #tpu.memory_space<vmem>> -> memref<128xi32, #tpu.memory_space<vmem>>
    %dma_start3A_822 = arith.constant 0 : i32
    %dma_start3A_823 = arith.constant 0 : i32
    %dma_start3A_824 = tpu.memref_slice %arg2[%dma_start3A_822, %dma_start3A_823] : memref<10000x128xf32, #tpu.memory_space<hbm>> -> memref<10000x128xf32, #tpu.memory_space<hbm>>
    tpu.enqueue_indirect_dma source(%dma_start3A_824 : memref<10000x128xf32, #tpu.memory_space<hbm>>) target(%arg9 : memref<128x128xf32, #tpu.memory_space<vmem>>) offsets(%dma_start3A_821 : memref<128xi32, #tpu.memory_space<vmem>>) semaphore(%arg12 : memref<!tpu.dma_semaphore, #tpu.memory_space<semaphore_mem>>)
    %dma_wait3A_825 = arith.constant 768 : i32
    %dma_wait3A_826 = tpu.memref_slice %arg5[%dma_wait3A_825] : memref<4992xi32, #tpu.memory_space<vmem>> -> memref<128xi32, #tpu.memory_space<vmem>>
    %dma_wait3A_827 = arith.constant 0 : i32
    %dma_wait3A_828 = arith.constant 0 : i32
    %dma_wait3A_829 = tpu.memref_slice %arg2[%dma_wait3A_827, %dma_wait3A_828] : memref<10000x128xf32, #tpu.memory_space<hbm>> -> memref<10000x128xf32, #tpu.memory_space<hbm>>
    tpu.wait_indirect_dma semaphore(%arg11 : memref<!tpu.dma_semaphore, #tpu.memory_space<semaphore_mem>>) src(%dma_wait3A_829 : memref<10000x128xf32, #tpu.memory_space<hbm>>) dst(%arg8 : memref<128x128xf32, #tpu.memory_space<vmem>>)
    "tpu.region"() ({
      %run_scoped3A = tpu.sem_alloc : memref<!tpu.dma_semaphore, #tpu.memory_space<semaphore_mem>>
      %dma_start3A_1351 = arith.constant 0 : i32
      %dma_start3A_1352 = arith.constant 0 : i32
      %dma_start3A_1353 = tpu.memref_slice %arg10[%dma_start3A_1351, %dma_start3A_1352] : memref<10000x128xf32, #tpu.memory_space<vmem_shared>> -> memref<10000x128xf32, #tpu.memory_space<vmem_shared>>
      tpu.enqueue_indirect_dma source(%arg8 : memref<128x128xf32, #tpu.memory_space<vmem>>) target(%dma_start3A_1353 : memref<10000x128xf32, #tpu.memory_space<vmem_shared>>) offsets(%arg6 : memref<128xi32, #tpu.memory_space<vmem>>) semaphore(%run_scoped3A : memref<!tpu.dma_semaphore, #tpu.memory_space<semaphore_mem>>) {add = true}
      %dma_wait3A_1354 = arith.constant 0 : i32
      %dma_wait3A_1355 = arith.constant 0 : i32
      %dma_wait3A_1356 = tpu.memref_slice %arg10[%dma_wait3A_1354, %dma_wait3A_1355] : memref<10000x128xf32, #tpu.memory_space<vmem_shared>> -> memref<10000x128xf32, #tpu.memory_space<vmem_shared>>
      tpu.wait_indirect_dma semaphore(%run_scoped3A : memref<!tpu.dma_semaphore, #tpu.memory_space<semaphore_mem>>) src(%arg8 : memref<128x128xf32, #tpu.memory_space<vmem>>) dst(%dma_wait3A_1356 : memref<10000x128xf32, #tpu.memory_space<vmem_shared>>)
      tpu.yield
    }) : () -> ()
    %dma_wait3A_830 = tpu.memref_slice %arg3[%add3A_712] : memref<640000xi32, #tpu.memory_space<hbm>> -> memref<128xi32, #tpu.memory_space<hbm>>
    %dma_wait3A_831 = tpu.memref_slice %arg3[%add3A_712] : memref<640000xi32, #tpu.memory_space<hbm>> -> memref<128xi32, #tpu.memory_space<hbm>>
    tpu.wait_dma2 semaphore(%arg13 : memref<!tpu.dma_semaphore, #tpu.memory_space<semaphore_mem>>) src(%dma_wait3A_831 : memref<128xi32, #tpu.memory_space<hbm>>) dst(%arg7 : memref<128xi32, #tpu.memory_space<vmem>>)
    %add3A_832 = arith.constant 1024 : i32
    %add3A_833 = arith.addi %add3A_712, %add3A_832 : i32
    %dma_start3A_834 = tpu.memref_slice %arg3[%add3A_833] : memref<640000xi32, #tpu.memory_space<hbm>> -> memref<128xi32, #tpu.memory_space<hbm>>
    %dma_start3A_835 = tpu.memref_slice %arg3[%add3A_833] : memref<640000xi32, #tpu.memory_space<hbm>> -> memref<128xi32, #tpu.memory_space<hbm>>
    tpu.enqueue_dma source(%dma_start3A_835 : memref<128xi32, #tpu.memory_space<hbm>>) target(%arg6 : memref<128xi32, #tpu.memory_space<vmem>>) target_semaphore(%arg13 : memref<!tpu.dma_semaphore, #tpu.memory_space<semaphore_mem>>)
    %dma_start3A_836 = arith.constant 1024 : i32
    %dma_start3A_837 = tpu.memref_slice %arg5[%dma_start3A_836] : memref<4992xi32, #tpu.memory_space<vmem>> -> memref<128xi32, #tpu.memory_space<vmem>>
    %dma_start3A_838 = arith.constant 0 : i32
    %dma_start3A_839 = arith.constant 0 : i32
    %dma_start3A_840 = tpu.memref_slice %arg2[%dma_start3A_838, %dma_start3A_839] : memref<10000x128xf32, #tpu.memory_space<hbm>> -> memref<10000x128xf32, #tpu.memory_space<hbm>>
    tpu.enqueue_indirect_dma source(%dma_start3A_840 : memref<10000x128xf32, #tpu.memory_space<hbm>>) target(%arg8 : memref<128x128xf32, #tpu.memory_space<vmem>>) offsets(%dma_start3A_837 : memref<128xi32, #tpu.memory_space<vmem>>) semaphore(%arg11 : memref<!tpu.dma_semaphore, #tpu.memory_space<semaphore_mem>>)
    %dma_wait3A_841 = arith.constant 896 : i32
    %dma_wait3A_842 = tpu.memref_slice %arg5[%dma_wait3A_841] : memref<4992xi32, #tpu.memory_space<vmem>> -> memref<128xi32, #tpu.memory_space<vmem>>
    %dma_wait3A_843 = arith.constant 0 : i32
    %dma_wait3A_844 = arith.constant 0 : i32
    %dma_wait3A_845 = tpu.memref_slice %arg2[%dma_wait3A_843, %dma_wait3A_844] : memref<10000x128xf32, #tpu.memory_space<hbm>> -> memref<10000x128xf32, #tpu.memory_space<hbm>>
    tpu.wait_indirect_dma semaphore(%arg12 : memref<!tpu.dma_semaphore, #tpu.memory_space<semaphore_mem>>) src(%dma_wait3A_845 : memref<10000x128xf32, #tpu.memory_space<hbm>>) dst(%arg9 : memref<128x128xf32, #tpu.memory_space<vmem>>)
    "tpu.region"() ({
      %run_scoped3A = tpu.sem_alloc : memref<!tpu.dma_semaphore, #tpu.memory_space<semaphore_mem>>
      %dma_start3A_1351 = arith.constant 0 : i32
      %dma_start3A_1352 = arith.constant 0 : i32
      %dma_start3A_1353 = tpu.memref_slice %arg10[%dma_start3A_1351, %dma_start3A_1352] : memref<10000x128xf32, #tpu.memory_space<vmem_shared>> -> memref<10000x128xf32, #tpu.memory_space<vmem_shared>>
      tpu.enqueue_indirect_dma source(%arg9 : memref<128x128xf32, #tpu.memory_space<vmem>>) target(%dma_start3A_1353 : memref<10000x128xf32, #tpu.memory_space<vmem_shared>>) offsets(%arg7 : memref<128xi32, #tpu.memory_space<vmem>>) semaphore(%run_scoped3A : memref<!tpu.dma_semaphore, #tpu.memory_space<semaphore_mem>>) {add = true}
      %dma_wait3A_1354 = arith.constant 0 : i32
      %dma_wait3A_1355 = arith.constant 0 : i32
      %dma_wait3A_1356 = tpu.memref_slice %arg10[%dma_wait3A_1354, %dma_wait3A_1355] : memref<10000x128xf32, #tpu.memory_space<vmem_shared>> -> memref<10000x128xf32, #tpu.memory_space<vmem_shared>>
      tpu.wait_indirect_dma semaphore(%run_scoped3A : memref<!tpu.dma_semaphore, #tpu.memory_space<semaphore_mem>>) src(%arg9 : memref<128x128xf32, #tpu.memory_space<vmem>>) dst(%dma_wait3A_1356 : memref<10000x128xf32, #tpu.memory_space<vmem_shared>>)
      tpu.yield
    }) : () -> ()
    %dma_wait3A_846 = tpu.memref_slice %arg3[%add3A_712] : memref<640000xi32, #tpu.memory_space<hbm>> -> memref<128xi32, #tpu.memory_space<hbm>>
    %dma_wait3A_847 = tpu.memref_slice %arg3[%add3A_712] : memref<640000xi32, #tpu.memory_space<hbm>> -> memref<128xi32, #tpu.memory_space<hbm>>
    tpu.wait_dma2 semaphore(%arg13 : memref<!tpu.dma_semaphore, #tpu.memory_space<semaphore_mem>>) src(%dma_wait3A_847 : memref<128xi32, #tpu.memory_space<hbm>>) dst(%arg6 : memref<128xi32, #tpu.memory_space<vmem>>)
    %add3A_848 = arith.constant 1152 : i32
    %add3A_849 = arith.addi %add3A_712, %add3A_848 : i32
    %dma_start3A_850 = tpu.memref_slice %arg3[%add3A_849] : memref<640000xi32, #tpu.memory_space<hbm>> -> memref<128xi32, #tpu.memory_space<hbm>>
    %dma_start3A_851 = tpu.memref_slice %arg3[%add3A_849] : memref<640000xi32, #tpu.memory_space<hbm>> -> memref<128xi32, #tpu.memory_space<hbm>>
    tpu.enqueue_dma source(%dma_start3A_851 : memref<128xi32, #tpu.memory_space<hbm>>) target(%arg7 : memref<128xi32, #tpu.memory_space<vmem>>) target_semaphore(%arg13 : memref<!tpu.dma_semaphore, #tpu.memory_space<semaphore_mem>>)
    %dma_start3A_852 = arith.constant 1152 : i32
    %dma_start3A_853 = tpu.memref_slice %arg5[%dma_start3A_852] : memref<4992xi32, #tpu.memory_space<vmem>> -> memref<128xi32, #tpu.memory_space<vmem>>
    %dma_start3A_854 = arith.constant 0 : i32
    %dma_start3A_855 = arith.constant 0 : i32
    %dma_start3A_856 = tpu.memref_slice %arg2[%dma_start3A_854, %dma_start3A_855] : memref<10000x128xf32, #tpu.memory_space<hbm>> -> memref<10000x128xf32, #tpu.memory_space<hbm>>
    tpu.enqueue_indirect_dma source(%dma_start3A_856 : memref<10000x128xf32, #tpu.memory_space<hbm>>) target(%arg9 : memref<128x128xf32, #tpu.memory_space<vmem>>) offsets(%dma_start3A_853 : memref<128xi32, #tpu.memory_space<vmem>>) semaphore(%arg12 : memref<!tpu.dma_semaphore, #tpu.memory_space<semaphore_mem>>)
    %dma_wait3A_857 = arith.constant 1024 : i32
    %dma_wait3A_858 = tpu.memref_slice %arg5[%dma_wait3A_857] : memref<4992xi32, #tpu.memory_space<vmem>> -> memref<128xi32, #tpu.memory_space<vmem>>
    %dma_wait3A_859 = arith.constant 0 : i32
    %dma_wait3A_860 = arith.constant 0 : i32
    %dma_wait3A_861 = tpu.memref_slice %arg2[%dma_wait3A_859, %dma_wait3A_860] : memref<10000x128xf32, #tpu.memory_space<hbm>> -> memref<10000x128xf32, #tpu.memory_space<hbm>>
    tpu.wait_indirect_dma semaphore(%arg11 : memref<!tpu.dma_semaphore, #tpu.memory_space<semaphore_mem>>) src(%dma_wait3A_861 : memref<10000x128xf32, #tpu.memory_space<hbm>>) dst(%arg8 : memref<128x128xf32, #tpu.memory_space<vmem>>)
    "tpu.region"() ({
      %run_scoped3A = tpu.sem_alloc : memref<!tpu.dma_semaphore, #tpu.memory_space<semaphore_mem>>
      %dma_start3A_1351 = arith.constant 0 : i32
      %dma_start3A_1352 = arith.constant 0 : i32
      %dma_start3A_1353 = tpu.memref_slice %arg10[%dma_start3A_1351, %dma_start3A_1352] : memref<10000x128xf32, #tpu.memory_space<vmem_shared>> -> memref<10000x128xf32, #tpu.memory_space<vmem_shared>>
      tpu.enqueue_indirect_dma source(%arg8 : memref<128x128xf32, #tpu.memory_space<vmem>>) target(%dma_start3A_1353 : memref<10000x128xf32, #tpu.memory_space<vmem_shared>>) offsets(%arg6 : memref<128xi32, #tpu.memory_space<vmem>>) semaphore(%run_scoped3A : memref<!tpu.dma_semaphore, #tpu.memory_space<semaphore_mem>>) {add = true}
      %dma_wait3A_1354 = arith.constant 0 : i32
      %dma_wait3A_1355 = arith.constant 0 : i32
      %dma_wait3A_1356 = tpu.memref_slice %arg10[%dma_wait3A_1354, %dma_wait3A_1355] : memref<10000x128xf32, #tpu.memory_space<vmem_shared>> -> memref<10000x128xf32, #tpu.memory_space<vmem_shared>>
      tpu.wait_indirect_dma semaphore(%run_scoped3A : memref<!tpu.dma_semaphore, #tpu.memory_space<semaphore_mem>>) src(%arg8 : memref<128x128xf32, #tpu.memory_space<vmem>>) dst(%dma_wait3A_1356 : memref<10000x128xf32, #tpu.memory_space<vmem_shared>>)
      tpu.yield
    }) : () -> ()
    %dma_wait3A_862 = tpu.memref_slice %arg3[%add3A_712] : memref<640000xi32, #tpu.memory_space<hbm>> -> memref<128xi32, #tpu.memory_space<hbm>>
    %dma_wait3A_863 = tpu.memref_slice %arg3[%add3A_712] : memref<640000xi32, #tpu.memory_space<hbm>> -> memref<128xi32, #tpu.memory_space<hbm>>
    tpu.wait_dma2 semaphore(%arg13 : memref<!tpu.dma_semaphore, #tpu.memory_space<semaphore_mem>>) src(%dma_wait3A_863 : memref<128xi32, #tpu.memory_space<hbm>>) dst(%arg7 : memref<128xi32, #tpu.memory_space<vmem>>)
    %add3A_864 = arith.constant 1280 : i32
    %add3A_865 = arith.addi %add3A_712, %add3A_864 : i32
    %dma_start3A_866 = tpu.memref_slice %arg3[%add3A_865] : memref<640000xi32, #tpu.memory_space<hbm>> -> memref<128xi32, #tpu.memory_space<hbm>>
    %dma_start3A_867 = tpu.memref_slice %arg3[%add3A_865] : memref<640000xi32, #tpu.memory_space<hbm>> -> memref<128xi32, #tpu.memory_space<hbm>>
    tpu.enqueue_dma source(%dma_start3A_867 : memref<128xi32, #tpu.memory_space<hbm>>) target(%arg6 : memref<128xi32, #tpu.memory_space<vmem>>) target_semaphore(%arg13 : memref<!tpu.dma_semaphore, #tpu.memory_space<semaphore_mem>>)
    %dma_start3A_868 = arith.constant 1280 : i32
    %dma_start3A_869 = tpu.memref_slice %arg5[%dma_start3A_868] : memref<4992xi32, #tpu.memory_space<vmem>> -> memref<128xi32, #tpu.memory_space<vmem>>
    %dma_start3A_870 = arith.constant 0 : i32
    %dma_start3A_871 = arith.constant 0 : i32
    %dma_start3A_872 = tpu.memref_slice %arg2[%dma_start3A_870, %dma_start3A_871] : memref<10000x128xf32, #tpu.memory_space<hbm>> -> memref<10000x128xf32, #tpu.memory_space<hbm>>
    tpu.enqueue_indirect_dma source(%dma_start3A_872 : memref<10000x128xf32, #tpu.memory_space<hbm>>) target(%arg8 : memref<128x128xf32, #tpu.memory_space<vmem>>) offsets(%dma_start3A_869 : memref<128xi32, #tpu.memory_space<vmem>>) semaphore(%arg11 : memref<!tpu.dma_semaphore, #tpu.memory_space<semaphore_mem>>)
    %dma_wait3A_873 = arith.constant 1152 : i32
    %dma_wait3A_874 = tpu.memref_slice %arg5[%dma_wait3A_873] : memref<4992xi32, #tpu.memory_space<vmem>> -> memref<128xi32, #tpu.memory_space<vmem>>
    %dma_wait3A_875 = arith.constant 0 : i32
    %dma_wait3A_876 = arith.constant 0 : i32
    %dma_wait3A_877 = tpu.memref_slice %arg2[%dma_wait3A_875, %dma_wait3A_876] : memref<10000x128xf32, #tpu.memory_space<hbm>> -> memref<10000x128xf32, #tpu.memory_space<hbm>>
    tpu.wait_indirect_dma semaphore(%arg12 : memref<!tpu.dma_semaphore, #tpu.memory_space<semaphore_mem>>) src(%dma_wait3A_877 : memref<10000x128xf32, #tpu.memory_space<hbm>>) dst(%arg9 : memref<128x128xf32, #tpu.memory_space<vmem>>)
    "tpu.region"() ({
      %run_scoped3A = tpu.sem_alloc : memref<!tpu.dma_semaphore, #tpu.memory_space<semaphore_mem>>
      %dma_start3A_1351 = arith.constant 0 : i32
      %dma_start3A_1352 = arith.constant 0 : i32
      %dma_start3A_1353 = tpu.memref_slice %arg10[%dma_start3A_1351, %dma_start3A_1352] : memref<10000x128xf32, #tpu.memory_space<vmem_shared>> -> memref<10000x128xf32, #tpu.memory_space<vmem_shared>>
      tpu.enqueue_indirect_dma source(%arg9 : memref<128x128xf32, #tpu.memory_space<vmem>>) target(%dma_start3A_1353 : memref<10000x128xf32, #tpu.memory_space<vmem_shared>>) offsets(%arg7 : memref<128xi32, #tpu.memory_space<vmem>>) semaphore(%run_scoped3A : memref<!tpu.dma_semaphore, #tpu.memory_space<semaphore_mem>>) {add = true}
      %dma_wait3A_1354 = arith.constant 0 : i32
      %dma_wait3A_1355 = arith.constant 0 : i32
      %dma_wait3A_1356 = tpu.memref_slice %arg10[%dma_wait3A_1354, %dma_wait3A_1355] : memref<10000x128xf32, #tpu.memory_space<vmem_shared>> -> memref<10000x128xf32, #tpu.memory_space<vmem_shared>>
      tpu.wait_indirect_dma semaphore(%run_scoped3A : memref<!tpu.dma_semaphore, #tpu.memory_space<semaphore_mem>>) src(%arg9 : memref<128x128xf32, #tpu.memory_space<vmem>>) dst(%dma_wait3A_1356 : memref<10000x128xf32, #tpu.memory_space<vmem_shared>>)
      tpu.yield
    }) : () -> ()
    %dma_wait3A_878 = tpu.memref_slice %arg3[%add3A_712] : memref<640000xi32, #tpu.memory_space<hbm>> -> memref<128xi32, #tpu.memory_space<hbm>>
    %dma_wait3A_879 = tpu.memref_slice %arg3[%add3A_712] : memref<640000xi32, #tpu.memory_space<hbm>> -> memref<128xi32, #tpu.memory_space<hbm>>
    tpu.wait_dma2 semaphore(%arg13 : memref<!tpu.dma_semaphore, #tpu.memory_space<semaphore_mem>>) src(%dma_wait3A_879 : memref<128xi32, #tpu.memory_space<hbm>>) dst(%arg6 : memref<128xi32, #tpu.memory_space<vmem>>)
    %add3A_880 = arith.constant 1408 : i32
    %add3A_881 = arith.addi %add3A_712, %add3A_880 : i32
    %dma_start3A_882 = tpu.memref_slice %arg3[%add3A_881] : memref<640000xi32, #tpu.memory_space<hbm>> -> memref<128xi32, #tpu.memory_space<hbm>>
    %dma_start3A_883 = tpu.memref_slice %arg3[%add3A_881] : memref<640000xi32, #tpu.memory_space<hbm>> -> memref<128xi32, #tpu.memory_space<hbm>>
    tpu.enqueue_dma source(%dma_start3A_883 : memref<128xi32, #tpu.memory_space<hbm>>) target(%arg7 : memref<128xi32, #tpu.memory_space<vmem>>) target_semaphore(%arg13 : memref<!tpu.dma_semaphore, #tpu.memory_space<semaphore_mem>>)
    %dma_start3A_884 = arith.constant 1408 : i32
    %dma_start3A_885 = tpu.memref_slice %arg5[%dma_start3A_884] : memref<4992xi32, #tpu.memory_space<vmem>> -> memref<128xi32, #tpu.memory_space<vmem>>
    %dma_start3A_886 = arith.constant 0 : i32
    %dma_start3A_887 = arith.constant 0 : i32
    %dma_start3A_888 = tpu.memref_slice %arg2[%dma_start3A_886, %dma_start3A_887] : memref<10000x128xf32, #tpu.memory_space<hbm>> -> memref<10000x128xf32, #tpu.memory_space<hbm>>
    tpu.enqueue_indirect_dma source(%dma_start3A_888 : memref<10000x128xf32, #tpu.memory_space<hbm>>) target(%arg9 : memref<128x128xf32, #tpu.memory_space<vmem>>) offsets(%dma_start3A_885 : memref<128xi32, #tpu.memory_space<vmem>>) semaphore(%arg12 : memref<!tpu.dma_semaphore, #tpu.memory_space<semaphore_mem>>)
    %dma_wait3A_889 = arith.constant 1280 : i32
    %dma_wait3A_890 = tpu.memref_slice %arg5[%dma_wait3A_889] : memref<4992xi32, #tpu.memory_space<vmem>> -> memref<128xi32, #tpu.memory_space<vmem>>
    %dma_wait3A_891 = arith.constant 0 : i32
    %dma_wait3A_892 = arith.constant 0 : i32
    %dma_wait3A_893 = tpu.memref_slice %arg2[%dma_wait3A_891, %dma_wait3A_892] : memref<10000x128xf32, #tpu.memory_space<hbm>> -> memref<10000x128xf32, #tpu.memory_space<hbm>>
    tpu.wait_indirect_dma semaphore(%arg11 : memref<!tpu.dma_semaphore, #tpu.memory_space<semaphore_mem>>) src(%dma_wait3A_893 : memref<10000x128xf32, #tpu.memory_space<hbm>>) dst(%arg8 : memref<128x128xf32, #tpu.memory_space<vmem>>)
    "tpu.region"() ({
      %run_scoped3A = tpu.sem_alloc : memref<!tpu.dma_semaphore, #tpu.memory_space<semaphore_mem>>
      %dma_start3A_1351 = arith.constant 0 : i32
      %dma_start3A_1352 = arith.constant 0 : i32
      %dma_start3A_1353 = tpu.memref_slice %arg10[%dma_start3A_1351, %dma_start3A_1352] : memref<10000x128xf32, #tpu.memory_space<vmem_shared>> -> memref<10000x128xf32, #tpu.memory_space<vmem_shared>>
      tpu.enqueue_indirect_dma source(%arg8 : memref<128x128xf32, #tpu.memory_space<vmem>>) target(%dma_start3A_1353 : memref<10000x128xf32, #tpu.memory_space<vmem_shared>>) offsets(%arg6 : memref<128xi32, #tpu.memory_space<vmem>>) semaphore(%run_scoped3A : memref<!tpu.dma_semaphore, #tpu.memory_space<semaphore_mem>>) {add = true}
      %dma_wait3A_1354 = arith.constant 0 : i32
      %dma_wait3A_1355 = arith.constant 0 : i32
      %dma_wait3A_1356 = tpu.memref_slice %arg10[%dma_wait3A_1354, %dma_wait3A_1355] : memref<10000x128xf32, #tpu.memory_space<vmem_shared>> -> memref<10000x128xf32, #tpu.memory_space<vmem_shared>>
      tpu.wait_indirect_dma semaphore(%run_scoped3A : memref<!tpu.dma_semaphore, #tpu.memory_space<semaphore_mem>>) src(%arg8 : memref<128x128xf32, #tpu.memory_space<vmem>>) dst(%dma_wait3A_1356 : memref<10000x128xf32, #tpu.memory_space<vmem_shared>>)
      tpu.yield
    }) : () -> ()
    %dma_wait3A_894 = tpu.memref_slice %arg3[%add3A_712] : memref<640000xi32, #tpu.memory_space<hbm>> -> memref<128xi32, #tpu.memory_space<hbm>>
    %dma_wait3A_895 = tpu.memref_slice %arg3[%add3A_712] : memref<640000xi32, #tpu.memory_space<hbm>> -> memref<128xi32, #tpu.memory_space<hbm>>
    tpu.wait_dma2 semaphore(%arg13 : memref<!tpu.dma_semaphore, #tpu.memory_space<semaphore_mem>>) src(%dma_wait3A_895 : memref<128xi32, #tpu.memory_space<hbm>>) dst(%arg7 : memref<128xi32, #tpu.memory_space<vmem>>)
    %add3A_896 = arith.constant 1536 : i32
    %add3A_897 = arith.addi %add3A_712, %add3A_896 : i32
    %dma_start3A_898 = tpu.memref_slice %arg3[%add3A_897] : memref<640000xi32, #tpu.memory_space<hbm>> -> memref<128xi32, #tpu.memory_space<hbm>>
    %dma_start3A_899 = tpu.memref_slice %arg3[%add3A_897] : memref<640000xi32, #tpu.memory_space<hbm>> -> memref<128xi32, #tpu.memory_space<hbm>>
    tpu.enqueue_dma source(%dma_start3A_899 : memref<128xi32, #tpu.memory_space<hbm>>) target(%arg6 : memref<128xi32, #tpu.memory_space<vmem>>) target_semaphore(%arg13 : memref<!tpu.dma_semaphore, #tpu.memory_space<semaphore_mem>>)
    %dma_start3A_900 = arith.constant 1536 : i32
    %dma_start3A_901 = tpu.memref_slice %arg5[%dma_start3A_900] : memref<4992xi32, #tpu.memory_space<vmem>> -> memref<128xi32, #tpu.memory_space<vmem>>
    %dma_start3A_902 = arith.constant 0 : i32
    %dma_start3A_903 = arith.constant 0 : i32
    %dma_start3A_904 = tpu.memref_slice %arg2[%dma_start3A_902, %dma_start3A_903] : memref<10000x128xf32, #tpu.memory_space<hbm>> -> memref<10000x128xf32, #tpu.memory_space<hbm>>
    tpu.enqueue_indirect_dma source(%dma_start3A_904 : memref<10000x128xf32, #tpu.memory_space<hbm>>) target(%arg8 : memref<128x128xf32, #tpu.memory_space<vmem>>) offsets(%dma_start3A_901 : memref<128xi32, #tpu.memory_space<vmem>>) semaphore(%arg11 : memref<!tpu.dma_semaphore, #tpu.memory_space<semaphore_mem>>)
    %dma_wait3A_905 = arith.constant 1408 : i32
    %dma_wait3A_906 = tpu.memref_slice %arg5[%dma_wait3A_905] : memref<4992xi32, #tpu.memory_space<vmem>> -> memref<128xi32, #tpu.memory_space<vmem>>
    %dma_wait3A_907 = arith.constant 0 : i32
    %dma_wait3A_908 = arith.constant 0 : i32
    %dma_wait3A_909 = tpu.memref_slice %arg2[%dma_wait3A_907, %dma_wait3A_908] : memref<10000x128xf32, #tpu.memory_space<hbm>> -> memref<10000x128xf32, #tpu.memory_space<hbm>>
    tpu.wait_indirect_dma semaphore(%arg12 : memref<!tpu.dma_semaphore, #tpu.memory_space<semaphore_mem>>) src(%dma_wait3A_909 : memref<10000x128xf32, #tpu.memory_space<hbm>>) dst(%arg9 : memref<128x128xf32, #tpu.memory_space<vmem>>)
    "tpu.region"() ({
      %run_scoped3A = tpu.sem_alloc : memref<!tpu.dma_semaphore, #tpu.memory_space<semaphore_mem>>
      %dma_start3A_1351 = arith.constant 0 : i32
      %dma_start3A_1352 = arith.constant 0 : i32
      %dma_start3A_1353 = tpu.memref_slice %arg10[%dma_start3A_1351, %dma_start3A_1352] : memref<10000x128xf32, #tpu.memory_space<vmem_shared>> -> memref<10000x128xf32, #tpu.memory_space<vmem_shared>>
      tpu.enqueue_indirect_dma source(%arg9 : memref<128x128xf32, #tpu.memory_space<vmem>>) target(%dma_start3A_1353 : memref<10000x128xf32, #tpu.memory_space<vmem_shared>>) offsets(%arg7 : memref<128xi32, #tpu.memory_space<vmem>>) semaphore(%run_scoped3A : memref<!tpu.dma_semaphore, #tpu.memory_space<semaphore_mem>>) {add = true}
      %dma_wait3A_1354 = arith.constant 0 : i32
      %dma_wait3A_1355 = arith.constant 0 : i32
      %dma_wait3A_1356 = tpu.memref_slice %arg10[%dma_wait3A_1354, %dma_wait3A_1355] : memref<10000x128xf32, #tpu.memory_space<vmem_shared>> -> memref<10000x128xf32, #tpu.memory_space<vmem_shared>>
      tpu.wait_indirect_dma semaphore(%run_scoped3A : memref<!tpu.dma_semaphore, #tpu.memory_space<semaphore_mem>>) src(%arg9 : memref<128x128xf32, #tpu.memory_space<vmem>>) dst(%dma_wait3A_1356 : memref<10000x128xf32, #tpu.memory_space<vmem_shared>>)
      tpu.yield
    }) : () -> ()
    %dma_wait3A_910 = tpu.memref_slice %arg3[%add3A_712] : memref<640000xi32, #tpu.memory_space<hbm>> -> memref<128xi32, #tpu.memory_space<hbm>>
    %dma_wait3A_911 = tpu.memref_slice %arg3[%add3A_712] : memref<640000xi32, #tpu.memory_space<hbm>> -> memref<128xi32, #tpu.memory_space<hbm>>
    tpu.wait_dma2 semaphore(%arg13 : memref<!tpu.dma_semaphore, #tpu.memory_space<semaphore_mem>>) src(%dma_wait3A_911 : memref<128xi32, #tpu.memory_space<hbm>>) dst(%arg6 : memref<128xi32, #tpu.memory_space<vmem>>)
    %add3A_912 = arith.constant 1664 : i32
    %add3A_913 = arith.addi %add3A_712, %add3A_912 : i32
    %dma_start3A_914 = tpu.memref_slice %arg3[%add3A_913] : memref<640000xi32, #tpu.memory_space<hbm>> -> memref<128xi32, #tpu.memory_space<hbm>>
    %dma_start3A_915 = tpu.memref_slice %arg3[%add3A_913] : memref<640000xi32, #tpu.memory_space<hbm>> -> memref<128xi32, #tpu.memory_space<hbm>>
    tpu.enqueue_dma source(%dma_start3A_915 : memref<128xi32, #tpu.memory_space<hbm>>) target(%arg7 : memref<128xi32, #tpu.memory_space<vmem>>) target_semaphore(%arg13 : memref<!tpu.dma_semaphore, #tpu.memory_space<semaphore_mem>>)
    %dma_start3A_916 = arith.constant 1664 : i32
    %dma_start3A_917 = tpu.memref_slice %arg5[%dma_start3A_916] : memref<4992xi32, #tpu.memory_space<vmem>> -> memref<128xi32, #tpu.memory_space<vmem>>
    %dma_start3A_918 = arith.constant 0 : i32
    %dma_start3A_919 = arith.constant 0 : i32
    %dma_start3A_920 = tpu.memref_slice %arg2[%dma_start3A_918, %dma_start3A_919] : memref<10000x128xf32, #tpu.memory_space<hbm>> -> memref<10000x128xf32, #tpu.memory_space<hbm>>
    tpu.enqueue_indirect_dma source(%dma_start3A_920 : memref<10000x128xf32, #tpu.memory_space<hbm>>) target(%arg9 : memref<128x128xf32, #tpu.memory_space<vmem>>) offsets(%dma_start3A_917 : memref<128xi32, #tpu.memory_space<vmem>>) semaphore(%arg12 : memref<!tpu.dma_semaphore, #tpu.memory_space<semaphore_mem>>)
    %dma_wait3A_921 = arith.constant 1536 : i32
    %dma_wait3A_922 = tpu.memref_slice %arg5[%dma_wait3A_921] : memref<4992xi32, #tpu.memory_space<vmem>> -> memref<128xi32, #tpu.memory_space<vmem>>
    %dma_wait3A_923 = arith.constant 0 : i32
    %dma_wait3A_924 = arith.constant 0 : i32
    %dma_wait3A_925 = tpu.memref_slice %arg2[%dma_wait3A_923, %dma_wait3A_924] : memref<10000x128xf32, #tpu.memory_space<hbm>> -> memref<10000x128xf32, #tpu.memory_space<hbm>>
    tpu.wait_indirect_dma semaphore(%arg11 : memref<!tpu.dma_semaphore, #tpu.memory_space<semaphore_mem>>) src(%dma_wait3A_925 : memref<10000x128xf32, #tpu.memory_space<hbm>>) dst(%arg8 : memref<128x128xf32, #tpu.memory_space<vmem>>)
    "tpu.region"() ({
      %run_scoped3A = tpu.sem_alloc : memref<!tpu.dma_semaphore, #tpu.memory_space<semaphore_mem>>
      %dma_start3A_1351 = arith.constant 0 : i32
      %dma_start3A_1352 = arith.constant 0 : i32
      %dma_start3A_1353 = tpu.memref_slice %arg10[%dma_start3A_1351, %dma_start3A_1352] : memref<10000x128xf32, #tpu.memory_space<vmem_shared>> -> memref<10000x128xf32, #tpu.memory_space<vmem_shared>>
      tpu.enqueue_indirect_dma source(%arg8 : memref<128x128xf32, #tpu.memory_space<vmem>>) target(%dma_start3A_1353 : memref<10000x128xf32, #tpu.memory_space<vmem_shared>>) offsets(%arg6 : memref<128xi32, #tpu.memory_space<vmem>>) semaphore(%run_scoped3A : memref<!tpu.dma_semaphore, #tpu.memory_space<semaphore_mem>>) {add = true}
      %dma_wait3A_1354 = arith.constant 0 : i32
      %dma_wait3A_1355 = arith.constant 0 : i32
      %dma_wait3A_1356 = tpu.memref_slice %arg10[%dma_wait3A_1354, %dma_wait3A_1355] : memref<10000x128xf32, #tpu.memory_space<vmem_shared>> -> memref<10000x128xf32, #tpu.memory_space<vmem_shared>>
      tpu.wait_indirect_dma semaphore(%run_scoped3A : memref<!tpu.dma_semaphore, #tpu.memory_space<semaphore_mem>>) src(%arg8 : memref<128x128xf32, #tpu.memory_space<vmem>>) dst(%dma_wait3A_1356 : memref<10000x128xf32, #tpu.memory_space<vmem_shared>>)
      tpu.yield
    }) : () -> ()
    %dma_wait3A_926 = tpu.memref_slice %arg3[%add3A_712] : memref<640000xi32, #tpu.memory_space<hbm>> -> memref<128xi32, #tpu.memory_space<hbm>>
    %dma_wait3A_927 = tpu.memref_slice %arg3[%add3A_712] : memref<640000xi32, #tpu.memory_space<hbm>> -> memref<128xi32, #tpu.memory_space<hbm>>
    tpu.wait_dma2 semaphore(%arg13 : memref<!tpu.dma_semaphore, #tpu.memory_space<semaphore_mem>>) src(%dma_wait3A_927 : memref<128xi32, #tpu.memory_space<hbm>>) dst(%arg7 : memref<128xi32, #tpu.memory_space<vmem>>)
    %add3A_928 = arith.constant 1792 : i32
    %add3A_929 = arith.addi %add3A_712, %add3A_928 : i32
    %dma_start3A_930 = tpu.memref_slice %arg3[%add3A_929] : memref<640000xi32, #tpu.memory_space<hbm>> -> memref<128xi32, #tpu.memory_space<hbm>>
    %dma_start3A_931 = tpu.memref_slice %arg3[%add3A_929] : memref<640000xi32, #tpu.memory_space<hbm>> -> memref<128xi32, #tpu.memory_space<hbm>>
    tpu.enqueue_dma source(%dma_start3A_931 : memref<128xi32, #tpu.memory_space<hbm>>) target(%arg6 : memref<128xi32, #tpu.memory_space<vmem>>) target_semaphore(%arg13 : memref<!tpu.dma_semaphore, #tpu.memory_space<semaphore_mem>>)
    %dma_start3A_932 = arith.constant 1792 : i32
    %dma_start3A_933 = tpu.memref_slice %arg5[%dma_start3A_932] : memref<4992xi32, #tpu.memory_space<vmem>> -> memref<128xi32, #tpu.memory_space<vmem>>
    %dma_start3A_934 = arith.constant 0 : i32
    %dma_start3A_935 = arith.constant 0 : i32
    %dma_start3A_936 = tpu.memref_slice %arg2[%dma_start3A_934, %dma_start3A_935] : memref<10000x128xf32, #tpu.memory_space<hbm>> -> memref<10000x128xf32, #tpu.memory_space<hbm>>
    tpu.enqueue_indirect_dma source(%dma_start3A_936 : memref<10000x128xf32, #tpu.memory_space<hbm>>) target(%arg8 : memref<128x128xf32, #tpu.memory_space<vmem>>) offsets(%dma_start3A_933 : memref<128xi32, #tpu.memory_space<vmem>>) semaphore(%arg11 : memref<!tpu.dma_semaphore, #tpu.memory_space<semaphore_mem>>)
    %dma_wait3A_937 = arith.constant 1664 : i32
    %dma_wait3A_938 = tpu.memref_slice %arg5[%dma_wait3A_937] : memref<4992xi32, #tpu.memory_space<vmem>> -> memref<128xi32, #tpu.memory_space<vmem>>
    %dma_wait3A_939 = arith.constant 0 : i32
    %dma_wait3A_940 = arith.constant 0 : i32
    %dma_wait3A_941 = tpu.memref_slice %arg2[%dma_wait3A_939, %dma_wait3A_940] : memref<10000x128xf32, #tpu.memory_space<hbm>> -> memref<10000x128xf32, #tpu.memory_space<hbm>>
    tpu.wait_indirect_dma semaphore(%arg12 : memref<!tpu.dma_semaphore, #tpu.memory_space<semaphore_mem>>) src(%dma_wait3A_941 : memref<10000x128xf32, #tpu.memory_space<hbm>>) dst(%arg9 : memref<128x128xf32, #tpu.memory_space<vmem>>)
    "tpu.region"() ({
      %run_scoped3A = tpu.sem_alloc : memref<!tpu.dma_semaphore, #tpu.memory_space<semaphore_mem>>
      %dma_start3A_1351 = arith.constant 0 : i32
      %dma_start3A_1352 = arith.constant 0 : i32
      %dma_start3A_1353 = tpu.memref_slice %arg10[%dma_start3A_1351, %dma_start3A_1352] : memref<10000x128xf32, #tpu.memory_space<vmem_shared>> -> memref<10000x128xf32, #tpu.memory_space<vmem_shared>>
      tpu.enqueue_indirect_dma source(%arg9 : memref<128x128xf32, #tpu.memory_space<vmem>>) target(%dma_start3A_1353 : memref<10000x128xf32, #tpu.memory_space<vmem_shared>>) offsets(%arg7 : memref<128xi32, #tpu.memory_space<vmem>>) semaphore(%run_scoped3A : memref<!tpu.dma_semaphore, #tpu.memory_space<semaphore_mem>>) {add = true}
      %dma_wait3A_1354 = arith.constant 0 : i32
      %dma_wait3A_1355 = arith.constant 0 : i32
      %dma_wait3A_1356 = tpu.memref_slice %arg10[%dma_wait3A_1354, %dma_wait3A_1355] : memref<10000x128xf32, #tpu.memory_space<vmem_shared>> -> memref<10000x128xf32, #tpu.memory_space<vmem_shared>>
      tpu.wait_indirect_dma semaphore(%run_scoped3A : memref<!tpu.dma_semaphore, #tpu.memory_space<semaphore_mem>>) src(%arg9 : memref<128x128xf32, #tpu.memory_space<vmem>>) dst(%dma_wait3A_1356 : memref<10000x128xf32, #tpu.memory_space<vmem_shared>>)
      tpu.yield
    }) : () -> ()
    %dma_wait3A_942 = tpu.memref_slice %arg3[%add3A_712] : memref<640000xi32, #tpu.memory_space<hbm>> -> memref<128xi32, #tpu.memory_space<hbm>>
    %dma_wait3A_943 = tpu.memref_slice %arg3[%add3A_712] : memref<640000xi32, #tpu.memory_space<hbm>> -> memref<128xi32, #tpu.memory_space<hbm>>
    tpu.wait_dma2 semaphore(%arg13 : memref<!tpu.dma_semaphore, #tpu.memory_space<semaphore_mem>>) src(%dma_wait3A_943 : memref<128xi32, #tpu.memory_space<hbm>>) dst(%arg6 : memref<128xi32, #tpu.memory_space<vmem>>)
    %add3A_944 = arith.constant 1920 : i32
    %add3A_945 = arith.addi %add3A_712, %add3A_944 : i32
    %dma_start3A_946 = tpu.memref_slice %arg3[%add3A_945] : memref<640000xi32, #tpu.memory_space<hbm>> -> memref<128xi32, #tpu.memory_space<hbm>>
    %dma_start3A_947 = tpu.memref_slice %arg3[%add3A_945] : memref<640000xi32, #tpu.memory_space<hbm>> -> memref<128xi32, #tpu.memory_space<hbm>>
    tpu.enqueue_dma source(%dma_start3A_947 : memref<128xi32, #tpu.memory_space<hbm>>) target(%arg7 : memref<128xi32, #tpu.memory_space<vmem>>) target_semaphore(%arg13 : memref<!tpu.dma_semaphore, #tpu.memory_space<semaphore_mem>>)
    %dma_start3A_948 = arith.constant 1920 : i32
    %dma_start3A_949 = tpu.memref_slice %arg5[%dma_start3A_948] : memref<4992xi32, #tpu.memory_space<vmem>> -> memref<128xi32, #tpu.memory_space<vmem>>
    %dma_start3A_950 = arith.constant 0 : i32
    %dma_start3A_951 = arith.constant 0 : i32
    %dma_start3A_952 = tpu.memref_slice %arg2[%dma_start3A_950, %dma_start3A_951] : memref<10000x128xf32, #tpu.memory_space<hbm>> -> memref<10000x128xf32, #tpu.memory_space<hbm>>
    tpu.enqueue_indirect_dma source(%dma_start3A_952 : memref<10000x128xf32, #tpu.memory_space<hbm>>) target(%arg9 : memref<128x128xf32, #tpu.memory_space<vmem>>) offsets(%dma_start3A_949 : memref<128xi32, #tpu.memory_space<vmem>>) semaphore(%arg12 : memref<!tpu.dma_semaphore, #tpu.memory_space<semaphore_mem>>)
    %dma_wait3A_953 = arith.constant 1792 : i32
    %dma_wait3A_954 = tpu.memref_slice %arg5[%dma_wait3A_953] : memref<4992xi32, #tpu.memory_space<vmem>> -> memref<128xi32, #tpu.memory_space<vmem>>
    %dma_wait3A_955 = arith.constant 0 : i32
    %dma_wait3A_956 = arith.constant 0 : i32
    %dma_wait3A_957 = tpu.memref_slice %arg2[%dma_wait3A_955, %dma_wait3A_956] : memref<10000x128xf32, #tpu.memory_space<hbm>> -> memref<10000x128xf32, #tpu.memory_space<hbm>>
    tpu.wait_indirect_dma semaphore(%arg11 : memref<!tpu.dma_semaphore, #tpu.memory_space<semaphore_mem>>) src(%dma_wait3A_957 : memref<10000x128xf32, #tpu.memory_space<hbm>>) dst(%arg8 : memref<128x128xf32, #tpu.memory_space<vmem>>)
    "tpu.region"() ({
      %run_scoped3A = tpu.sem_alloc : memref<!tpu.dma_semaphore, #tpu.memory_space<semaphore_mem>>
      %dma_start3A_1351 = arith.constant 0 : i32
      %dma_start3A_1352 = arith.constant 0 : i32
      %dma_start3A_1353 = tpu.memref_slice %arg10[%dma_start3A_1351, %dma_start3A_1352] : memref<10000x128xf32, #tpu.memory_space<vmem_shared>> -> memref<10000x128xf32, #tpu.memory_space<vmem_shared>>
      tpu.enqueue_indirect_dma source(%arg8 : memref<128x128xf32, #tpu.memory_space<vmem>>) target(%dma_start3A_1353 : memref<10000x128xf32, #tpu.memory_space<vmem_shared>>) offsets(%arg6 : memref<128xi32, #tpu.memory_space<vmem>>) semaphore(%run_scoped3A : memref<!tpu.dma_semaphore, #tpu.memory_space<semaphore_mem>>) {add = true}
      %dma_wait3A_1354 = arith.constant 0 : i32
      %dma_wait3A_1355 = arith.constant 0 : i32
      %dma_wait3A_1356 = tpu.memref_slice %arg10[%dma_wait3A_1354, %dma_wait3A_1355] : memref<10000x128xf32, #tpu.memory_space<vmem_shared>> -> memref<10000x128xf32, #tpu.memory_space<vmem_shared>>
      tpu.wait_indirect_dma semaphore(%run_scoped3A : memref<!tpu.dma_semaphore, #tpu.memory_space<semaphore_mem>>) src(%arg8 : memref<128x128xf32, #tpu.memory_space<vmem>>) dst(%dma_wait3A_1356 : memref<10000x128xf32, #tpu.memory_space<vmem_shared>>)
      tpu.yield
    }) : () -> ()
    %dma_wait3A_958 = tpu.memref_slice %arg3[%add3A_712] : memref<640000xi32, #tpu.memory_space<hbm>> -> memref<128xi32, #tpu.memory_space<hbm>>
    %dma_wait3A_959 = tpu.memref_slice %arg3[%add3A_712] : memref<640000xi32, #tpu.memory_space<hbm>> -> memref<128xi32, #tpu.memory_space<hbm>>
    tpu.wait_dma2 semaphore(%arg13 : memref<!tpu.dma_semaphore, #tpu.memory_space<semaphore_mem>>) src(%dma_wait3A_959 : memref<128xi32, #tpu.memory_space<hbm>>) dst(%arg7 : memref<128xi32, #tpu.memory_space<vmem>>)
    %add3A_960 = arith.constant 2048 : i32
    %add3A_961 = arith.addi %add3A_712, %add3A_960 : i32
    %dma_start3A_962 = tpu.memref_slice %arg3[%add3A_961] : memref<640000xi32, #tpu.memory_space<hbm>> -> memref<128xi32, #tpu.memory_space<hbm>>
    %dma_start3A_963 = tpu.memref_slice %arg3[%add3A_961] : memref<640000xi32, #tpu.memory_space<hbm>> -> memref<128xi32, #tpu.memory_space<hbm>>
    tpu.enqueue_dma source(%dma_start3A_963 : memref<128xi32, #tpu.memory_space<hbm>>) target(%arg6 : memref<128xi32, #tpu.memory_space<vmem>>) target_semaphore(%arg13 : memref<!tpu.dma_semaphore, #tpu.memory_space<semaphore_mem>>)
    %dma_start3A_964 = arith.constant 2048 : i32
    %dma_start3A_965 = tpu.memref_slice %arg5[%dma_start3A_964] : memref<4992xi32, #tpu.memory_space<vmem>> -> memref<128xi32, #tpu.memory_space<vmem>>
    %dma_start3A_966 = arith.constant 0 : i32
    %dma_start3A_967 = arith.constant 0 : i32
    %dma_start3A_968 = tpu.memref_slice %arg2[%dma_start3A_966, %dma_start3A_967] : memref<10000x128xf32, #tpu.memory_space<hbm>> -> memref<10000x128xf32, #tpu.memory_space<hbm>>
    tpu.enqueue_indirect_dma source(%dma_start3A_968 : memref<10000x128xf32, #tpu.memory_space<hbm>>) target(%arg8 : memref<128x128xf32, #tpu.memory_space<vmem>>) offsets(%dma_start3A_965 : memref<128xi32, #tpu.memory_space<vmem>>) semaphore(%arg11 : memref<!tpu.dma_semaphore, #tpu.memory_space<semaphore_mem>>)
    %dma_wait3A_969 = arith.constant 1920 : i32
    %dma_wait3A_970 = tpu.memref_slice %arg5[%dma_wait3A_969] : memref<4992xi32, #tpu.memory_space<vmem>> -> memref<128xi32, #tpu.memory_space<vmem>>
    %dma_wait3A_971 = arith.constant 0 : i32
    %dma_wait3A_972 = arith.constant 0 : i32
    %dma_wait3A_973 = tpu.memref_slice %arg2[%dma_wait3A_971, %dma_wait3A_972] : memref<10000x128xf32, #tpu.memory_space<hbm>> -> memref<10000x128xf32, #tpu.memory_space<hbm>>
    tpu.wait_indirect_dma semaphore(%arg12 : memref<!tpu.dma_semaphore, #tpu.memory_space<semaphore_mem>>) src(%dma_wait3A_973 : memref<10000x128xf32, #tpu.memory_space<hbm>>) dst(%arg9 : memref<128x128xf32, #tpu.memory_space<vmem>>)
    "tpu.region"() ({
      %run_scoped3A = tpu.sem_alloc : memref<!tpu.dma_semaphore, #tpu.memory_space<semaphore_mem>>
      %dma_start3A_1351 = arith.constant 0 : i32
      %dma_start3A_1352 = arith.constant 0 : i32
      %dma_start3A_1353 = tpu.memref_slice %arg10[%dma_start3A_1351, %dma_start3A_1352] : memref<10000x128xf32, #tpu.memory_space<vmem_shared>> -> memref<10000x128xf32, #tpu.memory_space<vmem_shared>>
      tpu.enqueue_indirect_dma source(%arg9 : memref<128x128xf32, #tpu.memory_space<vmem>>) target(%dma_start3A_1353 : memref<10000x128xf32, #tpu.memory_space<vmem_shared>>) offsets(%arg7 : memref<128xi32, #tpu.memory_space<vmem>>) semaphore(%run_scoped3A : memref<!tpu.dma_semaphore, #tpu.memory_space<semaphore_mem>>) {add = true}
      %dma_wait3A_1354 = arith.constant 0 : i32
      %dma_wait3A_1355 = arith.constant 0 : i32
      %dma_wait3A_1356 = tpu.memref_slice %arg10[%dma_wait3A_1354, %dma_wait3A_1355] : memref<10000x128xf32, #tpu.memory_space<vmem_shared>> -> memref<10000x128xf32, #tpu.memory_space<vmem_shared>>
      tpu.wait_indirect_dma semaphore(%run_scoped3A : memref<!tpu.dma_semaphore, #tpu.memory_space<semaphore_mem>>) src(%arg9 : memref<128x128xf32, #tpu.memory_space<vmem>>) dst(%dma_wait3A_1356 : memref<10000x128xf32, #tpu.memory_space<vmem_shared>>)
      tpu.yield
    }) : () -> ()
    %dma_wait3A_974 = tpu.memref_slice %arg3[%add3A_712] : memref<640000xi32, #tpu.memory_space<hbm>> -> memref<128xi32, #tpu.memory_space<hbm>>
    %dma_wait3A_975 = tpu.memref_slice %arg3[%add3A_712] : memref<640000xi32, #tpu.memory_space<hbm>> -> memref<128xi32, #tpu.memory_space<hbm>>
    tpu.wait_dma2 semaphore(%arg13 : memref<!tpu.dma_semaphore, #tpu.memory_space<semaphore_mem>>) src(%dma_wait3A_975 : memref<128xi32, #tpu.memory_space<hbm>>) dst(%arg6 : memref<128xi32, #tpu.memory_space<vmem>>)
    %add3A_976 = arith.constant 2176 : i32
    %add3A_977 = arith.addi %add3A_712, %add3A_976 : i32
    %dma_start3A_978 = tpu.memref_slice %arg3[%add3A_977] : memref<640000xi32, #tpu.memory_space<hbm>> -> memref<128xi32, #tpu.memory_space<hbm>>
    %dma_start3A_979 = tpu.memref_slice %arg3[%add3A_977] : memref<640000xi32, #tpu.memory_space<hbm>> -> memref<128xi32, #tpu.memory_space<hbm>>
    tpu.enqueue_dma source(%dma_start3A_979 : memref<128xi32, #tpu.memory_space<hbm>>) target(%arg7 : memref<128xi32, #tpu.memory_space<vmem>>) target_semaphore(%arg13 : memref<!tpu.dma_semaphore, #tpu.memory_space<semaphore_mem>>)
    %dma_start3A_980 = arith.constant 2176 : i32
    %dma_start3A_981 = tpu.memref_slice %arg5[%dma_start3A_980] : memref<4992xi32, #tpu.memory_space<vmem>> -> memref<128xi32, #tpu.memory_space<vmem>>
    %dma_start3A_982 = arith.constant 0 : i32
    %dma_start3A_983 = arith.constant 0 : i32
    %dma_start3A_984 = tpu.memref_slice %arg2[%dma_start3A_982, %dma_start3A_983] : memref<10000x128xf32, #tpu.memory_space<hbm>> -> memref<10000x128xf32, #tpu.memory_space<hbm>>
    tpu.enqueue_indirect_dma source(%dma_start3A_984 : memref<10000x128xf32, #tpu.memory_space<hbm>>) target(%arg9 : memref<128x128xf32, #tpu.memory_space<vmem>>) offsets(%dma_start3A_981 : memref<128xi32, #tpu.memory_space<vmem>>) semaphore(%arg12 : memref<!tpu.dma_semaphore, #tpu.memory_space<semaphore_mem>>)
    %dma_wait3A_985 = arith.constant 2048 : i32
    %dma_wait3A_986 = tpu.memref_slice %arg5[%dma_wait3A_985] : memref<4992xi32, #tpu.memory_space<vmem>> -> memref<128xi32, #tpu.memory_space<vmem>>
    %dma_wait3A_987 = arith.constant 0 : i32
    %dma_wait3A_988 = arith.constant 0 : i32
    %dma_wait3A_989 = tpu.memref_slice %arg2[%dma_wait3A_987, %dma_wait3A_988] : memref<10000x128xf32, #tpu.memory_space<hbm>> -> memref<10000x128xf32, #tpu.memory_space<hbm>>
    tpu.wait_indirect_dma semaphore(%arg11 : memref<!tpu.dma_semaphore, #tpu.memory_space<semaphore_mem>>) src(%dma_wait3A_989 : memref<10000x128xf32, #tpu.memory_space<hbm>>) dst(%arg8 : memref<128x128xf32, #tpu.memory_space<vmem>>)
    "tpu.region"() ({
      %run_scoped3A = tpu.sem_alloc : memref<!tpu.dma_semaphore, #tpu.memory_space<semaphore_mem>>
      %dma_start3A_1351 = arith.constant 0 : i32
      %dma_start3A_1352 = arith.constant 0 : i32
      %dma_start3A_1353 = tpu.memref_slice %arg10[%dma_start3A_1351, %dma_start3A_1352] : memref<10000x128xf32, #tpu.memory_space<vmem_shared>> -> memref<10000x128xf32, #tpu.memory_space<vmem_shared>>
      tpu.enqueue_indirect_dma source(%arg8 : memref<128x128xf32, #tpu.memory_space<vmem>>) target(%dma_start3A_1353 : memref<10000x128xf32, #tpu.memory_space<vmem_shared>>) offsets(%arg6 : memref<128xi32, #tpu.memory_space<vmem>>) semaphore(%run_scoped3A : memref<!tpu.dma_semaphore, #tpu.memory_space<semaphore_mem>>) {add = true}
      %dma_wait3A_1354 = arith.constant 0 : i32
      %dma_wait3A_1355 = arith.constant 0 : i32
      %dma_wait3A_1356 = tpu.memref_slice %arg10[%dma_wait3A_1354, %dma_wait3A_1355] : memref<10000x128xf32, #tpu.memory_space<vmem_shared>> -> memref<10000x128xf32, #tpu.memory_space<vmem_shared>>
      tpu.wait_indirect_dma semaphore(%run_scoped3A : memref<!tpu.dma_semaphore, #tpu.memory_space<semaphore_mem>>) src(%arg8 : memref<128x128xf32, #tpu.memory_space<vmem>>) dst(%dma_wait3A_1356 : memref<10000x128xf32, #tpu.memory_space<vmem_shared>>)
      tpu.yield
    }) : () -> ()
    %dma_wait3A_990 = tpu.memref_slice %arg3[%add3A_712] : memref<640000xi32, #tpu.memory_space<hbm>> -> memref<128xi32, #tpu.memory_space<hbm>>
    %dma_wait3A_991 = tpu.memref_slice %arg3[%add3A_712] : memref<640000xi32, #tpu.memory_space<hbm>> -> memref<128xi32, #tpu.memory_space<hbm>>
    tpu.wait_dma2 semaphore(%arg13 : memref<!tpu.dma_semaphore, #tpu.memory_space<semaphore_mem>>) src(%dma_wait3A_991 : memref<128xi32, #tpu.memory_space<hbm>>) dst(%arg7 : memref<128xi32, #tpu.memory_space<vmem>>)
    %add3A_992 = arith.constant 2304 : i32
    %add3A_993 = arith.addi %add3A_712, %add3A_992 : i32
    %dma_start3A_994 = tpu.memref_slice %arg3[%add3A_993] : memref<640000xi32, #tpu.memory_space<hbm>> -> memref<128xi32, #tpu.memory_space<hbm>>
    %dma_start3A_995 = tpu.memref_slice %arg3[%add3A_993] : memref<640000xi32, #tpu.memory_space<hbm>> -> memref<128xi32, #tpu.memory_space<hbm>>
    tpu.enqueue_dma source(%dma_start3A_995 : memref<128xi32, #tpu.memory_space<hbm>>) target(%arg6 : memref<128xi32, #tpu.memory_space<vmem>>) target_semaphore(%arg13 : memref<!tpu.dma_semaphore, #tpu.memory_space<semaphore_mem>>)
    %dma_start3A_996 = arith.constant 2304 : i32
    %dma_start3A_997 = tpu.memref_slice %arg5[%dma_start3A_996] : memref<4992xi32, #tpu.memory_space<vmem>> -> memref<128xi32, #tpu.memory_space<vmem>>
    %dma_start3A_998 = arith.constant 0 : i32
    %dma_start3A_999 = arith.constant 0 : i32
    %dma_start3A_1000 = tpu.memref_slice %arg2[%dma_start3A_998, %dma_start3A_999] : memref<10000x128xf32, #tpu.memory_space<hbm>> -> memref<10000x128xf32, #tpu.memory_space<hbm>>
    tpu.enqueue_indirect_dma source(%dma_start3A_1000 : memref<10000x128xf32, #tpu.memory_space<hbm>>) target(%arg8 : memref<128x128xf32, #tpu.memory_space<vmem>>) offsets(%dma_start3A_997 : memref<128xi32, #tpu.memory_space<vmem>>) semaphore(%arg11 : memref<!tpu.dma_semaphore, #tpu.memory_space<semaphore_mem>>)
    %dma_wait3A_1001 = arith.constant 2176 : i32
    %dma_wait3A_1002 = tpu.memref_slice %arg5[%dma_wait3A_1001] : memref<4992xi32, #tpu.memory_space<vmem>> -> memref<128xi32, #tpu.memory_space<vmem>>
    %dma_wait3A_1003 = arith.constant 0 : i32
    %dma_wait3A_1004 = arith.constant 0 : i32
    %dma_wait3A_1005 = tpu.memref_slice %arg2[%dma_wait3A_1003, %dma_wait3A_1004] : memref<10000x128xf32, #tpu.memory_space<hbm>> -> memref<10000x128xf32, #tpu.memory_space<hbm>>
    tpu.wait_indirect_dma semaphore(%arg12 : memref<!tpu.dma_semaphore, #tpu.memory_space<semaphore_mem>>) src(%dma_wait3A_1005 : memref<10000x128xf32, #tpu.memory_space<hbm>>) dst(%arg9 : memref<128x128xf32, #tpu.memory_space<vmem>>)
    "tpu.region"() ({
      %run_scoped3A = tpu.sem_alloc : memref<!tpu.dma_semaphore, #tpu.memory_space<semaphore_mem>>
      %dma_start3A_1351 = arith.constant 0 : i32
      %dma_start3A_1352 = arith.constant 0 : i32
      %dma_start3A_1353 = tpu.memref_slice %arg10[%dma_start3A_1351, %dma_start3A_1352] : memref<10000x128xf32, #tpu.memory_space<vmem_shared>> -> memref<10000x128xf32, #tpu.memory_space<vmem_shared>>
      tpu.enqueue_indirect_dma source(%arg9 : memref<128x128xf32, #tpu.memory_space<vmem>>) target(%dma_start3A_1353 : memref<10000x128xf32, #tpu.memory_space<vmem_shared>>) offsets(%arg7 : memref<128xi32, #tpu.memory_space<vmem>>) semaphore(%run_scoped3A : memref<!tpu.dma_semaphore, #tpu.memory_space<semaphore_mem>>) {add = true}
      %dma_wait3A_1354 = arith.constant 0 : i32
      %dma_wait3A_1355 = arith.constant 0 : i32
      %dma_wait3A_1356 = tpu.memref_slice %arg10[%dma_wait3A_1354, %dma_wait3A_1355] : memref<10000x128xf32, #tpu.memory_space<vmem_shared>> -> memref<10000x128xf32, #tpu.memory_space<vmem_shared>>
      tpu.wait_indirect_dma semaphore(%run_scoped3A : memref<!tpu.dma_semaphore, #tpu.memory_space<semaphore_mem>>) src(%arg9 : memref<128x128xf32, #tpu.memory_space<vmem>>) dst(%dma_wait3A_1356 : memref<10000x128xf32, #tpu.memory_space<vmem_shared>>)
      tpu.yield
    }) : () -> ()
    %dma_wait3A_1006 = tpu.memref_slice %arg3[%add3A_712] : memref<640000xi32, #tpu.memory_space<hbm>> -> memref<128xi32, #tpu.memory_space<hbm>>
    %dma_wait3A_1007 = tpu.memref_slice %arg3[%add3A_712] : memref<640000xi32, #tpu.memory_space<hbm>> -> memref<128xi32, #tpu.memory_space<hbm>>
    tpu.wait_dma2 semaphore(%arg13 : memref<!tpu.dma_semaphore, #tpu.memory_space<semaphore_mem>>) src(%dma_wait3A_1007 : memref<128xi32, #tpu.memory_space<hbm>>) dst(%arg6 : memref<128xi32, #tpu.memory_space<vmem>>)
    %add3A_1008 = arith.constant 2432 : i32
    %add3A_1009 = arith.addi %add3A_712, %add3A_1008 : i32
    %dma_start3A_1010 = tpu.memref_slice %arg3[%add3A_1009] : memref<640000xi32, #tpu.memory_space<hbm>> -> memref<128xi32, #tpu.memory_space<hbm>>
    %dma_start3A_1011 = tpu.memref_slice %arg3[%add3A_1009] : memref<640000xi32, #tpu.memory_space<hbm>> -> memref<128xi32, #tpu.memory_space<hbm>>
    tpu.enqueue_dma source(%dma_start3A_1011 : memref<128xi32, #tpu.memory_space<hbm>>) target(%arg7 : memref<128xi32, #tpu.memory_space<vmem>>) target_semaphore(%arg13 : memref<!tpu.dma_semaphore, #tpu.memory_space<semaphore_mem>>)
    %dma_start3A_1012 = arith.constant 2432 : i32
    %dma_start3A_1013 = tpu.memref_slice %arg5[%dma_start3A_1012] : memref<4992xi32, #tpu.memory_space<vmem>> -> memref<128xi32, #tpu.memory_space<vmem>>
    %dma_start3A_1014 = arith.constant 0 : i32
    %dma_start3A_1015 = arith.constant 0 : i32
    %dma_start3A_1016 = tpu.memref_slice %arg2[%dma_start3A_1014, %dma_start3A_1015] : memref<10000x128xf32, #tpu.memory_space<hbm>> -> memref<10000x128xf32, #tpu.memory_space<hbm>>
    tpu.enqueue_indirect_dma source(%dma_start3A_1016 : memref<10000x128xf32, #tpu.memory_space<hbm>>) target(%arg9 : memref<128x128xf32, #tpu.memory_space<vmem>>) offsets(%dma_start3A_1013 : memref<128xi32, #tpu.memory_space<vmem>>) semaphore(%arg12 : memref<!tpu.dma_semaphore, #tpu.memory_space<semaphore_mem>>)
    %dma_wait3A_1017 = arith.constant 2304 : i32
    %dma_wait3A_1018 = tpu.memref_slice %arg5[%dma_wait3A_1017] : memref<4992xi32, #tpu.memory_space<vmem>> -> memref<128xi32, #tpu.memory_space<vmem>>
    %dma_wait3A_1019 = arith.constant 0 : i32
    %dma_wait3A_1020 = arith.constant 0 : i32
    %dma_wait3A_1021 = tpu.memref_slice %arg2[%dma_wait3A_1019, %dma_wait3A_1020] : memref<10000x128xf32, #tpu.memory_space<hbm>> -> memref<10000x128xf32, #tpu.memory_space<hbm>>
    tpu.wait_indirect_dma semaphore(%arg11 : memref<!tpu.dma_semaphore, #tpu.memory_space<semaphore_mem>>) src(%dma_wait3A_1021 : memref<10000x128xf32, #tpu.memory_space<hbm>>) dst(%arg8 : memref<128x128xf32, #tpu.memory_space<vmem>>)
    "tpu.region"() ({
      %run_scoped3A = tpu.sem_alloc : memref<!tpu.dma_semaphore, #tpu.memory_space<semaphore_mem>>
      %dma_start3A_1351 = arith.constant 0 : i32
      %dma_start3A_1352 = arith.constant 0 : i32
      %dma_start3A_1353 = tpu.memref_slice %arg10[%dma_start3A_1351, %dma_start3A_1352] : memref<10000x128xf32, #tpu.memory_space<vmem_shared>> -> memref<10000x128xf32, #tpu.memory_space<vmem_shared>>
      tpu.enqueue_indirect_dma source(%arg8 : memref<128x128xf32, #tpu.memory_space<vmem>>) target(%dma_start3A_1353 : memref<10000x128xf32, #tpu.memory_space<vmem_shared>>) offsets(%arg6 : memref<128xi32, #tpu.memory_space<vmem>>) semaphore(%run_scoped3A : memref<!tpu.dma_semaphore, #tpu.memory_space<semaphore_mem>>) {add = true}
      %dma_wait3A_1354 = arith.constant 0 : i32
      %dma_wait3A_1355 = arith.constant 0 : i32
      %dma_wait3A_1356 = tpu.memref_slice %arg10[%dma_wait3A_1354, %dma_wait3A_1355] : memref<10000x128xf32, #tpu.memory_space<vmem_shared>> -> memref<10000x128xf32, #tpu.memory_space<vmem_shared>>
      tpu.wait_indirect_dma semaphore(%run_scoped3A : memref<!tpu.dma_semaphore, #tpu.memory_space<semaphore_mem>>) src(%arg8 : memref<128x128xf32, #tpu.memory_space<vmem>>) dst(%dma_wait3A_1356 : memref<10000x128xf32, #tpu.memory_space<vmem_shared>>)
      tpu.yield
    }) : () -> ()
    %dma_wait3A_1022 = tpu.memref_slice %arg3[%add3A_712] : memref<640000xi32, #tpu.memory_space<hbm>> -> memref<128xi32, #tpu.memory_space<hbm>>
    %dma_wait3A_1023 = tpu.memref_slice %arg3[%add3A_712] : memref<640000xi32, #tpu.memory_space<hbm>> -> memref<128xi32, #tpu.memory_space<hbm>>
    tpu.wait_dma2 semaphore(%arg13 : memref<!tpu.dma_semaphore, #tpu.memory_space<semaphore_mem>>) src(%dma_wait3A_1023 : memref<128xi32, #tpu.memory_space<hbm>>) dst(%arg7 : memref<128xi32, #tpu.memory_space<vmem>>)
    %add3A_1024 = arith.constant 2560 : i32
    %add3A_1025 = arith.addi %add3A_712, %add3A_1024 : i32
    %dma_start3A_1026 = tpu.memref_slice %arg3[%add3A_1025] : memref<640000xi32, #tpu.memory_space<hbm>> -> memref<128xi32, #tpu.memory_space<hbm>>
    %dma_start3A_1027 = tpu.memref_slice %arg3[%add3A_1025] : memref<640000xi32, #tpu.memory_space<hbm>> -> memref<128xi32, #tpu.memory_space<hbm>>
    tpu.enqueue_dma source(%dma_start3A_1027 : memref<128xi32, #tpu.memory_space<hbm>>) target(%arg6 : memref<128xi32, #tpu.memory_space<vmem>>) target_semaphore(%arg13 : memref<!tpu.dma_semaphore, #tpu.memory_space<semaphore_mem>>)
    %dma_start3A_1028 = arith.constant 2560 : i32
    %dma_start3A_1029 = tpu.memref_slice %arg5[%dma_start3A_1028] : memref<4992xi32, #tpu.memory_space<vmem>> -> memref<128xi32, #tpu.memory_space<vmem>>
    %dma_start3A_1030 = arith.constant 0 : i32
    %dma_start3A_1031 = arith.constant 0 : i32
    %dma_start3A_1032 = tpu.memref_slice %arg2[%dma_start3A_1030, %dma_start3A_1031] : memref<10000x128xf32, #tpu.memory_space<hbm>> -> memref<10000x128xf32, #tpu.memory_space<hbm>>
    tpu.enqueue_indirect_dma source(%dma_start3A_1032 : memref<10000x128xf32, #tpu.memory_space<hbm>>) target(%arg8 : memref<128x128xf32, #tpu.memory_space<vmem>>) offsets(%dma_start3A_1029 : memref<128xi32, #tpu.memory_space<vmem>>) semaphore(%arg11 : memref<!tpu.dma_semaphore, #tpu.memory_space<semaphore_mem>>)
    %dma_wait3A_1033 = arith.constant 2432 : i32
    %dma_wait3A_1034 = tpu.memref_slice %arg5[%dma_wait3A_1033] : memref<4992xi32, #tpu.memory_space<vmem>> -> memref<128xi32, #tpu.memory_space<vmem>>
    %dma_wait3A_1035 = arith.constant 0 : i32
    %dma_wait3A_1036 = arith.constant 0 : i32
    %dma_wait3A_1037 = tpu.memref_slice %arg2[%dma_wait3A_1035, %dma_wait3A_1036] : memref<10000x128xf32, #tpu.memory_space<hbm>> -> memref<10000x128xf32, #tpu.memory_space<hbm>>
    tpu.wait_indirect_dma semaphore(%arg12 : memref<!tpu.dma_semaphore, #tpu.memory_space<semaphore_mem>>) src(%dma_wait3A_1037 : memref<10000x128xf32, #tpu.memory_space<hbm>>) dst(%arg9 : memref<128x128xf32, #tpu.memory_space<vmem>>)
    "tpu.region"() ({
      %run_scoped3A = tpu.sem_alloc : memref<!tpu.dma_semaphore, #tpu.memory_space<semaphore_mem>>
      %dma_start3A_1351 = arith.constant 0 : i32
      %dma_start3A_1352 = arith.constant 0 : i32
      %dma_start3A_1353 = tpu.memref_slice %arg10[%dma_start3A_1351, %dma_start3A_1352] : memref<10000x128xf32, #tpu.memory_space<vmem_shared>> -> memref<10000x128xf32, #tpu.memory_space<vmem_shared>>
      tpu.enqueue_indirect_dma source(%arg9 : memref<128x128xf32, #tpu.memory_space<vmem>>) target(%dma_start3A_1353 : memref<10000x128xf32, #tpu.memory_space<vmem_shared>>) offsets(%arg7 : memref<128xi32, #tpu.memory_space<vmem>>) semaphore(%run_scoped3A : memref<!tpu.dma_semaphore, #tpu.memory_space<semaphore_mem>>) {add = true}
      %dma_wait3A_1354 = arith.constant 0 : i32
      %dma_wait3A_1355 = arith.constant 0 : i32
      %dma_wait3A_1356 = tpu.memref_slice %arg10[%dma_wait3A_1354, %dma_wait3A_1355] : memref<10000x128xf32, #tpu.memory_space<vmem_shared>> -> memref<10000x128xf32, #tpu.memory_space<vmem_shared>>
      tpu.wait_indirect_dma semaphore(%run_scoped3A : memref<!tpu.dma_semaphore, #tpu.memory_space<semaphore_mem>>) src(%arg9 : memref<128x128xf32, #tpu.memory_space<vmem>>) dst(%dma_wait3A_1356 : memref<10000x128xf32, #tpu.memory_space<vmem_shared>>)
      tpu.yield
    }) : () -> ()
    %dma_wait3A_1038 = tpu.memref_slice %arg3[%add3A_712] : memref<640000xi32, #tpu.memory_space<hbm>> -> memref<128xi32, #tpu.memory_space<hbm>>
    %dma_wait3A_1039 = tpu.memref_slice %arg3[%add3A_712] : memref<640000xi32, #tpu.memory_space<hbm>> -> memref<128xi32, #tpu.memory_space<hbm>>
    tpu.wait_dma2 semaphore(%arg13 : memref<!tpu.dma_semaphore, #tpu.memory_space<semaphore_mem>>) src(%dma_wait3A_1039 : memref<128xi32, #tpu.memory_space<hbm>>) dst(%arg6 : memref<128xi32, #tpu.memory_space<vmem>>)
    %add3A_1040 = arith.constant 2688 : i32
    %add3A_1041 = arith.addi %add3A_712, %add3A_1040 : i32
    %dma_start3A_1042 = tpu.memref_slice %arg3[%add3A_1041] : memref<640000xi32, #tpu.memory_space<hbm>> -> memref<128xi32, #tpu.memory_space<hbm>>
    %dma_start3A_1043 = tpu.memref_slice %arg3[%add3A_1041] : memref<640000xi32, #tpu.memory_space<hbm>> -> memref<128xi32, #tpu.memory_space<hbm>>
    tpu.enqueue_dma source(%dma_start3A_1043 : memref<128xi32, #tpu.memory_space<hbm>>) target(%arg7 : memref<128xi32, #tpu.memory_space<vmem>>) target_semaphore(%arg13 : memref<!tpu.dma_semaphore, #tpu.memory_space<semaphore_mem>>)
    %dma_start3A_1044 = arith.constant 2688 : i32
    %dma_start3A_1045 = tpu.memref_slice %arg5[%dma_start3A_1044] : memref<4992xi32, #tpu.memory_space<vmem>> -> memref<128xi32, #tpu.memory_space<vmem>>
    %dma_start3A_1046 = arith.constant 0 : i32
    %dma_start3A_1047 = arith.constant 0 : i32
    %dma_start3A_1048 = tpu.memref_slice %arg2[%dma_start3A_1046, %dma_start3A_1047] : memref<10000x128xf32, #tpu.memory_space<hbm>> -> memref<10000x128xf32, #tpu.memory_space<hbm>>
    tpu.enqueue_indirect_dma source(%dma_start3A_1048 : memref<10000x128xf32, #tpu.memory_space<hbm>>) target(%arg9 : memref<128x128xf32, #tpu.memory_space<vmem>>) offsets(%dma_start3A_1045 : memref<128xi32, #tpu.memory_space<vmem>>) semaphore(%arg12 : memref<!tpu.dma_semaphore, #tpu.memory_space<semaphore_mem>>)
    %dma_wait3A_1049 = arith.constant 2560 : i32
    %dma_wait3A_1050 = tpu.memref_slice %arg5[%dma_wait3A_1049] : memref<4992xi32, #tpu.memory_space<vmem>> -> memref<128xi32, #tpu.memory_space<vmem>>
    %dma_wait3A_1051 = arith.constant 0 : i32
    %dma_wait3A_1052 = arith.constant 0 : i32
    %dma_wait3A_1053 = tpu.memref_slice %arg2[%dma_wait3A_1051, %dma_wait3A_1052] : memref<10000x128xf32, #tpu.memory_space<hbm>> -> memref<10000x128xf32, #tpu.memory_space<hbm>>
    tpu.wait_indirect_dma semaphore(%arg11 : memref<!tpu.dma_semaphore, #tpu.memory_space<semaphore_mem>>) src(%dma_wait3A_1053 : memref<10000x128xf32, #tpu.memory_space<hbm>>) dst(%arg8 : memref<128x128xf32, #tpu.memory_space<vmem>>)
    "tpu.region"() ({
      %run_scoped3A = tpu.sem_alloc : memref<!tpu.dma_semaphore, #tpu.memory_space<semaphore_mem>>
      %dma_start3A_1351 = arith.constant 0 : i32
      %dma_start3A_1352 = arith.constant 0 : i32
      %dma_start3A_1353 = tpu.memref_slice %arg10[%dma_start3A_1351, %dma_start3A_1352] : memref<10000x128xf32, #tpu.memory_space<vmem_shared>> -> memref<10000x128xf32, #tpu.memory_space<vmem_shared>>
      tpu.enqueue_indirect_dma source(%arg8 : memref<128x128xf32, #tpu.memory_space<vmem>>) target(%dma_start3A_1353 : memref<10000x128xf32, #tpu.memory_space<vmem_shared>>) offsets(%arg6 : memref<128xi32, #tpu.memory_space<vmem>>) semaphore(%run_scoped3A : memref<!tpu.dma_semaphore, #tpu.memory_space<semaphore_mem>>) {add = true}
      %dma_wait3A_1354 = arith.constant 0 : i32
      %dma_wait3A_1355 = arith.constant 0 : i32
      %dma_wait3A_1356 = tpu.memref_slice %arg10[%dma_wait3A_1354, %dma_wait3A_1355] : memref<10000x128xf32, #tpu.memory_space<vmem_shared>> -> memref<10000x128xf32, #tpu.memory_space<vmem_shared>>
      tpu.wait_indirect_dma semaphore(%run_scoped3A : memref<!tpu.dma_semaphore, #tpu.memory_space<semaphore_mem>>) src(%arg8 : memref<128x128xf32, #tpu.memory_space<vmem>>) dst(%dma_wait3A_1356 : memref<10000x128xf32, #tpu.memory_space<vmem_shared>>)
      tpu.yield
    }) : () -> ()
    %dma_wait3A_1054 = tpu.memref_slice %arg3[%add3A_712] : memref<640000xi32, #tpu.memory_space<hbm>> -> memref<128xi32, #tpu.memory_space<hbm>>
    %dma_wait3A_1055 = tpu.memref_slice %arg3[%add3A_712] : memref<640000xi32, #tpu.memory_space<hbm>> -> memref<128xi32, #tpu.memory_space<hbm>>
    tpu.wait_dma2 semaphore(%arg13 : memref<!tpu.dma_semaphore, #tpu.memory_space<semaphore_mem>>) src(%dma_wait3A_1055 : memref<128xi32, #tpu.memory_space<hbm>>) dst(%arg7 : memref<128xi32, #tpu.memory_space<vmem>>)
    %add3A_1056 = arith.constant 2816 : i32
    %add3A_1057 = arith.addi %add3A_712, %add3A_1056 : i32
    %dma_start3A_1058 = tpu.memref_slice %arg3[%add3A_1057] : memref<640000xi32, #tpu.memory_space<hbm>> -> memref<128xi32, #tpu.memory_space<hbm>>
    %dma_start3A_1059 = tpu.memref_slice %arg3[%add3A_1057] : memref<640000xi32, #tpu.memory_space<hbm>> -> memref<128xi32, #tpu.memory_space<hbm>>
    tpu.enqueue_dma source(%dma_start3A_1059 : memref<128xi32, #tpu.memory_space<hbm>>) target(%arg6 : memref<128xi32, #tpu.memory_space<vmem>>) target_semaphore(%arg13 : memref<!tpu.dma_semaphore, #tpu.memory_space<semaphore_mem>>)
    %dma_start3A_1060 = arith.constant 2816 : i32
    %dma_start3A_1061 = tpu.memref_slice %arg5[%dma_start3A_1060] : memref<4992xi32, #tpu.memory_space<vmem>> -> memref<128xi32, #tpu.memory_space<vmem>>
    %dma_start3A_1062 = arith.constant 0 : i32
    %dma_start3A_1063 = arith.constant 0 : i32
    %dma_start3A_1064 = tpu.memref_slice %arg2[%dma_start3A_1062, %dma_start3A_1063] : memref<10000x128xf32, #tpu.memory_space<hbm>> -> memref<10000x128xf32, #tpu.memory_space<hbm>>
    tpu.enqueue_indirect_dma source(%dma_start3A_1064 : memref<10000x128xf32, #tpu.memory_space<hbm>>) target(%arg8 : memref<128x128xf32, #tpu.memory_space<vmem>>) offsets(%dma_start3A_1061 : memref<128xi32, #tpu.memory_space<vmem>>) semaphore(%arg11 : memref<!tpu.dma_semaphore, #tpu.memory_space<semaphore_mem>>)
    %dma_wait3A_1065 = arith.constant 2688 : i32
    %dma_wait3A_1066 = tpu.memref_slice %arg5[%dma_wait3A_1065] : memref<4992xi32, #tpu.memory_space<vmem>> -> memref<128xi32, #tpu.memory_space<vmem>>
    %dma_wait3A_1067 = arith.constant 0 : i32
    %dma_wait3A_1068 = arith.constant 0 : i32
    %dma_wait3A_1069 = tpu.memref_slice %arg2[%dma_wait3A_1067, %dma_wait3A_1068] : memref<10000x128xf32, #tpu.memory_space<hbm>> -> memref<10000x128xf32, #tpu.memory_space<hbm>>
    tpu.wait_indirect_dma semaphore(%arg12 : memref<!tpu.dma_semaphore, #tpu.memory_space<semaphore_mem>>) src(%dma_wait3A_1069 : memref<10000x128xf32, #tpu.memory_space<hbm>>) dst(%arg9 : memref<128x128xf32, #tpu.memory_space<vmem>>)
    "tpu.region"() ({
      %run_scoped3A = tpu.sem_alloc : memref<!tpu.dma_semaphore, #tpu.memory_space<semaphore_mem>>
      %dma_start3A_1351 = arith.constant 0 : i32
      %dma_start3A_1352 = arith.constant 0 : i32
      %dma_start3A_1353 = tpu.memref_slice %arg10[%dma_start3A_1351, %dma_start3A_1352] : memref<10000x128xf32, #tpu.memory_space<vmem_shared>> -> memref<10000x128xf32, #tpu.memory_space<vmem_shared>>
      tpu.enqueue_indirect_dma source(%arg9 : memref<128x128xf32, #tpu.memory_space<vmem>>) target(%dma_start3A_1353 : memref<10000x128xf32, #tpu.memory_space<vmem_shared>>) offsets(%arg7 : memref<128xi32, #tpu.memory_space<vmem>>) semaphore(%run_scoped3A : memref<!tpu.dma_semaphore, #tpu.memory_space<semaphore_mem>>) {add = true}
      %dma_wait3A_1354 = arith.constant 0 : i32
      %dma_wait3A_1355 = arith.constant 0 : i32
      %dma_wait3A_1356 = tpu.memref_slice %arg10[%dma_wait3A_1354, %dma_wait3A_1355] : memref<10000x128xf32, #tpu.memory_space<vmem_shared>> -> memref<10000x128xf32, #tpu.memory_space<vmem_shared>>
      tpu.wait_indirect_dma semaphore(%run_scoped3A : memref<!tpu.dma_semaphore, #tpu.memory_space<semaphore_mem>>) src(%arg9 : memref<128x128xf32, #tpu.memory_space<vmem>>) dst(%dma_wait3A_1356 : memref<10000x128xf32, #tpu.memory_space<vmem_shared>>)
      tpu.yield
    }) : () -> ()
    %dma_wait3A_1070 = tpu.memref_slice %arg3[%add3A_712] : memref<640000xi32, #tpu.memory_space<hbm>> -> memref<128xi32, #tpu.memory_space<hbm>>
    %dma_wait3A_1071 = tpu.memref_slice %arg3[%add3A_712] : memref<640000xi32, #tpu.memory_space<hbm>> -> memref<128xi32, #tpu.memory_space<hbm>>
    tpu.wait_dma2 semaphore(%arg13 : memref<!tpu.dma_semaphore, #tpu.memory_space<semaphore_mem>>) src(%dma_wait3A_1071 : memref<128xi32, #tpu.memory_space<hbm>>) dst(%arg6 : memref<128xi32, #tpu.memory_space<vmem>>)
    %add3A_1072 = arith.constant 2944 : i32
    %add3A_1073 = arith.addi %add3A_712, %add3A_1072 : i32
    %dma_start3A_1074 = tpu.memref_slice %arg3[%add3A_1073] : memref<640000xi32, #tpu.memory_space<hbm>> -> memref<128xi32, #tpu.memory_space<hbm>>
    %dma_start3A_1075 = tpu.memref_slice %arg3[%add3A_1073] : memref<640000xi32, #tpu.memory_space<hbm>> -> memref<128xi32, #tpu.memory_space<hbm>>
    tpu.enqueue_dma source(%dma_start3A_1075 : memref<128xi32, #tpu.memory_space<hbm>>) target(%arg7 : memref<128xi32, #tpu.memory_space<vmem>>) target_semaphore(%arg13 : memref<!tpu.dma_semaphore, #tpu.memory_space<semaphore_mem>>)
    %dma_start3A_1076 = arith.constant 2944 : i32
    %dma_start3A_1077 = tpu.memref_slice %arg5[%dma_start3A_1076] : memref<4992xi32, #tpu.memory_space<vmem>> -> memref<128xi32, #tpu.memory_space<vmem>>
    %dma_start3A_1078 = arith.constant 0 : i32
    %dma_start3A_1079 = arith.constant 0 : i32
    %dma_start3A_1080 = tpu.memref_slice %arg2[%dma_start3A_1078, %dma_start3A_1079] : memref<10000x128xf32, #tpu.memory_space<hbm>> -> memref<10000x128xf32, #tpu.memory_space<hbm>>
    tpu.enqueue_indirect_dma source(%dma_start3A_1080 : memref<10000x128xf32, #tpu.memory_space<hbm>>) target(%arg9 : memref<128x128xf32, #tpu.memory_space<vmem>>) offsets(%dma_start3A_1077 : memref<128xi32, #tpu.memory_space<vmem>>) semaphore(%arg12 : memref<!tpu.dma_semaphore, #tpu.memory_space<semaphore_mem>>)
    %dma_wait3A_1081 = arith.constant 2816 : i32
    %dma_wait3A_1082 = tpu.memref_slice %arg5[%dma_wait3A_1081] : memref<4992xi32, #tpu.memory_space<vmem>> -> memref<128xi32, #tpu.memory_space<vmem>>
    %dma_wait3A_1083 = arith.constant 0 : i32
    %dma_wait3A_1084 = arith.constant 0 : i32
    %dma_wait3A_1085 = tpu.memref_slice %arg2[%dma_wait3A_1083, %dma_wait3A_1084] : memref<10000x128xf32, #tpu.memory_space<hbm>> -> memref<10000x128xf32, #tpu.memory_space<hbm>>
    tpu.wait_indirect_dma semaphore(%arg11 : memref<!tpu.dma_semaphore, #tpu.memory_space<semaphore_mem>>) src(%dma_wait3A_1085 : memref<10000x128xf32, #tpu.memory_space<hbm>>) dst(%arg8 : memref<128x128xf32, #tpu.memory_space<vmem>>)
    "tpu.region"() ({
      %run_scoped3A = tpu.sem_alloc : memref<!tpu.dma_semaphore, #tpu.memory_space<semaphore_mem>>
      %dma_start3A_1351 = arith.constant 0 : i32
      %dma_start3A_1352 = arith.constant 0 : i32
      %dma_start3A_1353 = tpu.memref_slice %arg10[%dma_start3A_1351, %dma_start3A_1352] : memref<10000x128xf32, #tpu.memory_space<vmem_shared>> -> memref<10000x128xf32, #tpu.memory_space<vmem_shared>>
      tpu.enqueue_indirect_dma source(%arg8 : memref<128x128xf32, #tpu.memory_space<vmem>>) target(%dma_start3A_1353 : memref<10000x128xf32, #tpu.memory_space<vmem_shared>>) offsets(%arg6 : memref<128xi32, #tpu.memory_space<vmem>>) semaphore(%run_scoped3A : memref<!tpu.dma_semaphore, #tpu.memory_space<semaphore_mem>>) {add = true}
      %dma_wait3A_1354 = arith.constant 0 : i32
      %dma_wait3A_1355 = arith.constant 0 : i32
      %dma_wait3A_1356 = tpu.memref_slice %arg10[%dma_wait3A_1354, %dma_wait3A_1355] : memref<10000x128xf32, #tpu.memory_space<vmem_shared>> -> memref<10000x128xf32, #tpu.memory_space<vmem_shared>>
      tpu.wait_indirect_dma semaphore(%run_scoped3A : memref<!tpu.dma_semaphore, #tpu.memory_space<semaphore_mem>>) src(%arg8 : memref<128x128xf32, #tpu.memory_space<vmem>>) dst(%dma_wait3A_1356 : memref<10000x128xf32, #tpu.memory_space<vmem_shared>>)
      tpu.yield
    }) : () -> ()
    %dma_wait3A_1086 = tpu.memref_slice %arg3[%add3A_712] : memref<640000xi32, #tpu.memory_space<hbm>> -> memref<128xi32, #tpu.memory_space<hbm>>
    %dma_wait3A_1087 = tpu.memref_slice %arg3[%add3A_712] : memref<640000xi32, #tpu.memory_space<hbm>> -> memref<128xi32, #tpu.memory_space<hbm>>
    tpu.wait_dma2 semaphore(%arg13 : memref<!tpu.dma_semaphore, #tpu.memory_space<semaphore_mem>>) src(%dma_wait3A_1087 : memref<128xi32, #tpu.memory_space<hbm>>) dst(%arg7 : memref<128xi32, #tpu.memory_space<vmem>>)
    %add3A_1088 = arith.constant 3072 : i32
    %add3A_1089 = arith.addi %add3A_712, %add3A_1088 : i32
    %dma_start3A_1090 = tpu.memref_slice %arg3[%add3A_1089] : memref<640000xi32, #tpu.memory_space<hbm>> -> memref<128xi32, #tpu.memory_space<hbm>>
    %dma_start3A_1091 = tpu.memref_slice %arg3[%add3A_1089] : memref<640000xi32, #tpu.memory_space<hbm>> -> memref<128xi32, #tpu.memory_space<hbm>>
    tpu.enqueue_dma source(%dma_start3A_1091 : memref<128xi32, #tpu.memory_space<hbm>>) target(%arg6 : memref<128xi32, #tpu.memory_space<vmem>>) target_semaphore(%arg13 : memref<!tpu.dma_semaphore, #tpu.memory_space<semaphore_mem>>)
    %dma_start3A_1092 = arith.constant 3072 : i32
    %dma_start3A_1093 = tpu.memref_slice %arg5[%dma_start3A_1092] : memref<4992xi32, #tpu.memory_space<vmem>> -> memref<128xi32, #tpu.memory_space<vmem>>
    %dma_start3A_1094 = arith.constant 0 : i32
    %dma_start3A_1095 = arith.constant 0 : i32
    %dma_start3A_1096 = tpu.memref_slice %arg2[%dma_start3A_1094, %dma_start3A_1095] : memref<10000x128xf32, #tpu.memory_space<hbm>> -> memref<10000x128xf32, #tpu.memory_space<hbm>>
    tpu.enqueue_indirect_dma source(%dma_start3A_1096 : memref<10000x128xf32, #tpu.memory_space<hbm>>) target(%arg8 : memref<128x128xf32, #tpu.memory_space<vmem>>) offsets(%dma_start3A_1093 : memref<128xi32, #tpu.memory_space<vmem>>) semaphore(%arg11 : memref<!tpu.dma_semaphore, #tpu.memory_space<semaphore_mem>>)
    %dma_wait3A_1097 = arith.constant 2944 : i32
    %dma_wait3A_1098 = tpu.memref_slice %arg5[%dma_wait3A_1097] : memref<4992xi32, #tpu.memory_space<vmem>> -> memref<128xi32, #tpu.memory_space<vmem>>
    %dma_wait3A_1099 = arith.constant 0 : i32
    %dma_wait3A_1100 = arith.constant 0 : i32
    %dma_wait3A_1101 = tpu.memref_slice %arg2[%dma_wait3A_1099, %dma_wait3A_1100] : memref<10000x128xf32, #tpu.memory_space<hbm>> -> memref<10000x128xf32, #tpu.memory_space<hbm>>
    tpu.wait_indirect_dma semaphore(%arg12 : memref<!tpu.dma_semaphore, #tpu.memory_space<semaphore_mem>>) src(%dma_wait3A_1101 : memref<10000x128xf32, #tpu.memory_space<hbm>>) dst(%arg9 : memref<128x128xf32, #tpu.memory_space<vmem>>)
    "tpu.region"() ({
      %run_scoped3A = tpu.sem_alloc : memref<!tpu.dma_semaphore, #tpu.memory_space<semaphore_mem>>
      %dma_start3A_1351 = arith.constant 0 : i32
      %dma_start3A_1352 = arith.constant 0 : i32
      %dma_start3A_1353 = tpu.memref_slice %arg10[%dma_start3A_1351, %dma_start3A_1352] : memref<10000x128xf32, #tpu.memory_space<vmem_shared>> -> memref<10000x128xf32, #tpu.memory_space<vmem_shared>>
      tpu.enqueue_indirect_dma source(%arg9 : memref<128x128xf32, #tpu.memory_space<vmem>>) target(%dma_start3A_1353 : memref<10000x128xf32, #tpu.memory_space<vmem_shared>>) offsets(%arg7 : memref<128xi32, #tpu.memory_space<vmem>>) semaphore(%run_scoped3A : memref<!tpu.dma_semaphore, #tpu.memory_space<semaphore_mem>>) {add = true}
      %dma_wait3A_1354 = arith.constant 0 : i32
      %dma_wait3A_1355 = arith.constant 0 : i32
      %dma_wait3A_1356 = tpu.memref_slice %arg10[%dma_wait3A_1354, %dma_wait3A_1355] : memref<10000x128xf32, #tpu.memory_space<vmem_shared>> -> memref<10000x128xf32, #tpu.memory_space<vmem_shared>>
      tpu.wait_indirect_dma semaphore(%run_scoped3A : memref<!tpu.dma_semaphore, #tpu.memory_space<semaphore_mem>>) src(%arg9 : memref<128x128xf32, #tpu.memory_space<vmem>>) dst(%dma_wait3A_1356 : memref<10000x128xf32, #tpu.memory_space<vmem_shared>>)
      tpu.yield
    }) : () -> ()
    %dma_wait3A_1102 = tpu.memref_slice %arg3[%add3A_712] : memref<640000xi32, #tpu.memory_space<hbm>> -> memref<128xi32, #tpu.memory_space<hbm>>
    %dma_wait3A_1103 = tpu.memref_slice %arg3[%add3A_712] : memref<640000xi32, #tpu.memory_space<hbm>> -> memref<128xi32, #tpu.memory_space<hbm>>
    tpu.wait_dma2 semaphore(%arg13 : memref<!tpu.dma_semaphore, #tpu.memory_space<semaphore_mem>>) src(%dma_wait3A_1103 : memref<128xi32, #tpu.memory_space<hbm>>) dst(%arg6 : memref<128xi32, #tpu.memory_space<vmem>>)
    %add3A_1104 = arith.constant 3200 : i32
    %add3A_1105 = arith.addi %add3A_712, %add3A_1104 : i32
    %dma_start3A_1106 = tpu.memref_slice %arg3[%add3A_1105] : memref<640000xi32, #tpu.memory_space<hbm>> -> memref<128xi32, #tpu.memory_space<hbm>>
    %dma_start3A_1107 = tpu.memref_slice %arg3[%add3A_1105] : memref<640000xi32, #tpu.memory_space<hbm>> -> memref<128xi32, #tpu.memory_space<hbm>>
    tpu.enqueue_dma source(%dma_start3A_1107 : memref<128xi32, #tpu.memory_space<hbm>>) target(%arg7 : memref<128xi32, #tpu.memory_space<vmem>>) target_semaphore(%arg13 : memref<!tpu.dma_semaphore, #tpu.memory_space<semaphore_mem>>)
    %dma_start3A_1108 = arith.constant 3200 : i32
    %dma_start3A_1109 = tpu.memref_slice %arg5[%dma_start3A_1108] : memref<4992xi32, #tpu.memory_space<vmem>> -> memref<128xi32, #tpu.memory_space<vmem>>
    %dma_start3A_1110 = arith.constant 0 : i32
    %dma_start3A_1111 = arith.constant 0 : i32
    %dma_start3A_1112 = tpu.memref_slice %arg2[%dma_start3A_1110, %dma_start3A_1111] : memref<10000x128xf32, #tpu.memory_space<hbm>> -> memref<10000x128xf32, #tpu.memory_space<hbm>>
    tpu.enqueue_indirect_dma source(%dma_start3A_1112 : memref<10000x128xf32, #tpu.memory_space<hbm>>) target(%arg9 : memref<128x128xf32, #tpu.memory_space<vmem>>) offsets(%dma_start3A_1109 : memref<128xi32, #tpu.memory_space<vmem>>) semaphore(%arg12 : memref<!tpu.dma_semaphore, #tpu.memory_space<semaphore_mem>>)
    %dma_wait3A_1113 = arith.constant 3072 : i32
    %dma_wait3A_1114 = tpu.memref_slice %arg5[%dma_wait3A_1113] : memref<4992xi32, #tpu.memory_space<vmem>> -> memref<128xi32, #tpu.memory_space<vmem>>
    %dma_wait3A_1115 = arith.constant 0 : i32
    %dma_wait3A_1116 = arith.constant 0 : i32
    %dma_wait3A_1117 = tpu.memref_slice %arg2[%dma_wait3A_1115, %dma_wait3A_1116] : memref<10000x128xf32, #tpu.memory_space<hbm>> -> memref<10000x128xf32, #tpu.memory_space<hbm>>
    tpu.wait_indirect_dma semaphore(%arg11 : memref<!tpu.dma_semaphore, #tpu.memory_space<semaphore_mem>>) src(%dma_wait3A_1117 : memref<10000x128xf32, #tpu.memory_space<hbm>>) dst(%arg8 : memref<128x128xf32, #tpu.memory_space<vmem>>)
    "tpu.region"() ({
      %run_scoped3A = tpu.sem_alloc : memref<!tpu.dma_semaphore, #tpu.memory_space<semaphore_mem>>
      %dma_start3A_1351 = arith.constant 0 : i32
      %dma_start3A_1352 = arith.constant 0 : i32
      %dma_start3A_1353 = tpu.memref_slice %arg10[%dma_start3A_1351, %dma_start3A_1352] : memref<10000x128xf32, #tpu.memory_space<vmem_shared>> -> memref<10000x128xf32, #tpu.memory_space<vmem_shared>>
      tpu.enqueue_indirect_dma source(%arg8 : memref<128x128xf32, #tpu.memory_space<vmem>>) target(%dma_start3A_1353 : memref<10000x128xf32, #tpu.memory_space<vmem_shared>>) offsets(%arg6 : memref<128xi32, #tpu.memory_space<vmem>>) semaphore(%run_scoped3A : memref<!tpu.dma_semaphore, #tpu.memory_space<semaphore_mem>>) {add = true}
      %dma_wait3A_1354 = arith.constant 0 : i32
      %dma_wait3A_1355 = arith.constant 0 : i32
      %dma_wait3A_1356 = tpu.memref_slice %arg10[%dma_wait3A_1354, %dma_wait3A_1355] : memref<10000x128xf32, #tpu.memory_space<vmem_shared>> -> memref<10000x128xf32, #tpu.memory_space<vmem_shared>>
      tpu.wait_indirect_dma semaphore(%run_scoped3A : memref<!tpu.dma_semaphore, #tpu.memory_space<semaphore_mem>>) src(%arg8 : memref<128x128xf32, #tpu.memory_space<vmem>>) dst(%dma_wait3A_1356 : memref<10000x128xf32, #tpu.memory_space<vmem_shared>>)
      tpu.yield
    }) : () -> ()
    %dma_wait3A_1118 = tpu.memref_slice %arg3[%add3A_712] : memref<640000xi32, #tpu.memory_space<hbm>> -> memref<128xi32, #tpu.memory_space<hbm>>
    %dma_wait3A_1119 = tpu.memref_slice %arg3[%add3A_712] : memref<640000xi32, #tpu.memory_space<hbm>> -> memref<128xi32, #tpu.memory_space<hbm>>
    tpu.wait_dma2 semaphore(%arg13 : memref<!tpu.dma_semaphore, #tpu.memory_space<semaphore_mem>>) src(%dma_wait3A_1119 : memref<128xi32, #tpu.memory_space<hbm>>) dst(%arg7 : memref<128xi32, #tpu.memory_space<vmem>>)
    %add3A_1120 = arith.constant 3328 : i32
    %add3A_1121 = arith.addi %add3A_712, %add3A_1120 : i32
    %dma_start3A_1122 = tpu.memref_slice %arg3[%add3A_1121] : memref<640000xi32, #tpu.memory_space<hbm>> -> memref<128xi32, #tpu.memory_space<hbm>>
    %dma_start3A_1123 = tpu.memref_slice %arg3[%add3A_1121] : memref<640000xi32, #tpu.memory_space<hbm>> -> memref<128xi32, #tpu.memory_space<hbm>>
    tpu.enqueue_dma source(%dma_start3A_1123 : memref<128xi32, #tpu.memory_space<hbm>>) target(%arg6 : memref<128xi32, #tpu.memory_space<vmem>>) target_semaphore(%arg13 : memref<!tpu.dma_semaphore, #tpu.memory_space<semaphore_mem>>)
    %dma_start3A_1124 = arith.constant 3328 : i32
    %dma_start3A_1125 = tpu.memref_slice %arg5[%dma_start3A_1124] : memref<4992xi32, #tpu.memory_space<vmem>> -> memref<128xi32, #tpu.memory_space<vmem>>
    %dma_start3A_1126 = arith.constant 0 : i32
    %dma_start3A_1127 = arith.constant 0 : i32
    %dma_start3A_1128 = tpu.memref_slice %arg2[%dma_start3A_1126, %dma_start3A_1127] : memref<10000x128xf32, #tpu.memory_space<hbm>> -> memref<10000x128xf32, #tpu.memory_space<hbm>>
    tpu.enqueue_indirect_dma source(%dma_start3A_1128 : memref<10000x128xf32, #tpu.memory_space<hbm>>) target(%arg8 : memref<128x128xf32, #tpu.memory_space<vmem>>) offsets(%dma_start3A_1125 : memref<128xi32, #tpu.memory_space<vmem>>) semaphore(%arg11 : memref<!tpu.dma_semaphore, #tpu.memory_space<semaphore_mem>>)
    %dma_wait3A_1129 = arith.constant 3200 : i32
    %dma_wait3A_1130 = tpu.memref_slice %arg5[%dma_wait3A_1129] : memref<4992xi32, #tpu.memory_space<vmem>> -> memref<128xi32, #tpu.memory_space<vmem>>
    %dma_wait3A_1131 = arith.constant 0 : i32
    %dma_wait3A_1132 = arith.constant 0 : i32
    %dma_wait3A_1133 = tpu.memref_slice %arg2[%dma_wait3A_1131, %dma_wait3A_1132] : memref<10000x128xf32, #tpu.memory_space<hbm>> -> memref<10000x128xf32, #tpu.memory_space<hbm>>
    tpu.wait_indirect_dma semaphore(%arg12 : memref<!tpu.dma_semaphore, #tpu.memory_space<semaphore_mem>>) src(%dma_wait3A_1133 : memref<10000x128xf32, #tpu.memory_space<hbm>>) dst(%arg9 : memref<128x128xf32, #tpu.memory_space<vmem>>)
    "tpu.region"() ({
      %run_scoped3A = tpu.sem_alloc : memref<!tpu.dma_semaphore, #tpu.memory_space<semaphore_mem>>
      %dma_start3A_1351 = arith.constant 0 : i32
      %dma_start3A_1352 = arith.constant 0 : i32
      %dma_start3A_1353 = tpu.memref_slice %arg10[%dma_start3A_1351, %dma_start3A_1352] : memref<10000x128xf32, #tpu.memory_space<vmem_shared>> -> memref<10000x128xf32, #tpu.memory_space<vmem_shared>>
      tpu.enqueue_indirect_dma source(%arg9 : memref<128x128xf32, #tpu.memory_space<vmem>>) target(%dma_start3A_1353 : memref<10000x128xf32, #tpu.memory_space<vmem_shared>>) offsets(%arg7 : memref<128xi32, #tpu.memory_space<vmem>>) semaphore(%run_scoped3A : memref<!tpu.dma_semaphore, #tpu.memory_space<semaphore_mem>>) {add = true}
      %dma_wait3A_1354 = arith.constant 0 : i32
      %dma_wait3A_1355 = arith.constant 0 : i32
      %dma_wait3A_1356 = tpu.memref_slice %arg10[%dma_wait3A_1354, %dma_wait3A_1355] : memref<10000x128xf32, #tpu.memory_space<vmem_shared>> -> memref<10000x128xf32, #tpu.memory_space<vmem_shared>>
      tpu.wait_indirect_dma semaphore(%run_scoped3A : memref<!tpu.dma_semaphore, #tpu.memory_space<semaphore_mem>>) src(%arg9 : memref<128x128xf32, #tpu.memory_space<vmem>>) dst(%dma_wait3A_1356 : memref<10000x128xf32, #tpu.memory_space<vmem_shared>>)
      tpu.yield
    }) : () -> ()
    %dma_wait3A_1134 = tpu.memref_slice %arg3[%add3A_712] : memref<640000xi32, #tpu.memory_space<hbm>> -> memref<128xi32, #tpu.memory_space<hbm>>
    %dma_wait3A_1135 = tpu.memref_slice %arg3[%add3A_712] : memref<640000xi32, #tpu.memory_space<hbm>> -> memref<128xi32, #tpu.memory_space<hbm>>
    tpu.wait_dma2 semaphore(%arg13 : memref<!tpu.dma_semaphore, #tpu.memory_space<semaphore_mem>>) src(%dma_wait3A_1135 : memref<128xi32, #tpu.memory_space<hbm>>) dst(%arg6 : memref<128xi32, #tpu.memory_space<vmem>>)
    %add3A_1136 = arith.constant 3456 : i32
    %add3A_1137 = arith.addi %add3A_712, %add3A_1136 : i32
    %dma_start3A_1138 = tpu.memref_slice %arg3[%add3A_1137] : memref<640000xi32, #tpu.memory_space<hbm>> -> memref<128xi32, #tpu.memory_space<hbm>>
    %dma_start3A_1139 = tpu.memref_slice %arg3[%add3A_1137] : memref<640000xi32, #tpu.memory_space<hbm>> -> memref<128xi32, #tpu.memory_space<hbm>>
    tpu.enqueue_dma source(%dma_start3A_1139 : memref<128xi32, #tpu.memory_space<hbm>>) target(%arg7 : memref<128xi32, #tpu.memory_space<vmem>>) target_semaphore(%arg13 : memref<!tpu.dma_semaphore, #tpu.memory_space<semaphore_mem>>)
    %dma_start3A_1140 = arith.constant 3456 : i32
    %dma_start3A_1141 = tpu.memref_slice %arg5[%dma_start3A_1140] : memref<4992xi32, #tpu.memory_space<vmem>> -> memref<128xi32, #tpu.memory_space<vmem>>
    %dma_start3A_1142 = arith.constant 0 : i32
    %dma_start3A_1143 = arith.constant 0 : i32
    %dma_start3A_1144 = tpu.memref_slice %arg2[%dma_start3A_1142, %dma_start3A_1143] : memref<10000x128xf32, #tpu.memory_space<hbm>> -> memref<10000x128xf32, #tpu.memory_space<hbm>>
    tpu.enqueue_indirect_dma source(%dma_start3A_1144 : memref<10000x128xf32, #tpu.memory_space<hbm>>) target(%arg9 : memref<128x128xf32, #tpu.memory_space<vmem>>) offsets(%dma_start3A_1141 : memref<128xi32, #tpu.memory_space<vmem>>) semaphore(%arg12 : memref<!tpu.dma_semaphore, #tpu.memory_space<semaphore_mem>>)
    %dma_wait3A_1145 = arith.constant 3328 : i32
    %dma_wait3A_1146 = tpu.memref_slice %arg5[%dma_wait3A_1145] : memref<4992xi32, #tpu.memory_space<vmem>> -> memref<128xi32, #tpu.memory_space<vmem>>
    %dma_wait3A_1147 = arith.constant 0 : i32
    %dma_wait3A_1148 = arith.constant 0 : i32
    %dma_wait3A_1149 = tpu.memref_slice %arg2[%dma_wait3A_1147, %dma_wait3A_1148] : memref<10000x128xf32, #tpu.memory_space<hbm>> -> memref<10000x128xf32, #tpu.memory_space<hbm>>
    tpu.wait_indirect_dma semaphore(%arg11 : memref<!tpu.dma_semaphore, #tpu.memory_space<semaphore_mem>>) src(%dma_wait3A_1149 : memref<10000x128xf32, #tpu.memory_space<hbm>>) dst(%arg8 : memref<128x128xf32, #tpu.memory_space<vmem>>)
    "tpu.region"() ({
      %run_scoped3A = tpu.sem_alloc : memref<!tpu.dma_semaphore, #tpu.memory_space<semaphore_mem>>
      %dma_start3A_1351 = arith.constant 0 : i32
      %dma_start3A_1352 = arith.constant 0 : i32
      %dma_start3A_1353 = tpu.memref_slice %arg10[%dma_start3A_1351, %dma_start3A_1352] : memref<10000x128xf32, #tpu.memory_space<vmem_shared>> -> memref<10000x128xf32, #tpu.memory_space<vmem_shared>>
      tpu.enqueue_indirect_dma source(%arg8 : memref<128x128xf32, #tpu.memory_space<vmem>>) target(%dma_start3A_1353 : memref<10000x128xf32, #tpu.memory_space<vmem_shared>>) offsets(%arg6 : memref<128xi32, #tpu.memory_space<vmem>>) semaphore(%run_scoped3A : memref<!tpu.dma_semaphore, #tpu.memory_space<semaphore_mem>>) {add = true}
      %dma_wait3A_1354 = arith.constant 0 : i32
      %dma_wait3A_1355 = arith.constant 0 : i32
      %dma_wait3A_1356 = tpu.memref_slice %arg10[%dma_wait3A_1354, %dma_wait3A_1355] : memref<10000x128xf32, #tpu.memory_space<vmem_shared>> -> memref<10000x128xf32, #tpu.memory_space<vmem_shared>>
      tpu.wait_indirect_dma semaphore(%run_scoped3A : memref<!tpu.dma_semaphore, #tpu.memory_space<semaphore_mem>>) src(%arg8 : memref<128x128xf32, #tpu.memory_space<vmem>>) dst(%dma_wait3A_1356 : memref<10000x128xf32, #tpu.memory_space<vmem_shared>>)
      tpu.yield
    }) : () -> ()
    %dma_wait3A_1150 = tpu.memref_slice %arg3[%add3A_712] : memref<640000xi32, #tpu.memory_space<hbm>> -> memref<128xi32, #tpu.memory_space<hbm>>
    %dma_wait3A_1151 = tpu.memref_slice %arg3[%add3A_712] : memref<640000xi32, #tpu.memory_space<hbm>> -> memref<128xi32, #tpu.memory_space<hbm>>
    tpu.wait_dma2 semaphore(%arg13 : memref<!tpu.dma_semaphore, #tpu.memory_space<semaphore_mem>>) src(%dma_wait3A_1151 : memref<128xi32, #tpu.memory_space<hbm>>) dst(%arg7 : memref<128xi32, #tpu.memory_space<vmem>>)
    %add3A_1152 = arith.constant 3584 : i32
    %add3A_1153 = arith.addi %add3A_712, %add3A_1152 : i32
    %dma_start3A_1154 = tpu.memref_slice %arg3[%add3A_1153] : memref<640000xi32, #tpu.memory_space<hbm>> -> memref<128xi32, #tpu.memory_space<hbm>>
    %dma_start3A_1155 = tpu.memref_slice %arg3[%add3A_1153] : memref<640000xi32, #tpu.memory_space<hbm>> -> memref<128xi32, #tpu.memory_space<hbm>>
    tpu.enqueue_dma source(%dma_start3A_1155 : memref<128xi32, #tpu.memory_space<hbm>>) target(%arg6 : memref<128xi32, #tpu.memory_space<vmem>>) target_semaphore(%arg13 : memref<!tpu.dma_semaphore, #tpu.memory_space<semaphore_mem>>)
    %dma_start3A_1156 = arith.constant 3584 : i32
    %dma_start3A_1157 = tpu.memref_slice %arg5[%dma_start3A_1156] : memref<4992xi32, #tpu.memory_space<vmem>> -> memref<128xi32, #tpu.memory_space<vmem>>
    %dma_start3A_1158 = arith.constant 0 : i32
    %dma_start3A_1159 = arith.constant 0 : i32
    %dma_start3A_1160 = tpu.memref_slice %arg2[%dma_start3A_1158, %dma_start3A_1159] : memref<10000x128xf32, #tpu.memory_space<hbm>> -> memref<10000x128xf32, #tpu.memory_space<hbm>>
    tpu.enqueue_indirect_dma source(%dma_start3A_1160 : memref<10000x128xf32, #tpu.memory_space<hbm>>) target(%arg8 : memref<128x128xf32, #tpu.memory_space<vmem>>) offsets(%dma_start3A_1157 : memref<128xi32, #tpu.memory_space<vmem>>) semaphore(%arg11 : memref<!tpu.dma_semaphore, #tpu.memory_space<semaphore_mem>>)
    %dma_wait3A_1161 = arith.constant 3456 : i32
    %dma_wait3A_1162 = tpu.memref_slice %arg5[%dma_wait3A_1161] : memref<4992xi32, #tpu.memory_space<vmem>> -> memref<128xi32, #tpu.memory_space<vmem>>
    %dma_wait3A_1163 = arith.constant 0 : i32
    %dma_wait3A_1164 = arith.constant 0 : i32
    %dma_wait3A_1165 = tpu.memref_slice %arg2[%dma_wait3A_1163, %dma_wait3A_1164] : memref<10000x128xf32, #tpu.memory_space<hbm>> -> memref<10000x128xf32, #tpu.memory_space<hbm>>
    tpu.wait_indirect_dma semaphore(%arg12 : memref<!tpu.dma_semaphore, #tpu.memory_space<semaphore_mem>>) src(%dma_wait3A_1165 : memref<10000x128xf32, #tpu.memory_space<hbm>>) dst(%arg9 : memref<128x128xf32, #tpu.memory_space<vmem>>)
    "tpu.region"() ({
      %run_scoped3A = tpu.sem_alloc : memref<!tpu.dma_semaphore, #tpu.memory_space<semaphore_mem>>
      %dma_start3A_1351 = arith.constant 0 : i32
      %dma_start3A_1352 = arith.constant 0 : i32
      %dma_start3A_1353 = tpu.memref_slice %arg10[%dma_start3A_1351, %dma_start3A_1352] : memref<10000x128xf32, #tpu.memory_space<vmem_shared>> -> memref<10000x128xf32, #tpu.memory_space<vmem_shared>>
      tpu.enqueue_indirect_dma source(%arg9 : memref<128x128xf32, #tpu.memory_space<vmem>>) target(%dma_start3A_1353 : memref<10000x128xf32, #tpu.memory_space<vmem_shared>>) offsets(%arg7 : memref<128xi32, #tpu.memory_space<vmem>>) semaphore(%run_scoped3A : memref<!tpu.dma_semaphore, #tpu.memory_space<semaphore_mem>>) {add = true}
      %dma_wait3A_1354 = arith.constant 0 : i32
      %dma_wait3A_1355 = arith.constant 0 : i32
      %dma_wait3A_1356 = tpu.memref_slice %arg10[%dma_wait3A_1354, %dma_wait3A_1355] : memref<10000x128xf32, #tpu.memory_space<vmem_shared>> -> memref<10000x128xf32, #tpu.memory_space<vmem_shared>>
      tpu.wait_indirect_dma semaphore(%run_scoped3A : memref<!tpu.dma_semaphore, #tpu.memory_space<semaphore_mem>>) src(%arg9 : memref<128x128xf32, #tpu.memory_space<vmem>>) dst(%dma_wait3A_1356 : memref<10000x128xf32, #tpu.memory_space<vmem_shared>>)
      tpu.yield
    }) : () -> ()
    %dma_wait3A_1166 = tpu.memref_slice %arg3[%add3A_712] : memref<640000xi32, #tpu.memory_space<hbm>> -> memref<128xi32, #tpu.memory_space<hbm>>
    %dma_wait3A_1167 = tpu.memref_slice %arg3[%add3A_712] : memref<640000xi32, #tpu.memory_space<hbm>> -> memref<128xi32, #tpu.memory_space<hbm>>
    tpu.wait_dma2 semaphore(%arg13 : memref<!tpu.dma_semaphore, #tpu.memory_space<semaphore_mem>>) src(%dma_wait3A_1167 : memref<128xi32, #tpu.memory_space<hbm>>) dst(%arg6 : memref<128xi32, #tpu.memory_space<vmem>>)
    %add3A_1168 = arith.constant 3712 : i32
    %add3A_1169 = arith.addi %add3A_712, %add3A_1168 : i32
    %dma_start3A_1170 = tpu.memref_slice %arg3[%add3A_1169] : memref<640000xi32, #tpu.memory_space<hbm>> -> memref<128xi32, #tpu.memory_space<hbm>>
    %dma_start3A_1171 = tpu.memref_slice %arg3[%add3A_1169] : memref<640000xi32, #tpu.memory_space<hbm>> -> memref<128xi32, #tpu.memory_space<hbm>>
    tpu.enqueue_dma source(%dma_start3A_1171 : memref<128xi32, #tpu.memory_space<hbm>>) target(%arg7 : memref<128xi32, #tpu.memory_space<vmem>>) target_semaphore(%arg13 : memref<!tpu.dma_semaphore, #tpu.memory_space<semaphore_mem>>)
    %dma_start3A_1172 = arith.constant 3712 : i32
    %dma_start3A_1173 = tpu.memref_slice %arg5[%dma_start3A_1172] : memref<4992xi32, #tpu.memory_space<vmem>> -> memref<128xi32, #tpu.memory_space<vmem>>
    %dma_start3A_1174 = arith.constant 0 : i32
    %dma_start3A_1175 = arith.constant 0 : i32
    %dma_start3A_1176 = tpu.memref_slice %arg2[%dma_start3A_1174, %dma_start3A_1175] : memref<10000x128xf32, #tpu.memory_space<hbm>> -> memref<10000x128xf32, #tpu.memory_space<hbm>>
    tpu.enqueue_indirect_dma source(%dma_start3A_1176 : memref<10000x128xf32, #tpu.memory_space<hbm>>) target(%arg9 : memref<128x128xf32, #tpu.memory_space<vmem>>) offsets(%dma_start3A_1173 : memref<128xi32, #tpu.memory_space<vmem>>) semaphore(%arg12 : memref<!tpu.dma_semaphore, #tpu.memory_space<semaphore_mem>>)
    %dma_wait3A_1177 = arith.constant 3584 : i32
    %dma_wait3A_1178 = tpu.memref_slice %arg5[%dma_wait3A_1177] : memref<4992xi32, #tpu.memory_space<vmem>> -> memref<128xi32, #tpu.memory_space<vmem>>
    %dma_wait3A_1179 = arith.constant 0 : i32
    %dma_wait3A_1180 = arith.constant 0 : i32
    %dma_wait3A_1181 = tpu.memref_slice %arg2[%dma_wait3A_1179, %dma_wait3A_1180] : memref<10000x128xf32, #tpu.memory_space<hbm>> -> memref<10000x128xf32, #tpu.memory_space<hbm>>
    tpu.wait_indirect_dma semaphore(%arg11 : memref<!tpu.dma_semaphore, #tpu.memory_space<semaphore_mem>>) src(%dma_wait3A_1181 : memref<10000x128xf32, #tpu.memory_space<hbm>>) dst(%arg8 : memref<128x128xf32, #tpu.memory_space<vmem>>)
    "tpu.region"() ({
      %run_scoped3A = tpu.sem_alloc : memref<!tpu.dma_semaphore, #tpu.memory_space<semaphore_mem>>
      %dma_start3A_1351 = arith.constant 0 : i32
      %dma_start3A_1352 = arith.constant 0 : i32
      %dma_start3A_1353 = tpu.memref_slice %arg10[%dma_start3A_1351, %dma_start3A_1352] : memref<10000x128xf32, #tpu.memory_space<vmem_shared>> -> memref<10000x128xf32, #tpu.memory_space<vmem_shared>>
      tpu.enqueue_indirect_dma source(%arg8 : memref<128x128xf32, #tpu.memory_space<vmem>>) target(%dma_start3A_1353 : memref<10000x128xf32, #tpu.memory_space<vmem_shared>>) offsets(%arg6 : memref<128xi32, #tpu.memory_space<vmem>>) semaphore(%run_scoped3A : memref<!tpu.dma_semaphore, #tpu.memory_space<semaphore_mem>>) {add = true}
      %dma_wait3A_1354 = arith.constant 0 : i32
      %dma_wait3A_1355 = arith.constant 0 : i32
      %dma_wait3A_1356 = tpu.memref_slice %arg10[%dma_wait3A_1354, %dma_wait3A_1355] : memref<10000x128xf32, #tpu.memory_space<vmem_shared>> -> memref<10000x128xf32, #tpu.memory_space<vmem_shared>>
      tpu.wait_indirect_dma semaphore(%run_scoped3A : memref<!tpu.dma_semaphore, #tpu.memory_space<semaphore_mem>>) src(%arg8 : memref<128x128xf32, #tpu.memory_space<vmem>>) dst(%dma_wait3A_1356 : memref<10000x128xf32, #tpu.memory_space<vmem_shared>>)
      tpu.yield
    }) : () -> ()
    %dma_wait3A_1182 = tpu.memref_slice %arg3[%add3A_712] : memref<640000xi32, #tpu.memory_space<hbm>> -> memref<128xi32, #tpu.memory_space<hbm>>
    %dma_wait3A_1183 = tpu.memref_slice %arg3[%add3A_712] : memref<640000xi32, #tpu.memory_space<hbm>> -> memref<128xi32, #tpu.memory_space<hbm>>
    tpu.wait_dma2 semaphore(%arg13 : memref<!tpu.dma_semaphore, #tpu.memory_space<semaphore_mem>>) src(%dma_wait3A_1183 : memref<128xi32, #tpu.memory_space<hbm>>) dst(%arg7 : memref<128xi32, #tpu.memory_space<vmem>>)
    %add3A_1184 = arith.constant 3840 : i32
    %add3A_1185 = arith.addi %add3A_712, %add3A_1184 : i32
    %dma_start3A_1186 = tpu.memref_slice %arg3[%add3A_1185] : memref<640000xi32, #tpu.memory_space<hbm>> -> memref<128xi32, #tpu.memory_space<hbm>>
    %dma_start3A_1187 = tpu.memref_slice %arg3[%add3A_1185] : memref<640000xi32, #tpu.memory_space<hbm>> -> memref<128xi32, #tpu.memory_space<hbm>>
    tpu.enqueue_dma source(%dma_start3A_1187 : memref<128xi32, #tpu.memory_space<hbm>>) target(%arg6 : memref<128xi32, #tpu.memory_space<vmem>>) target_semaphore(%arg13 : memref<!tpu.dma_semaphore, #tpu.memory_space<semaphore_mem>>)
    %dma_start3A_1188 = arith.constant 3840 : i32
    %dma_start3A_1189 = tpu.memref_slice %arg5[%dma_start3A_1188] : memref<4992xi32, #tpu.memory_space<vmem>> -> memref<128xi32, #tpu.memory_space<vmem>>
    %dma_start3A_1190 = arith.constant 0 : i32
    %dma_start3A_1191 = arith.constant 0 : i32
    %dma_start3A_1192 = tpu.memref_slice %arg2[%dma_start3A_1190, %dma_start3A_1191] : memref<10000x128xf32, #tpu.memory_space<hbm>> -> memref<10000x128xf32, #tpu.memory_space<hbm>>
    tpu.enqueue_indirect_dma source(%dma_start3A_1192 : memref<10000x128xf32, #tpu.memory_space<hbm>>) target(%arg8 : memref<128x128xf32, #tpu.memory_space<vmem>>) offsets(%dma_start3A_1189 : memref<128xi32, #tpu.memory_space<vmem>>) semaphore(%arg11 : memref<!tpu.dma_semaphore, #tpu.memory_space<semaphore_mem>>)
    %dma_wait3A_1193 = arith.constant 3712 : i32
    %dma_wait3A_1194 = tpu.memref_slice %arg5[%dma_wait3A_1193] : memref<4992xi32, #tpu.memory_space<vmem>> -> memref<128xi32, #tpu.memory_space<vmem>>
    %dma_wait3A_1195 = arith.constant 0 : i32
    %dma_wait3A_1196 = arith.constant 0 : i32
    %dma_wait3A_1197 = tpu.memref_slice %arg2[%dma_wait3A_1195, %dma_wait3A_1196] : memref<10000x128xf32, #tpu.memory_space<hbm>> -> memref<10000x128xf32, #tpu.memory_space<hbm>>
    tpu.wait_indirect_dma semaphore(%arg12 : memref<!tpu.dma_semaphore, #tpu.memory_space<semaphore_mem>>) src(%dma_wait3A_1197 : memref<10000x128xf32, #tpu.memory_space<hbm>>) dst(%arg9 : memref<128x128xf32, #tpu.memory_space<vmem>>)
    "tpu.region"() ({
      %run_scoped3A = tpu.sem_alloc : memref<!tpu.dma_semaphore, #tpu.memory_space<semaphore_mem>>
      %dma_start3A_1351 = arith.constant 0 : i32
      %dma_start3A_1352 = arith.constant 0 : i32
      %dma_start3A_1353 = tpu.memref_slice %arg10[%dma_start3A_1351, %dma_start3A_1352] : memref<10000x128xf32, #tpu.memory_space<vmem_shared>> -> memref<10000x128xf32, #tpu.memory_space<vmem_shared>>
      tpu.enqueue_indirect_dma source(%arg9 : memref<128x128xf32, #tpu.memory_space<vmem>>) target(%dma_start3A_1353 : memref<10000x128xf32, #tpu.memory_space<vmem_shared>>) offsets(%arg7 : memref<128xi32, #tpu.memory_space<vmem>>) semaphore(%run_scoped3A : memref<!tpu.dma_semaphore, #tpu.memory_space<semaphore_mem>>) {add = true}
      %dma_wait3A_1354 = arith.constant 0 : i32
      %dma_wait3A_1355 = arith.constant 0 : i32
      %dma_wait3A_1356 = tpu.memref_slice %arg10[%dma_wait3A_1354, %dma_wait3A_1355] : memref<10000x128xf32, #tpu.memory_space<vmem_shared>> -> memref<10000x128xf32, #tpu.memory_space<vmem_shared>>
      tpu.wait_indirect_dma semaphore(%run_scoped3A : memref<!tpu.dma_semaphore, #tpu.memory_space<semaphore_mem>>) src(%arg9 : memref<128x128xf32, #tpu.memory_space<vmem>>) dst(%dma_wait3A_1356 : memref<10000x128xf32, #tpu.memory_space<vmem_shared>>)
      tpu.yield
    }) : () -> ()
    %dma_wait3A_1198 = tpu.memref_slice %arg3[%add3A_712] : memref<640000xi32, #tpu.memory_space<hbm>> -> memref<128xi32, #tpu.memory_space<hbm>>
    %dma_wait3A_1199 = tpu.memref_slice %arg3[%add3A_712] : memref<640000xi32, #tpu.memory_space<hbm>> -> memref<128xi32, #tpu.memory_space<hbm>>
    tpu.wait_dma2 semaphore(%arg13 : memref<!tpu.dma_semaphore, #tpu.memory_space<semaphore_mem>>) src(%dma_wait3A_1199 : memref<128xi32, #tpu.memory_space<hbm>>) dst(%arg6 : memref<128xi32, #tpu.memory_space<vmem>>)
    %add3A_1200 = arith.constant 3968 : i32
    %add3A_1201 = arith.addi %add3A_712, %add3A_1200 : i32
    %dma_start3A_1202 = tpu.memref_slice %arg3[%add3A_1201] : memref<640000xi32, #tpu.memory_space<hbm>> -> memref<128xi32, #tpu.memory_space<hbm>>
    %dma_start3A_1203 = tpu.memref_slice %arg3[%add3A_1201] : memref<640000xi32, #tpu.memory_space<hbm>> -> memref<128xi32, #tpu.memory_space<hbm>>
    tpu.enqueue_dma source(%dma_start3A_1203 : memref<128xi32, #tpu.memory_space<hbm>>) target(%arg7 : memref<128xi32, #tpu.memory_space<vmem>>) target_semaphore(%arg13 : memref<!tpu.dma_semaphore, #tpu.memory_space<semaphore_mem>>)
    %dma_start3A_1204 = arith.constant 3968 : i32
    %dma_start3A_1205 = tpu.memref_slice %arg5[%dma_start3A_1204] : memref<4992xi32, #tpu.memory_space<vmem>> -> memref<128xi32, #tpu.memory_space<vmem>>
    %dma_start3A_1206 = arith.constant 0 : i32
    %dma_start3A_1207 = arith.constant 0 : i32
    %dma_start3A_1208 = tpu.memref_slice %arg2[%dma_start3A_1206, %dma_start3A_1207] : memref<10000x128xf32, #tpu.memory_space<hbm>> -> memref<10000x128xf32, #tpu.memory_space<hbm>>
    tpu.enqueue_indirect_dma source(%dma_start3A_1208 : memref<10000x128xf32, #tpu.memory_space<hbm>>) target(%arg9 : memref<128x128xf32, #tpu.memory_space<vmem>>) offsets(%dma_start3A_1205 : memref<128xi32, #tpu.memory_space<vmem>>) semaphore(%arg12 : memref<!tpu.dma_semaphore, #tpu.memory_space<semaphore_mem>>)
    %dma_wait3A_1209 = arith.constant 3840 : i32
    %dma_wait3A_1210 = tpu.memref_slice %arg5[%dma_wait3A_1209] : memref<4992xi32, #tpu.memory_space<vmem>> -> memref<128xi32, #tpu.memory_space<vmem>>
    %dma_wait3A_1211 = arith.constant 0 : i32
    %dma_wait3A_1212 = arith.constant 0 : i32
    %dma_wait3A_1213 = tpu.memref_slice %arg2[%dma_wait3A_1211, %dma_wait3A_1212] : memref<10000x128xf32, #tpu.memory_space<hbm>> -> memref<10000x128xf32, #tpu.memory_space<hbm>>
    tpu.wait_indirect_dma semaphore(%arg11 : memref<!tpu.dma_semaphore, #tpu.memory_space<semaphore_mem>>) src(%dma_wait3A_1213 : memref<10000x128xf32, #tpu.memory_space<hbm>>) dst(%arg8 : memref<128x128xf32, #tpu.memory_space<vmem>>)
    "tpu.region"() ({
      %run_scoped3A = tpu.sem_alloc : memref<!tpu.dma_semaphore, #tpu.memory_space<semaphore_mem>>
      %dma_start3A_1351 = arith.constant 0 : i32
      %dma_start3A_1352 = arith.constant 0 : i32
      %dma_start3A_1353 = tpu.memref_slice %arg10[%dma_start3A_1351, %dma_start3A_1352] : memref<10000x128xf32, #tpu.memory_space<vmem_shared>> -> memref<10000x128xf32, #tpu.memory_space<vmem_shared>>
      tpu.enqueue_indirect_dma source(%arg8 : memref<128x128xf32, #tpu.memory_space<vmem>>) target(%dma_start3A_1353 : memref<10000x128xf32, #tpu.memory_space<vmem_shared>>) offsets(%arg6 : memref<128xi32, #tpu.memory_space<vmem>>) semaphore(%run_scoped3A : memref<!tpu.dma_semaphore, #tpu.memory_space<semaphore_mem>>) {add = true}
      %dma_wait3A_1354 = arith.constant 0 : i32
      %dma_wait3A_1355 = arith.constant 0 : i32
      %dma_wait3A_1356 = tpu.memref_slice %arg10[%dma_wait3A_1354, %dma_wait3A_1355] : memref<10000x128xf32, #tpu.memory_space<vmem_shared>> -> memref<10000x128xf32, #tpu.memory_space<vmem_shared>>
      tpu.wait_indirect_dma semaphore(%run_scoped3A : memref<!tpu.dma_semaphore, #tpu.memory_space<semaphore_mem>>) src(%arg8 : memref<128x128xf32, #tpu.memory_space<vmem>>) dst(%dma_wait3A_1356 : memref<10000x128xf32, #tpu.memory_space<vmem_shared>>)
      tpu.yield
    }) : () -> ()
    %dma_wait3A_1214 = tpu.memref_slice %arg3[%add3A_712] : memref<640000xi32, #tpu.memory_space<hbm>> -> memref<128xi32, #tpu.memory_space<hbm>>
    %dma_wait3A_1215 = tpu.memref_slice %arg3[%add3A_712] : memref<640000xi32, #tpu.memory_space<hbm>> -> memref<128xi32, #tpu.memory_space<hbm>>
    tpu.wait_dma2 semaphore(%arg13 : memref<!tpu.dma_semaphore, #tpu.memory_space<semaphore_mem>>) src(%dma_wait3A_1215 : memref<128xi32, #tpu.memory_space<hbm>>) dst(%arg7 : memref<128xi32, #tpu.memory_space<vmem>>)
    %add3A_1216 = arith.constant 4096 : i32
    %add3A_1217 = arith.addi %add3A_712, %add3A_1216 : i32
    %dma_start3A_1218 = tpu.memref_slice %arg3[%add3A_1217] : memref<640000xi32, #tpu.memory_space<hbm>> -> memref<128xi32, #tpu.memory_space<hbm>>
    %dma_start3A_1219 = tpu.memref_slice %arg3[%add3A_1217] : memref<640000xi32, #tpu.memory_space<hbm>> -> memref<128xi32, #tpu.memory_space<hbm>>
    tpu.enqueue_dma source(%dma_start3A_1219 : memref<128xi32, #tpu.memory_space<hbm>>) target(%arg6 : memref<128xi32, #tpu.memory_space<vmem>>) target_semaphore(%arg13 : memref<!tpu.dma_semaphore, #tpu.memory_space<semaphore_mem>>)
    %dma_start3A_1220 = arith.constant 4096 : i32
    %dma_start3A_1221 = tpu.memref_slice %arg5[%dma_start3A_1220] : memref<4992xi32, #tpu.memory_space<vmem>> -> memref<128xi32, #tpu.memory_space<vmem>>
    %dma_start3A_1222 = arith.constant 0 : i32
    %dma_start3A_1223 = arith.constant 0 : i32
    %dma_start3A_1224 = tpu.memref_slice %arg2[%dma_start3A_1222, %dma_start3A_1223] : memref<10000x128xf32, #tpu.memory_space<hbm>> -> memref<10000x128xf32, #tpu.memory_space<hbm>>
    tpu.enqueue_indirect_dma source(%dma_start3A_1224 : memref<10000x128xf32, #tpu.memory_space<hbm>>) target(%arg8 : memref<128x128xf32, #tpu.memory_space<vmem>>) offsets(%dma_start3A_1221 : memref<128xi32, #tpu.memory_space<vmem>>) semaphore(%arg11 : memref<!tpu.dma_semaphore, #tpu.memory_space<semaphore_mem>>)
    %dma_wait3A_1225 = arith.constant 3968 : i32
    %dma_wait3A_1226 = tpu.memref_slice %arg5[%dma_wait3A_1225] : memref<4992xi32, #tpu.memory_space<vmem>> -> memref<128xi32, #tpu.memory_space<vmem>>
    %dma_wait3A_1227 = arith.constant 0 : i32
    %dma_wait3A_1228 = arith.constant 0 : i32
    %dma_wait3A_1229 = tpu.memref_slice %arg2[%dma_wait3A_1227, %dma_wait3A_1228] : memref<10000x128xf32, #tpu.memory_space<hbm>> -> memref<10000x128xf32, #tpu.memory_space<hbm>>
    tpu.wait_indirect_dma semaphore(%arg12 : memref<!tpu.dma_semaphore, #tpu.memory_space<semaphore_mem>>) src(%dma_wait3A_1229 : memref<10000x128xf32, #tpu.memory_space<hbm>>) dst(%arg9 : memref<128x128xf32, #tpu.memory_space<vmem>>)
    "tpu.region"() ({
      %run_scoped3A = tpu.sem_alloc : memref<!tpu.dma_semaphore, #tpu.memory_space<semaphore_mem>>
      %dma_start3A_1351 = arith.constant 0 : i32
      %dma_start3A_1352 = arith.constant 0 : i32
      %dma_start3A_1353 = tpu.memref_slice %arg10[%dma_start3A_1351, %dma_start3A_1352] : memref<10000x128xf32, #tpu.memory_space<vmem_shared>> -> memref<10000x128xf32, #tpu.memory_space<vmem_shared>>
      tpu.enqueue_indirect_dma source(%arg9 : memref<128x128xf32, #tpu.memory_space<vmem>>) target(%dma_start3A_1353 : memref<10000x128xf32, #tpu.memory_space<vmem_shared>>) offsets(%arg7 : memref<128xi32, #tpu.memory_space<vmem>>) semaphore(%run_scoped3A : memref<!tpu.dma_semaphore, #tpu.memory_space<semaphore_mem>>) {add = true}
      %dma_wait3A_1354 = arith.constant 0 : i32
      %dma_wait3A_1355 = arith.constant 0 : i32
      %dma_wait3A_1356 = tpu.memref_slice %arg10[%dma_wait3A_1354, %dma_wait3A_1355] : memref<10000x128xf32, #tpu.memory_space<vmem_shared>> -> memref<10000x128xf32, #tpu.memory_space<vmem_shared>>
      tpu.wait_indirect_dma semaphore(%run_scoped3A : memref<!tpu.dma_semaphore, #tpu.memory_space<semaphore_mem>>) src(%arg9 : memref<128x128xf32, #tpu.memory_space<vmem>>) dst(%dma_wait3A_1356 : memref<10000x128xf32, #tpu.memory_space<vmem_shared>>)
      tpu.yield
    }) : () -> ()
    %dma_wait3A_1230 = tpu.memref_slice %arg3[%add3A_712] : memref<640000xi32, #tpu.memory_space<hbm>> -> memref<128xi32, #tpu.memory_space<hbm>>
    %dma_wait3A_1231 = tpu.memref_slice %arg3[%add3A_712] : memref<640000xi32, #tpu.memory_space<hbm>> -> memref<128xi32, #tpu.memory_space<hbm>>
    tpu.wait_dma2 semaphore(%arg13 : memref<!tpu.dma_semaphore, #tpu.memory_space<semaphore_mem>>) src(%dma_wait3A_1231 : memref<128xi32, #tpu.memory_space<hbm>>) dst(%arg6 : memref<128xi32, #tpu.memory_space<vmem>>)
    %add3A_1232 = arith.constant 4224 : i32
    %add3A_1233 = arith.addi %add3A_712, %add3A_1232 : i32
    %dma_start3A_1234 = tpu.memref_slice %arg3[%add3A_1233] : memref<640000xi32, #tpu.memory_space<hbm>> -> memref<128xi32, #tpu.memory_space<hbm>>
    %dma_start3A_1235 = tpu.memref_slice %arg3[%add3A_1233] : memref<640000xi32, #tpu.memory_space<hbm>> -> memref<128xi32, #tpu.memory_space<hbm>>
    tpu.enqueue_dma source(%dma_start3A_1235 : memref<128xi32, #tpu.memory_space<hbm>>) target(%arg7 : memref<128xi32, #tpu.memory_space<vmem>>) target_semaphore(%arg13 : memref<!tpu.dma_semaphore, #tpu.memory_space<semaphore_mem>>)
    %dma_start3A_1236 = arith.constant 4224 : i32
    %dma_start3A_1237 = tpu.memref_slice %arg5[%dma_start3A_1236] : memref<4992xi32, #tpu.memory_space<vmem>> -> memref<128xi32, #tpu.memory_space<vmem>>
    %dma_start3A_1238 = arith.constant 0 : i32
    %dma_start3A_1239 = arith.constant 0 : i32
    %dma_start3A_1240 = tpu.memref_slice %arg2[%dma_start3A_1238, %dma_start3A_1239] : memref<10000x128xf32, #tpu.memory_space<hbm>> -> memref<10000x128xf32, #tpu.memory_space<hbm>>
    tpu.enqueue_indirect_dma source(%dma_start3A_1240 : memref<10000x128xf32, #tpu.memory_space<hbm>>) target(%arg9 : memref<128x128xf32, #tpu.memory_space<vmem>>) offsets(%dma_start3A_1237 : memref<128xi32, #tpu.memory_space<vmem>>) semaphore(%arg12 : memref<!tpu.dma_semaphore, #tpu.memory_space<semaphore_mem>>)
    %dma_wait3A_1241 = arith.constant 4096 : i32
    %dma_wait3A_1242 = tpu.memref_slice %arg5[%dma_wait3A_1241] : memref<4992xi32, #tpu.memory_space<vmem>> -> memref<128xi32, #tpu.memory_space<vmem>>
    %dma_wait3A_1243 = arith.constant 0 : i32
    %dma_wait3A_1244 = arith.constant 0 : i32
    %dma_wait3A_1245 = tpu.memref_slice %arg2[%dma_wait3A_1243, %dma_wait3A_1244] : memref<10000x128xf32, #tpu.memory_space<hbm>> -> memref<10000x128xf32, #tpu.memory_space<hbm>>
    tpu.wait_indirect_dma semaphore(%arg11 : memref<!tpu.dma_semaphore, #tpu.memory_space<semaphore_mem>>) src(%dma_wait3A_1245 : memref<10000x128xf32, #tpu.memory_space<hbm>>) dst(%arg8 : memref<128x128xf32, #tpu.memory_space<vmem>>)
    "tpu.region"() ({
      %run_scoped3A = tpu.sem_alloc : memref<!tpu.dma_semaphore, #tpu.memory_space<semaphore_mem>>
      %dma_start3A_1351 = arith.constant 0 : i32
      %dma_start3A_1352 = arith.constant 0 : i32
      %dma_start3A_1353 = tpu.memref_slice %arg10[%dma_start3A_1351, %dma_start3A_1352] : memref<10000x128xf32, #tpu.memory_space<vmem_shared>> -> memref<10000x128xf32, #tpu.memory_space<vmem_shared>>
      tpu.enqueue_indirect_dma source(%arg8 : memref<128x128xf32, #tpu.memory_space<vmem>>) target(%dma_start3A_1353 : memref<10000x128xf32, #tpu.memory_space<vmem_shared>>) offsets(%arg6 : memref<128xi32, #tpu.memory_space<vmem>>) semaphore(%run_scoped3A : memref<!tpu.dma_semaphore, #tpu.memory_space<semaphore_mem>>) {add = true}
      %dma_wait3A_1354 = arith.constant 0 : i32
      %dma_wait3A_1355 = arith.constant 0 : i32
      %dma_wait3A_1356 = tpu.memref_slice %arg10[%dma_wait3A_1354, %dma_wait3A_1355] : memref<10000x128xf32, #tpu.memory_space<vmem_shared>> -> memref<10000x128xf32, #tpu.memory_space<vmem_shared>>
      tpu.wait_indirect_dma semaphore(%run_scoped3A : memref<!tpu.dma_semaphore, #tpu.memory_space<semaphore_mem>>) src(%arg8 : memref<128x128xf32, #tpu.memory_space<vmem>>) dst(%dma_wait3A_1356 : memref<10000x128xf32, #tpu.memory_space<vmem_shared>>)
      tpu.yield
    }) : () -> ()
    %dma_wait3A_1246 = tpu.memref_slice %arg3[%add3A_712] : memref<640000xi32, #tpu.memory_space<hbm>> -> memref<128xi32, #tpu.memory_space<hbm>>
    %dma_wait3A_1247 = tpu.memref_slice %arg3[%add3A_712] : memref<640000xi32, #tpu.memory_space<hbm>> -> memref<128xi32, #tpu.memory_space<hbm>>
    tpu.wait_dma2 semaphore(%arg13 : memref<!tpu.dma_semaphore, #tpu.memory_space<semaphore_mem>>) src(%dma_wait3A_1247 : memref<128xi32, #tpu.memory_space<hbm>>) dst(%arg7 : memref<128xi32, #tpu.memory_space<vmem>>)
    %add3A_1248 = arith.constant 4352 : i32
    %add3A_1249 = arith.addi %add3A_712, %add3A_1248 : i32
    %dma_start3A_1250 = tpu.memref_slice %arg3[%add3A_1249] : memref<640000xi32, #tpu.memory_space<hbm>> -> memref<128xi32, #tpu.memory_space<hbm>>
    %dma_start3A_1251 = tpu.memref_slice %arg3[%add3A_1249] : memref<640000xi32, #tpu.memory_space<hbm>> -> memref<128xi32, #tpu.memory_space<hbm>>
    tpu.enqueue_dma source(%dma_start3A_1251 : memref<128xi32, #tpu.memory_space<hbm>>) target(%arg6 : memref<128xi32, #tpu.memory_space<vmem>>) target_semaphore(%arg13 : memref<!tpu.dma_semaphore, #tpu.memory_space<semaphore_mem>>)
    %dma_start3A_1252 = arith.constant 4352 : i32
    %dma_start3A_1253 = tpu.memref_slice %arg5[%dma_start3A_1252] : memref<4992xi32, #tpu.memory_space<vmem>> -> memref<128xi32, #tpu.memory_space<vmem>>
    %dma_start3A_1254 = arith.constant 0 : i32
    %dma_start3A_1255 = arith.constant 0 : i32
    %dma_start3A_1256 = tpu.memref_slice %arg2[%dma_start3A_1254, %dma_start3A_1255] : memref<10000x128xf32, #tpu.memory_space<hbm>> -> memref<10000x128xf32, #tpu.memory_space<hbm>>
    tpu.enqueue_indirect_dma source(%dma_start3A_1256 : memref<10000x128xf32, #tpu.memory_space<hbm>>) target(%arg8 : memref<128x128xf32, #tpu.memory_space<vmem>>) offsets(%dma_start3A_1253 : memref<128xi32, #tpu.memory_space<vmem>>) semaphore(%arg11 : memref<!tpu.dma_semaphore, #tpu.memory_space<semaphore_mem>>)
    %dma_wait3A_1257 = arith.constant 4224 : i32
    %dma_wait3A_1258 = tpu.memref_slice %arg5[%dma_wait3A_1257] : memref<4992xi32, #tpu.memory_space<vmem>> -> memref<128xi32, #tpu.memory_space<vmem>>
    %dma_wait3A_1259 = arith.constant 0 : i32
    %dma_wait3A_1260 = arith.constant 0 : i32
    %dma_wait3A_1261 = tpu.memref_slice %arg2[%dma_wait3A_1259, %dma_wait3A_1260] : memref<10000x128xf32, #tpu.memory_space<hbm>> -> memref<10000x128xf32, #tpu.memory_space<hbm>>
    tpu.wait_indirect_dma semaphore(%arg12 : memref<!tpu.dma_semaphore, #tpu.memory_space<semaphore_mem>>) src(%dma_wait3A_1261 : memref<10000x128xf32, #tpu.memory_space<hbm>>) dst(%arg9 : memref<128x128xf32, #tpu.memory_space<vmem>>)
    "tpu.region"() ({
      %run_scoped3A = tpu.sem_alloc : memref<!tpu.dma_semaphore, #tpu.memory_space<semaphore_mem>>
      %dma_start3A_1351 = arith.constant 0 : i32
      %dma_start3A_1352 = arith.constant 0 : i32
      %dma_start3A_1353 = tpu.memref_slice %arg10[%dma_start3A_1351, %dma_start3A_1352] : memref<10000x128xf32, #tpu.memory_space<vmem_shared>> -> memref<10000x128xf32, #tpu.memory_space<vmem_shared>>
      tpu.enqueue_indirect_dma source(%arg9 : memref<128x128xf32, #tpu.memory_space<vmem>>) target(%dma_start3A_1353 : memref<10000x128xf32, #tpu.memory_space<vmem_shared>>) offsets(%arg7 : memref<128xi32, #tpu.memory_space<vmem>>) semaphore(%run_scoped3A : memref<!tpu.dma_semaphore, #tpu.memory_space<semaphore_mem>>) {add = true}
      %dma_wait3A_1354 = arith.constant 0 : i32
      %dma_wait3A_1355 = arith.constant 0 : i32
      %dma_wait3A_1356 = tpu.memref_slice %arg10[%dma_wait3A_1354, %dma_wait3A_1355] : memref<10000x128xf32, #tpu.memory_space<vmem_shared>> -> memref<10000x128xf32, #tpu.memory_space<vmem_shared>>
      tpu.wait_indirect_dma semaphore(%run_scoped3A : memref<!tpu.dma_semaphore, #tpu.memory_space<semaphore_mem>>) src(%arg9 : memref<128x128xf32, #tpu.memory_space<vmem>>) dst(%dma_wait3A_1356 : memref<10000x128xf32, #tpu.memory_space<vmem_shared>>)
      tpu.yield
    }) : () -> ()
    %dma_wait3A_1262 = tpu.memref_slice %arg3[%add3A_712] : memref<640000xi32, #tpu.memory_space<hbm>> -> memref<128xi32, #tpu.memory_space<hbm>>
    %dma_wait3A_1263 = tpu.memref_slice %arg3[%add3A_712] : memref<640000xi32, #tpu.memory_space<hbm>> -> memref<128xi32, #tpu.memory_space<hbm>>
    tpu.wait_dma2 semaphore(%arg13 : memref<!tpu.dma_semaphore, #tpu.memory_space<semaphore_mem>>) src(%dma_wait3A_1263 : memref<128xi32, #tpu.memory_space<hbm>>) dst(%arg6 : memref<128xi32, #tpu.memory_space<vmem>>)
    %add3A_1264 = arith.constant 4480 : i32
    %add3A_1265 = arith.addi %add3A_712, %add3A_1264 : i32
    %dma_start3A_1266 = tpu.memref_slice %arg3[%add3A_1265] : memref<640000xi32, #tpu.memory_space<hbm>> -> memref<128xi32, #tpu.memory_space<hbm>>
    %dma_start3A_1267 = tpu.memref_slice %arg3[%add3A_1265] : memref<640000xi32, #tpu.memory_space<hbm>> -> memref<128xi32, #tpu.memory_space<hbm>>
    tpu.enqueue_dma source(%dma_start3A_1267 : memref<128xi32, #tpu.memory_space<hbm>>) target(%arg7 : memref<128xi32, #tpu.memory_space<vmem>>) target_semaphore(%arg13 : memref<!tpu.dma_semaphore, #tpu.memory_space<semaphore_mem>>)
    %dma_start3A_1268 = arith.constant 4480 : i32
    %dma_start3A_1269 = tpu.memref_slice %arg5[%dma_start3A_1268] : memref<4992xi32, #tpu.memory_space<vmem>> -> memref<128xi32, #tpu.memory_space<vmem>>
    %dma_start3A_1270 = arith.constant 0 : i32
    %dma_start3A_1271 = arith.constant 0 : i32
    %dma_start3A_1272 = tpu.memref_slice %arg2[%dma_start3A_1270, %dma_start3A_1271] : memref<10000x128xf32, #tpu.memory_space<hbm>> -> memref<10000x128xf32, #tpu.memory_space<hbm>>
    tpu.enqueue_indirect_dma source(%dma_start3A_1272 : memref<10000x128xf32, #tpu.memory_space<hbm>>) target(%arg9 : memref<128x128xf32, #tpu.memory_space<vmem>>) offsets(%dma_start3A_1269 : memref<128xi32, #tpu.memory_space<vmem>>) semaphore(%arg12 : memref<!tpu.dma_semaphore, #tpu.memory_space<semaphore_mem>>)
    %dma_wait3A_1273 = arith.constant 4352 : i32
    %dma_wait3A_1274 = tpu.memref_slice %arg5[%dma_wait3A_1273] : memref<4992xi32, #tpu.memory_space<vmem>> -> memref<128xi32, #tpu.memory_space<vmem>>
    %dma_wait3A_1275 = arith.constant 0 : i32
    %dma_wait3A_1276 = arith.constant 0 : i32
    %dma_wait3A_1277 = tpu.memref_slice %arg2[%dma_wait3A_1275, %dma_wait3A_1276] : memref<10000x128xf32, #tpu.memory_space<hbm>> -> memref<10000x128xf32, #tpu.memory_space<hbm>>
    tpu.wait_indirect_dma semaphore(%arg11 : memref<!tpu.dma_semaphore, #tpu.memory_space<semaphore_mem>>) src(%dma_wait3A_1277 : memref<10000x128xf32, #tpu.memory_space<hbm>>) dst(%arg8 : memref<128x128xf32, #tpu.memory_space<vmem>>)
    "tpu.region"() ({
      %run_scoped3A = tpu.sem_alloc : memref<!tpu.dma_semaphore, #tpu.memory_space<semaphore_mem>>
      %dma_start3A_1351 = arith.constant 0 : i32
      %dma_start3A_1352 = arith.constant 0 : i32
      %dma_start3A_1353 = tpu.memref_slice %arg10[%dma_start3A_1351, %dma_start3A_1352] : memref<10000x128xf32, #tpu.memory_space<vmem_shared>> -> memref<10000x128xf32, #tpu.memory_space<vmem_shared>>
      tpu.enqueue_indirect_dma source(%arg8 : memref<128x128xf32, #tpu.memory_space<vmem>>) target(%dma_start3A_1353 : memref<10000x128xf32, #tpu.memory_space<vmem_shared>>) offsets(%arg6 : memref<128xi32, #tpu.memory_space<vmem>>) semaphore(%run_scoped3A : memref<!tpu.dma_semaphore, #tpu.memory_space<semaphore_mem>>) {add = true}
      %dma_wait3A_1354 = arith.constant 0 : i32
      %dma_wait3A_1355 = arith.constant 0 : i32
      %dma_wait3A_1356 = tpu.memref_slice %arg10[%dma_wait3A_1354, %dma_wait3A_1355] : memref<10000x128xf32, #tpu.memory_space<vmem_shared>> -> memref<10000x128xf32, #tpu.memory_space<vmem_shared>>
      tpu.wait_indirect_dma semaphore(%run_scoped3A : memref<!tpu.dma_semaphore, #tpu.memory_space<semaphore_mem>>) src(%arg8 : memref<128x128xf32, #tpu.memory_space<vmem>>) dst(%dma_wait3A_1356 : memref<10000x128xf32, #tpu.memory_space<vmem_shared>>)
      tpu.yield
    }) : () -> ()
    %dma_wait3A_1278 = tpu.memref_slice %arg3[%add3A_712] : memref<640000xi32, #tpu.memory_space<hbm>> -> memref<128xi32, #tpu.memory_space<hbm>>
    %dma_wait3A_1279 = tpu.memref_slice %arg3[%add3A_712] : memref<640000xi32, #tpu.memory_space<hbm>> -> memref<128xi32, #tpu.memory_space<hbm>>
    tpu.wait_dma2 semaphore(%arg13 : memref<!tpu.dma_semaphore, #tpu.memory_space<semaphore_mem>>) src(%dma_wait3A_1279 : memref<128xi32, #tpu.memory_space<hbm>>) dst(%arg7 : memref<128xi32, #tpu.memory_space<vmem>>)
    %add3A_1280 = arith.constant 4608 : i32
    %add3A_1281 = arith.addi %add3A_712, %add3A_1280 : i32
    %dma_start3A_1282 = tpu.memref_slice %arg3[%add3A_1281] : memref<640000xi32, #tpu.memory_space<hbm>> -> memref<128xi32, #tpu.memory_space<hbm>>
    %dma_start3A_1283 = tpu.memref_slice %arg3[%add3A_1281] : memref<640000xi32, #tpu.memory_space<hbm>> -> memref<128xi32, #tpu.memory_space<hbm>>
    tpu.enqueue_dma source(%dma_start3A_1283 : memref<128xi32, #tpu.memory_space<hbm>>) target(%arg6 : memref<128xi32, #tpu.memory_space<vmem>>) target_semaphore(%arg13 : memref<!tpu.dma_semaphore, #tpu.memory_space<semaphore_mem>>)
    %dma_start3A_1284 = arith.constant 4608 : i32
    %dma_start3A_1285 = tpu.memref_slice %arg5[%dma_start3A_1284] : memref<4992xi32, #tpu.memory_space<vmem>> -> memref<128xi32, #tpu.memory_space<vmem>>
    %dma_start3A_1286 = arith.constant 0 : i32
    %dma_start3A_1287 = arith.constant 0 : i32
    %dma_start3A_1288 = tpu.memref_slice %arg2[%dma_start3A_1286, %dma_start3A_1287] : memref<10000x128xf32, #tpu.memory_space<hbm>> -> memref<10000x128xf32, #tpu.memory_space<hbm>>
    tpu.enqueue_indirect_dma source(%dma_start3A_1288 : memref<10000x128xf32, #tpu.memory_space<hbm>>) target(%arg8 : memref<128x128xf32, #tpu.memory_space<vmem>>) offsets(%dma_start3A_1285 : memref<128xi32, #tpu.memory_space<vmem>>) semaphore(%arg11 : memref<!tpu.dma_semaphore, #tpu.memory_space<semaphore_mem>>)
    %dma_wait3A_1289 = arith.constant 4480 : i32
    %dma_wait3A_1290 = tpu.memref_slice %arg5[%dma_wait3A_1289] : memref<4992xi32, #tpu.memory_space<vmem>> -> memref<128xi32, #tpu.memory_space<vmem>>
    %dma_wait3A_1291 = arith.constant 0 : i32
    %dma_wait3A_1292 = arith.constant 0 : i32
    %dma_wait3A_1293 = tpu.memref_slice %arg2[%dma_wait3A_1291, %dma_wait3A_1292] : memref<10000x128xf32, #tpu.memory_space<hbm>> -> memref<10000x128xf32, #tpu.memory_space<hbm>>
    tpu.wait_indirect_dma semaphore(%arg12 : memref<!tpu.dma_semaphore, #tpu.memory_space<semaphore_mem>>) src(%dma_wait3A_1293 : memref<10000x128xf32, #tpu.memory_space<hbm>>) dst(%arg9 : memref<128x128xf32, #tpu.memory_space<vmem>>)
    "tpu.region"() ({
      %run_scoped3A = tpu.sem_alloc : memref<!tpu.dma_semaphore, #tpu.memory_space<semaphore_mem>>
      %dma_start3A_1351 = arith.constant 0 : i32
      %dma_start3A_1352 = arith.constant 0 : i32
      %dma_start3A_1353 = tpu.memref_slice %arg10[%dma_start3A_1351, %dma_start3A_1352] : memref<10000x128xf32, #tpu.memory_space<vmem_shared>> -> memref<10000x128xf32, #tpu.memory_space<vmem_shared>>
      tpu.enqueue_indirect_dma source(%arg9 : memref<128x128xf32, #tpu.memory_space<vmem>>) target(%dma_start3A_1353 : memref<10000x128xf32, #tpu.memory_space<vmem_shared>>) offsets(%arg7 : memref<128xi32, #tpu.memory_space<vmem>>) semaphore(%run_scoped3A : memref<!tpu.dma_semaphore, #tpu.memory_space<semaphore_mem>>) {add = true}
      %dma_wait3A_1354 = arith.constant 0 : i32
      %dma_wait3A_1355 = arith.constant 0 : i32
      %dma_wait3A_1356 = tpu.memref_slice %arg10[%dma_wait3A_1354, %dma_wait3A_1355] : memref<10000x128xf32, #tpu.memory_space<vmem_shared>> -> memref<10000x128xf32, #tpu.memory_space<vmem_shared>>
      tpu.wait_indirect_dma semaphore(%run_scoped3A : memref<!tpu.dma_semaphore, #tpu.memory_space<semaphore_mem>>) src(%arg9 : memref<128x128xf32, #tpu.memory_space<vmem>>) dst(%dma_wait3A_1356 : memref<10000x128xf32, #tpu.memory_space<vmem_shared>>)
      tpu.yield
    }) : () -> ()
    %dma_wait3A_1294 = tpu.memref_slice %arg3[%add3A_712] : memref<640000xi32, #tpu.memory_space<hbm>> -> memref<128xi32, #tpu.memory_space<hbm>>
    %dma_wait3A_1295 = tpu.memref_slice %arg3[%add3A_712] : memref<640000xi32, #tpu.memory_space<hbm>> -> memref<128xi32, #tpu.memory_space<hbm>>
    tpu.wait_dma2 semaphore(%arg13 : memref<!tpu.dma_semaphore, #tpu.memory_space<semaphore_mem>>) src(%dma_wait3A_1295 : memref<128xi32, #tpu.memory_space<hbm>>) dst(%arg6 : memref<128xi32, #tpu.memory_space<vmem>>)
    %add3A_1296 = arith.constant 4736 : i32
    %add3A_1297 = arith.addi %add3A_712, %add3A_1296 : i32
    %dma_start3A_1298 = tpu.memref_slice %arg3[%add3A_1297] : memref<640000xi32, #tpu.memory_space<hbm>> -> memref<128xi32, #tpu.memory_space<hbm>>
    %dma_start3A_1299 = tpu.memref_slice %arg3[%add3A_1297] : memref<640000xi32, #tpu.memory_space<hbm>> -> memref<128xi32, #tpu.memory_space<hbm>>
    tpu.enqueue_dma source(%dma_start3A_1299 : memref<128xi32, #tpu.memory_space<hbm>>) target(%arg7 : memref<128xi32, #tpu.memory_space<vmem>>) target_semaphore(%arg13 : memref<!tpu.dma_semaphore, #tpu.memory_space<semaphore_mem>>)
    %dma_start3A_1300 = arith.constant 4736 : i32
    %dma_start3A_1301 = tpu.memref_slice %arg5[%dma_start3A_1300] : memref<4992xi32, #tpu.memory_space<vmem>> -> memref<128xi32, #tpu.memory_space<vmem>>
    %dma_start3A_1302 = arith.constant 0 : i32
    %dma_start3A_1303 = arith.constant 0 : i32
    %dma_start3A_1304 = tpu.memref_slice %arg2[%dma_start3A_1302, %dma_start3A_1303] : memref<10000x128xf32, #tpu.memory_space<hbm>> -> memref<10000x128xf32, #tpu.memory_space<hbm>>
    tpu.enqueue_indirect_dma source(%dma_start3A_1304 : memref<10000x128xf32, #tpu.memory_space<hbm>>) target(%arg9 : memref<128x128xf32, #tpu.memory_space<vmem>>) offsets(%dma_start3A_1301 : memref<128xi32, #tpu.memory_space<vmem>>) semaphore(%arg12 : memref<!tpu.dma_semaphore, #tpu.memory_space<semaphore_mem>>)
    %dma_wait3A_1305 = arith.constant 4608 : i32
    %dma_wait3A_1306 = tpu.memref_slice %arg5[%dma_wait3A_1305] : memref<4992xi32, #tpu.memory_space<vmem>> -> memref<128xi32, #tpu.memory_space<vmem>>
    %dma_wait3A_1307 = arith.constant 0 : i32
    %dma_wait3A_1308 = arith.constant 0 : i32
    %dma_wait3A_1309 = tpu.memref_slice %arg2[%dma_wait3A_1307, %dma_wait3A_1308] : memref<10000x128xf32, #tpu.memory_space<hbm>> -> memref<10000x128xf32, #tpu.memory_space<hbm>>
    tpu.wait_indirect_dma semaphore(%arg11 : memref<!tpu.dma_semaphore, #tpu.memory_space<semaphore_mem>>) src(%dma_wait3A_1309 : memref<10000x128xf32, #tpu.memory_space<hbm>>) dst(%arg8 : memref<128x128xf32, #tpu.memory_space<vmem>>)
    "tpu.region"() ({
      %run_scoped3A = tpu.sem_alloc : memref<!tpu.dma_semaphore, #tpu.memory_space<semaphore_mem>>
      %dma_start3A_1351 = arith.constant 0 : i32
      %dma_start3A_1352 = arith.constant 0 : i32
      %dma_start3A_1353 = tpu.memref_slice %arg10[%dma_start3A_1351, %dma_start3A_1352] : memref<10000x128xf32, #tpu.memory_space<vmem_shared>> -> memref<10000x128xf32, #tpu.memory_space<vmem_shared>>
      tpu.enqueue_indirect_dma source(%arg8 : memref<128x128xf32, #tpu.memory_space<vmem>>) target(%dma_start3A_1353 : memref<10000x128xf32, #tpu.memory_space<vmem_shared>>) offsets(%arg6 : memref<128xi32, #tpu.memory_space<vmem>>) semaphore(%run_scoped3A : memref<!tpu.dma_semaphore, #tpu.memory_space<semaphore_mem>>) {add = true}
      %dma_wait3A_1354 = arith.constant 0 : i32
      %dma_wait3A_1355 = arith.constant 0 : i32
      %dma_wait3A_1356 = tpu.memref_slice %arg10[%dma_wait3A_1354, %dma_wait3A_1355] : memref<10000x128xf32, #tpu.memory_space<vmem_shared>> -> memref<10000x128xf32, #tpu.memory_space<vmem_shared>>
      tpu.wait_indirect_dma semaphore(%run_scoped3A : memref<!tpu.dma_semaphore, #tpu.memory_space<semaphore_mem>>) src(%arg8 : memref<128x128xf32, #tpu.memory_space<vmem>>) dst(%dma_wait3A_1356 : memref<10000x128xf32, #tpu.memory_space<vmem_shared>>)
      tpu.yield
    }) : () -> ()
    %dma_wait3A_1310 = tpu.memref_slice %arg3[%add3A_712] : memref<640000xi32, #tpu.memory_space<hbm>> -> memref<128xi32, #tpu.memory_space<hbm>>
    %dma_wait3A_1311 = tpu.memref_slice %arg3[%add3A_712] : memref<640000xi32, #tpu.memory_space<hbm>> -> memref<128xi32, #tpu.memory_space<hbm>>
    tpu.wait_dma2 semaphore(%arg13 : memref<!tpu.dma_semaphore, #tpu.memory_space<semaphore_mem>>) src(%dma_wait3A_1311 : memref<128xi32, #tpu.memory_space<hbm>>) dst(%arg7 : memref<128xi32, #tpu.memory_space<vmem>>)
    %add3A_1312 = arith.constant 4864 : i32
    %add3A_1313 = arith.addi %add3A_712, %add3A_1312 : i32
    %dma_start3A_1314 = tpu.memref_slice %arg3[%add3A_1313] : memref<640000xi32, #tpu.memory_space<hbm>> -> memref<128xi32, #tpu.memory_space<hbm>>
    %dma_start3A_1315 = tpu.memref_slice %arg3[%add3A_1313] : memref<640000xi32, #tpu.memory_space<hbm>> -> memref<128xi32, #tpu.memory_space<hbm>>
    tpu.enqueue_dma source(%dma_start3A_1315 : memref<128xi32, #tpu.memory_space<hbm>>) target(%arg6 : memref<128xi32, #tpu.memory_space<vmem>>) target_semaphore(%arg13 : memref<!tpu.dma_semaphore, #tpu.memory_space<semaphore_mem>>)
    %dma_start3A_1316 = arith.constant 4864 : i32
    %dma_start3A_1317 = tpu.memref_slice %arg5[%dma_start3A_1316] : memref<4992xi32, #tpu.memory_space<vmem>> -> memref<128xi32, #tpu.memory_space<vmem>>
    %dma_start3A_1318 = arith.constant 0 : i32
    %dma_start3A_1319 = arith.constant 0 : i32
    %dma_start3A_1320 = tpu.memref_slice %arg2[%dma_start3A_1318, %dma_start3A_1319] : memref<10000x128xf32, #tpu.memory_space<hbm>> -> memref<10000x128xf32, #tpu.memory_space<hbm>>
    tpu.enqueue_indirect_dma source(%dma_start3A_1320 : memref<10000x128xf32, #tpu.memory_space<hbm>>) target(%arg8 : memref<128x128xf32, #tpu.memory_space<vmem>>) offsets(%dma_start3A_1317 : memref<128xi32, #tpu.memory_space<vmem>>) semaphore(%arg11 : memref<!tpu.dma_semaphore, #tpu.memory_space<semaphore_mem>>)
    %dma_wait3A_1321 = arith.constant 4736 : i32
    %dma_wait3A_1322 = tpu.memref_slice %arg5[%dma_wait3A_1321] : memref<4992xi32, #tpu.memory_space<vmem>> -> memref<128xi32, #tpu.memory_space<vmem>>
    %dma_wait3A_1323 = arith.constant 0 : i32
    %dma_wait3A_1324 = arith.constant 0 : i32
    %dma_wait3A_1325 = tpu.memref_slice %arg2[%dma_wait3A_1323, %dma_wait3A_1324] : memref<10000x128xf32, #tpu.memory_space<hbm>> -> memref<10000x128xf32, #tpu.memory_space<hbm>>
    tpu.wait_indirect_dma semaphore(%arg12 : memref<!tpu.dma_semaphore, #tpu.memory_space<semaphore_mem>>) src(%dma_wait3A_1325 : memref<10000x128xf32, #tpu.memory_space<hbm>>) dst(%arg9 : memref<128x128xf32, #tpu.memory_space<vmem>>)
    "tpu.region"() ({
      %run_scoped3A = tpu.sem_alloc : memref<!tpu.dma_semaphore, #tpu.memory_space<semaphore_mem>>
      %dma_start3A_1351 = arith.constant 0 : i32
      %dma_start3A_1352 = arith.constant 0 : i32
      %dma_start3A_1353 = tpu.memref_slice %arg10[%dma_start3A_1351, %dma_start3A_1352] : memref<10000x128xf32, #tpu.memory_space<vmem_shared>> -> memref<10000x128xf32, #tpu.memory_space<vmem_shared>>
      tpu.enqueue_indirect_dma source(%arg9 : memref<128x128xf32, #tpu.memory_space<vmem>>) target(%dma_start3A_1353 : memref<10000x128xf32, #tpu.memory_space<vmem_shared>>) offsets(%arg7 : memref<128xi32, #tpu.memory_space<vmem>>) semaphore(%run_scoped3A : memref<!tpu.dma_semaphore, #tpu.memory_space<semaphore_mem>>) {add = true}
      %dma_wait3A_1354 = arith.constant 0 : i32
      %dma_wait3A_1355 = arith.constant 0 : i32
      %dma_wait3A_1356 = tpu.memref_slice %arg10[%dma_wait3A_1354, %dma_wait3A_1355] : memref<10000x128xf32, #tpu.memory_space<vmem_shared>> -> memref<10000x128xf32, #tpu.memory_space<vmem_shared>>
      tpu.wait_indirect_dma semaphore(%run_scoped3A : memref<!tpu.dma_semaphore, #tpu.memory_space<semaphore_mem>>) src(%arg9 : memref<128x128xf32, #tpu.memory_space<vmem>>) dst(%dma_wait3A_1356 : memref<10000x128xf32, #tpu.memory_space<vmem_shared>>)
      tpu.yield
    }) : () -> ()
    %dma_wait3A_1326 = tpu.memref_slice %arg3[%add3A_712] : memref<640000xi32, #tpu.memory_space<hbm>> -> memref<128xi32, #tpu.memory_space<hbm>>
    %dma_wait3A_1327 = tpu.memref_slice %arg3[%add3A_712] : memref<640000xi32, #tpu.memory_space<hbm>> -> memref<128xi32, #tpu.memory_space<hbm>>
    tpu.wait_dma2 semaphore(%arg13 : memref<!tpu.dma_semaphore, #tpu.memory_space<semaphore_mem>>) src(%dma_wait3A_1327 : memref<128xi32, #tpu.memory_space<hbm>>) dst(%arg6 : memref<128xi32, #tpu.memory_space<vmem>>)
    %add3A_1328 = arith.constant 4992 : i32
    %add3A_1329 = arith.addi %add3A_712, %add3A_1328 : i32
    %dma_start3A_1330 = tpu.memref_slice %arg3[%add3A_1329] : memref<640000xi32, #tpu.memory_space<hbm>> -> memref<8xi32, #tpu.memory_space<hbm>>
    %dma_start3A_1331 = tpu.memref_slice %arg3[%add3A_1329] : memref<640000xi32, #tpu.memory_space<hbm>> -> memref<8xi32, #tpu.memory_space<hbm>>
    tpu.enqueue_dma source(%dma_start3A_1331 : memref<8xi32, #tpu.memory_space<hbm>>) target(%arg15 : memref<8xi32, #tpu.memory_space<vmem>>) target_semaphore(%arg13 : memref<!tpu.dma_semaphore, #tpu.memory_space<semaphore_mem>>)
    %dma_start3A_1332 = arith.constant 0 : i32
    %dma_start3A_1333 = arith.constant 0 : i32
    %dma_start3A_1334 = tpu.memref_slice %arg2[%dma_start3A_1332, %dma_start3A_1333] : memref<10000x128xf32, #tpu.memory_space<hbm>> -> memref<10000x128xf32, #tpu.memory_space<hbm>>
    tpu.enqueue_indirect_dma source(%dma_start3A_1334 : memref<10000x128xf32, #tpu.memory_space<hbm>>) target(%arg16 : memref<8x128xf32, #tpu.memory_space<vmem>>) offsets(%arg14 : memref<8xi32, #tpu.memory_space<vmem>>) semaphore(%arg12 : memref<!tpu.dma_semaphore, #tpu.memory_space<semaphore_mem>>)
    %dma_wait3A_1335 = arith.constant 4864 : i32
    %dma_wait3A_1336 = tpu.memref_slice %arg5[%dma_wait3A_1335] : memref<4992xi32, #tpu.memory_space<vmem>> -> memref<128xi32, #tpu.memory_space<vmem>>
    %dma_wait3A_1337 = arith.constant 0 : i32
    %dma_wait3A_1338 = arith.constant 0 : i32
    %dma_wait3A_1339 = tpu.memref_slice %arg2[%dma_wait3A_1337, %dma_wait3A_1338] : memref<10000x128xf32, #tpu.memory_space<hbm>> -> memref<10000x128xf32, #tpu.memory_space<hbm>>
    tpu.wait_indirect_dma semaphore(%arg11 : memref<!tpu.dma_semaphore, #tpu.memory_space<semaphore_mem>>) src(%dma_wait3A_1339 : memref<10000x128xf32, #tpu.memory_space<hbm>>) dst(%arg8 : memref<128x128xf32, #tpu.memory_space<vmem>>)
    "tpu.region"() ({
      %run_scoped3A = tpu.sem_alloc : memref<!tpu.dma_semaphore, #tpu.memory_space<semaphore_mem>>
      %dma_start3A_1351 = arith.constant 0 : i32
      %dma_start3A_1352 = arith.constant 0 : i32
      %dma_start3A_1353 = tpu.memref_slice %arg10[%dma_start3A_1351, %dma_start3A_1352] : memref<10000x128xf32, #tpu.memory_space<vmem_shared>> -> memref<10000x128xf32, #tpu.memory_space<vmem_shared>>
      tpu.enqueue_indirect_dma source(%arg8 : memref<128x128xf32, #tpu.memory_space<vmem>>) target(%dma_start3A_1353 : memref<10000x128xf32, #tpu.memory_space<vmem_shared>>) offsets(%arg6 : memref<128xi32, #tpu.memory_space<vmem>>) semaphore(%run_scoped3A : memref<!tpu.dma_semaphore, #tpu.memory_space<semaphore_mem>>) {add = true}
      %dma_wait3A_1354 = arith.constant 0 : i32
      %dma_wait3A_1355 = arith.constant 0 : i32
      %dma_wait3A_1356 = tpu.memref_slice %arg10[%dma_wait3A_1354, %dma_wait3A_1355] : memref<10000x128xf32, #tpu.memory_space<vmem_shared>> -> memref<10000x128xf32, #tpu.memory_space<vmem_shared>>
      tpu.wait_indirect_dma semaphore(%run_scoped3A : memref<!tpu.dma_semaphore, #tpu.memory_space<semaphore_mem>>) src(%arg8 : memref<128x128xf32, #tpu.memory_space<vmem>>) dst(%dma_wait3A_1356 : memref<10000x128xf32, #tpu.memory_space<vmem_shared>>)
      tpu.yield
    }) : () -> ()
    %dma_wait3A_1340 = tpu.memref_slice %arg3[%add3A_712] : memref<640000xi32, #tpu.memory_space<hbm>> -> memref<8xi32, #tpu.memory_space<hbm>>
    %dma_wait3A_1341 = tpu.memref_slice %arg3[%add3A_712] : memref<640000xi32, #tpu.memory_space<hbm>> -> memref<8xi32, #tpu.memory_space<hbm>>
    tpu.wait_dma2 semaphore(%arg13 : memref<!tpu.dma_semaphore, #tpu.memory_space<semaphore_mem>>) src(%dma_wait3A_1341 : memref<8xi32, #tpu.memory_space<hbm>>) dst(%arg15 : memref<8xi32, #tpu.memory_space<vmem>>)
    %dma_wait3A_1342 = arith.constant 0 : i32
    %dma_wait3A_1343 = arith.constant 0 : i32
    %dma_wait3A_1344 = tpu.memref_slice %arg2[%dma_wait3A_1342, %dma_wait3A_1343] : memref<10000x128xf32, #tpu.memory_space<hbm>> -> memref<10000x128xf32, #tpu.memory_space<hbm>>
    tpu.wait_indirect_dma semaphore(%arg12 : memref<!tpu.dma_semaphore, #tpu.memory_space<semaphore_mem>>) src(%dma_wait3A_1344 : memref<10000x128xf32, #tpu.memory_space<hbm>>) dst(%arg16 : memref<8x128xf32, #tpu.memory_space<vmem>>)
    "tpu.region"() ({
      %run_scoped3A = tpu.sem_alloc : memref<!tpu.dma_semaphore, #tpu.memory_space<semaphore_mem>>
      %dma_start3A_1351 = arith.constant 0 : i32
      %dma_start3A_1352 = arith.constant 0 : i32
      %dma_start3A_1353 = tpu.memref_slice %arg10[%dma_start3A_1351, %dma_start3A_1352] : memref<10000x128xf32, #tpu.memory_space<vmem_shared>> -> memref<10000x128xf32, #tpu.memory_space<vmem_shared>>
      tpu.enqueue_indirect_dma source(%arg16 : memref<8x128xf32, #tpu.memory_space<vmem>>) target(%dma_start3A_1353 : memref<10000x128xf32, #tpu.memory_space<vmem_shared>>) offsets(%arg15 : memref<8xi32, #tpu.memory_space<vmem>>) semaphore(%run_scoped3A : memref<!tpu.dma_semaphore, #tpu.memory_space<semaphore_mem>>) {add = true}
      %dma_wait3A_1354 = arith.constant 0 : i32
      %dma_wait3A_1355 = arith.constant 0 : i32
      %dma_wait3A_1356 = tpu.memref_slice %arg10[%dma_wait3A_1354, %dma_wait3A_1355] : memref<10000x128xf32, #tpu.memory_space<vmem_shared>> -> memref<10000x128xf32, #tpu.memory_space<vmem_shared>>
      tpu.wait_indirect_dma semaphore(%run_scoped3A : memref<!tpu.dma_semaphore, #tpu.memory_space<semaphore_mem>>) src(%arg16 : memref<8x128xf32, #tpu.memory_space<vmem>>) dst(%dma_wait3A_1356 : memref<10000x128xf32, #tpu.memory_space<vmem_shared>>)
      tpu.yield
    }) : () -> ()
    %barrier3A_1345 = arith.constant 0 : index
    tpu.barrier barrier_id(%barrier3A_1345)
    "tpu.region"() ({
      %run_scoped3A = tpu.sem_alloc : memref<!tpu.dma_semaphore, #tpu.memory_space<semaphore_mem>>
      %dma_start3A_1351 = arith.constant 0 : i32
      %dma_start3A_1352 = tpu.memref_slice %arg4[%add3A_678, %mul3A_2, %dma_start3A_1351] : memref<4x10000x128xf32, #tpu.memory_space<hbm>> -> memref<1x624x128xf32, #tpu.memory_space<hbm>>
      %dma_start3A_1353 = tpu.memref_squeeze %dma_start3A_1352 : memref<1x624x128xf32, #tpu.memory_space<hbm>> -> memref<624x128xf32, #tpu.memory_space<hbm>>
      %dma_start3A_1354 = arith.constant 0 : i32
      %dma_start3A_1355 = tpu.memref_slice %arg10[%mul3A_2, %dma_start3A_1354] : memref<10000x128xf32, #tpu.memory_space<vmem_shared>> -> memref<624x128xf32, #tpu.memory_space<vmem_shared>>
      tpu.enqueue_dma source(%dma_start3A_1355 : memref<624x128xf32, #tpu.memory_space<vmem_shared>>) target(%dma_start3A_1353 : memref<624x128xf32, #tpu.memory_space<hbm>>) target_semaphore(%run_scoped3A : memref<!tpu.dma_semaphore, #tpu.memory_space<semaphore_mem>>)
      %dma_wait3A_1356 = arith.constant 0 : i32
      %dma_wait3A_1357 = tpu.memref_slice %arg4[%add3A_678, %mul3A_2, %dma_wait3A_1356] : memref<4x10000x128xf32, #tpu.memory_space<hbm>> -> memref<1x624x128xf32, #tpu.memory_space<hbm>>
      %dma_wait3A_1358 = tpu.memref_squeeze %dma_wait3A_1357 : memref<1x624x128xf32, #tpu.memory_space<hbm>> -> memref<624x128xf32, #tpu.memory_space<hbm>>
      %dma_wait3A_1359 = arith.constant 0 : i32
      %dma_wait3A_1360 = tpu.memref_slice %arg10[%mul3A_2, %dma_wait3A_1359] : memref<10000x128xf32, #tpu.memory_space<vmem_shared>> -> memref<624x128xf32, #tpu.memory_space<vmem_shared>>
      tpu.wait_dma2 semaphore(%run_scoped3A : memref<!tpu.dma_semaphore, #tpu.memory_space<semaphore_mem>>) src(%dma_wait3A_1360 : memref<624x128xf32, #tpu.memory_space<vmem_shared>>) dst(%dma_wait3A_1358 : memref<624x128xf32, #tpu.memory_space<hbm>>)
      tpu.yield
    }) : () -> ()
    %lt3A_1346 = arith.constant 2 : i32
    %lt3A_1347 = arith.cmpi slt, %arg1, %lt3A_1346 : i32
    %convert_element_type3A_1348 = arith.extui %lt3A_1347 : i1 to i32
    %cond3A_1349 = arith.constant 0 : i32
    %cond3A_1350 = arith.cmpi ne, %convert_element_type3A_1348, %cond3A_1349 : i32
    scf.if %cond3A_1350 {
      "tpu.region"() ({
        %run_scoped3A = tpu.sem_alloc : memref<!tpu.dma_semaphore, #tpu.memory_space<semaphore_mem>>
        %dma_start3A_1351 = arith.constant 0 : i32
        %dma_start3A_1352 = tpu.memref_slice %arg4[%add3A_678, %add3A_5, %dma_start3A_1351] : memref<4x10000x128xf32, #tpu.memory_space<hbm>> -> memref<1x8x128xf32, #tpu.memory_space<hbm>>
        %dma_start3A_1353 = tpu.memref_squeeze %dma_start3A_1352 : memref<1x8x128xf32, #tpu.memory_space<hbm>> -> memref<8x128xf32, #tpu.memory_space<hbm>>
        %dma_start3A_1354 = arith.constant 0 : i32
        %dma_start3A_1355 = tpu.memref_slice %arg10[%add3A_5, %dma_start3A_1354] : memref<10000x128xf32, #tpu.memory_space<vmem_shared>> -> memref<8x128xf32, #tpu.memory_space<vmem_shared>>
        tpu.enqueue_dma source(%dma_start3A_1355 : memref<8x128xf32, #tpu.memory_space<vmem_shared>>) target(%dma_start3A_1353 : memref<8x128xf32, #tpu.memory_space<hbm>>) target_semaphore(%run_scoped3A : memref<!tpu.dma_semaphore, #tpu.memory_space<semaphore_mem>>)
        %dma_wait3A_1356 = arith.constant 0 : i32
        %dma_wait3A_1357 = tpu.memref_slice %arg4[%add3A_678, %add3A_5, %dma_wait3A_1356] : memref<4x10000x128xf32, #tpu.memory_space<hbm>> -> memref<1x8x128xf32, #tpu.memory_space<hbm>>
        %dma_wait3A_1358 = tpu.memref_squeeze %dma_wait3A_1357 : memref<1x8x128xf32, #tpu.memory_space<hbm>> -> memref<8x128xf32, #tpu.memory_space<hbm>>
        %dma_wait3A_1359 = arith.constant 0 : i32
        %dma_wait3A_1360 = tpu.memref_slice %arg10[%add3A_5, %dma_wait3A_1359] : memref<10000x128xf32, #tpu.memory_space<vmem_shared>> -> memref<8x128xf32, #tpu.memory_space<vmem_shared>>
        tpu.wait_dma2 semaphore(%run_scoped3A : memref<!tpu.dma_semaphore, #tpu.memory_space<semaphore_mem>>) src(%dma_wait3A_1360 : memref<8x128xf32, #tpu.memory_space<vmem_shared>>) dst(%dma_wait3A_1358 : memref<8x128xf32, #tpu.memory_space<hbm>>)
        tpu.yield
      }) : () -> ()
    } else {
    }
    return
  }
}

module attributes {stable_mosaic.version = 14 : i64} {
  func.func @_body(%arg0: i32, %arg1: memref<1000x128xf32, #tpu.memory_space<vmem>>, %arg2: memref<128x128xf32, #tpu.memory_space<vmem>>, %arg3: memref<1000x128xf32, #tpu.memory_space<vmem>>) attributes {dimension_semantics = [#tpu.dimension_semantics<arbitrary>], iteration_bounds = array<i64: 10>, scalar_prefetch = 0 : i64, scratch_operands = 0 : i64, tpu.core_type = #tpu.core_type<tc>, window_params = [{transform_indices = @transform_0, window_bounds = array<i64: 1000, 128>}, {pipeline_mode = #tpu.pipeline_mode<synchronous>, transform_indices = @transform_1, window_bounds = array<i64: 128, 128>}, {transform_indices = @transform_2, window_bounds = array<i64: 1000, 128>}]} {
    %get3A = arith.constant 0 : index
    %get3A_0 = arith.constant 0 : index
    %get3A_1 = vector.load %arg1[%get3A, %get3A_0] : memref<1000x128xf32, #tpu.memory_space<vmem>>, vector<1000x128xf32>
    %get3A_2 = arith.constant 0 : index
    %get3A_3 = arith.constant 0 : index
    %get3A_4 = vector.load %arg2[%get3A_2, %get3A_3] : memref<128x128xf32, #tpu.memory_space<vmem>>, vector<128x128xf32>
    %dot_general3A = arith.constant dense<0.000000e+00> : vector<1000x128xf32>
    %dot_general3A_5 = tpu.matmul %get3A_1, %get3A_4, %dot_general3A {dimension_numbers = #tpu.dot_dimension_numbers<[1], [0], [0], [1], [0, 0, 1, 1], [], []>, transpose_lhs_hint = false} : vector<1000x128xf32>, vector<128x128xf32>, vector<1000x128xf32> -> vector<1000x128xf32>
    %swap3A = arith.constant 0 : index
    %swap3A_6 = arith.constant 0 : index
    %swap3A_7 = vector.load %arg3[%swap3A, %swap3A_6] : memref<1000x128xf32, #tpu.memory_space<vmem>>, vector<1000x128xf32>
    tpu.vector_store %arg3[%swap3A, %swap3A_6], %dot_general3A_5 {strides = array<i32>} : memref<1000x128xf32, #tpu.memory_space<vmem>>, vector<1000x128xf32>,
    return
  }
  func.func @transform_0(%arg0: i32) -> (i32, i32) {
    %c0_i32 = arith.constant 0 : i32
    %c0_i32_0 = arith.constant 0 : i32
    return %arg0, %c0_i32 : i32, i32
  }
  func.func @transform_1(%arg0: i32) -> (i32, i32) {
    %c0_i32 = arith.constant 0 : i32
    %c0_i32_0 = arith.constant 0 : i32
    %c0_i32_1 = arith.constant 0 : i32
    return %c0_i32, %c0_i32_0 : i32, i32
  }
  func.func @transform_2(%arg0: i32) -> (i32, i32) {
    %c0_i32 = arith.constant 0 : i32
    %c0_i32_0 = arith.constant 0 : i32
    return %arg0, %c0_i32 : i32, i32
  }
}

module attributes {stable_mosaic.version = 14 : i64} {
  func.func @_body(%arg0: i32, %arg1: memref<1000x128xf32, #tpu.memory_space<vmem>>, %arg2: memref<4x1000x128xf32, #tpu.memory_space<vmem>>, %arg3: memref<4x128x128xf32, #tpu.memory_space<vmem>>, %arg4: memref<1000x128xf32, #tpu.memory_space<vmem>>) attributes {dimension_semantics = [#tpu.dimension_semantics<arbitrary>], iteration_bounds = array<i64: 10>, scalar_prefetch = 0 : i64, scratch_operands = 0 : i64, tpu.core_type = #tpu.core_type<tc>, window_params = [{transform_indices = @transform_0, window_bounds = array<i64: 1000, 128>}, {transform_indices = @transform_1, window_bounds = array<i64: 4, 1000, 128>}, {pipeline_mode = #tpu.pipeline_mode<synchronous>, transform_indices = @transform_2, window_bounds = array<i64: 4, 128, 128>}, {transform_indices = @transform_3, window_bounds = array<i64: 1000, 128>}]} {
    %get3A = arith.constant 0 : index
    %get3A_0 = arith.constant 0 : index
    %get3A_1 = vector.load %arg1[%get3A, %get3A_0] : memref<1000x128xf32, #tpu.memory_space<vmem>>, vector<1000x128xf32>
    %get3A_2 = arith.constant 0 : index
    %get3A_3 = arith.constant 0 : index
    %get3A_4 = arith.constant 0 : index
    %get3A_5 = vector.load %arg2[%get3A_2, %get3A_3, %get3A_4] : memref<4x1000x128xf32, #tpu.memory_space<vmem>>, vector<1x1000x128xf32>
    %get3A_6 = vector.shape_cast %get3A_5 : vector<1x1000x128xf32> to vector<1000x128xf32>
    %get3A_7 = arith.constant 0 : index
    %get3A_8 = arith.constant 0 : index
    %get3A_9 = arith.constant 0 : index
    %get3A_10 = vector.load %arg3[%get3A_7, %get3A_8, %get3A_9] : memref<4x128x128xf32, #tpu.memory_space<vmem>>, vector<1x128x128xf32>
    %get3A_11 = vector.shape_cast %get3A_10 : vector<1x128x128xf32> to vector<128x128xf32>
    %dot_general3A = arith.constant dense<0.000000e+00> : vector<1000x128xf32>
    %dot_general3A_12 = tpu.matmul %get3A_6, %get3A_11, %dot_general3A {dimension_numbers = #tpu.dot_dimension_numbers<[1], [0], [0], [1], [0, 0, 1, 1], [], []>, transpose_lhs_hint = false} : vector<1000x128xf32>, vector<128x128xf32>, vector<1000x128xf32> -> vector<1000x128xf32>
    %add3A = arith.addf %get3A_1, %dot_general3A_12 : vector<1000x128xf32>
    %get3A_13 = arith.constant 1 : index
    %get3A_14 = arith.constant 0 : index
    %get3A_15 = arith.constant 0 : index
    %get3A_16 = vector.load %arg2[%get3A_13, %get3A_14, %get3A_15] : memref<4x1000x128xf32, #tpu.memory_space<vmem>>, vector<1x1000x128xf32>
    %get3A_17 = vector.shape_cast %get3A_16 : vector<1x1000x128xf32> to vector<1000x128xf32>
    %get3A_18 = arith.constant 1 : index
    %get3A_19 = arith.constant 0 : index
    %get3A_20 = arith.constant 0 : index
    %get3A_21 = vector.load %arg3[%get3A_18, %get3A_19, %get3A_20] : memref<4x128x128xf32, #tpu.memory_space<vmem>>, vector<1x128x128xf32>
    %get3A_22 = vector.shape_cast %get3A_21 : vector<1x128x128xf32> to vector<128x128xf32>
    %dot_general3A_23 = arith.constant dense<0.000000e+00> : vector<1000x128xf32>
    %dot_general3A_24 = tpu.matmul %get3A_17, %get3A_22, %dot_general3A_23 {dimension_numbers = #tpu.dot_dimension_numbers<[1], [0], [0], [1], [0, 0, 1, 1], [], []>, transpose_lhs_hint = false} : vector<1000x128xf32>, vector<128x128xf32>, vector<1000x128xf32> -> vector<1000x128xf32>
    %add3A_25 = arith.addf %add3A, %dot_general3A_24 : vector<1000x128xf32>
    %get3A_26 = arith.constant 2 : index
    %get3A_27 = arith.constant 0 : index
    %get3A_28 = arith.constant 0 : index
    %get3A_29 = vector.load %arg2[%get3A_26, %get3A_27, %get3A_28] : memref<4x1000x128xf32, #tpu.memory_space<vmem>>, vector<1x1000x128xf32>
    %get3A_30 = vector.shape_cast %get3A_29 : vector<1x1000x128xf32> to vector<1000x128xf32>
    %get3A_31 = arith.constant 2 : index
    %get3A_32 = arith.constant 0 : index
    %get3A_33 = arith.constant 0 : index
    %get3A_34 = vector.load %arg3[%get3A_31, %get3A_32, %get3A_33] : memref<4x128x128xf32, #tpu.memory_space<vmem>>, vector<1x128x128xf32>
    %get3A_35 = vector.shape_cast %get3A_34 : vector<1x128x128xf32> to vector<128x128xf32>
    %dot_general3A_36 = arith.constant dense<0.000000e+00> : vector<1000x128xf32>
    %dot_general3A_37 = tpu.matmul %get3A_30, %get3A_35, %dot_general3A_36 {dimension_numbers = #tpu.dot_dimension_numbers<[1], [0], [0], [1], [0, 0, 1, 1], [], []>, transpose_lhs_hint = false} : vector<1000x128xf32>, vector<128x128xf32>, vector<1000x128xf32> -> vector<1000x128xf32>
    %add3A_38 = arith.addf %add3A_25, %dot_general3A_37 : vector<1000x128xf32>
    %get3A_39 = arith.constant 3 : index
    %get3A_40 = arith.constant 0 : index
    %get3A_41 = arith.constant 0 : index
    %get3A_42 = vector.load %arg2[%get3A_39, %get3A_40, %get3A_41] : memref<4x1000x128xf32, #tpu.memory_space<vmem>>, vector<1x1000x128xf32>
    %get3A_43 = vector.shape_cast %get3A_42 : vector<1x1000x128xf32> to vector<1000x128xf32>
    %get3A_44 = arith.constant 3 : index
    %get3A_45 = arith.constant 0 : index
    %get3A_46 = arith.constant 0 : index
    %get3A_47 = vector.load %arg3[%get3A_44, %get3A_45, %get3A_46] : memref<4x128x128xf32, #tpu.memory_space<vmem>>, vector<1x128x128xf32>
    %get3A_48 = vector.shape_cast %get3A_47 : vector<1x128x128xf32> to vector<128x128xf32>
    %dot_general3A_49 = arith.constant dense<0.000000e+00> : vector<1000x128xf32>
    %dot_general3A_50 = tpu.matmul %get3A_43, %get3A_48, %dot_general3A_49 {dimension_numbers = #tpu.dot_dimension_numbers<[1], [0], [0], [1], [0, 0, 1, 1], [], []>, transpose_lhs_hint = false} : vector<1000x128xf32>, vector<128x128xf32>, vector<1000x128xf32> -> vector<1000x128xf32>
    %add3A_51 = arith.addf %add3A_38, %dot_general3A_50 : vector<1000x128xf32>
    %swap3A = arith.constant 0 : index
    %swap3A_52 = arith.constant 0 : index
    %swap3A_53 = vector.load %arg4[%swap3A, %swap3A_52] : memref<1000x128xf32, #tpu.memory_space<vmem>>, vector<1000x128xf32>
    tpu.vector_store %arg4[%swap3A, %swap3A_52], %add3A_51 {strides = array<i32>} : memref<1000x128xf32, #tpu.memory_space<vmem>>, vector<1000x128xf32>,
    return
  }
  func.func @transform_0(%arg0: i32) -> (i32, i32) {
    %c0_i32 = arith.constant 0 : i32
    %c0_i32_0 = arith.constant 0 : i32
    return %arg0, %c0_i32 : i32, i32
  }
  func.func @transform_1(%arg0: i32) -> (i32, i32, i32) {
    %c0_i32 = arith.constant 0 : i32
    %c0_i32_0 = arith.constant 0 : i32
    %c0_i32_1 = arith.constant 0 : i32
    return %c0_i32, %arg0, %c0_i32_0 : i32, i32, i32
  }
  func.func @transform_2(%arg0: i32) -> (i32, i32, i32) {
    %c0_i32 = arith.constant 0 : i32
    %c0_i32_0 = arith.constant 0 : i32
    %c0_i32_1 = arith.constant 0 : i32
    %c0_i32_2 = arith.constant 0 : i32
    return %c0_i32, %c0_i32_0, %c0_i32_1 : i32, i32, i32
  }
  func.func @transform_3(%arg0: i32) -> (i32, i32) {
    %c0_i32 = arith.constant 0 : i32
    %c0_i32_0 = arith.constant 0 : i32
    return %arg0, %c0_i32 : i32, i32
  }
}

</mosaic_0001>

<sc_bundles>
// kernel: kernel.5.cloned.1.call-start
scs
__scs_entry_jumppad:
0x0: {  	(pc) =	sbr.rel $0x88, $3  }
0x1: {  	(tag) =	ssettag $0x0;
	lr =	simm.s32 $0x1  }
0x2: {  	[smem:$0x3F9D] =	sst lr;
	_ =	strace $0xD0000000  }
0x3: {  	_ = 	snop  }
0x4: {  	_ = 	snop  }
0x5: {  	_ = 	snop  }
0x6: {  	_ = 	snop  }
0x7: {  	_ = 	snop  }
__scs_overlays_trampoline_lowered:
0x8: {  	[smem:$0x3FAC] =	sst s0  }
0x9: {  	[smem:$0x3FAD] =	sst s1  }
0xa: {  	[smem:$0x3FAE] =	sst s2  }
0xb: {  	[smem:$0x3FAF] =	sst s3  }
0xc: {  	[smem:$0x3FB0] =	sst s4  }
0xd: {  	[smem:$0x3FB1] =	sst s5  }
0xe: {  	[smem:$0x3FB2] =	sst s6  }
0xf: {  	[smem:$0x3FB3] =	sst s7  }
0x10: {  	[smem:$0x3FB4] =	sst s8  }
0x11: {  	[smem:$0x3FB5] =	sst s9;
	s0 =	simm.s32 @!p0 $0x0  }
0x12: {  	s1 =	sld [smem:$0x3F9B];
	s0 =	simm.s32 @p0 $0x1  }
0x13: {  	[smem:$0x3FB6] =	sst s0;
	s0 =	simm.s32 @!p1 $0x0  }
0x14: {  	s2 =	sld [smem:$0x3F9A];
	s0 =	simm.s32 @p1 $0x1  }
0x15: {  	[smem:$0x3FB7] =	sst s0;
	s0 =	simm.s32 @!p2 $0x0  }
0x16: {  	s3 =	sld [smem:$0x3FDB];
	s0 =	simm.s32 @p2 $0x1  }
0x17: {  	s4 =	simm.s32 $0x1BF5;
	[smem:$0x3FB9] =	sst s0  }
0x18: {  	s0 =	sld [smem:$0x3F9C];
	_ =	swait.ge [sflag:s4], $0x0  }
0x19: {  	s7 =	sld [smem:$0x3F9D]  }
0x1a: {  	s8 =	sadd.s32 $0xFFFFE003, lr  }
0x1b: {  	s9 =	sadd.s32 $0xFFFFFEF7, lr;
	s5 =	simm.s32 $0xFFFFFFFF;
	p2 =	slt.u32 s8, $0xFFFFF086  }
0x1c: {  	p1 =	slt.u32 s9, $0xF7A;
	s5 =	simm.s32 @!p2 $0x0  }
0x1d: {  	s5 =	simm.s32 @p1 $0x1;
	p0 =	seq.s32 s7, s2  }
0x1e: {  	s7 =	smul.u32 @!p0 $0xF7A, s2;
	p2 =	seq.s32 @!p0 s5, $0x0  }
0x1f: {  	s9 =	smul.u32 $0xF7A, s1;
	s8 =	simm.s32 @!p0 $0x1BF5;
	p2 =	por !p2, p0  }
0x20: {  	[sflag:s8] =	ssyncset.s32 @!p0 $0xFFFFF086;
	s6 =	sadd.s32 @!p0 s3, s7;
	s7 =	simm.s32 @!p0 $0x108  }
0x21: {  	s3 =	sadd.s32 s3, s9;
	s6 =	sadd.s32 @!p0 $0x88, s6;
	s7 =	simm.s32 @p2 $0x1082  }
0x22: {  	[simem:s7], [sflag:s8] =	dma.local @!p0 [hbm:s6], $0xF7A  }
0x23: {  	s9 =	sor.u32 $0xD0000000, s2;
	s6 =	simm.s32 $0x108;
	_ =	swait.ge @!p0 [sflag:s8], $0x0  }
0x24: {  	s3 =	sadd.s32 $0x88, s3;
	s6 =	simm.s32 @!p1 $0x1082;
	[sflag:s4] =	ssyncset.s32 $0xFFFFF086  }
0x25: {  	[simem:s6], [sflag:s4] =	dma.local [hbm:s3], $0xF7A  }
0x26: {  	[smem:$0x3F9D] =	sst s1;
	(tag) =	ssettag s2;
	_ =	strace s9  }
0x27: {  	s1 =	sld [smem:$0x3FAD]  }
0x28: {  	s2 =	sld [smem:$0x3FAE]  }
0x29: {  	s4 =	sld [smem:$0x3FB0]  }
0x2a: {  	p0 =	seq.s32 s5, $0x0;
	s5 =	sld [smem:$0x3FB1]  }
0x2b: {  	s6 =	sld [smem:$0x3FB2]  }
0x2c: {  	s7 =	sld [smem:$0x3FB3]  }
0x2d: {  	s3 =	simm.s32 $0x108;
	s8 =	sld [smem:$0x3FB4]  }
0x2e: {  	s3 =	simm.s32 @!p0 $0x1082;
	s9 =	sld [smem:$0x3FB5]  }
0x2f: {  	lr =	sadd.s32 s0, s3;
	s0 =	sld [smem:$0x3FAC]  }
0x30: {  	s3 =	sld [smem:$0x3FAF]  }
0x31: {  	[smem:$0x3FB8] =	sst s10  }
0x32: {  	s10 =	sld [smem:$0x3FB6];
	_ =	sdelay $0x3  }
0x33: {  	p0 =	seq.s32 s10, $0x1;
	s10 =	sld [smem:$0x3FB8];
	_ =	sdelay $0x3  }
0x34: {  	[smem:$0x3FB8] =	sst s10  }
0x35: {  	s10 =	sld [smem:$0x3FB7];
	_ =	sdelay $0x3  }
0x36: {  	p1 =	seq.s32 s10, $0x1;
	s10 =	sld [smem:$0x3FB8];
	_ =	sdelay $0x3  }
0x37: {  	[smem:$0x3FB8] =	sst s10  }
0x38: {  	s10 =	sld [smem:$0x3FB9]  }
0x39: {  	_ = 	snop;
	(pc) =	sbr.ind lr, $3  }
0x3a: {  	_ = 	snop  }
0x3b: {  	_ = 	snop  }
0x3c: {  	p2 =	seq.s32 s10, $0x1;
	s10 =	sld [smem:$0x3FB8]  }
0x3d: {  	_ =	shalt  }
0x3e: {  	_ =	shalt  }
0x3f: {  	_ =	shalt  }
0x40: {  	_ =	shalt  }
0x41: {  	_ =	shalt  }
0x42: {  	_ =	shalt  }
0x43: {  	_ =	shalt  }
0x44: {  	_ =	shalt  }
0x45: {  	_ =	shalt  }
0x46: {  	_ =	shalt  }
0x47: {  	_ =	shalt  }
0x48: {  	_ =	shalt  }
0x49: {  	_ =	shalt  }
0x4a: {  	_ =	shalt  }
0x4b: {  	_ =	shalt  }
0x4c: {  	_ =	shalt  }
0x4d: {  	_ =	shalt  }
0x4e: {  	_ =	shalt  }
0x4f: {  	_ =	shalt  }
0x50: {  	_ =	shalt  }
0x51: {  	_ =	shalt  }
0x52: {  	_ =	shalt  }
0x53: {  	_ =	shalt  }
0x54: {  	_ =	shalt  }
0x55: {  	_ =	shalt  }
0x56: {  	_ =	shalt  }
0x57: {  	_ =	shalt  }
0x58: {  	_ =	shalt  }
0x59: {  	_ =	shalt  }
0x5a: {  	_ =	shalt  }
0x5b: {  	_ =	shalt  }
0x5c: {  	_ =	shalt  }
0x5d: {  	_ =	shalt  }
0x5e: {  	_ =	shalt  }
0x5f: {  	_ =	shalt  }
0x60: {  	_ =	shalt  }
0x61: {  	_ =	shalt  }
0x62: {  	_ =	shalt  }
0x63: {  	_ =	shalt  }
0x64: {  	_ =	shalt  }
0x65: {  	_ =	shalt  }
0x66: {  	_ =	shalt  }
0x67: {  	_ =	shalt  }
0x68: {  	_ =	shalt  }
0x69: {  	_ =	shalt  }
0x6a: {  	_ =	shalt  }
0x6b: {  	_ =	shalt  }
0x6c: {  	_ =	shalt  }
0x6d: {  	_ =	shalt  }
0x6e: {  	_ =	shalt  }
0x6f: {  	_ =	shalt  }
0x70: {  	_ =	shalt  }
0x71: {  	_ =	shalt  }
0x72: {  	_ =	shalt  }
0x73: {  	_ =	shalt  }
0x74: {  	_ =	shalt  }
0x75: {  	_ =	shalt  }
0x76: {  	_ =	shalt  }
0x77: {  	_ =	shalt  }
0x78: {  	_ =	shalt  }
0x79: {  	_ =	shalt  }
0x7a: {  	_ =	shalt  }
0x7b: {  	_ =	shalt  }
0x7c: {  	_ =	shalt  }
0x7d: {  	_ =	shalt  }
0x7e: {  	_ =	shalt  }
0x7f: {  	_ =	shalt  }
0x80: {  	_ =	shalt  }
0x81: {  	_ =	shalt  }
0x82: {  	_ =	shalt  }
0x83: {  	_ =	shalt  }
0x84: {  	_ =	shalt  }
0x85: {  	_ =	shalt  }
0x86: {  	_ =	shalt  }
0x87: {  	_ =	shalt  }
.Lfunc_end0:
.L_simem_size_0:
called_computation_lowered:
.L_overlay_start_0:
0x88: {  	s2 =	sld [smem:$0x3FD9]  }
0x89: {  	s3 =	sld [smem:$0x3FFE];
	_ =	sdelay $0x1  }
0x8a: {  	s1 =	srdreg.scid  }
0x8b: {  	s0 =	sand.u32 $0x1, s1  }
0x8c: {  	s17 =	sshll.u32 s0, $0xA;
	s2 =	sadd.s32 s3, s2  }
0x8d: {  	s2 =	sadd.s32 s2, s17  }
0x8e: {  	[smem:$0x3FC4] =	sst s2  }
0x8f: {  	_ = 	snop  }
0x90: {  	s2 =	sld [smem:$0x3FC9]  }
0x91: {  	s18 =	sld [smem:$0x3FD0];
	(tm) =	ssettm $0x1  }
0x92: {  	s4 =	sld [smem:$0x3FFB];
	_ =	sdelay $0x3  }
0x93: {  	_ =	strace s4  }
0x94: {  	s4 =	sld [smem:$0x3FFC];
	_ =	sdelay $0x3  }
0x95: {  	_ =	strace s4  }
0x96: {  	s4 =	sld [smem:$0x3FFD];
	_ =	sdelay $0x3  }
0x97: {  	_ =	strace s4  }
0x98: {  	_ =	strace $0x8FFFFFFF  }
0x99: {  	s19 =	sld [smem:$0x3FDB];
	_ =	sdelay $0x1  }
0x9a: {  	s5 =	simm.s32 $_scs_section_size  }
0x9b: {  	s6 =	simm.s32 $_size__tile_overlayer_lowered;
	s7 =	simm.s32 $_tile_overlayer_lowered  }
0x9c: {  	s22 =	simm.s32 $0x1BFF;
	s21 =	sshll.u32 s7, $0x1;
	s4 =	sadd.s32 s5, s19  }
0x9d: {  	s8 =	simm.s32 $0x0;
	s20 =	sshll.u32 s6, $0x1;
	s6 =	sadd.s32 s21, s4  }
0x9e: {  	[timem:s8], [sflag:s22] =	dma.local [hbm:s6], s20  }
0x9f: {  	_ =	swait.ge [sflag:s22], s20  }
0xa0: {  	s5 =	ssub.s32 $0x0, s20;
	[sflag:s22] =	ssyncset.done $0x0  }
0xa1: {  	[sflag:s22] =	ssyncadd.s32 s5;
	_ =	sdelay $0x1  }
0xa2: {  	s23 =	simm.s32 $0x1B8B  }
0xa3: {  	_ =	swait.ge [sflag:s23], $0x1  }
0xa4: {  	[sflag:s23] =	ssyncset.done $0x0  }
0xa5: {  	s25 =	simm.s32 $0x1B8E;
	s24 =	sld [smem:$0x3FFE];
	[sflag:s23] =	ssyncadd.s32 $0xFFFFFFFF  }
0xa6: {  	s26 =	simm.s32 $execute0_lowered;
	[smem:$0x3FD2] =	sst s25  }
0xa7: {  	s6 =	sshll.u32 s26, $0x1;
	_ =	strace $0x80000046;
	[dreg:$0x1] =	wrdreg $0xFFFFFFFF  }
0xa8: {  	s28 =	simm.s32 $_size_execute0_lowered;
	s4 =	sadd.s32 s4, s6;
	[dreg:$0x0] =	wrdreg $0x0  }
0xa9: {  	s6 =	sshll.u32 s28, $0x1;
	[dreg:$0x2] =	wrdreg s4  }
0xaa: {  	[dreg:$0x3] =	wrdreg s6  }
0xab: {  	[dreg:$0x4] =	wrdreg $0xC0  }
0xac: {  	_ =	task [dreg:s8], $0x5FFFF  }
0xad: {  	[dreg:$0x1] =	wrdreg $0xFFFFFFFF  }
0xae: {  	[dreg:$0x0] =	wrdreg $0x60  }
0xaf: {  	[dreg:$0x2] =	wrdreg s2  }
0xb0: {  	[dreg:$0x3] =	wrdreg s18  }
0xb1: {  	[dreg:$0x4] =	wrdreg s24  }
0xb2: {  	[dreg:$0x5] =	wrdreg $0x94800  }
0xb3: {  	[dreg:$0x6] =	wrdreg $0x9  }
0xb4: {  	_ =	task.clear_ibuf [dreg:s8], $0x7FFFF;
	_ =	strace $0x90000046  }
0xb5: {  	s29 =	simm.s32 $0x9;
	_ =	strace $0x80000048  }
0xb6: {  	_ =	swait.ge [sflag:s29], $0x1  }
0xb7: {  	[sflag:s29] =	ssyncadd.s32 $0xFFFFFFFF  }
0xb8: {  	_ =	strace $0x90000048  }
0xb9: {  	_ =	sfence  }
0xba: {  	s30 =	sld [smem:$0x0];
	_ =	sdelay $0x2  }
0xbb: {  	s31 =	sshll.u32 s1, $0xD;
	s1 =	sshrl.u32 s1, $0x2  }
0xbc: {  	s3 =	sand.u32 $0x4000, s31;
	s1 =	sadd.s32 s1, s30  }
0xbd: {  	s0 =	sor.u32 s3, s0;
	s1 =	sshll.u32 s1, $0x11  }
0xbe: {  	s0 =	sor.u32 s1, s0  }
0xbf: {  	s0 =	sadd.s32 $0x8F2B, s0  }
0xc0: {  	[sflag:s0] =	ssyncadd.remote.s32 $0x1  }
0xc1: {  	_ =	sfence.sel $0xFFFF  }
0xc2: {  	[dreg:$0x0] =	wrdreg $0xFFFFFFFF;
	(pc) =	sbr.abs _section_cstart, $3  }
0xc3: {  	[dreg:$0x1] =	wrdreg $0xFFFFFFFF  }
0xc4: {  	_ =	task.clear_ibuf [dreg:s8], $0x2FFFF;
	_ =	strace $0x9FFFFFFF  }
0xc5: {  	(tm) =	ssettm $0x7FFFFFFF  }
tec
execute0_lowered:
.L_overlay_start_1:
0x0: {  	(tag) =	ssettag $0x1  }
0x1: {  	s1 =	rddreg [dreg:$0x0]  }
0x2: {  	s0 =	rddreg [dreg:$0x1]  }
0x3: {  	s5 =	srdreg.scid;
	s20 =	stileid.u32  }
0x4: {  	s2 =	rddreg [dreg:$0x2];
	s12 =	sand.u32 $0x1, s5;
	s13 =	smul.u32 $0x1388, s20  }
0x5: {  	s3 =	rddreg [dreg:$0x3];
	s4 =	simm.s32 $0x0;
	s10 =	smul.u32 $0x4E200, s12  }
0x6: {  	[smem:$0x7FF] =	sst s4;
	s19 =	smul.u32 $0x4E000, s20;
	s11 =	sshll.u32 s20, $0xA  }
0x7: {  	_ =	strace $0x80000047;
	s6 =	ssub.s32 $0x2, s12;
	s10 =	sadd.s32 s13, s10  }
0x8: {  	s16 =	sshllo.u32 s12, $0x1;
	s12 =	smul.u32 $0x271000, s12;
	s21 =	sshrl.u32 s10, $0x3  }
0x9: {  	s15 =	sor.u32 $0x138000, s11;
	s17 =	smul.u32 $0x27100, s16;
	s11 =	sadd.s32 s0, s21  }
0xa: {  	s5 =	sshrl.u32 s19, $0x2;
	s19 =	smul.u32 $0x13800, s20;
	s18 =	sadd.s32 $0x2710, s11  }
0xb: {  	s16 =	smul.u32 $0x138800, s16;
	s22 =	sadd.s32 $0x270, s11;
	[dreg:$0x5] =	wrdreg s18  }
0xc: {  	s10 =	sadd.s32 s15, s3;
	s23 =	sadd.s32 $0x2720, s11;
	[dreg:$0x6] =	wrdreg s22  }
0xd: {  	s13 =	sadd.s32 s13, s17;
	s24 =	sadd.s32 $0x2730, s11;
	[dreg:$0x7] =	wrdreg s23  }
0xe: {  	s17 =	sadd.s32 s19, s12;
	s25 =	sadd.s32 $0x2740, s11;
	[dreg:$0x8] =	wrdreg s24  }
0xf: {  	s12 =	sadd.s32 s12, s15;
	s26 =	sadd.s32 $0x2750, s11;
	[dreg:$0x9] =	wrdreg s25  }
0x10: {  	s19 =	sadd.s32 s19, s16;
	s21 =	sadd.s32 $0x2760, s11;
	[dreg:$0xa] =	wrdreg s26  }
0x11: {  	s15 =	sadd.s32 s15, s16;
	s16 =	sadd.s32 $0x27C0, s11;
	[dreg:$0xb] =	wrdreg s21  }
0x12: {  	p0 =	sgt.u32 s20, $0x1;
	s20 =	sadd.s32 $0x27F0, s11;
	[dreg:$0x16] =	wrdreg s16  }
0x13: {  	s13 =	sshrl.u32 s13, $0x3;
	s26 =	sadd.s32 $0x2770, s11;
	[dreg:$0x19] =	wrdreg s20  }
0x14: {  	s22 =	sshrl.u32 s12, $0x3;
	s12 =	sadd.s32 $0x2780, s11;
	[dreg:$0x10] =	wrdreg s26  }
0x15: {  	s18 =	sadd.s32 s0, s13;
	s13 =	sadd.s32 $0x2790, s11;
	[dreg:$0x12] =	wrdreg s12  }
0x16: {  	s25 =	sshrl.u32 s15, $0x3;
	s15 =	sadd.s32 $0x27B0, s11;
	[dreg:$0x13] =	wrdreg s13  }
0x17: {  	s0 =	sshrl.u32 s17, $0x3;
	s17 =	sadd.s32 $0x27D0, s11;
	[dreg:$0x15] =	wrdreg s15  }
0x18: {  	s23 =	sshrl.u32 s19, $0x3;
	s19 =	sadd.s32 $0x27E0, s11;
	[dreg:$0x17] =	wrdreg s17  }
0x19: {  	s21 =	sadd.s32 $0x2800, s11;
	[dreg:$0x18] =	wrdreg s19  }
0x1a: {  	s16 =	sadd.s32 $0x28B0, s11;
	[dreg:$0x1a] =	wrdreg s21  }
0x1b: {  	s2 =	sadd.s32 $0x1000, s2;
	s20 =	sadd.s32 $0x28E0, s11;
	[smem:$0x7C7] =	sst s16  }
0x1c: {  	s0 =	sadd.s32 s2, s0;
	[smem:$0x7CA] =	sst s20  }
0x1d: {  	s24 =	sadd.s32 s2, s23;
	[dreg:$0xc] =	wrdreg s0  }
0x1e: {  	s23 =	sadd.s32 $0x2820, s11;
	[dreg:$0xe] =	wrdreg s24  }
0x1f: {  	s26 =	sadd.s32 $0x2850, s11;
	[dreg:$0x1c] =	wrdreg s23  }
0x20: {  	s12 =	sadd.s32 $0x2870, s11;
	[dreg:$0x1f] =	wrdreg s26  }
0x21: {  	s13 =	sadd.s32 $0x2880, s11;
	[smem:$0x7C3] =	sst s12  }
0x22: {  	s15 =	sadd.s32 $0x28A0, s11;
	[smem:$0x7C4] =	sst s13  }
0x23: {  	s17 =	sadd.s32 $0x28C0, s11;
	[smem:$0x7C6] =	sst s15  }
0x24: {  	s19 =	sadd.s32 $0x28D0, s11;
	[smem:$0x7C8] =	sst s17  }
0x25: {  	s21 =	sadd.s32 $0x28F0, s11;
	[smem:$0x7C9] =	sst s19  }
0x26: {  	s16 =	sadd.s32 $0x270, s18;
	[smem:$0x7CB] =	sst s21  }
0x27: {  	s20 =	sadd.s32 $0x2740, s18;
	[smem:$0x7D6] =	sst s16  }
0x28: {  	s0 =	sadd.s32 s2, s22;
	[smem:$0x7D9] =	sst s20  }
0x29: {  	s22 =	sadd.s32 $0x2810, s11;
	[dreg:$0xd] =	wrdreg s0  }
0x2a: {  	s24 =	sadd.s32 $0x2830, s11;
	[dreg:$0x1b] =	wrdreg s22  }
0x2b: {  	s23 =	sadd.s32 $0x2910, s11;
	[dreg:$0x1d] =	wrdreg s24  }
0x2c: {  	s26 =	sadd.s32 $0x2940, s11;
	[smem:$0x7CD] =	sst s23  }
0x2d: {  	s12 =	sadd.s32 $0x2960, s11;
	[smem:$0x7D0] =	sst s26  }
0x2e: {  	s13 =	sadd.s32 $0x2970, s11;
	[smem:$0x7D2] =	sst s12  }
0x2f: {  	s15 =	sadd.s32 $0x2710, s18;
	[smem:$0x7D3] =	sst s13  }
0x30: {  	s17 =	sadd.s32 $0x2720, s18;
	[smem:$0x7D5] =	sst s15  }
0x31: {  	s19 =	sadd.s32 $0x2730, s18;
	[smem:$0x7D7] =	sst s17  }
0x32: {  	s21 =	sadd.s32 $0x2750, s18;
	[smem:$0x7D8] =	sst s19  }
0x33: {  	s16 =	sadd.s32 $0x2800, s18;
	[smem:$0x7DA] =	sst s21  }
0x34: {  	s7 =	sshrl.u32 s6, $0x1;
	s20 =	sadd.s32 $0x2830, s18;
	[smem:$0x7E5] =	sst s16  }
0x35: {  	s14 =	ssub.s32 s6, s7;
	s0 =	sadd.s32 s2, s25;
	[smem:$0x7E8] =	sst s20  }
0x36: {  	s2 =	smax.u32 s14, $0x1;
	[dreg:$0xf] =	wrdreg s0  }
0x37: {  	s14 =	sadd.s32 $0x27A0, s11;
	[dreg:$0x11] =	wrdreg s2  }
0x38: {  	s25 =	sadd.s32 $0x2840, s11;
	[dreg:$0x14] =	wrdreg s14  }
0x39: {  	s22 =	sadd.s32 $0x2900, s11;
	[dreg:$0x1e] =	wrdreg s25  }
0x3a: {  	s24 =	sadd.s32 $0x2920, s11;
	[smem:$0x7CC] =	sst s22  }
0x3b: {  	s23 =	sadd.s32 $0x2770, s18;
	[smem:$0x7CE] =	sst s24  }
0x3c: {  	s26 =	sadd.s32 $0x27A0, s18;
	[smem:$0x7DC] =	sst s23  }
0x3d: {  	s12 =	sadd.s32 $0x27C0, s18;
	[smem:$0x7DF] =	sst s26  }
0x3e: {  	s13 =	sadd.s32 $0x27D0, s18;
	[smem:$0x7E1] =	sst s12  }
0x3f: {  	s15 =	sadd.s32 $0x27F0, s18;
	[smem:$0x7E2] =	sst s13  }
0x40: {  	s17 =	sadd.s32 $0x2810, s18;
	[smem:$0x7E4] =	sst s15  }
0x41: {  	s19 =	sadd.s32 $0x2820, s18;
	[smem:$0x7E6] =	sst s17  }
0x42: {  	s21 =	sadd.s32 $0x2840, s18;
	[smem:$0x7E7] =	sst s19  }
0x43: {  	s16 =	sadd.s32 $0x28F0, s18;
	[smem:$0x7E9] =	sst s21  }
0x44: {  	s20 =	sadd.s32 $0x2920, s18;
	[smem:$0x7F4] =	sst s16  }
0x45: {  	s2 =	sadd.s32 $0x2860, s11;
	[smem:$0x7F7] =	sst s20  }
0x46: {  	s14 =	sadd.s32 $0x2890, s11;
	[smem:$0x7C2] =	sst s2  }
0x47: {  	s25 =	sadd.s32 $0x2930, s11;
	[smem:$0x7C5] =	sst s14  }
0x48: {  	s22 =	sadd.s32 $0x2760, s18;
	[smem:$0x7CF] =	sst s25  }
0x49: {  	s24 =	sadd.s32 $0x2780, s18;
	[smem:$0x7DB] =	sst s22  }
0x4a: {  	s23 =	sadd.s32 $0x2860, s18;
	[smem:$0x7DD] =	sst s24  }
0x4b: {  	s26 =	sadd.s32 $0x2890, s18;
	[smem:$0x7EB] =	sst s23  }
0x4c: {  	s12 =	sadd.s32 $0x28B0, s18;
	[smem:$0x7EE] =	sst s26  }
0x4d: {  	s13 =	sadd.s32 $0x28C0, s18;
	[smem:$0x7F0] =	sst s12  }
0x4e: {  	s15 =	sadd.s32 $0x28E0, s18;
	[smem:$0x7F1] =	sst s13  }
0x4f: {  	s17 =	sadd.s32 $0x2900, s18;
	[smem:$0x7F3] =	sst s15  }
0x50: {  	s19 =	sadd.s32 $0x2910, s18;
	[smem:$0x7F5] =	sst s17  }
0x51: {  	s21 =	sadd.s32 $0x2930, s18;
	[smem:$0x7F6] =	sst s19  }
0x52: {  	s28 =	simm.s32 $0x1;
	s2 =	sadd.s32 $0x2950, s11;
	[smem:$0x7F8] =	sst s21  }
0x53: {  	s29 =	simm.s32 $0x3;
	s14 =	sadd.s32 $0x2980, s11;
	[smem:$0x7D1] =	sst s2  }
0x54: {  	s31 =	simm.s32 $0x2;
	s25 =	sadd.s32 $0x2790, s18;
	[smem:$0x7D4] =	sst s14  }
0x55: {  	s30 =	simm.s32 $0x0;
	s22 =	sadd.s32 $0x2850, s18;
	[smem:$0x7DE] =	sst s25  }
0x56: {  	s5 =	sadd.s32 s5, s3;
	s24 =	sadd.s32 $0x2870, s18;
	[smem:$0x7EA] =	sst s22  }
0x57: {  	s6 =	sadd.s32 $0x4000, s5;
	s23 =	sadd.s32 $0x2950, s18;
	[smem:$0x7EC] =	sst s24  }
0x58: {  	s7 =	sadd.s32 $0x8000, s5;
	s26 =	sadd.s32 $0x2980, s18;
	[smem:$0x7FA] =	sst s23  }
0x59: {  	s8 =	sadd.s32 $0xC000, s5;
	s2 =	sadd.s32 $0x27B0, s18;
	[smem:$0x7FD] =	sst s26  }
0x5a: {  	s9 =	sadd.s32 $0x10000, s5;
	s14 =	sadd.s32 $0x27E0, s18;
	[smem:$0x7E0] =	sst s2  }
0x5b: {  	s20 =	simm.s32 $0x1480;
	s25 =	sadd.s32 $0x2880, s18;
	[smem:$0x7E3] =	sst s14  }
0x5c: {  	s21 =	simm.s32 $0x4;
	s22 =	sadd.s32 $0x2940, s18;
	[smem:$0x7ED] =	sst s25  }
0x5d: {  	s13 =	simm.s32 $0x1300;
	s24 =	sadd.s32 $0x2960, s18;
	[smem:$0x7F9] =	sst s22  }
0x5e: {  	s19 =	simm.s32 $0x1CD80;
	s2 =	sadd.s32 $0x28A0, s18;
	[smem:$0x7FB] =	sst s24  }
0x5f: {  	s23 =	simm.s32 $0x1CD00;
	s14 =	sadd.s32 $0x28D0, s18;
	[smem:$0x7EF] =	sst s2  }
0x60: {  	s26 =	simm.s32 $0x5480;
	s25 =	sadd.s32 $0x2970, s18;
	[smem:$0x7F2] =	sst s14  }
0x61: {  	s22 =	simm.s32 $0x1380;
	s24 =	simm.s32 $0x80;
	[smem:$0x7FC] =	sst s25  }
0x62: {  	v0 =	vimm.f32 $0.0e+00;
	s25 =	simm.s32 $0x1400;
	s2 =	simm.s32 $0x8;
	s14 =	simm.s32 $0x1CE00  }
.LBB2_1:
0x63: {  	s0 =	simm.s32 $0x0;
	s12 =	simm.s32 $0x200  }
.LBB2_2:
0x64: {  	p1 =	sne.s32 s12, $0xFE00;
	[tilespmem:s0+$0x14F0] =	vst v0  }
0x65: {  	[tilespmem:s0+$0x1480] =	vst v0  }
0x66: {  	[tilespmem:s0+$0x1490] =	vst v0  }
.Ltmp0:
0x67: {  	[tilespmem:s0+$0x14A0] =	vst v0;
	(pc) =	sbr.rel @p1 .LBB2_2-.Ltmp0, $4  }
0x68: {  	[tilespmem:s0+$0x14B0] =	vst v0  }
0x69: {  	[tilespmem:s0+$0x14C0] =	vst v0  }
0x6a: {  	[tilespmem:s0+$0x14D0] =	vst v0  }
0x6b: {  	[tilespmem:s0+$0x14E0] =	vst v0;
	s0 =	sshra.s32 s12, $0x2;
	s12 =	sadd.s32 $0x200, s12  }
0x6c: {  	[tilespmem:s0+$0x14F0] =	vst v0  }
0x6d: {  	[tilespmem:s0+$0x1480] =	vst v0  }
0x6e: {  	[tilespmem:s0+$0x1490] =	vst v0  }
0x6f: {  	[tilespmem:s0+$0x14A0] =	vst v0  }
0x70: {  	[tilespmem:s0+$0x14B0] =	vst v0  }
0x71: {  	[tilespmem:s0+$0x14C0] =	vst v0  }
0x72: {  	[tilespmem:s0+$0x14D0] =	vst v0  }
0x73: {  	[tilespmem:s0+$0x14E0] =	vst v0  }
0x74: {  	[spmem:s5] =	stream.linear.scatter [tilespmem:s20], [sflag:$0x4], $0x4000, $0x38;
	[tilespmem:$0x1D200] =	vst v63  }
0x75: {  	_ =	swait.ge [sflag:s21], $0x4000  }
0x76: {  	[sflag:s21] =	ssyncset.done $0x0  }
0x77: {  	[sflag:s21] =	ssyncadd.s32 $0xFFFFC000  }
0x78: {  	[spmem:s6] =	stream.linear.scatter [tilespmem:s20], [sflag:$0x4], $0x4000, $0x38;
	[tilespmem:$0x1D200] =	vst v63  }
0x79: {  	_ =	swait.ge [sflag:s21], $0x4000  }
0x7a: {  	[sflag:s21] =	ssyncset.done $0x0  }
0x7b: {  	[sflag:s21] =	ssyncadd.s32 $0xFFFFC000  }
0x7c: {  	[spmem:s7] =	stream.linear.scatter [tilespmem:s20], [sflag:$0x4], $0x4000, $0x38;
	[tilespmem:$0x1D200] =	vst v63  }
0x7d: {  	_ =	swait.ge [sflag:s21], $0x4000  }
0x7e: {  	[sflag:s21] =	ssyncset.done $0x0  }
0x7f: {  	[sflag:s21] =	ssyncadd.s32 $0xFFFFC000  }
0x80: {  	[spmem:s8] =	stream.linear.scatter [tilespmem:s20], [sflag:$0x4], $0x4000, $0x38;
	[tilespmem:$0x1D200] =	vst v63  }
0x81: {  	_ =	swait.ge [sflag:s21], $0x4000  }
0x82: {  	[sflag:s21] =	ssyncset.done $0x0  }
0x83: {  	[sflag:s21] =	ssyncadd.s32 $0xFFFFC000  }
0x84: {  	[spmem:s9] =	stream.linear.scatter [tilespmem:s20], [sflag:$0x4], $0x3800, $0x38;
	[tilespmem:$0x1D200] =	vst v63  }
0x85: {  	_ =	swait.ge [sflag:s21], $0x3800  }
0x86: {  	[sflag:s21] =	ssyncset.done $0x0  }
0x87: {  	s0 =	simm.s32 @!p0 $0x1480;
	[sflag:s21] =	ssyncadd.s32 $0xFFFFC800  }
0x88: {  	[spmem:s10] =	stream.linear.scatter @!p0 [tilespmem:s0], [sflag:$0x4], $0x400, $0x38;
	[tilespmem:$0x1D200] =	vst v63  }
0x89: {  	s0 =	simm.s32 @!p0 $0x4  }
0x8a: {  	_ =	swait.ge @!p0 [sflag:s0], $0x400  }
0x8b: {  	[sflag:s0] =	ssyncset.done @!p0 $0x0  }
0x8c: {  	[sflag:s0] =	ssyncadd.s32 @!p0 $0xFFFFFC00  }
0x8d: {  	[bflag:$0x0] =	sbarrier.arrive $0xFFFF  }
0x8e: {  	[tilespmem:s4], [sflag:$0x4] =	stream.linear.gather [hbm4b:s11+s4], $0x1380, $0x38;
	[tilespmem:$0x1D200] =	vst v63  }
0x8f: {  	_ =	swait.ge [sflag:s21], $0x1380  }
0x90: {  	[sflag:s21] =	ssyncset.done $0x0  }
0x91: {  	s12 =	rddreg [dreg:$0x5];
	[sflag:s21] =	ssyncadd.s32 $0xFFFFEC80  }
0x92: {  	[tilespmem:s22], [sflag:$0x4] =	stream.linear.gather [hbm4b:s12+s4], $0x80, $0x38;
	[tilespmem:$0x1D200] =	vst v63  }
0x93: {  	_ =	swait.ge [sflag:s21], $0x80  }
0x94: {  	[sflag:s21] =	ssyncset.done $0x0  }
0x95: {  	s16 =	rddreg [dreg:$0x6];
	[sflag:s21] =	ssyncadd.s32 $0xFFFFFF80  }
0x96: {  	[tilespmem:s23], [sflag:$0x4] =	stream.linear.gather [hbm4b:s16+s4], $0x8, $0x38;
	[tilespmem:$0x1D200] =	vst v63  }
0x97: {  	_ =	swait.ge [sflag:s21], $0x8  }
0x98: {  	[sflag:s21] =	ssyncset.done $0x0  }
0x99: {  	[sflag:s21] =	ssyncadd.s32 $0xFFFFFFF8  }
0x9a: {  	[tilespmem:s20], [sflag:$0x1] =	stream.indirect.gather [hbm4b:s1+s24], $0x80, s4, s24, $0xb8;
	[tilespmem:$0x1D200] =	vst v63  }
0x9b: {  	s17 =	rddreg [dreg:$0x7]  }
0x9c: {  	[tilespmem:s25], [sflag:$0x3] =	stream.linear.gather [hbm4b:s17+s4], $0x80, $0x38;
	[tilespmem:$0x1D200] =	vst v63  }
0x9d: {  	_ = 	snop  }
0x9e: {  	[tilespmem:s26], [sflag:$0x2] =	stream.indirect.gather [hbm4b:s1+s24], $0x80, s24, s24, $0xb8;
	[tilespmem:$0x1D200] =	vst v63  }
0x9f: {  	_ =	swait.ge [sflag:s28], $0x4000  }
0xa0: {  	[sflag:s28] =	ssyncset.done $0x0  }
0xa1: {  	[sflag:s28] =	ssyncadd.s32 $0xFFFFC000  }
0xa2: {  	[spmem:s3] =	stream.indirect.scatter.add.f32 [tilespmem:s20], [sflag:$0x4], $0x80, s22, s24, $0xb8;
	[tilespmem:$0x1D200] =	vst v63  }
0xa3: {  	_ =	swait.ge [sflag:s21], $0x4000  }
0xa4: {  	[sflag:s21] =	ssyncset.done $0x0  }
0xa5: {  	[sflag:s21] =	ssyncadd.s32 $0xFFFFC000  }
0xa6: {  	_ =	swait.ge [sflag:s29], $0x80  }
0xa7: {  	[sflag:s29] =	ssyncset.done $0x0  }
0xa8: {  	s15 =	rddreg [dreg:$0x8];
	[sflag:s29] =	ssyncadd.s32 $0xFFFFFF80  }
0xa9: {  	[tilespmem:s22], [sflag:$0x3] =	stream.linear.gather [hbm4b:s15+s4], $0x80, $0x38;
	[tilespmem:$0x1D200] =	vst v63  }
0xaa: {  	s16 =	simm.s32 $0x100  }
0xab: {  	[tilespmem:s20], [sflag:$0x1] =	stream.indirect.gather [hbm4b:s1+s24], $0x80, s16, s24, $0xb8;
	[tilespmem:$0x1D200] =	vst v63  }
0xac: {  	_ =	swait.ge [sflag:s31], $0x4000  }
0xad: {  	[sflag:s31] =	ssyncset.done $0x0  }
0xae: {  	[sflag:s31] =	ssyncadd.s32 $0xFFFFC000  }
0xaf: {  	[spmem:s3] =	stream.indirect.scatter.add.f32 [tilespmem:s26], [sflag:$0x4], $0x80, s25, s24, $0xb8;
	[tilespmem:$0x1D200] =	vst v63  }
0xb0: {  	_ =	swait.ge [sflag:s21], $0x4000  }
0xb1: {  	[sflag:s21] =	ssyncset.done $0x0  }
0xb2: {  	[sflag:s21] =	ssyncadd.s32 $0xFFFFC000  }
0xb3: {  	_ =	swait.ge [sflag:s29], $0x80  }
0xb4: {  	[sflag:s29] =	ssyncset.done $0x0  }
0xb5: {  	s17 =	rddreg [dreg:$0x9];
	[sflag:s29] =	ssyncadd.s32 $0xFFFFFF80  }
0xb6: {  	[tilespmem:s25], [sflag:$0x3] =	stream.linear.gather [hbm4b:s17+s4], $0x80, $0x38;
	[tilespmem:$0x1D200] =	vst v63  }
0xb7: {  	s15 =	simm.s32 $0x180  }
0xb8: {  	[tilespmem:s26], [sflag:$0x2] =	stream.indirect.gather [hbm4b:s1+s24], $0x80, s15, s24, $0xb8;
	[tilespmem:$0x1D200] =	vst v63  }
0xb9: {  	_ =	swait.ge [sflag:s28], $0x4000  }
0xba: {  	[sflag:s28] =	ssyncset.done $0x0  }
0xbb: {  	[sflag:s28] =	ssyncadd.s32 $0xFFFFC000  }
0xbc: {  	[spmem:s3] =	stream.indirect.scatter.add.f32 [tilespmem:s20], [sflag:$0x4], $0x80, s22, s24, $0xb8;
	[tilespmem:$0x1D200] =	vst v63  }
0xbd: {  	_ =	swait.ge [sflag:s21], $0x4000  }
0xbe: {  	[sflag:s21] =	ssyncset.done $0x0  }
0xbf: {  	[sflag:s21] =	ssyncadd.s32 $0xFFFFC000  }
0xc0: {  	_ =	swait.ge [sflag:s29], $0x80  }
0xc1: {  	[sflag:s29] =	ssyncset.done $0x0  }
0xc2: {  	s16 =	rddreg [dreg:$0xa];
	[sflag:s29] =	ssyncadd.s32 $0xFFFFFF80  }
0xc3: {  	[tilespmem:s22], [sflag:$0x3] =	stream.linear.gather [hbm4b:s16+s4], $0x80, $0x38;
	[tilespmem:$0x1D200] =	vst v63  }
0xc4: {  	s17 =	simm.s32 $0x200  }
0xc5: {  	[tilespmem:s20], [sflag:$0x1] =	stream.indirect.gather [hbm4b:s1+s24], $0x80, s17, s24, $0xb8;
	[tilespmem:$0x1D200] =	vst v63  }
0xc6: {  	_ =	swait.ge [sflag:s31], $0x4000  }
0xc7: {  	[sflag:s31] =	ssyncset.done $0x0  }
0xc8: {  	[sflag:s31] =	ssyncadd.s32 $0xFFFFC000  }
0xc9: {  	[spmem:s3] =	stream.indirect.scatter.add.f32 [tilespmem:s26], [sflag:$0x4], $0x80, s25, s24, $0xb8;
	[tilespmem:$0x1D200] =	vst v63  }
0xca: {  	_ =	swait.ge [sflag:s21], $0x4000  }
0xcb: {  	[sflag:s21] =	ssyncset.done $0x0  }
0xcc: {  	[sflag:s21] =	ssyncadd.s32 $0xFFFFC000  }
0xcd: {  	_ =	swait.ge [sflag:s29], $0x80  }
0xce: {  	[sflag:s29] =	ssyncset.done $0x0  }
0xcf: {  	s15 =	rddreg [dreg:$0xb];
	[sflag:s29] =	ssyncadd.s32 $0xFFFFFF80  }
0xd0: {  	[tilespmem:s25], [sflag:$0x3] =	stream.linear.gather [hbm4b:s15+s4], $0x80, $0x38;
	[tilespmem:$0x1D200] =	vst v63  }
0xd1: {  	s16 =	simm.s32 $0x280  }
0xd2: {  	[tilespmem:s26], [sflag:$0x2] =	stream.indirect.gather [hbm4b:s1+s24], $0x80, s16, s24, $0xb8;
	[tilespmem:$0x1D200] =	vst v63  }
0xd3: {  	_ =	swait.ge [sflag:s28], $0x4000  }
0xd4: {  	[sflag:s28] =	ssyncset.done $0x0  }
0xd5: {  	[sflag:s28] =	ssyncadd.s32 $0xFFFFC000  }
0xd6: {  	[spmem:s3] =	stream.indirect.scatter.add.f32 [tilespmem:s20], [sflag:$0x4], $0x80, s22, s24, $0xb8;
	[tilespmem:$0x1D200] =	vst v63  }
0xd7: {  	_ =	swait.ge [sflag:s21], $0x4000  }
0xd8: {  	[sflag:s21] =	ssyncset.done $0x0  }
0xd9: {  	[sflag:s21] =	ssyncadd.s32 $0xFFFFC000  }
0xda: {  	_ =	swait.ge [sflag:s29], $0x80  }
0xdb: {  	[sflag:s29] =	ssyncset.done $0x0  }
0xdc: {  	s17 =	rddreg [dreg:$0x10];
	[sflag:s29] =	ssyncadd.s32 $0xFFFFFF80  }
0xdd: {  	[tilespmem:s22], [sflag:$0x3] =	stream.linear.gather [hbm4b:s17+s4], $0x80, $0x38;
	[tilespmem:$0x1D200] =	vst v63  }
0xde: {  	s15 =	simm.s32 $0x300  }
0xdf: {  	[tilespmem:s20], [sflag:$0x1] =	stream.indirect.gather [hbm4b:s1+s24], $0x80, s15, s24, $0xb8;
	[tilespmem:$0x1D200] =	vst v63  }
0xe0: {  	_ =	swait.ge [sflag:s31], $0x4000  }
0xe1: {  	[sflag:s31] =	ssyncset.done $0x0  }
0xe2: {  	[sflag:s31] =	ssyncadd.s32 $0xFFFFC000  }
0xe3: {  	[spmem:s3] =	stream.indirect.scatter.add.f32 [tilespmem:s26], [sflag:$0x4], $0x80, s25, s24, $0xb8;
	[tilespmem:$0x1D200] =	vst v63  }
0xe4: {  	_ =	swait.ge [sflag:s21], $0x4000  }
0xe5: {  	[sflag:s21] =	ssyncset.done $0x0  }
0xe6: {  	[sflag:s21] =	ssyncadd.s32 $0xFFFFC000  }
0xe7: {  	_ =	swait.ge [sflag:s29], $0x80  }
0xe8: {  	[sflag:s29] =	ssyncset.done $0x0  }
0xe9: {  	s16 =	rddreg [dreg:$0x12];
	[sflag:s29] =	ssyncadd.s32 $0xFFFFFF80  }
0xea: {  	[tilespmem:s25], [sflag:$0x3] =	stream.linear.gather [hbm4b:s16+s4], $0x80, $0x38;
	[tilespmem:$0x1D200] =	vst v63  }
0xeb: {  	s17 =	simm.s32 $0x380  }
0xec: {  	[tilespmem:s26], [sflag:$0x2] =	stream.indirect.gather [hbm4b:s1+s24], $0x80, s17, s24, $0xb8;
	[tilespmem:$0x1D200] =	vst v63  }
0xed: {  	_ =	swait.ge [sflag:s28], $0x4000  }
0xee: {  	[sflag:s28] =	ssyncset.done $0x0  }
0xef: {  	[sflag:s28] =	ssyncadd.s32 $0xFFFFC000  }
0xf0: {  	[spmem:s3] =	stream.indirect.scatter.add.f32 [tilespmem:s20], [sflag:$0x4], $0x80, s22, s24, $0xb8;
	[tilespmem:$0x1D200] =	vst v63  }
0xf1: {  	_ =	swait.ge [sflag:s21], $0x4000  }
0xf2: {  	[sflag:s21] =	ssyncset.done $0x0  }
0xf3: {  	[sflag:s21] =	ssyncadd.s32 $0xFFFFC000  }
0xf4: {  	_ =	swait.ge [sflag:s29], $0x80  }
0xf5: {  	[sflag:s29] =	ssyncset.done $0x0  }
0xf6: {  	s15 =	rddreg [dreg:$0x13];
	[sflag:s29] =	ssyncadd.s32 $0xFFFFFF80  }
0xf7: {  	[tilespmem:s22], [sflag:$0x3] =	stream.linear.gather [hbm4b:s15+s4], $0x80, $0x38;
	[tilespmem:$0x1D200] =	vst v63  }
0xf8: {  	s16 =	simm.s32 $0x400  }
0xf9: {  	[tilespmem:s20], [sflag:$0x1] =	stream.indirect.gather [hbm4b:s1+s24], $0x80, s16, s24, $0xb8;
	[tilespmem:$0x1D200] =	vst v63  }
0xfa: {  	_ =	swait.ge [sflag:s31], $0x4000  }
0xfb: {  	[sflag:s31] =	ssyncset.done $0x0  }
0xfc: {  	[sflag:s31] =	ssyncadd.s32 $0xFFFFC000  }
0xfd: {  	[spmem:s3] =	stream.indirect.scatter.add.f32 [tilespmem:s26], [sflag:$0x4], $0x80, s25, s24, $0xb8;
	[tilespmem:$0x1D200] =	vst v63  }
0xfe: {  	_ =	swait.ge [sflag:s21], $0x4000  }
0xff: {  	[sflag:s21] =	ssyncset.done $0x0  }
0x100: {  	[sflag:s21] =	ssyncadd.s32 $0xFFFFC000  }
0x101: {  	_ =	swait.ge [sflag:s29], $0x80  }
0x102: {  	[sflag:s29] =	ssyncset.done $0x0  }
0x103: {  	s17 =	rddreg [dreg:$0x14];
	[sflag:s29] =	ssyncadd.s32 $0xFFFFFF80  }
0x104: {  	[tilespmem:s25], [sflag:$0x3] =	stream.linear.gather [hbm4b:s17+s4], $0x80, $0x38;
	[tilespmem:$0x1D200] =	vst v63  }
0x105: {  	s15 =	simm.s32 $0x480  }
0x106: {  	[tilespmem:s26], [sflag:$0x2] =	stream.indirect.gather [hbm4b:s1+s24], $0x80, s15, s24, $0xb8;
	[tilespmem:$0x1D200] =	vst v63  }
0x107: {  	_ =	swait.ge [sflag:s28], $0x4000  }
0x108: {  	[sflag:s28] =	ssyncset.done $0x0  }
0x109: {  	[sflag:s28] =	ssyncadd.s32 $0xFFFFC000  }
0x10a: {  	[spmem:s3] =	stream.indirect.scatter.add.f32 [tilespmem:s20], [sflag:$0x4], $0x80, s22, s24, $0xb8;
	[tilespmem:$0x1D200] =	vst v63  }
0x10b: {  	_ =	swait.ge [sflag:s21], $0x4000  }
0x10c: {  	[sflag:s21] =	ssyncset.done $0x0  }
0x10d: {  	[sflag:s21] =	ssyncadd.s32 $0xFFFFC000  }
0x10e: {  	_ =	swait.ge [sflag:s29], $0x80  }
0x10f: {  	[sflag:s29] =	ssyncset.done $0x0  }
0x110: {  	s16 =	rddreg [dreg:$0x15];
	[sflag:s29] =	ssyncadd.s32 $0xFFFFFF80  }
0x111: {  	[tilespmem:s22], [sflag:$0x3] =	stream.linear.gather [hbm4b:s16+s4], $0x80, $0x38;
	[tilespmem:$0x1D200] =	vst v63  }
0x112: {  	s17 =	simm.s32 $0x500  }
0x113: {  	[tilespmem:s20], [sflag:$0x1] =	stream.indirect.gather [hbm4b:s1+s24], $0x80, s17, s24, $0xb8;
	[tilespmem:$0x1D200] =	vst v63  }
0x114: {  	_ =	swait.ge [sflag:s31], $0x4000  }
0x115: {  	[sflag:s31] =	ssyncset.done $0x0  }
0x116: {  	[sflag:s31] =	ssyncadd.s32 $0xFFFFC000  }
0x117: {  	[spmem:s3] =	stream.indirect.scatter.add.f32 [tilespmem:s26], [sflag:$0x4], $0x80, s25, s24, $0xb8;
	[tilespmem:$0x1D200] =	vst v63  }
0x118: {  	_ =	swait.ge [sflag:s21], $0x4000  }
0x119: {  	[sflag:s21] =	ssyncset.done $0x0  }
0x11a: {  	[sflag:s21] =	ssyncadd.s32 $0xFFFFC000  }
0x11b: {  	_ =	swait.ge [sflag:s29], $0x80  }
0x11c: {  	[sflag:s29] =	ssyncset.done $0x0  }
0x11d: {  	s15 =	rddreg [dreg:$0x16];
	[sflag:s29] =	ssyncadd.s32 $0xFFFFFF80  }
0x11e: {  	[tilespmem:s25], [sflag:$0x3] =	stream.linear.gather [hbm4b:s15+s4], $0x80, $0x38;
	[tilespmem:$0x1D200] =	vst v63  }
0x11f: {  	s16 =	simm.s32 $0x580  }
0x120: {  	[tilespmem:s26], [sflag:$0x2] =	stream.indirect.gather [hbm4b:s1+s24], $0x80, s16, s24, $0xb8;
	[tilespmem:$0x1D200] =	vst v63  }
0x121: {  	_ =	swait.ge [sflag:s28], $0x4000  }
0x122: {  	[sflag:s28] =	ssyncset.done $0x0  }
0x123: {  	[sflag:s28] =	ssyncadd.s32 $0xFFFFC000  }
0x124: {  	[spmem:s3] =	stream.indirect.scatter.add.f32 [tilespmem:s20], [sflag:$0x4], $0x80, s22, s24, $0xb8;
	[tilespmem:$0x1D200] =	vst v63  }
0x125: {  	_ =	swait.ge [sflag:s21], $0x4000  }
0x126: {  	[sflag:s21] =	ssyncset.done $0x0  }
0x127: {  	[sflag:s21] =	ssyncadd.s32 $0xFFFFC000  }
0x128: {  	_ =	swait.ge [sflag:s29], $0x80  }
0x129: {  	[sflag:s29] =	ssyncset.done $0x0  }
0x12a: {  	s17 =	rddreg [dreg:$0x17];
	[sflag:s29] =	ssyncadd.s32 $0xFFFFFF80  }
0x12b: {  	[tilespmem:s22], [sflag:$0x3] =	stream.linear.gather [hbm4b:s17+s4], $0x80, $0x38;
	[tilespmem:$0x1D200] =	vst v63  }
0x12c: {  	s15 =	simm.s32 $0x600  }
0x12d: {  	[tilespmem:s20], [sflag:$0x1] =	stream.indirect.gather [hbm4b:s1+s24], $0x80, s15, s24, $0xb8;
	[tilespmem:$0x1D200] =	vst v63  }
0x12e: {  	_ =	swait.ge [sflag:s31], $0x4000  }
0x12f: {  	[sflag:s31] =	ssyncset.done $0x0  }
0x130: {  	[sflag:s31] =	ssyncadd.s32 $0xFFFFC000  }
0x131: {  	[spmem:s3] =	stream.indirect.scatter.add.f32 [tilespmem:s26], [sflag:$0x4], $0x80, s25, s24, $0xb8;
	[tilespmem:$0x1D200] =	vst v63  }
0x132: {  	_ =	swait.ge [sflag:s21], $0x4000  }
0x133: {  	[sflag:s21] =	ssyncset.done $0x0  }
0x134: {  	[sflag:s21] =	ssyncadd.s32 $0xFFFFC000  }
0x135: {  	_ =	swait.ge [sflag:s29], $0x80  }
0x136: {  	[sflag:s29] =	ssyncset.done $0x0  }
0x137: {  	s16 =	rddreg [dreg:$0x18];
	[sflag:s29] =	ssyncadd.s32 $0xFFFFFF80  }
0x138: {  	[tilespmem:s25], [sflag:$0x3] =	stream.linear.gather [hbm4b:s16+s4], $0x80, $0x38;
	[tilespmem:$0x1D200] =	vst v63  }
0x139: {  	s17 =	simm.s32 $0x680  }
0x13a: {  	[tilespmem:s26], [sflag:$0x2] =	stream.indirect.gather [hbm4b:s1+s24], $0x80, s17, s24, $0xb8;
	[tilespmem:$0x1D200] =	vst v63  }
0x13b: {  	_ =	swait.ge [sflag:s28], $0x4000  }
0x13c: {  	[sflag:s28] =	ssyncset.done $0x0  }
0x13d: {  	[sflag:s28] =	ssyncadd.s32 $0xFFFFC000  }
0x13e: {  	[spmem:s3] =	stream.indirect.scatter.add.f32 [tilespmem:s20], [sflag:$0x4], $0x80, s22, s24, $0xb8;
	[tilespmem:$0x1D200] =	vst v63  }
0x13f: {  	_ =	swait.ge [sflag:s21], $0x4000  }
0x140: {  	[sflag:s21] =	ssyncset.done $0x0  }
0x141: {  	[sflag:s21] =	ssyncadd.s32 $0xFFFFC000  }
0x142: {  	_ =	swait.ge [sflag:s29], $0x80  }
0x143: {  	[sflag:s29] =	ssyncset.done $0x0  }
0x144: {  	s15 =	rddreg [dreg:$0x19];
	[sflag:s29] =	ssyncadd.s32 $0xFFFFFF80  }
0x145: {  	[tilespmem:s22], [sflag:$0x3] =	stream.linear.gather [hbm4b:s15+s4], $0x80, $0x38;
	[tilespmem:$0x1D200] =	vst v63  }
0x146: {  	s16 =	simm.s32 $0x700  }
0x147: {  	[tilespmem:s20], [sflag:$0x1] =	stream.indirect.gather [hbm4b:s1+s24], $0x80, s16, s24, $0xb8;
	[tilespmem:$0x1D200] =	vst v63  }
0x148: {  	_ =	swait.ge [sflag:s31], $0x4000  }
0x149: {  	[sflag:s31] =	ssyncset.done $0x0  }
0x14a: {  	[sflag:s31] =	ssyncadd.s32 $0xFFFFC000  }
0x14b: {  	[spmem:s3] =	stream.indirect.scatter.add.f32 [tilespmem:s26], [sflag:$0x4], $0x80, s25, s24, $0xb8;
	[tilespmem:$0x1D200] =	vst v63  }
0x14c: {  	_ =	swait.ge [sflag:s21], $0x4000  }
0x14d: {  	[sflag:s21] =	ssyncset.done $0x0  }
0x14e: {  	[sflag:s21] =	ssyncadd.s32 $0xFFFFC000  }
0x14f: {  	_ =	swait.ge [sflag:s29], $0x80  }
0x150: {  	[sflag:s29] =	ssyncset.done $0x0  }
0x151: {  	s17 =	rddreg [dreg:$0x1a];
	[sflag:s29] =	ssyncadd.s32 $0xFFFFFF80  }
0x152: {  	[tilespmem:s25], [sflag:$0x3] =	stream.linear.gather [hbm4b:s17+s4], $0x80, $0x38;
	[tilespmem:$0x1D200] =	vst v63  }
0x153: {  	s15 =	simm.s32 $0x780  }
0x154: {  	[tilespmem:s26], [sflag:$0x2] =	stream.indirect.gather [hbm4b:s1+s24], $0x80, s15, s24, $0xb8;
	[tilespmem:$0x1D200] =	vst v63  }
0x155: {  	_ =	swait.ge [sflag:s28], $0x4000  }
0x156: {  	[sflag:s28] =	ssyncset.done $0x0  }
0x157: {  	[sflag:s28] =	ssyncadd.s32 $0xFFFFC000  }
0x158: {  	[spmem:s3] =	stream.indirect.scatter.add.f32 [tilespmem:s20], [sflag:$0x4], $0x80, s22, s24, $0xb8;
	[tilespmem:$0x1D200] =	vst v63  }
0x159: {  	_ =	swait.ge [sflag:s21], $0x4000  }
0x15a: {  	[sflag:s21] =	ssyncset.done $0x0  }
0x15b: {  	[sflag:s21] =	ssyncadd.s32 $0xFFFFC000  }
0x15c: {  	_ =	swait.ge [sflag:s29], $0x80  }
0x15d: {  	[sflag:s29] =	ssyncset.done $0x0  }
0x15e: {  	s16 =	rddreg [dreg:$0x1b];
	[sflag:s29] =	ssyncadd.s32 $0xFFFFFF80  }
0x15f: {  	[tilespmem:s22], [sflag:$0x3] =	stream.linear.gather [hbm4b:s16+s4], $0x80, $0x38;
	[tilespmem:$0x1D200] =	vst v63  }
0x160: {  	s17 =	simm.s32 $0x800  }
0x161: {  	[tilespmem:s20], [sflag:$0x1] =	stream.indirect.gather [hbm4b:s1+s24], $0x80, s17, s24, $0xb8;
	[tilespmem:$0x1D200] =	vst v63  }
0x162: {  	_ =	swait.ge [sflag:s31], $0x4000  }
0x163: {  	[sflag:s31] =	ssyncset.done $0x0  }
0x164: {  	[sflag:s31] =	ssyncadd.s32 $0xFFFFC000  }
0x165: {  	[spmem:s3] =	stream.indirect.scatter.add.f32 [tilespmem:s26], [sflag:$0x4], $0x80, s25, s24, $0xb8;
	[tilespmem:$0x1D200] =	vst v63  }
0x166: {  	_ =	swait.ge [sflag:s21], $0x4000  }
0x167: {  	[sflag:s21] =	ssyncset.done $0x0  }
0x168: {  	[sflag:s21] =	ssyncadd.s32 $0xFFFFC000  }
0x169: {  	_ =	swait.ge [sflag:s29], $0x80  }
0x16a: {  	[sflag:s29] =	ssyncset.done $0x0  }
0x16b: {  	s15 =	rddreg [dreg:$0x1c];
	[sflag:s29] =	ssyncadd.s32 $0xFFFFFF80  }
0x16c: {  	[tilespmem:s25], [sflag:$0x3] =	stream.linear.gather [hbm4b:s15+s4], $0x80, $0x38;
	[tilespmem:$0x1D200] =	vst v63  }
0x16d: {  	s16 =	simm.s32 $0x880  }
0x16e: {  	[tilespmem:s26], [sflag:$0x2] =	stream.indirect.gather [hbm4b:s1+s24], $0x80, s16, s24, $0xb8;
	[tilespmem:$0x1D200] =	vst v63  }
0x16f: {  	_ =	swait.ge [sflag:s28], $0x4000  }
0x170: {  	[sflag:s28] =	ssyncset.done $0x0  }
0x171: {  	[sflag:s28] =	ssyncadd.s32 $0xFFFFC000  }
0x172: {  	[spmem:s3] =	stream.indirect.scatter.add.f32 [tilespmem:s20], [sflag:$0x4], $0x80, s22, s24, $0xb8;
	[tilespmem:$0x1D200] =	vst v63  }
0x173: {  	_ =	swait.ge [sflag:s21], $0x4000  }
0x174: {  	[sflag:s21] =	ssyncset.done $0x0  }
0x175: {  	[sflag:s21] =	ssyncadd.s32 $0xFFFFC000  }
0x176: {  	_ =	swait.ge [sflag:s29], $0x80  }
0x177: {  	[sflag:s29] =	ssyncset.done $0x0  }
0x178: {  	s17 =	rddreg [dreg:$0x1d];
	[sflag:s29] =	ssyncadd.s32 $0xFFFFFF80  }
0x179: {  	[tilespmem:s22], [sflag:$0x3] =	stream.linear.gather [hbm4b:s17+s4], $0x80, $0x38;
	[tilespmem:$0x1D200] =	vst v63  }
0x17a: {  	s15 =	simm.s32 $0x900  }
0x17b: {  	[tilespmem:s20], [sflag:$0x1] =	stream.indirect.gather [hbm4b:s1+s24], $0x80, s15, s24, $0xb8;
	[tilespmem:$0x1D200] =	vst v63  }
0x17c: {  	_ =	swait.ge [sflag:s31], $0x4000  }
0x17d: {  	[sflag:s31] =	ssyncset.done $0x0  }
0x17e: {  	[sflag:s31] =	ssyncadd.s32 $0xFFFFC000  }
0x17f: {  	[spmem:s3] =	stream.indirect.scatter.add.f32 [tilespmem:s26], [sflag:$0x4], $0x80, s25, s24, $0xb8;
	[tilespmem:$0x1D200] =	vst v63  }
0x180: {  	_ =	swait.ge [sflag:s21], $0x4000  }
0x181: {  	[sflag:s21] =	ssyncset.done $0x0  }
0x182: {  	[sflag:s21] =	ssyncadd.s32 $0xFFFFC000  }
0x183: {  	_ =	swait.ge [sflag:s29], $0x80  }
0x184: {  	[sflag:s29] =	ssyncset.done $0x0  }
0x185: {  	s16 =	rddreg [dreg:$0x1e];
	[sflag:s29] =	ssyncadd.s32 $0xFFFFFF80  }
0x186: {  	[tilespmem:s25], [sflag:$0x3] =	stream.linear.gather [hbm4b:s16+s4], $0x80, $0x38;
	[tilespmem:$0x1D200] =	vst v63  }
0x187: {  	s17 =	simm.s32 $0x980  }
0x188: {  	[tilespmem:s26], [sflag:$0x2] =	stream.indirect.gather [hbm4b:s1+s24], $0x80, s17, s24, $0xb8;
	[tilespmem:$0x1D200] =	vst v63  }
0x189: {  	_ =	swait.ge [sflag:s28], $0x4000  }
0x18a: {  	[sflag:s28] =	ssyncset.done $0x0  }
0x18b: {  	[sflag:s28] =	ssyncadd.s32 $0xFFFFC000  }
0x18c: {  	[spmem:s3] =	stream.indirect.scatter.add.f32 [tilespmem:s20], [sflag:$0x4], $0x80, s22, s24, $0xb8;
	[tilespmem:$0x1D200] =	vst v63  }
0x18d: {  	_ =	swait.ge [sflag:s21], $0x4000  }
0x18e: {  	[sflag:s21] =	ssyncset.done $0x0  }
0x18f: {  	[sflag:s21] =	ssyncadd.s32 $0xFFFFC000  }
0x190: {  	_ =	swait.ge [sflag:s29], $0x80  }
0x191: {  	[sflag:s29] =	ssyncset.done $0x0  }
0x192: {  	s15 =	rddreg [dreg:$0x1f];
	[sflag:s29] =	ssyncadd.s32 $0xFFFFFF80  }
0x193: {  	[tilespmem:s22], [sflag:$0x3] =	stream.linear.gather [hbm4b:s15+s4], $0x80, $0x38;
	[tilespmem:$0x1D200] =	vst v63  }
0x194: {  	s16 =	simm.s32 $0xA00  }
0x195: {  	[tilespmem:s20], [sflag:$0x1] =	stream.indirect.gather [hbm4b:s1+s24], $0x80, s16, s24, $0xb8;
	[tilespmem:$0x1D200] =	vst v63  }
0x196: {  	_ =	swait.ge [sflag:s31], $0x4000  }
0x197: {  	[sflag:s31] =	ssyncset.done $0x0  }
0x198: {  	[sflag:s31] =	ssyncadd.s32 $0xFFFFC000  }
0x199: {  	[spmem:s3] =	stream.indirect.scatter.add.f32 [tilespmem:s26], [sflag:$0x4], $0x80, s25, s24, $0xb8;
	[tilespmem:$0x1D200] =	vst v63  }
0x19a: {  	_ =	swait.ge [sflag:s21], $0x4000  }
0x19b: {  	[sflag:s21] =	ssyncset.done $0x0  }
0x19c: {  	[sflag:s21] =	ssyncadd.s32 $0xFFFFC000  }
0x19d: {  	_ =	swait.ge [sflag:s29], $0x80  }
0x19e: {  	s17 =	sld [smem:$0x7C2]  }
0x19f: {  	[sflag:s29] =	ssyncset.done $0x0  }
0x1a0: {  	[sflag:s29] =	ssyncadd.s32 $0xFFFFFF80  }
0x1a1: {  	[tilespmem:s25], [sflag:$0x3] =	stream.linear.gather [hbm4b:s17+s4], $0x80, $0x38;
	[tilespmem:$0x1D200] =	vst v63  }
0x1a2: {  	s15 =	simm.s32 $0xA80  }
0x1a3: {  	[tilespmem:s26], [sflag:$0x2] =	stream.indirect.gather [hbm4b:s1+s24], $0x80, s15, s24, $0xb8;
	[tilespmem:$0x1D200] =	vst v63  }
0x1a4: {  	_ =	swait.ge [sflag:s28], $0x4000  }
0x1a5: {  	[sflag:s28] =	ssyncset.done $0x0  }
0x1a6: {  	[sflag:s28] =	ssyncadd.s32 $0xFFFFC000  }
0x1a7: {  	[spmem:s3] =	stream.indirect.scatter.add.f32 [tilespmem:s20], [sflag:$0x4], $0x80, s22, s24, $0xb8;
	[tilespmem:$0x1D200] =	vst v63  }
0x1a8: {  	_ =	swait.ge [sflag:s21], $0x4000  }
0x1a9: {  	[sflag:s21] =	ssyncset.done $0x0  }
0x1aa: {  	[sflag:s21] =	ssyncadd.s32 $0xFFFFC000  }
0x1ab: {  	_ =	swait.ge [sflag:s29], $0x80  }
0x1ac: {  	s16 =	sld [smem:$0x7C3]  }
0x1ad: {  	[sflag:s29] =	ssyncset.done $0x0  }
0x1ae: {  	[sflag:s29] =	ssyncadd.s32 $0xFFFFFF80  }
0x1af: {  	[tilespmem:s22], [sflag:$0x3] =	stream.linear.gather [hbm4b:s16+s4], $0x80, $0x38;
	[tilespmem:$0x1D200] =	vst v63  }
0x1b0: {  	s17 =	simm.s32 $0xB00  }
0x1b1: {  	[tilespmem:s20], [sflag:$0x1] =	stream.indirect.gather [hbm4b:s1+s24], $0x80, s17, s24, $0xb8;
	[tilespmem:$0x1D200] =	vst v63  }
0x1b2: {  	_ =	swait.ge [sflag:s31], $0x4000  }
0x1b3: {  	[sflag:s31] =	ssyncset.done $0x0  }
0x1b4: {  	[sflag:s31] =	ssyncadd.s32 $0xFFFFC000  }
0x1b5: {  	[spmem:s3] =	stream.indirect.scatter.add.f32 [tilespmem:s26], [sflag:$0x4], $0x80, s25, s24, $0xb8;
	[tilespmem:$0x1D200] =	vst v63  }
0x1b6: {  	_ =	swait.ge [sflag:s21], $0x4000  }
0x1b7: {  	[sflag:s21] =	ssyncset.done $0x0  }
0x1b8: {  	[sflag:s21] =	ssyncadd.s32 $0xFFFFC000  }
0x1b9: {  	_ =	swait.ge [sflag:s29], $0x80  }
0x1ba: {  	s15 =	sld [smem:$0x7C4]  }
0x1bb: {  	[sflag:s29] =	ssyncset.done $0x0  }
0x1bc: {  	[sflag:s29] =	ssyncadd.s32 $0xFFFFFF80  }
0x1bd: {  	[tilespmem:s25], [sflag:$0x3] =	stream.linear.gather [hbm4b:s15+s4], $0x80, $0x38;
	[tilespmem:$0x1D200] =	vst v63  }
0x1be: {  	s16 =	simm.s32 $0xB80  }
0x1bf: {  	[tilespmem:s26], [sflag:$0x2] =	stream.indirect.gather [hbm4b:s1+s24], $0x80, s16, s24, $0xb8;
	[tilespmem:$0x1D200] =	vst v63  }
0x1c0: {  	_ =	swait.ge [sflag:s28], $0x4000  }
0x1c1: {  	[sflag:s28] =	ssyncset.done $0x0  }
0x1c2: {  	[sflag:s28] =	ssyncadd.s32 $0xFFFFC000  }
0x1c3: {  	[spmem:s3] =	stream.indirect.scatter.add.f32 [tilespmem:s20], [sflag:$0x4], $0x80, s22, s24, $0xb8;
	[tilespmem:$0x1D200] =	vst v63  }
0x1c4: {  	_ =	swait.ge [sflag:s21], $0x4000  }
0x1c5: {  	[sflag:s21] =	ssyncset.done $0x0  }
0x1c6: {  	[sflag:s21] =	ssyncadd.s32 $0xFFFFC000  }
0x1c7: {  	_ =	swait.ge [sflag:s29], $0x80  }
0x1c8: {  	s17 =	sld [smem:$0x7C5]  }
0x1c9: {  	[sflag:s29] =	ssyncset.done $0x0  }
0x1ca: {  	[sflag:s29] =	ssyncadd.s32 $0xFFFFFF80  }
0x1cb: {  	[tilespmem:s22], [sflag:$0x3] =	stream.linear.gather [hbm4b:s17+s4], $0x80, $0x38;
	[tilespmem:$0x1D200] =	vst v63  }
0x1cc: {  	s15 =	simm.s32 $0xC00  }
0x1cd: {  	[tilespmem:s20], [sflag:$0x1] =	stream.indirect.gather [hbm4b:s1+s24], $0x80, s15, s24, $0xb8;
	[tilespmem:$0x1D200] =	vst v63  }
0x1ce: {  	_ =	swait.ge [sflag:s31], $0x4000  }
0x1cf: {  	[sflag:s31] =	ssyncset.done $0x0  }
0x1d0: {  	[sflag:s31] =	ssyncadd.s32 $0xFFFFC000  }
0x1d1: {  	[spmem:s3] =	stream.indirect.scatter.add.f32 [tilespmem:s26], [sflag:$0x4], $0x80, s25, s24, $0xb8;
	[tilespmem:$0x1D200] =	vst v63  }
0x1d2: {  	_ =	swait.ge [sflag:s21], $0x4000  }
0x1d3: {  	[sflag:s21] =	ssyncset.done $0x0  }
0x1d4: {  	[sflag:s21] =	ssyncadd.s32 $0xFFFFC000  }
0x1d5: {  	_ =	swait.ge [sflag:s29], $0x80  }
0x1d6: {  	s16 =	sld [smem:$0x7C6]  }
0x1d7: {  	[sflag:s29] =	ssyncset.done $0x0  }
0x1d8: {  	[sflag:s29] =	ssyncadd.s32 $0xFFFFFF80  }
0x1d9: {  	[tilespmem:s25], [sflag:$0x3] =	stream.linear.gather [hbm4b:s16+s4], $0x80, $0x38;
	[tilespmem:$0x1D200] =	vst v63  }
0x1da: {  	s17 =	simm.s32 $0xC80  }
0x1db: {  	[tilespmem:s26], [sflag:$0x2] =	stream.indirect.gather [hbm4b:s1+s24], $0x80, s17, s24, $0xb8;
	[tilespmem:$0x1D200] =	vst v63  }
0x1dc: {  	_ =	swait.ge [sflag:s28], $0x4000  }
0x1dd: {  	[sflag:s28] =	ssyncset.done $0x0  }
0x1de: {  	[sflag:s28] =	ssyncadd.s32 $0xFFFFC000  }
0x1df: {  	[spmem:s3] =	stream.indirect.scatter.add.f32 [tilespmem:s20], [sflag:$0x4], $0x80, s22, s24, $0xb8;
	[tilespmem:$0x1D200] =	vst v63  }
0x1e0: {  	_ =	swait.ge [sflag:s21], $0x4000  }
0x1e1: {  	[sflag:s21] =	ssyncset.done $0x0  }
0x1e2: {  	[sflag:s21] =	ssyncadd.s32 $0xFFFFC000  }
0x1e3: {  	_ =	swait.ge [sflag:s29], $0x80  }
0x1e4: {  	s15 =	sld [smem:$0x7C7]  }
0x1e5: {  	[sflag:s29] =	ssyncset.done $0x0  }
0x1e6: {  	[sflag:s29] =	ssyncadd.s32 $0xFFFFFF80  }
0x1e7: {  	[tilespmem:s22], [sflag:$0x3] =	stream.linear.gather [hbm4b:s15+s4], $0x80, $0x38;
	[tilespmem:$0x1D200] =	vst v63  }
0x1e8: {  	s16 =	simm.s32 $0xD00  }
0x1e9: {  	[tilespmem:s20], [sflag:$0x1] =	stream.indirect.gather [hbm4b:s1+s24], $0x80, s16, s24, $0xb8;
	[tilespmem:$0x1D200] =	vst v63  }
0x1ea: {  	_ =	swait.ge [sflag:s31], $0x4000  }
0x1eb: {  	[sflag:s31] =	ssyncset.done $0x0  }
0x1ec: {  	[sflag:s31] =	ssyncadd.s32 $0xFFFFC000  }
0x1ed: {  	[spmem:s3] =	stream.indirect.scatter.add.f32 [tilespmem:s26], [sflag:$0x4], $0x80, s25, s24, $0xb8;
	[tilespmem:$0x1D200] =	vst v63  }
0x1ee: {  	_ =	swait.ge [sflag:s21], $0x4000  }
0x1ef: {  	[sflag:s21] =	ssyncset.done $0x0  }
0x1f0: {  	[sflag:s21] =	ssyncadd.s32 $0xFFFFC000  }
0x1f1: {  	_ =	swait.ge [sflag:s29], $0x80  }
0x1f2: {  	s17 =	sld [smem:$0x7C8]  }
0x1f3: {  	[sflag:s29] =	ssyncset.done $0x0  }
0x1f4: {  	[sflag:s29] =	ssyncadd.s32 $0xFFFFFF80  }
0x1f5: {  	[tilespmem:s25], [sflag:$0x3] =	stream.linear.gather [hbm4b:s17+s4], $0x80, $0x38;
	[tilespmem:$0x1D200] =	vst v63  }
0x1f6: {  	s15 =	simm.s32 $0xD80  }
0x1f7: {  	[tilespmem:s26], [sflag:$0x2] =	stream.indirect.gather [hbm4b:s1+s24], $0x80, s15, s24, $0xb8;
	[tilespmem:$0x1D200] =	vst v63  }
0x1f8: {  	_ =	swait.ge [sflag:s28], $0x4000  }
0x1f9: {  	[sflag:s28] =	ssyncset.done $0x0  }
0x1fa: {  	[sflag:s28] =	ssyncadd.s32 $0xFFFFC000  }
0x1fb: {  	[spmem:s3] =	stream.indirect.scatter.add.f32 [tilespmem:s20], [sflag:$0x4], $0x80, s22, s24, $0xb8;
	[tilespmem:$0x1D200] =	vst v63  }
0x1fc: {  	_ =	swait.ge [sflag:s21], $0x4000  }
0x1fd: {  	[sflag:s21] =	ssyncset.done $0x0  }
0x1fe: {  	[sflag:s21] =	ssyncadd.s32 $0xFFFFC000  }
0x1ff: {  	_ =	swait.ge [sflag:s29], $0x80  }
0x200: {  	s16 =	sld [smem:$0x7C9]  }
0x201: {  	[sflag:s29] =	ssyncset.done $0x0  }
0x202: {  	[sflag:s29] =	ssyncadd.s32 $0xFFFFFF80  }
0x203: {  	[tilespmem:s22], [sflag:$0x3] =	stream.linear.gather [hbm4b:s16+s4], $0x80, $0x38;
	[tilespmem:$0x1D200] =	vst v63  }
0x204: {  	s17 =	simm.s32 $0xE00  }
0x205: {  	[tilespmem:s20], [sflag:$0x1] =	stream.indirect.gather [hbm4b:s1+s24], $0x80, s17, s24, $0xb8;
	[tilespmem:$0x1D200] =	vst v63  }
0x206: {  	_ =	swait.ge [sflag:s31], $0x4000  }
0x207: {  	[sflag:s31] =	ssyncset.done $0x0  }
0x208: {  	[sflag:s31] =	ssyncadd.s32 $0xFFFFC000  }
0x209: {  	[spmem:s3] =	stream.indirect.scatter.add.f32 [tilespmem:s26], [sflag:$0x4], $0x80, s25, s24, $0xb8;
	[tilespmem:$0x1D200] =	vst v63  }
0x20a: {  	_ =	swait.ge [sflag:s21], $0x4000  }
0x20b: {  	[sflag:s21] =	ssyncset.done $0x0  }
0x20c: {  	[sflag:s21] =	ssyncadd.s32 $0xFFFFC000  }
0x20d: {  	_ =	swait.ge [sflag:s29], $0x80  }
0x20e: {  	s15 =	sld [smem:$0x7CA]  }
0x20f: {  	[sflag:s29] =	ssyncset.done $0x0  }
0x210: {  	[sflag:s29] =	ssyncadd.s32 $0xFFFFFF80  }
0x211: {  	[tilespmem:s25], [sflag:$0x3] =	stream.linear.gather [hbm4b:s15+s4], $0x80, $0x38;
	[tilespmem:$0x1D200] =	vst v63  }
0x212: {  	s16 =	simm.s32 $0xE80  }
0x213: {  	[tilespmem:s26], [sflag:$0x2] =	stream.indirect.gather [hbm4b:s1+s24], $0x80, s16, s24, $0xb8;
	[tilespmem:$0x1D200] =	vst v63  }
0x214: {  	_ =	swait.ge [sflag:s28], $0x4000  }
0x215: {  	[sflag:s28] =	ssyncset.done $0x0  }
0x216: {  	[sflag:s28] =	ssyncadd.s32 $0xFFFFC000  }
0x217: {  	[spmem:s3] =	stream.indirect.scatter.add.f32 [tilespmem:s20], [sflag:$0x4], $0x80, s22, s24, $0xb8;
	[tilespmem:$0x1D200] =	vst v63  }
0x218: {  	_ =	swait.ge [sflag:s21], $0x4000  }
0x219: {  	[sflag:s21] =	ssyncset.done $0x0  }
0x21a: {  	[sflag:s21] =	ssyncadd.s32 $0xFFFFC000  }
0x21b: {  	_ =	swait.ge [sflag:s29], $0x80  }
0x21c: {  	s17 =	sld [smem:$0x7CB]  }
0x21d: {  	[sflag:s29] =	ssyncset.done $0x0  }
0x21e: {  	[sflag:s29] =	ssyncadd.s32 $0xFFFFFF80  }
0x21f: {  	[tilespmem:s22], [sflag:$0x3] =	stream.linear.gather [hbm4b:s17+s4], $0x80, $0x38;
	[tilespmem:$0x1D200] =	vst v63  }
0x220: {  	s15 =	simm.s32 $0xF00  }
0x221: {  	[tilespmem:s20], [sflag:$0x1] =	stream.indirect.gather [hbm4b:s1+s24], $0x80, s15, s24, $0xb8;
	[tilespmem:$0x1D200] =	vst v63  }
0x222: {  	_ =	swait.ge [sflag:s31], $0x4000  }
0x223: {  	[sflag:s31] =	ssyncset.done $0x0  }
0x224: {  	[sflag:s31] =	ssyncadd.s32 $0xFFFFC000  }
0x225: {  	[spmem:s3] =	stream.indirect.scatter.add.f32 [tilespmem:s26], [sflag:$0x4], $0x80, s25, s24, $0xb8;
	[tilespmem:$0x1D200] =	vst v63  }
0x226: {  	_ =	swait.ge [sflag:s21], $0x4000  }
0x227: {  	[sflag:s21] =	ssyncset.done $0x0  }
0x228: {  	[sflag:s21] =	ssyncadd.s32 $0xFFFFC000  }
0x229: {  	_ =	swait.ge [sflag:s29], $0x80  }
0x22a: {  	s16 =	sld [smem:$0x7CC]  }
0x22b: {  	[sflag:s29] =	ssyncset.done $0x0  }
0x22c: {  	[sflag:s29] =	ssyncadd.s32 $0xFFFFFF80  }
0x22d: {  	[tilespmem:s25], [sflag:$0x3] =	stream.linear.gather [hbm4b:s16+s4], $0x80, $0x38;
	[tilespmem:$0x1D200] =	vst v63  }
0x22e: {  	s17 =	simm.s32 $0xF80  }
0x22f: {  	[tilespmem:s26], [sflag:$0x2] =	stream.indirect.gather [hbm4b:s1+s24], $0x80, s17, s24, $0xb8;
	[tilespmem:$0x1D200] =	vst v63  }
0x230: {  	_ =	swait.ge [sflag:s28], $0x4000  }
0x231: {  	[sflag:s28] =	ssyncset.done $0x0  }
0x232: {  	[sflag:s28] =	ssyncadd.s32 $0xFFFFC000  }
0x233: {  	[spmem:s3] =	stream.indirect.scatter.add.f32 [tilespmem:s20], [sflag:$0x4], $0x80, s22, s24, $0xb8;
	[tilespmem:$0x1D200] =	vst v63  }
0x234: {  	_ =	swait.ge [sflag:s21], $0x4000  }
0x235: {  	[sflag:s21] =	ssyncset.done $0x0  }
0x236: {  	[sflag:s21] =	ssyncadd.s32 $0xFFFFC000  }
0x237: {  	_ =	swait.ge [sflag:s29], $0x80  }
0x238: {  	s15 =	sld [smem:$0x7CD]  }
0x239: {  	[sflag:s29] =	ssyncset.done $0x0  }
0x23a: {  	[sflag:s29] =	ssyncadd.s32 $0xFFFFFF80  }
0x23b: {  	[tilespmem:s22], [sflag:$0x3] =	stream.linear.gather [hbm4b:s15+s4], $0x80, $0x38;
	[tilespmem:$0x1D200] =	vst v63  }
0x23c: {  	s16 =	simm.s32 $0x1000  }
0x23d: {  	[tilespmem:s20], [sflag:$0x1] =	stream.indirect.gather [hbm4b:s1+s24], $0x80, s16, s24, $0xb8;
	[tilespmem:$0x1D200] =	vst v63  }
0x23e: {  	_ =	swait.ge [sflag:s31], $0x4000  }
0x23f: {  	[sflag:s31] =	ssyncset.done $0x0  }
0x240: {  	[sflag:s31] =	ssyncadd.s32 $0xFFFFC000  }
0x241: {  	[spmem:s3] =	stream.indirect.scatter.add.f32 [tilespmem:s26], [sflag:$0x4], $0x80, s25, s24, $0xb8;
	[tilespmem:$0x1D200] =	vst v63  }
0x242: {  	_ =	swait.ge [sflag:s21], $0x4000  }
0x243: {  	[sflag:s21] =	ssyncset.done $0x0  }
0x244: {  	[sflag:s21] =	ssyncadd.s32 $0xFFFFC000  }
0x245: {  	_ =	swait.ge [sflag:s29], $0x80  }
0x246: {  	s17 =	sld [smem:$0x7CE]  }
0x247: {  	[sflag:s29] =	ssyncset.done $0x0  }
0x248: {  	[sflag:s29] =	ssyncadd.s32 $0xFFFFFF80  }
0x249: {  	[tilespmem:s25], [sflag:$0x3] =	stream.linear.gather [hbm4b:s17+s4], $0x80, $0x38;
	[tilespmem:$0x1D200] =	vst v63  }
0x24a: {  	s15 =	simm.s32 $0x1080  }
0x24b: {  	[tilespmem:s26], [sflag:$0x2] =	stream.indirect.gather [hbm4b:s1+s24], $0x80, s15, s24, $0xb8;
	[tilespmem:$0x1D200] =	vst v63  }
0x24c: {  	_ =	swait.ge [sflag:s28], $0x4000  }
0x24d: {  	[sflag:s28] =	ssyncset.done $0x0  }
0x24e: {  	[sflag:s28] =	ssyncadd.s32 $0xFFFFC000  }
0x24f: {  	[spmem:s3] =	stream.indirect.scatter.add.f32 [tilespmem:s20], [sflag:$0x4], $0x80, s22, s24, $0xb8;
	[tilespmem:$0x1D200] =	vst v63  }
0x250: {  	_ =	swait.ge [sflag:s21], $0x4000  }
0x251: {  	[sflag:s21] =	ssyncset.done $0x0  }
0x252: {  	[sflag:s21] =	ssyncadd.s32 $0xFFFFC000  }
0x253: {  	_ =	swait.ge [sflag:s29], $0x80  }
0x254: {  	s16 =	sld [smem:$0x7CF]  }
0x255: {  	[sflag:s29] =	ssyncset.done $0x0  }
0x256: {  	[sflag:s29] =	ssyncadd.s32 $0xFFFFFF80  }
0x257: {  	[tilespmem:s22], [sflag:$0x3] =	stream.linear.gather [hbm4b:s16+s4], $0x80, $0x38;
	[tilespmem:$0x1D200] =	vst v63  }
0x258: {  	s17 =	simm.s32 $0x1100  }
0x259: {  	[tilespmem:s20], [sflag:$0x1] =	stream.indirect.gather [hbm4b:s1+s24], $0x80, s17, s24, $0xb8;
	[tilespmem:$0x1D200] =	vst v63  }
0x25a: {  	_ =	swait.ge [sflag:s31], $0x4000  }
0x25b: {  	[sflag:s31] =	ssyncset.done $0x0  }
0x25c: {  	[sflag:s31] =	ssyncadd.s32 $0xFFFFC000  }
0x25d: {  	[spmem:s3] =	stream.indirect.scatter.add.f32 [tilespmem:s26], [sflag:$0x4], $0x80, s25, s24, $0xb8;
	[tilespmem:$0x1D200] =	vst v63  }
0x25e: {  	_ =	swait.ge [sflag:s21], $0x4000  }
0x25f: {  	[sflag:s21] =	ssyncset.done $0x0  }
0x260: {  	[sflag:s21] =	ssyncadd.s32 $0xFFFFC000  }
0x261: {  	_ =	swait.ge [sflag:s29], $0x80  }
0x262: {  	s15 =	sld [smem:$0x7D0]  }
0x263: {  	[sflag:s29] =	ssyncset.done $0x0  }
0x264: {  	[sflag:s29] =	ssyncadd.s32 $0xFFFFFF80  }
0x265: {  	[tilespmem:s25], [sflag:$0x3] =	stream.linear.gather [hbm4b:s15+s4], $0x80, $0x38;
	[tilespmem:$0x1D200] =	vst v63  }
0x266: {  	s16 =	simm.s32 $0x1180  }
0x267: {  	[tilespmem:s26], [sflag:$0x2] =	stream.indirect.gather [hbm4b:s1+s24], $0x80, s16, s24, $0xb8;
	[tilespmem:$0x1D200] =	vst v63  }
0x268: {  	_ =	swait.ge [sflag:s28], $0x4000  }
0x269: {  	[sflag:s28] =	ssyncset.done $0x0  }
0x26a: {  	[sflag:s28] =	ssyncadd.s32 $0xFFFFC000  }
0x26b: {  	[spmem:s3] =	stream.indirect.scatter.add.f32 [tilespmem:s20], [sflag:$0x4], $0x80, s22, s24, $0xb8;
	[tilespmem:$0x1D200] =	vst v63  }
0x26c: {  	_ =	swait.ge [sflag:s21], $0x4000  }
0x26d: {  	[sflag:s21] =	ssyncset.done $0x0  }
0x26e: {  	[sflag:s21] =	ssyncadd.s32 $0xFFFFC000  }
0x26f: {  	_ =	swait.ge [sflag:s29], $0x80  }
0x270: {  	s17 =	sld [smem:$0x7D1]  }
0x271: {  	[sflag:s29] =	ssyncset.done $0x0  }
0x272: {  	[sflag:s29] =	ssyncadd.s32 $0xFFFFFF80  }
0x273: {  	[tilespmem:s22], [sflag:$0x3] =	stream.linear.gather [hbm4b:s17+s4], $0x80, $0x38;
	[tilespmem:$0x1D200] =	vst v63  }
0x274: {  	s15 =	simm.s32 $0x1200  }
0x275: {  	[tilespmem:s20], [sflag:$0x1] =	stream.indirect.gather [hbm4b:s1+s24], $0x80, s15, s24, $0xb8;
	[tilespmem:$0x1D200] =	vst v63  }
0x276: {  	_ =	swait.ge [sflag:s31], $0x4000  }
0x277: {  	[sflag:s31] =	ssyncset.done $0x0  }
0x278: {  	[sflag:s31] =	ssyncadd.s32 $0xFFFFC000  }
0x279: {  	[spmem:s3] =	stream.indirect.scatter.add.f32 [tilespmem:s26], [sflag:$0x4], $0x80, s25, s24, $0xb8;
	[tilespmem:$0x1D200] =	vst v63  }
0x27a: {  	_ =	swait.ge [sflag:s21], $0x4000  }
0x27b: {  	[sflag:s21] =	ssyncset.done $0x0  }
0x27c: {  	[sflag:s21] =	ssyncadd.s32 $0xFFFFC000  }
0x27d: {  	_ =	swait.ge [sflag:s29], $0x80  }
0x27e: {  	s16 =	sld [smem:$0x7D2]  }
0x27f: {  	[sflag:s29] =	ssyncset.done $0x0  }
0x280: {  	[sflag:s29] =	ssyncadd.s32 $0xFFFFFF80  }
0x281: {  	[tilespmem:s25], [sflag:$0x3] =	stream.linear.gather [hbm4b:s16+s4], $0x80, $0x38;
	[tilespmem:$0x1D200] =	vst v63  }
0x282: {  	s17 =	simm.s32 $0x1280  }
0x283: {  	[tilespmem:s26], [sflag:$0x2] =	stream.indirect.gather [hbm4b:s1+s24], $0x80, s17, s24, $0xb8;
	[tilespmem:$0x1D200] =	vst v63  }
0x284: {  	_ =	swait.ge [sflag:s28], $0x4000  }
0x285: {  	[sflag:s28] =	ssyncset.done $0x0  }
0x286: {  	[sflag:s28] =	ssyncadd.s32 $0xFFFFC000  }
0x287: {  	[spmem:s3] =	stream.indirect.scatter.add.f32 [tilespmem:s20], [sflag:$0x4], $0x80, s22, s24, $0xb8;
	[tilespmem:$0x1D200] =	vst v63  }
0x288: {  	_ =	swait.ge [sflag:s21], $0x4000  }
0x289: {  	[sflag:s21] =	ssyncset.done $0x0  }
0x28a: {  	[sflag:s21] =	ssyncadd.s32 $0xFFFFC000  }
0x28b: {  	_ =	swait.ge [sflag:s29], $0x80  }
0x28c: {  	s15 =	sld [smem:$0x7D3]  }
0x28d: {  	[sflag:s29] =	ssyncset.done $0x0  }
0x28e: {  	[sflag:s29] =	ssyncadd.s32 $0xFFFFFF80  }
0x28f: {  	[tilespmem:s22], [sflag:$0x3] =	stream.linear.gather [hbm4b:s15+s4], $0x80, $0x38;
	[tilespmem:$0x1D200] =	vst v63  }
0x290: {  	_ = 	snop  }
0x291: {  	[tilespmem:s20], [sflag:$0x1] =	stream.indirect.gather [hbm4b:s1+s24], $0x80, s13, s24, $0xb8;
	[tilespmem:$0x1D200] =	vst v63  }
0x292: {  	_ =	swait.ge [sflag:s31], $0x4000  }
0x293: {  	[sflag:s31] =	ssyncset.done $0x0  }
0x294: {  	[sflag:s31] =	ssyncadd.s32 $0xFFFFC000  }
0x295: {  	[spmem:s3] =	stream.indirect.scatter.add.f32 [tilespmem:s26], [sflag:$0x4], $0x80, s25, s24, $0xb8;
	[tilespmem:$0x1D200] =	vst v63  }
0x296: {  	_ =	swait.ge [sflag:s21], $0x4000  }
0x297: {  	[sflag:s21] =	ssyncset.done $0x0  }
0x298: {  	[sflag:s21] =	ssyncadd.s32 $0xFFFFC000  }
0x299: {  	_ =	swait.ge [sflag:s29], $0x80  }
0x29a: {  	s16 =	sld [smem:$0x7D4]  }
0x29b: {  	[sflag:s29] =	ssyncset.done $0x0  }
0x29c: {  	[sflag:s29] =	ssyncadd.s32 $0xFFFFFF80  }
0x29d: {  	[tilespmem:s19], [sflag:$0x3] =	stream.linear.gather [hbm4b:s16+s4], $0x8, $0x38;
	[tilespmem:$0x1D200] =	vst v63  }
0x29e: {  	_ = 	snop  }
0x29f: {  	[tilespmem:s14], [sflag:$0x2] =	stream.indirect.gather [hbm4b:s1+s2], $0x80, s23, s2, $0xb8;
	[tilespmem:$0x1D200] =	vst v63  }
0x2a0: {  	_ =	swait.ge [sflag:s28], $0x4000  }
0x2a1: {  	[sflag:s28] =	ssyncset.done $0x0  }
0x2a2: {  	[sflag:s28] =	ssyncadd.s32 $0xFFFFC000  }
0x2a3: {  	[spmem:s3] =	stream.indirect.scatter.add.f32 [tilespmem:s20], [sflag:$0x4], $0x80, s22, s24, $0xb8;
	[tilespmem:$0x1D200] =	vst v63  }
0x2a4: {  	_ =	swait.ge [sflag:s21], $0x4000  }
0x2a5: {  	[sflag:s21] =	ssyncset.done $0x0  }
0x2a6: {  	[sflag:s21] =	ssyncadd.s32 $0xFFFFC000  }
0x2a7: {  	_ =	swait.ge [sflag:s29], $0x8  }
0x2a8: {  	[sflag:s29] =	ssyncset.done $0x0  }
0x2a9: {  	[sflag:s29] =	ssyncadd.s32 $0xFFFFFFF8  }
0x2aa: {  	_ =	swait.ge [sflag:s31], $0x400  }
0x2ab: {  	[sflag:s31] =	ssyncset.done $0x0  }
0x2ac: {  	[sflag:s31] =	ssyncadd.s32 $0xFFFFFC00  }
0x2ad: {  	[spmem:s3] =	stream.indirect.scatter.add.f32 [tilespmem:s14], [sflag:$0x4], $0x80, s19, s2, $0xb8;
	[tilespmem:$0x1D200] =	vst v63  }
0x2ae: {  	_ =	swait.ge [sflag:s21], $0x400  }
0x2af: {  	[sflag:s21] =	ssyncset.done $0x0  }
0x2b0: {  	s17 =	stileid.u32;
	[sflag:s21] =	ssyncadd.s32 $0xFFFFFC00  }
0x2b1: {  	s12 =	sshll.u32 s17, $0x6;
	[bflag:$0x0] =	sbarrier.arrive $0xFFFF  }
0x2b2: {  	s15 =	sor.u32 $0x1C04, s12;
	s12 =	sshrl.u32 s5, $0x3;
	s16 =	rddreg [dreg:$0xc]  }
0x2b3: {  	[hbm:s16], [sflag:s15] =	dma.local [spmem:s12], $0x2700  }
0x2b4: {  	_ =	swait.ge [sflag:s21], $0x2700  }
0x2b5: {  	[sflag:s21] =	ssyncset.done $0x0  }
0x2b6: {  	s16 =	sshrl.u32 @!p0 s10, $0x3;
	s17 =	rddreg [dreg:$0xd];
	[sflag:s21] =	ssyncadd.s32 $0xFFFFD900  }
0x2b7: {  	[hbm:s17], [sflag:s15] =	dma.local @!p0 [spmem:s16], $0x80  }
0x2b8: {  	_ =	swait.ge @!p0 [sflag:s0], $0x80  }
0x2b9: {  	[sflag:s0] =	ssyncset.done @!p0 $0x0  }
0x2ba: {  	s17 =	simm.s32 $0x200;
	[sflag:s0] =	ssyncadd.s32 @!p0 $0xFFFFFF80;
	s0 =	simm.s32 $0x0  }
.LBB2_4:
0x2bb: {  	p1 =	sne.s32 s17, $0xFE00;
	[tilespmem:s0+$0x14F0] =	vst v0  }
0x2bc: {  	[tilespmem:s0+$0x1480] =	vst v0  }
0x2bd: {  	[tilespmem:s0+$0x1490] =	vst v0  }
.Ltmp1:
0x2be: {  	[tilespmem:s0+$0x14A0] =	vst v0;
	(pc) =	sbr.rel @p1 .LBB2_4-.Ltmp1, $4  }
0x2bf: {  	[tilespmem:s0+$0x14B0] =	vst v0  }
0x2c0: {  	[tilespmem:s0+$0x14C0] =	vst v0  }
0x2c1: {  	[tilespmem:s0+$0x14D0] =	vst v0  }
0x2c2: {  	[tilespmem:s0+$0x14E0] =	vst v0;
	s0 =	sshra.s32 s17, $0x2;
	s17 =	sadd.s32 $0x200, s17  }
0x2c3: {  	[tilespmem:s0+$0x14F0] =	vst v0  }
0x2c4: {  	[tilespmem:s0+$0x1480] =	vst v0  }
0x2c5: {  	[tilespmem:s0+$0x1490] =	vst v0  }
0x2c6: {  	[tilespmem:s0+$0x14A0] =	vst v0  }
0x2c7: {  	[tilespmem:s0+$0x14B0] =	vst v0  }
0x2c8: {  	[tilespmem:s0+$0x14C0] =	vst v0  }
0x2c9: {  	[tilespmem:s0+$0x14D0] =	vst v0  }
0x2ca: {  	[tilespmem:s0+$0x14E0] =	vst v0  }
0x2cb: {  	[spmem:s5] =	stream.linear.scatter [tilespmem:s20], [sflag:$0x4], $0x4000, $0x38;
	[tilespmem:$0x1D200] =	vst v63  }
0x2cc: {  	_ =	swait.ge [sflag:s21], $0x4000  }
0x2cd: {  	[sflag:s21] =	ssyncset.done $0x0  }
0x2ce: {  	[sflag:s21] =	ssyncadd.s32 $0xFFFFC000  }
0x2cf: {  	[spmem:s6] =	stream.linear.scatter [tilespmem:s20], [sflag:$0x4], $0x4000, $0x38;
	[tilespmem:$0x1D200] =	vst v63  }
0x2d0: {  	_ =	swait.ge [sflag:s21], $0x4000  }
0x2d1: {  	[sflag:s21] =	ssyncset.done $0x0  }
0x2d2: {  	[sflag:s21] =	ssyncadd.s32 $0xFFFFC000  }
0x2d3: {  	[spmem:s7] =	stream.linear.scatter [tilespmem:s20], [sflag:$0x4], $0x4000, $0x38;
	[tilespmem:$0x1D200] =	vst v63  }
0x2d4: {  	_ =	swait.ge [sflag:s21], $0x4000  }
0x2d5: {  	[sflag:s21] =	ssyncset.done $0x0  }
0x2d6: {  	[sflag:s21] =	ssyncadd.s32 $0xFFFFC000  }
0x2d7: {  	[spmem:s8] =	stream.linear.scatter [tilespmem:s20], [sflag:$0x4], $0x4000, $0x38;
	[tilespmem:$0x1D200] =	vst v63  }
0x2d8: {  	_ =	swait.ge [sflag:s21], $0x4000  }
0x2d9: {  	[sflag:s21] =	ssyncset.done $0x0  }
0x2da: {  	[sflag:s21] =	ssyncadd.s32 $0xFFFFC000  }
0x2db: {  	[spmem:s9] =	stream.linear.scatter [tilespmem:s20], [sflag:$0x4], $0x3800, $0x38;
	[tilespmem:$0x1D200] =	vst v63  }
0x2dc: {  	_ =	swait.ge [sflag:s21], $0x3800  }
0x2dd: {  	[sflag:s21] =	ssyncset.done $0x0  }
0x2de: {  	s0 =	simm.s32 @!p0 $0x1480;
	[sflag:s21] =	ssyncadd.s32 $0xFFFFC800  }
0x2df: {  	[spmem:s10] =	stream.linear.scatter @!p0 [tilespmem:s0], [sflag:$0x4], $0x400, $0x38;
	[tilespmem:$0x1D200] =	vst v63  }
0x2e0: {  	s0 =	simm.s32 @!p0 $0x4  }
0x2e1: {  	_ =	swait.ge @!p0 [sflag:s0], $0x400  }
0x2e2: {  	[sflag:s0] =	ssyncset.done @!p0 $0x0  }
0x2e3: {  	[sflag:s0] =	ssyncadd.s32 @!p0 $0xFFFFFC00  }
0x2e4: {  	[bflag:$0x0] =	sbarrier.arrive $0xFFFF  }
0x2e5: {  	[tilespmem:s4], [sflag:$0x4] =	stream.linear.gather [hbm4b:s18+s4], $0x1380, $0x38;
	[tilespmem:$0x1D200] =	vst v63  }
0x2e6: {  	_ =	swait.ge [sflag:s21], $0x1380  }
0x2e7: {  	s17 =	sld [smem:$0x7D5]  }
0x2e8: {  	[sflag:s21] =	ssyncset.done $0x0  }
0x2e9: {  	[sflag:s21] =	ssyncadd.s32 $0xFFFFEC80  }
0x2ea: {  	[tilespmem:s22], [sflag:$0x4] =	stream.linear.gather [hbm4b:s17+s4], $0x80, $0x38;
	[tilespmem:$0x1D200] =	vst v63  }
0x2eb: {  	_ =	swait.ge [sflag:s21], $0x80  }
0x2ec: {  	s17 =	sld [smem:$0x7D6]  }
0x2ed: {  	[sflag:s21] =	ssyncset.done $0x0  }
0x2ee: {  	[sflag:s21] =	ssyncadd.s32 $0xFFFFFF80  }
0x2ef: {  	[tilespmem:s23], [sflag:$0x4] =	stream.linear.gather [hbm4b:s17+s4], $0x8, $0x38;
	[tilespmem:$0x1D200] =	vst v63  }
0x2f0: {  	_ =	swait.ge [sflag:s21], $0x8  }
0x2f1: {  	[sflag:s21] =	ssyncset.done $0x0  }
0x2f2: {  	s17 =	sld [smem:$0x7D7];
	[sflag:s21] =	ssyncadd.s32 $0xFFFFFFF8  }
0x2f3: {  	[tilespmem:s20], [sflag:$0x1] =	stream.indirect.gather [hbm4b:s1+s24], $0x80, s4, s24, $0xb8;
	[tilespmem:$0x1D200] =	vst v63  }
0x2f4: {  	_ = 	snop  }
0x2f5: {  	[tilespmem:s25], [sflag:$0x3] =	stream.linear.gather [hbm4b:s17+s4], $0x80, $0x38;
	[tilespmem:$0x1D200] =	vst v63  }
0x2f6: {  	_ = 	snop  }
0x2f7: {  	[tilespmem:s26], [sflag:$0x2] =	stream.indirect.gather [hbm4b:s1+s24], $0x80, s24, s24, $0xb8;
	[tilespmem:$0x1D200] =	vst v63  }
0x2f8: {  	_ =	swait.ge [sflag:s28], $0x4000  }
0x2f9: {  	[sflag:s28] =	ssyncset.done $0x0  }
0x2fa: {  	[sflag:s28] =	ssyncadd.s32 $0xFFFFC000  }
0x2fb: {  	[spmem:s3] =	stream.indirect.scatter.add.f32 [tilespmem:s20], [sflag:$0x4], $0x80, s22, s24, $0xb8;
	[tilespmem:$0x1D200] =	vst v63  }
0x2fc: {  	_ =	swait.ge [sflag:s21], $0x4000  }
0x2fd: {  	[sflag:s21] =	ssyncset.done $0x0  }
0x2fe: {  	[sflag:s21] =	ssyncadd.s32 $0xFFFFC000  }
0x2ff: {  	_ =	swait.ge [sflag:s29], $0x80  }
0x300: {  	s17 =	sld [smem:$0x7D8]  }
0x301: {  	[sflag:s29] =	ssyncset.done $0x0  }
0x302: {  	[sflag:s29] =	ssyncadd.s32 $0xFFFFFF80  }
0x303: {  	[tilespmem:s22], [sflag:$0x3] =	stream.linear.gather [hbm4b:s17+s4], $0x80, $0x38;
	[tilespmem:$0x1D200] =	vst v63  }
0x304: {  	s17 =	simm.s32 $0x100  }
0x305: {  	[tilespmem:s20], [sflag:$0x1] =	stream.indirect.gather [hbm4b:s1+s24], $0x80, s17, s24, $0xb8;
	[tilespmem:$0x1D200] =	vst v63  }
0x306: {  	_ =	swait.ge [sflag:s31], $0x4000  }
0x307: {  	[sflag:s31] =	ssyncset.done $0x0  }
0x308: {  	[sflag:s31] =	ssyncadd.s32 $0xFFFFC000  }
0x309: {  	[spmem:s3] =	stream.indirect.scatter.add.f32 [tilespmem:s26], [sflag:$0x4], $0x80, s25, s24, $0xb8;
	[tilespmem:$0x1D200] =	vst v63  }
0x30a: {  	_ =	swait.ge [sflag:s21], $0x4000  }
0x30b: {  	[sflag:s21] =	ssyncset.done $0x0  }
0x30c: {  	[sflag:s21] =	ssyncadd.s32 $0xFFFFC000  }
0x30d: {  	_ =	swait.ge [sflag:s29], $0x80  }
0x30e: {  	s17 =	sld [smem:$0x7D9]  }
0x30f: {  	[sflag:s29] =	ssyncset.done $0x0  }
0x310: {  	[sflag:s29] =	ssyncadd.s32 $0xFFFFFF80  }
0x311: {  	[tilespmem:s25], [sflag:$0x3] =	stream.linear.gather [hbm4b:s17+s4], $0x80, $0x38;
	[tilespmem:$0x1D200] =	vst v63  }
0x312: {  	s17 =	simm.s32 $0x180  }
0x313: {  	[tilespmem:s26], [sflag:$0x2] =	stream.indirect.gather [hbm4b:s1+s24], $0x80, s17, s24, $0xb8;
	[tilespmem:$0x1D200] =	vst v63  }
0x314: {  	_ =	swait.ge [sflag:s28], $0x4000  }
0x315: {  	[sflag:s28] =	ssyncset.done $0x0  }
0x316: {  	[sflag:s28] =	ssyncadd.s32 $0xFFFFC000  }
0x317: {  	[spmem:s3] =	stream.indirect.scatter.add.f32 [tilespmem:s20], [sflag:$0x4], $0x80, s22, s24, $0xb8;
	[tilespmem:$0x1D200] =	vst v63  }
0x318: {  	_ =	swait.ge [sflag:s21], $0x4000  }
0x319: {  	[sflag:s21] =	ssyncset.done $0x0  }
0x31a: {  	[sflag:s21] =	ssyncadd.s32 $0xFFFFC000  }
0x31b: {  	_ =	swait.ge [sflag:s29], $0x80  }
0x31c: {  	s17 =	sld [smem:$0x7DA]  }
0x31d: {  	[sflag:s29] =	ssyncset.done $0x0  }
0x31e: {  	[sflag:s29] =	ssyncadd.s32 $0xFFFFFF80  }
0x31f: {  	[tilespmem:s22], [sflag:$0x3] =	stream.linear.gather [hbm4b:s17+s4], $0x80, $0x38;
	[tilespmem:$0x1D200] =	vst v63  }
0x320: {  	s17 =	simm.s32 $0x200  }
0x321: {  	[tilespmem:s20], [sflag:$0x1] =	stream.indirect.gather [hbm4b:s1+s24], $0x80, s17, s24, $0xb8;
	[tilespmem:$0x1D200] =	vst v63  }
0x322: {  	_ =	swait.ge [sflag:s31], $0x4000  }
0x323: {  	[sflag:s31] =	ssyncset.done $0x0  }
0x324: {  	[sflag:s31] =	ssyncadd.s32 $0xFFFFC000  }
0x325: {  	[spmem:s3] =	stream.indirect.scatter.add.f32 [tilespmem:s26], [sflag:$0x4], $0x80, s25, s24, $0xb8;
	[tilespmem:$0x1D200] =	vst v63  }
0x326: {  	_ =	swait.ge [sflag:s21], $0x4000  }
0x327: {  	[sflag:s21] =	ssyncset.done $0x0  }
0x328: {  	[sflag:s21] =	ssyncadd.s32 $0xFFFFC000  }
0x329: {  	_ =	swait.ge [sflag:s29], $0x80  }
0x32a: {  	s17 =	sld [smem:$0x7DB]  }
0x32b: {  	[sflag:s29] =	ssyncset.done $0x0  }
0x32c: {  	[sflag:s29] =	ssyncadd.s32 $0xFFFFFF80  }
0x32d: {  	[tilespmem:s25], [sflag:$0x3] =	stream.linear.gather [hbm4b:s17+s4], $0x80, $0x38;
	[tilespmem:$0x1D200] =	vst v63  }
0x32e: {  	s17 =	simm.s32 $0x280  }
0x32f: {  	[tilespmem:s26], [sflag:$0x2] =	stream.indirect.gather [hbm4b:s1+s24], $0x80, s17, s24, $0xb8;
	[tilespmem:$0x1D200] =	vst v63  }
0x330: {  	_ =	swait.ge [sflag:s28], $0x4000  }
0x331: {  	[sflag:s28] =	ssyncset.done $0x0  }
0x332: {  	[sflag:s28] =	ssyncadd.s32 $0xFFFFC000  }
0x333: {  	[spmem:s3] =	stream.indirect.scatter.add.f32 [tilespmem:s20], [sflag:$0x4], $0x80, s22, s24, $0xb8;
	[tilespmem:$0x1D200] =	vst v63  }
0x334: {  	_ =	swait.ge [sflag:s21], $0x4000  }
0x335: {  	[sflag:s21] =	ssyncset.done $0x0  }
0x336: {  	[sflag:s21] =	ssyncadd.s32 $0xFFFFC000  }
0x337: {  	_ =	swait.ge [sflag:s29], $0x80  }
0x338: {  	s17 =	sld [smem:$0x7DC]  }
0x339: {  	[sflag:s29] =	ssyncset.done $0x0  }
0x33a: {  	[sflag:s29] =	ssyncadd.s32 $0xFFFFFF80  }
0x33b: {  	[tilespmem:s22], [sflag:$0x3] =	stream.linear.gather [hbm4b:s17+s4], $0x80, $0x38;
	[tilespmem:$0x1D200] =	vst v63  }
0x33c: {  	s17 =	simm.s32 $0x300  }
0x33d: {  	[tilespmem:s20], [sflag:$0x1] =	stream.indirect.gather [hbm4b:s1+s24], $0x80, s17, s24, $0xb8;
	[tilespmem:$0x1D200] =	vst v63  }
0x33e: {  	_ =	swait.ge [sflag:s31], $0x4000  }
0x33f: {  	[sflag:s31] =	ssyncset.done $0x0  }
0x340: {  	[sflag:s31] =	ssyncadd.s32 $0xFFFFC000  }
0x341: {  	[spmem:s3] =	stream.indirect.scatter.add.f32 [tilespmem:s26], [sflag:$0x4], $0x80, s25, s24, $0xb8;
	[tilespmem:$0x1D200] =	vst v63  }
0x342: {  	_ =	swait.ge [sflag:s21], $0x4000  }
0x343: {  	[sflag:s21] =	ssyncset.done $0x0  }
0x344: {  	[sflag:s21] =	ssyncadd.s32 $0xFFFFC000  }
0x345: {  	_ =	swait.ge [sflag:s29], $0x80  }
0x346: {  	s17 =	sld [smem:$0x7DD]  }
0x347: {  	[sflag:s29] =	ssyncset.done $0x0  }
0x348: {  	[sflag:s29] =	ssyncadd.s32 $0xFFFFFF80  }
0x349: {  	[tilespmem:s25], [sflag:$0x3] =	stream.linear.gather [hbm4b:s17+s4], $0x80, $0x38;
	[tilespmem:$0x1D200] =	vst v63  }
0x34a: {  	s17 =	simm.s32 $0x380  }
0x34b: {  	[tilespmem:s26], [sflag:$0x2] =	stream.indirect.gather [hbm4b:s1+s24], $0x80, s17, s24, $0xb8;
	[tilespmem:$0x1D200] =	vst v63  }
0x34c: {  	_ =	swait.ge [sflag:s28], $0x4000  }
0x34d: {  	[sflag:s28] =	ssyncset.done $0x0  }
0x34e: {  	[sflag:s28] =	ssyncadd.s32 $0xFFFFC000  }
0x34f: {  	[spmem:s3] =	stream.indirect.scatter.add.f32 [tilespmem:s20], [sflag:$0x4], $0x80, s22, s24, $0xb8;
	[tilespmem:$0x1D200] =	vst v63  }
0x350: {  	_ =	swait.ge [sflag:s21], $0x4000  }
0x351: {  	[sflag:s21] =	ssyncset.done $0x0  }
0x352: {  	[sflag:s21] =	ssyncadd.s32 $0xFFFFC000  }
0x353: {  	_ =	swait.ge [sflag:s29], $0x80  }
0x354: {  	s17 =	sld [smem:$0x7DE]  }
0x355: {  	[sflag:s29] =	ssyncset.done $0x0  }
0x356: {  	[sflag:s29] =	ssyncadd.s32 $0xFFFFFF80  }
0x357: {  	[tilespmem:s22], [sflag:$0x3] =	stream.linear.gather [hbm4b:s17+s4], $0x80, $0x38;
	[tilespmem:$0x1D200] =	vst v63  }
0x358: {  	s17 =	simm.s32 $0x400  }
0x359: {  	[tilespmem:s20], [sflag:$0x1] =	stream.indirect.gather [hbm4b:s1+s24], $0x80, s17, s24, $0xb8;
	[tilespmem:$0x1D200] =	vst v63  }
0x35a: {  	_ =	swait.ge [sflag:s31], $0x4000  }
0x35b: {  	[sflag:s31] =	ssyncset.done $0x0  }
0x35c: {  	[sflag:s31] =	ssyncadd.s32 $0xFFFFC000  }
0x35d: {  	[spmem:s3] =	stream.indirect.scatter.add.f32 [tilespmem:s26], [sflag:$0x4], $0x80, s25, s24, $0xb8;
	[tilespmem:$0x1D200] =	vst v63  }
0x35e: {  	_ =	swait.ge [sflag:s21], $0x4000  }
0x35f: {  	[sflag:s21] =	ssyncset.done $0x0  }
0x360: {  	[sflag:s21] =	ssyncadd.s32 $0xFFFFC000  }
0x361: {  	_ =	swait.ge [sflag:s29], $0x80  }
0x362: {  	s17 =	sld [smem:$0x7DF]  }
0x363: {  	[sflag:s29] =	ssyncset.done $0x0  }
0x364: {  	[sflag:s29] =	ssyncadd.s32 $0xFFFFFF80  }
0x365: {  	[tilespmem:s25], [sflag:$0x3] =	stream.linear.gather [hbm4b:s17+s4], $0x80, $0x38;
	[tilespmem:$0x1D200] =	vst v63  }
0x366: {  	s17 =	simm.s32 $0x480  }
0x367: {  	[tilespmem:s26], [sflag:$0x2] =	stream.indirect.gather [hbm4b:s1+s24], $0x80, s17, s24, $0xb8;
	[tilespmem:$0x1D200] =	vst v63  }
0x368: {  	_ =	swait.ge [sflag:s28], $0x4000  }
0x369: {  	[sflag:s28] =	ssyncset.done $0x0  }
0x36a: {  	[sflag:s28] =	ssyncadd.s32 $0xFFFFC000  }
0x36b: {  	[spmem:s3] =	stream.indirect.scatter.add.f32 [tilespmem:s20], [sflag:$0x4], $0x80, s22, s24, $0xb8;
	[tilespmem:$0x1D200] =	vst v63  }
0x36c: {  	_ =	swait.ge [sflag:s21], $0x4000  }
0x36d: {  	[sflag:s21] =	ssyncset.done $0x0  }
0x36e: {  	[sflag:s21] =	ssyncadd.s32 $0xFFFFC000  }
0x36f: {  	_ =	swait.ge [sflag:s29], $0x80  }
0x370: {  	s17 =	sld [smem:$0x7E0]  }
0x371: {  	[sflag:s29] =	ssyncset.done $0x0  }
0x372: {  	[sflag:s29] =	ssyncadd.s32 $0xFFFFFF80  }
0x373: {  	[tilespmem:s22], [sflag:$0x3] =	stream.linear.gather [hbm4b:s17+s4], $0x80, $0x38;
	[tilespmem:$0x1D200] =	vst v63  }
0x374: {  	s17 =	simm.s32 $0x500  }
0x375: {  	[tilespmem:s20], [sflag:$0x1] =	stream.indirect.gather [hbm4b:s1+s24], $0x80, s17, s24, $0xb8;
	[tilespmem:$0x1D200] =	vst v63  }
0x376: {  	_ =	swait.ge [sflag:s31], $0x4000  }
0x377: {  	[sflag:s31] =	ssyncset.done $0x0  }
0x378: {  	[sflag:s31] =	ssyncadd.s32 $0xFFFFC000  }
0x379: {  	[spmem:s3] =	stream.indirect.scatter.add.f32 [tilespmem:s26], [sflag:$0x4], $0x80, s25, s24, $0xb8;
	[tilespmem:$0x1D200] =	vst v63  }
0x37a: {  	_ =	swait.ge [sflag:s21], $0x4000  }
0x37b: {  	[sflag:s21] =	ssyncset.done $0x0  }
0x37c: {  	[sflag:s21] =	ssyncadd.s32 $0xFFFFC000  }
0x37d: {  	_ =	swait.ge [sflag:s29], $0x80  }
0x37e: {  	s17 =	sld [smem:$0x7E1]  }
0x37f: {  	[sflag:s29] =	ssyncset.done $0x0  }
0x380: {  	[sflag:s29] =	ssyncadd.s32 $0xFFFFFF80  }
0x381: {  	[tilespmem:s25], [sflag:$0x3] =	stream.linear.gather [hbm4b:s17+s4], $0x80, $0x38;
	[tilespmem:$0x1D200] =	vst v63  }
0x382: {  	s17 =	simm.s32 $0x580  }
0x383: {  	[tilespmem:s26], [sflag:$0x2] =	stream.indirect.gather [hbm4b:s1+s24], $0x80, s17, s24, $0xb8;
	[tilespmem:$0x1D200] =	vst v63  }
0x384: {  	_ =	swait.ge [sflag:s28], $0x4000  }
0x385: {  	[sflag:s28] =	ssyncset.done $0x0  }
0x386: {  	[sflag:s28] =	ssyncadd.s32 $0xFFFFC000  }
0x387: {  	[spmem:s3] =	stream.indirect.scatter.add.f32 [tilespmem:s20], [sflag:$0x4], $0x80, s22, s24, $0xb8;
	[tilespmem:$0x1D200] =	vst v63  }
0x388: {  	_ =	swait.ge [sflag:s21], $0x4000  }
0x389: {  	[sflag:s21] =	ssyncset.done $0x0  }
0x38a: {  	[sflag:s21] =	ssyncadd.s32 $0xFFFFC000  }
0x38b: {  	_ =	swait.ge [sflag:s29], $0x80  }
0x38c: {  	s17 =	sld [smem:$0x7E2]  }
0x38d: {  	[sflag:s29] =	ssyncset.done $0x0  }
0x38e: {  	[sflag:s29] =	ssyncadd.s32 $0xFFFFFF80  }
0x38f: {  	[tilespmem:s22], [sflag:$0x3] =	stream.linear.gather [hbm4b:s17+s4], $0x80, $0x38;
	[tilespmem:$0x1D200] =	vst v63  }
0x390: {  	s17 =	simm.s32 $0x600  }
0x391: {  	[tilespmem:s20], [sflag:$0x1] =	stream.indirect.gather [hbm4b:s1+s24], $0x80, s17, s24, $0xb8;
	[tilespmem:$0x1D200] =	vst v63  }
0x392: {  	_ =	swait.ge [sflag:s31], $0x4000  }
0x393: {  	[sflag:s31] =	ssyncset.done $0x0  }
0x394: {  	[sflag:s31] =	ssyncadd.s32 $0xFFFFC000  }
0x395: {  	[spmem:s3] =	stream.indirect.scatter.add.f32 [tilespmem:s26], [sflag:$0x4], $0x80, s25, s24, $0xb8;
	[tilespmem:$0x1D200] =	vst v63  }
0x396: {  	_ =	swait.ge [sflag:s21], $0x4000  }
0x397: {  	[sflag:s21] =	ssyncset.done $0x0  }
0x398: {  	[sflag:s21] =	ssyncadd.s32 $0xFFFFC000  }
0x399: {  	_ =	swait.ge [sflag:s29], $0x80  }
0x39a: {  	s17 =	sld [smem:$0x7E3]  }
0x39b: {  	[sflag:s29] =	ssyncset.done $0x0  }
0x39c: {  	[sflag:s29] =	ssyncadd.s32 $0xFFFFFF80  }
0x39d: {  	[tilespmem:s25], [sflag:$0x3] =	stream.linear.gather [hbm4b:s17+s4], $0x80, $0x38;
	[tilespmem:$0x1D200] =	vst v63  }
0x39e: {  	s17 =	simm.s32 $0x680  }
0x39f: {  	[tilespmem:s26], [sflag:$0x2] =	stream.indirect.gather [hbm4b:s1+s24], $0x80, s17, s24, $0xb8;
	[tilespmem:$0x1D200] =	vst v63  }
0x3a0: {  	_ =	swait.ge [sflag:s28], $0x4000  }
0x3a1: {  	[sflag:s28] =	ssyncset.done $0x0  }
0x3a2: {  	[sflag:s28] =	ssyncadd.s32 $0xFFFFC000  }
0x3a3: {  	[spmem:s3] =	stream.indirect.scatter.add.f32 [tilespmem:s20], [sflag:$0x4], $0x80, s22, s24, $0xb8;
	[tilespmem:$0x1D200] =	vst v63  }
0x3a4: {  	_ =	swait.ge [sflag:s21], $0x4000  }
0x3a5: {  	[sflag:s21] =	ssyncset.done $0x0  }
0x3a6: {  	[sflag:s21] =	ssyncadd.s32 $0xFFFFC000  }
0x3a7: {  	_ =	swait.ge [sflag:s29], $0x80  }
0x3a8: {  	s17 =	sld [smem:$0x7E4]  }
0x3a9: {  	[sflag:s29] =	ssyncset.done $0x0  }
0x3aa: {  	[sflag:s29] =	ssyncadd.s32 $0xFFFFFF80  }
0x3ab: {  	[tilespmem:s22], [sflag:$0x3] =	stream.linear.gather [hbm4b:s17+s4], $0x80, $0x38;
	[tilespmem:$0x1D200] =	vst v63  }
0x3ac: {  	s17 =	simm.s32 $0x700  }
0x3ad: {  	[tilespmem:s20], [sflag:$0x1] =	stream.indirect.gather [hbm4b:s1+s24], $0x80, s17, s24, $0xb8;
	[tilespmem:$0x1D200] =	vst v63  }
0x3ae: {  	_ =	swait.ge [sflag:s31], $0x4000  }
0x3af: {  	[sflag:s31] =	ssyncset.done $0x0  }
0x3b0: {  	[sflag:s31] =	ssyncadd.s32 $0xFFFFC000  }
0x3b1: {  	[spmem:s3] =	stream.indirect.scatter.add.f32 [tilespmem:s26], [sflag:$0x4], $0x80, s25, s24, $0xb8;
	[tilespmem:$0x1D200] =	vst v63  }
0x3b2: {  	_ =	swait.ge [sflag:s21], $0x4000  }
0x3b3: {  	[sflag:s21] =	ssyncset.done $0x0  }
0x3b4: {  	[sflag:s21] =	ssyncadd.s32 $0xFFFFC000  }
0x3b5: {  	_ =	swait.ge [sflag:s29], $0x80  }
0x3b6: {  	s17 =	sld [smem:$0x7E5]  }
0x3b7: {  	[sflag:s29] =	ssyncset.done $0x0  }
0x3b8: {  	[sflag:s29] =	ssyncadd.s32 $0xFFFFFF80  }
0x3b9: {  	[tilespmem:s25], [sflag:$0x3] =	stream.linear.gather [hbm4b:s17+s4], $0x80, $0x38;
	[tilespmem:$0x1D200] =	vst v63  }
0x3ba: {  	s17 =	simm.s32 $0x780  }
0x3bb: {  	[tilespmem:s26], [sflag:$0x2] =	stream.indirect.gather [hbm4b:s1+s24], $0x80, s17, s24, $0xb8;
	[tilespmem:$0x1D200] =	vst v63  }
0x3bc: {  	_ =	swait.ge [sflag:s28], $0x4000  }
0x3bd: {  	[sflag:s28] =	ssyncset.done $0x0  }
0x3be: {  	[sflag:s28] =	ssyncadd.s32 $0xFFFFC000  }
0x3bf: {  	[spmem:s3] =	stream.indirect.scatter.add.f32 [tilespmem:s20], [sflag:$0x4], $0x80, s22, s24, $0xb8;
	[tilespmem:$0x1D200] =	vst v63  }
0x3c0: {  	_ =	swait.ge [sflag:s21], $0x4000  }
0x3c1: {  	[sflag:s21] =	ssyncset.done $0x0  }
0x3c2: {  	[sflag:s21] =	ssyncadd.s32 $0xFFFFC000  }
0x3c3: {  	_ =	swait.ge [sflag:s29], $0x80  }
0x3c4: {  	s17 =	sld [smem:$0x7E6]  }
0x3c5: {  	[sflag:s29] =	ssyncset.done $0x0  }
0x3c6: {  	[sflag:s29] =	ssyncadd.s32 $0xFFFFFF80  }
0x3c7: {  	[tilespmem:s22], [sflag:$0x3] =	stream.linear.gather [hbm4b:s17+s4], $0x80, $0x38;
	[tilespmem:$0x1D200] =	vst v63  }
0x3c8: {  	s17 =	simm.s32 $0x800  }
0x3c9: {  	[tilespmem:s20], [sflag:$0x1] =	stream.indirect.gather [hbm4b:s1+s24], $0x80, s17, s24, $0xb8;
	[tilespmem:$0x1D200] =	vst v63  }
0x3ca: {  	_ =	swait.ge [sflag:s31], $0x4000  }
0x3cb: {  	[sflag:s31] =	ssyncset.done $0x0  }
0x3cc: {  	[sflag:s31] =	ssyncadd.s32 $0xFFFFC000  }
0x3cd: {  	[spmem:s3] =	stream.indirect.scatter.add.f32 [tilespmem:s26], [sflag:$0x4], $0x80, s25, s24, $0xb8;
	[tilespmem:$0x1D200] =	vst v63  }
0x3ce: {  	_ =	swait.ge [sflag:s21], $0x4000  }
0x3cf: {  	[sflag:s21] =	ssyncset.done $0x0  }
0x3d0: {  	[sflag:s21] =	ssyncadd.s32 $0xFFFFC000  }
0x3d1: {  	_ =	swait.ge [sflag:s29], $0x80  }
0x3d2: {  	s17 =	sld [smem:$0x7E7]  }
0x3d3: {  	[sflag:s29] =	ssyncset.done $0x0  }
0x3d4: {  	[sflag:s29] =	ssyncadd.s32 $0xFFFFFF80  }
0x3d5: {  	[tilespmem:s25], [sflag:$0x3] =	stream.linear.gather [hbm4b:s17+s4], $0x80, $0x38;
	[tilespmem:$0x1D200] =	vst v63  }
0x3d6: {  	s17 =	simm.s32 $0x880  }
0x3d7: {  	[tilespmem:s26], [sflag:$0x2] =	stream.indirect.gather [hbm4b:s1+s24], $0x80, s17, s24, $0xb8;
	[tilespmem:$0x1D200] =	vst v63  }
0x3d8: {  	_ =	swait.ge [sflag:s28], $0x4000  }
0x3d9: {  	[sflag:s28] =	ssyncset.done $0x0  }
0x3da: {  	[sflag:s28] =	ssyncadd.s32 $0xFFFFC000  }
0x3db: {  	[spmem:s3] =	stream.indirect.scatter.add.f32 [tilespmem:s20], [sflag:$0x4], $0x80, s22, s24, $0xb8;
	[tilespmem:$0x1D200] =	vst v63  }
0x3dc: {  	_ =	swait.ge [sflag:s21], $0x4000  }
0x3dd: {  	[sflag:s21] =	ssyncset.done $0x0  }
0x3de: {  	[sflag:s21] =	ssyncadd.s32 $0xFFFFC000  }
0x3df: {  	_ =	swait.ge [sflag:s29], $0x80  }
0x3e0: {  	s17 =	sld [smem:$0x7E8]  }
0x3e1: {  	[sflag:s29] =	ssyncset.done $0x0  }
0x3e2: {  	[sflag:s29] =	ssyncadd.s32 $0xFFFFFF80  }
0x3e3: {  	[tilespmem:s22], [sflag:$0x3] =	stream.linear.gather [hbm4b:s17+s4], $0x80, $0x38;
	[tilespmem:$0x1D200] =	vst v63  }
0x3e4: {  	s17 =	simm.s32 $0x900  }
0x3e5: {  	[tilespmem:s20], [sflag:$0x1] =	stream.indirect.gather [hbm4b:s1+s24], $0x80, s17, s24, $0xb8;
	[tilespmem:$0x1D200] =	vst v63  }
0x3e6: {  	_ =	swait.ge [sflag:s31], $0x4000  }
0x3e7: {  	[sflag:s31] =	ssyncset.done $0x0  }
0x3e8: {  	[sflag:s31] =	ssyncadd.s32 $0xFFFFC000  }
0x3e9: {  	[spmem:s3] =	stream.indirect.scatter.add.f32 [tilespmem:s26], [sflag:$0x4], $0x80, s25, s24, $0xb8;
	[tilespmem:$0x1D200] =	vst v63  }
0x3ea: {  	_ =	swait.ge [sflag:s21], $0x4000  }
0x3eb: {  	[sflag:s21] =	ssyncset.done $0x0  }
0x3ec: {  	[sflag:s21] =	ssyncadd.s32 $0xFFFFC000  }
0x3ed: {  	_ =	swait.ge [sflag:s29], $0x80  }
0x3ee: {  	s17 =	sld [smem:$0x7E9]  }
0x3ef: {  	[sflag:s29] =	ssyncset.done $0x0  }
0x3f0: {  	[sflag:s29] =	ssyncadd.s32 $0xFFFFFF80  }
0x3f1: {  	[tilespmem:s25], [sflag:$0x3] =	stream.linear.gather [hbm4b:s17+s4], $0x80, $0x38;
	[tilespmem:$0x1D200] =	vst v63  }
0x3f2: {  	s17 =	simm.s32 $0x980  }
0x3f3: {  	[tilespmem:s26], [sflag:$0x2] =	stream.indirect.gather [hbm4b:s1+s24], $0x80, s17, s24, $0xb8;
	[tilespmem:$0x1D200] =	vst v63  }
0x3f4: {  	_ =	swait.ge [sflag:s28], $0x4000  }
0x3f5: {  	[sflag:s28] =	ssyncset.done $0x0  }
0x3f6: {  	[sflag:s28] =	ssyncadd.s32 $0xFFFFC000  }
0x3f7: {  	[spmem:s3] =	stream.indirect.scatter.add.f32 [tilespmem:s20], [sflag:$0x4], $0x80, s22, s24, $0xb8;
	[tilespmem:$0x1D200] =	vst v63  }
0x3f8: {  	_ =	swait.ge [sflag:s21], $0x4000  }
0x3f9: {  	[sflag:s21] =	ssyncset.done $0x0  }
0x3fa: {  	[sflag:s21] =	ssyncadd.s32 $0xFFFFC000  }
0x3fb: {  	_ =	swait.ge [sflag:s29], $0x80  }
0x3fc: {  	s17 =	sld [smem:$0x7EA]  }
0x3fd: {  	[sflag:s29] =	ssyncset.done $0x0  }
0x3fe: {  	[sflag:s29] =	ssyncadd.s32 $0xFFFFFF80  }
0x3ff: {  	[tilespmem:s22], [sflag:$0x3] =	stream.linear.gather [hbm4b:s17+s4], $0x80, $0x38;
	[tilespmem:$0x1D200] =	vst v63  }
0x400: {  	s17 =	simm.s32 $0xA00  }
0x401: {  	[tilespmem:s20], [sflag:$0x1] =	stream.indirect.gather [hbm4b:s1+s24], $0x80, s17, s24, $0xb8;
	[tilespmem:$0x1D200] =	vst v63  }
0x402: {  	_ =	swait.ge [sflag:s31], $0x4000  }
0x403: {  	[sflag:s31] =	ssyncset.done $0x0  }
0x404: {  	[sflag:s31] =	ssyncadd.s32 $0xFFFFC000  }
0x405: {  	[spmem:s3] =	stream.indirect.scatter.add.f32 [tilespmem:s26], [sflag:$0x4], $0x80, s25, s24, $0xb8;
	[tilespmem:$0x1D200] =	vst v63  }
0x406: {  	_ =	swait.ge [sflag:s21], $0x4000  }
0x407: {  	[sflag:s21] =	ssyncset.done $0x0  }
0x408: {  	[sflag:s21] =	ssyncadd.s32 $0xFFFFC000  }
0x409: {  	_ =	swait.ge [sflag:s29], $0x80  }
0x40a: {  	s17 =	sld [smem:$0x7EB]  }
0x40b: {  	[sflag:s29] =	ssyncset.done $0x0  }
0x40c: {  	[sflag:s29] =	ssyncadd.s32 $0xFFFFFF80  }
0x40d: {  	[tilespmem:s25], [sflag:$0x3] =	stream.linear.gather [hbm4b:s17+s4], $0x80, $0x38;
	[tilespmem:$0x1D200] =	vst v63  }
0x40e: {  	s17 =	simm.s32 $0xA80  }
0x40f: {  	[tilespmem:s26], [sflag:$0x2] =	stream.indirect.gather [hbm4b:s1+s24], $0x80, s17, s24, $0xb8;
	[tilespmem:$0x1D200] =	vst v63  }
0x410: {  	_ =	swait.ge [sflag:s28], $0x4000  }
0x411: {  	[sflag:s28] =	ssyncset.done $0x0  }
0x412: {  	[sflag:s28] =	ssyncadd.s32 $0xFFFFC000  }
0x413: {  	[spmem:s3] =	stream.indirect.scatter.add.f32 [tilespmem:s20], [sflag:$0x4], $0x80, s22, s24, $0xb8;
	[tilespmem:$0x1D200] =	vst v63  }
0x414: {  	_ =	swait.ge [sflag:s21], $0x4000  }
0x415: {  	[sflag:s21] =	ssyncset.done $0x0  }
0x416: {  	[sflag:s21] =	ssyncadd.s32 $0xFFFFC000  }
0x417: {  	_ =	swait.ge [sflag:s29], $0x80  }
0x418: {  	s17 =	sld [smem:$0x7EC]  }
0x419: {  	[sflag:s29] =	ssyncset.done $0x0  }
0x41a: {  	[sflag:s29] =	ssyncadd.s32 $0xFFFFFF80  }
0x41b: {  	[tilespmem:s22], [sflag:$0x3] =	stream.linear.gather [hbm4b:s17+s4], $0x80, $0x38;
	[tilespmem:$0x1D200] =	vst v63  }
0x41c: {  	s17 =	simm.s32 $0xB00  }
0x41d: {  	[tilespmem:s20], [sflag:$0x1] =	stream.indirect.gather [hbm4b:s1+s24], $0x80, s17, s24, $0xb8;
	[tilespmem:$0x1D200] =	vst v63  }
0x41e: {  	_ =	swait.ge [sflag:s31], $0x4000  }
0x41f: {  	[sflag:s31] =	ssyncset.done $0x0  }
0x420: {  	[sflag:s31] =	ssyncadd.s32 $0xFFFFC000  }
0x421: {  	[spmem:s3] =	stream.indirect.scatter.add.f32 [tilespmem:s26], [sflag:$0x4], $0x80, s25, s24, $0xb8;
	[tilespmem:$0x1D200] =	vst v63  }
0x422: {  	_ =	swait.ge [sflag:s21], $0x4000  }
0x423: {  	[sflag:s21] =	ssyncset.done $0x0  }
0x424: {  	[sflag:s21] =	ssyncadd.s32 $0xFFFFC000  }
0x425: {  	_ =	swait.ge [sflag:s29], $0x80  }
0x426: {  	s17 =	sld [smem:$0x7ED]  }
0x427: {  	[sflag:s29] =	ssyncset.done $0x0  }
0x428: {  	[sflag:s29] =	ssyncadd.s32 $0xFFFFFF80  }
0x429: {  	[tilespmem:s25], [sflag:$0x3] =	stream.linear.gather [hbm4b:s17+s4], $0x80, $0x38;
	[tilespmem:$0x1D200] =	vst v63  }
0x42a: {  	s17 =	simm.s32 $0xB80  }
0x42b: {  	[tilespmem:s26], [sflag:$0x2] =	stream.indirect.gather [hbm4b:s1+s24], $0x80, s17, s24, $0xb8;
	[tilespmem:$0x1D200] =	vst v63  }
0x42c: {  	_ =	swait.ge [sflag:s28], $0x4000  }
0x42d: {  	[sflag:s28] =	ssyncset.done $0x0  }
0x42e: {  	[sflag:s28] =	ssyncadd.s32 $0xFFFFC000  }
0x42f: {  	[spmem:s3] =	stream.indirect.scatter.add.f32 [tilespmem:s20], [sflag:$0x4], $0x80, s22, s24, $0xb8;
	[tilespmem:$0x1D200] =	vst v63  }
0x430: {  	_ =	swait.ge [sflag:s21], $0x4000  }
0x431: {  	[sflag:s21] =	ssyncset.done $0x0  }
0x432: {  	[sflag:s21] =	ssyncadd.s32 $0xFFFFC000  }
0x433: {  	_ =	swait.ge [sflag:s29], $0x80  }
0x434: {  	s17 =	sld [smem:$0x7EE]  }
0x435: {  	[sflag:s29] =	ssyncset.done $0x0  }
0x436: {  	[sflag:s29] =	ssyncadd.s32 $0xFFFFFF80  }
0x437: {  	[tilespmem:s22], [sflag:$0x3] =	stream.linear.gather [hbm4b:s17+s4], $0x80, $0x38;
	[tilespmem:$0x1D200] =	vst v63  }
0x438: {  	s17 =	simm.s32 $0xC00  }
0x439: {  	[tilespmem:s20], [sflag:$0x1] =	stream.indirect.gather [hbm4b:s1+s24], $0x80, s17, s24, $0xb8;
	[tilespmem:$0x1D200] =	vst v63  }
0x43a: {  	_ =	swait.ge [sflag:s31], $0x4000  }
0x43b: {  	[sflag:s31] =	ssyncset.done $0x0  }
0x43c: {  	[sflag:s31] =	ssyncadd.s32 $0xFFFFC000  }
0x43d: {  	[spmem:s3] =	stream.indirect.scatter.add.f32 [tilespmem:s26], [sflag:$0x4], $0x80, s25, s24, $0xb8;
	[tilespmem:$0x1D200] =	vst v63  }
0x43e: {  	_ =	swait.ge [sflag:s21], $0x4000  }
0x43f: {  	[sflag:s21] =	ssyncset.done $0x0  }
0x440: {  	[sflag:s21] =	ssyncadd.s32 $0xFFFFC000  }
0x441: {  	_ =	swait.ge [sflag:s29], $0x80  }
0x442: {  	s17 =	sld [smem:$0x7EF]  }
0x443: {  	[sflag:s29] =	ssyncset.done $0x0  }
0x444: {  	[sflag:s29] =	ssyncadd.s32 $0xFFFFFF80  }
0x445: {  	[tilespmem:s25], [sflag:$0x3] =	stream.linear.gather [hbm4b:s17+s4], $0x80, $0x38;
	[tilespmem:$0x1D200] =	vst v63  }
0x446: {  	s17 =	simm.s32 $0xC80  }
0x447: {  	[tilespmem:s26], [sflag:$0x2] =	stream.indirect.gather [hbm4b:s1+s24], $0x80, s17, s24, $0xb8;
	[tilespmem:$0x1D200] =	vst v63  }
0x448: {  	_ =	swait.ge [sflag:s28], $0x4000  }
0x449: {  	[sflag:s28] =	ssyncset.done $0x0  }
0x44a: {  	[sflag:s28] =	ssyncadd.s32 $0xFFFFC000  }
0x44b: {  	[spmem:s3] =	stream.indirect.scatter.add.f32 [tilespmem:s20], [sflag:$0x4], $0x80, s22, s24, $0xb8;
	[tilespmem:$0x1D200] =	vst v63  }
0x44c: {  	_ =	swait.ge [sflag:s21], $0x4000  }
0x44d: {  	[sflag:s21] =	ssyncset.done $0x0  }
0x44e: {  	[sflag:s21] =	ssyncadd.s32 $0xFFFFC000  }
0x44f: {  	_ =	swait.ge [sflag:s29], $0x80  }
0x450: {  	s17 =	sld [smem:$0x7F0]  }
0x451: {  	[sflag:s29] =	ssyncset.done $0x0  }
0x452: {  	[sflag:s29] =	ssyncadd.s32 $0xFFFFFF80  }
0x453: {  	[tilespmem:s22], [sflag:$0x3] =	stream.linear.gather [hbm4b:s17+s4], $0x80, $0x38;
	[tilespmem:$0x1D200] =	vst v63  }
0x454: {  	s17 =	simm.s32 $0xD00  }
0x455: {  	[tilespmem:s20], [sflag:$0x1] =	stream.indirect.gather [hbm4b:s1+s24], $0x80, s17, s24, $0xb8;
	[tilespmem:$0x1D200] =	vst v63  }
0x456: {  	_ =	swait.ge [sflag:s31], $0x4000  }
0x457: {  	[sflag:s31] =	ssyncset.done $0x0  }
0x458: {  	[sflag:s31] =	ssyncadd.s32 $0xFFFFC000  }
0x459: {  	[spmem:s3] =	stream.indirect.scatter.add.f32 [tilespmem:s26], [sflag:$0x4], $0x80, s25, s24, $0xb8;
	[tilespmem:$0x1D200] =	vst v63  }
0x45a: {  	_ =	swait.ge [sflag:s21], $0x4000  }
0x45b: {  	[sflag:s21] =	ssyncset.done $0x0  }
0x45c: {  	[sflag:s21] =	ssyncadd.s32 $0xFFFFC000  }
0x45d: {  	_ =	swait.ge [sflag:s29], $0x80  }
0x45e: {  	s17 =	sld [smem:$0x7F1]  }
0x45f: {  	[sflag:s29] =	ssyncset.done $0x0  }
0x460: {  	[sflag:s29] =	ssyncadd.s32 $0xFFFFFF80  }
0x461: {  	[tilespmem:s25], [sflag:$0x3] =	stream.linear.gather [hbm4b:s17+s4], $0x80, $0x38;
	[tilespmem:$0x1D200] =	vst v63  }
0x462: {  	s17 =	simm.s32 $0xD80  }
0x463: {  	[tilespmem:s26], [sflag:$0x2] =	stream.indirect.gather [hbm4b:s1+s24], $0x80, s17, s24, $0xb8;
	[tilespmem:$0x1D200] =	vst v63  }
0x464: {  	_ =	swait.ge [sflag:s28], $0x4000  }
0x465: {  	[sflag:s28] =	ssyncset.done $0x0  }
0x466: {  	[sflag:s28] =	ssyncadd.s32 $0xFFFFC000  }
0x467: {  	[spmem:s3] =	stream.indirect.scatter.add.f32 [tilespmem:s20], [sflag:$0x4], $0x80, s22, s24, $0xb8;
	[tilespmem:$0x1D200] =	vst v63  }
0x468: {  	_ =	swait.ge [sflag:s21], $0x4000  }
0x469: {  	[sflag:s21] =	ssyncset.done $0x0  }
0x46a: {  	[sflag:s21] =	ssyncadd.s32 $0xFFFFC000  }
0x46b: {  	_ =	swait.ge [sflag:s29], $0x80  }
0x46c: {  	s17 =	sld [smem:$0x7F2]  }
0x46d: {  	[sflag:s29] =	ssyncset.done $0x0  }
0x46e: {  	[sflag:s29] =	ssyncadd.s32 $0xFFFFFF80  }
0x46f: {  	[tilespmem:s22], [sflag:$0x3] =	stream.linear.gather [hbm4b:s17+s4], $0x80, $0x38;
	[tilespmem:$0x1D200] =	vst v63  }
0x470: {  	s17 =	simm.s32 $0xE00  }
0x471: {  	[tilespmem:s20], [sflag:$0x1] =	stream.indirect.gather [hbm4b:s1+s24], $0x80, s17, s24, $0xb8;
	[tilespmem:$0x1D200] =	vst v63  }
0x472: {  	_ =	swait.ge [sflag:s31], $0x4000  }
0x473: {  	[sflag:s31] =	ssyncset.done $0x0  }
0x474: {  	[sflag:s31] =	ssyncadd.s32 $0xFFFFC000  }
0x475: {  	[spmem:s3] =	stream.indirect.scatter.add.f32 [tilespmem:s26], [sflag:$0x4], $0x80, s25, s24, $0xb8;
	[tilespmem:$0x1D200] =	vst v63  }
0x476: {  	_ =	swait.ge [sflag:s21], $0x4000  }
0x477: {  	[sflag:s21] =	ssyncset.done $0x0  }
0x478: {  	[sflag:s21] =	ssyncadd.s32 $0xFFFFC000  }
0x479: {  	_ =	swait.ge [sflag:s29], $0x80  }
0x47a: {  	s17 =	sld [smem:$0x7F3]  }
0x47b: {  	[sflag:s29] =	ssyncset.done $0x0  }
0x47c: {  	[sflag:s29] =	ssyncadd.s32 $0xFFFFFF80  }
0x47d: {  	[tilespmem:s25], [sflag:$0x3] =	stream.linear.gather [hbm4b:s17+s4], $0x80, $0x38;
	[tilespmem:$0x1D200] =	vst v63  }
0x47e: {  	s17 =	simm.s32 $0xE80  }
0x47f: {  	[tilespmem:s26], [sflag:$0x2] =	stream.indirect.gather [hbm4b:s1+s24], $0x80, s17, s24, $0xb8;
	[tilespmem:$0x1D200] =	vst v63  }
0x480: {  	_ =	swait.ge [sflag:s28], $0x4000  }
0x481: {  	[sflag:s28] =	ssyncset.done $0x0  }
0x482: {  	[sflag:s28] =	ssyncadd.s32 $0xFFFFC000  }
0x483: {  	[spmem:s3] =	stream.indirect.scatter.add.f32 [tilespmem:s20], [sflag:$0x4], $0x80, s22, s24, $0xb8;
	[tilespmem:$0x1D200] =	vst v63  }
0x484: {  	_ =	swait.ge [sflag:s21], $0x4000  }
0x485: {  	[sflag:s21] =	ssyncset.done $0x0  }
0x486: {  	[sflag:s21] =	ssyncadd.s32 $0xFFFFC000  }
0x487: {  	_ =	swait.ge [sflag:s29], $0x80  }
0x488: {  	s17 =	sld [smem:$0x7F4]  }
0x489: {  	[sflag:s29] =	ssyncset.done $0x0  }
0x48a: {  	[sflag:s29] =	ssyncadd.s32 $0xFFFFFF80  }
0x48b: {  	[tilespmem:s22], [sflag:$0x3] =	stream.linear.gather [hbm4b:s17+s4], $0x80, $0x38;
	[tilespmem:$0x1D200] =	vst v63  }
0x48c: {  	s17 =	simm.s32 $0xF00  }
0x48d: {  	[tilespmem:s20], [sflag:$0x1] =	stream.indirect.gather [hbm4b:s1+s24], $0x80, s17, s24, $0xb8;
	[tilespmem:$0x1D200] =	vst v63  }
0x48e: {  	_ =	swait.ge [sflag:s31], $0x4000  }
0x48f: {  	[sflag:s31] =	ssyncset.done $0x0  }
0x490: {  	[sflag:s31] =	ssyncadd.s32 $0xFFFFC000  }
0x491: {  	[spmem:s3] =	stream.indirect.scatter.add.f32 [tilespmem:s26], [sflag:$0x4], $0x80, s25, s24, $0xb8;
	[tilespmem:$0x1D200] =	vst v63  }
0x492: {  	_ =	swait.ge [sflag:s21], $0x4000  }
0x493: {  	[sflag:s21] =	ssyncset.done $0x0  }
0x494: {  	[sflag:s21] =	ssyncadd.s32 $0xFFFFC000  }
0x495: {  	_ =	swait.ge [sflag:s29], $0x80  }
0x496: {  	s17 =	sld [smem:$0x7F5]  }
0x497: {  	[sflag:s29] =	ssyncset.done $0x0  }
0x498: {  	[sflag:s29] =	ssyncadd.s32 $0xFFFFFF80  }
0x499: {  	[tilespmem:s25], [sflag:$0x3] =	stream.linear.gather [hbm4b:s17+s4], $0x80, $0x38;
	[tilespmem:$0x1D200] =	vst v63  }
0x49a: {  	s17 =	simm.s32 $0xF80  }
0x49b: {  	[tilespmem:s26], [sflag:$0x2] =	stream.indirect.gather [hbm4b:s1+s24], $0x80, s17, s24, $0xb8;
	[tilespmem:$0x1D200] =	vst v63  }
0x49c: {  	_ =	swait.ge [sflag:s28], $0x4000  }
0x49d: {  	[sflag:s28] =	ssyncset.done $0x0  }
0x49e: {  	[sflag:s28] =	ssyncadd.s32 $0xFFFFC000  }
0x49f: {  	[spmem:s3] =	stream.indirect.scatter.add.f32 [tilespmem:s20], [sflag:$0x4], $0x80, s22, s24, $0xb8;
	[tilespmem:$0x1D200] =	vst v63  }
0x4a0: {  	_ =	swait.ge [sflag:s21], $0x4000  }
0x4a1: {  	[sflag:s21] =	ssyncset.done $0x0  }
0x4a2: {  	[sflag:s21] =	ssyncadd.s32 $0xFFFFC000  }
0x4a3: {  	_ =	swait.ge [sflag:s29], $0x80  }
0x4a4: {  	s17 =	sld [smem:$0x7F6]  }
0x4a5: {  	[sflag:s29] =	ssyncset.done $0x0  }
0x4a6: {  	[sflag:s29] =	ssyncadd.s32 $0xFFFFFF80  }
0x4a7: {  	[tilespmem:s22], [sflag:$0x3] =	stream.linear.gather [hbm4b:s17+s4], $0x80, $0x38;
	[tilespmem:$0x1D200] =	vst v63  }
0x4a8: {  	s17 =	simm.s32 $0x1000  }
0x4a9: {  	[tilespmem:s20], [sflag:$0x1] =	stream.indirect.gather [hbm4b:s1+s24], $0x80, s17, s24, $0xb8;
	[tilespmem:$0x1D200] =	vst v63  }
0x4aa: {  	_ =	swait.ge [sflag:s31], $0x4000  }
0x4ab: {  	[sflag:s31] =	ssyncset.done $0x0  }
0x4ac: {  	[sflag:s31] =	ssyncadd.s32 $0xFFFFC000  }
0x4ad: {  	[spmem:s3] =	stream.indirect.scatter.add.f32 [tilespmem:s26], [sflag:$0x4], $0x80, s25, s24, $0xb8;
	[tilespmem:$0x1D200] =	vst v63  }
0x4ae: {  	_ =	swait.ge [sflag:s21], $0x4000  }
0x4af: {  	[sflag:s21] =	ssyncset.done $0x0  }
0x4b0: {  	[sflag:s21] =	ssyncadd.s32 $0xFFFFC000  }
0x4b1: {  	_ =	swait.ge [sflag:s29], $0x80  }
0x4b2: {  	s17 =	sld [smem:$0x7F7]  }
0x4b3: {  	[sflag:s29] =	ssyncset.done $0x0  }
0x4b4: {  	[sflag:s29] =	ssyncadd.s32 $0xFFFFFF80  }
0x4b5: {  	[tilespmem:s25], [sflag:$0x3] =	stream.linear.gather [hbm4b:s17+s4], $0x80, $0x38;
	[tilespmem:$0x1D200] =	vst v63  }
0x4b6: {  	s17 =	simm.s32 $0x1080  }
0x4b7: {  	[tilespmem:s26], [sflag:$0x2] =	stream.indirect.gather [hbm4b:s1+s24], $0x80, s17, s24, $0xb8;
	[tilespmem:$0x1D200] =	vst v63  }
0x4b8: {  	_ =	swait.ge [sflag:s28], $0x4000  }
0x4b9: {  	[sflag:s28] =	ssyncset.done $0x0  }
0x4ba: {  	[sflag:s28] =	ssyncadd.s32 $0xFFFFC000  }
0x4bb: {  	[spmem:s3] =	stream.indirect.scatter.add.f32 [tilespmem:s20], [sflag:$0x4], $0x80, s22, s24, $0xb8;
	[tilespmem:$0x1D200] =	vst v63  }
0x4bc: {  	_ =	swait.ge [sflag:s21], $0x4000  }
0x4bd: {  	[sflag:s21] =	ssyncset.done $0x0  }
0x4be: {  	[sflag:s21] =	ssyncadd.s32 $0xFFFFC000  }
0x4bf: {  	_ =	swait.ge [sflag:s29], $0x80  }
0x4c0: {  	s17 =	sld [smem:$0x7F8]  }
0x4c1: {  	[sflag:s29] =	ssyncset.done $0x0  }
0x4c2: {  	[sflag:s29] =	ssyncadd.s32 $0xFFFFFF80  }
0x4c3: {  	[tilespmem:s22], [sflag:$0x3] =	stream.linear.gather [hbm4b:s17+s4], $0x80, $0x38;
	[tilespmem:$0x1D200] =	vst v63  }
0x4c4: {  	s17 =	simm.s32 $0x1100  }
0x4c5: {  	[tilespmem:s20], [sflag:$0x1] =	stream.indirect.gather [hbm4b:s1+s24], $0x80, s17, s24, $0xb8;
	[tilespmem:$0x1D200] =	vst v63  }
0x4c6: {  	_ =	swait.ge [sflag:s31], $0x4000  }
0x4c7: {  	[sflag:s31] =	ssyncset.done $0x0  }
0x4c8: {  	[sflag:s31] =	ssyncadd.s32 $0xFFFFC000  }
0x4c9: {  	[spmem:s3] =	stream.indirect.scatter.add.f32 [tilespmem:s26], [sflag:$0x4], $0x80, s25, s24, $0xb8;
	[tilespmem:$0x1D200] =	vst v63  }
0x4ca: {  	_ =	swait.ge [sflag:s21], $0x4000  }
0x4cb: {  	[sflag:s21] =	ssyncset.done $0x0  }
0x4cc: {  	[sflag:s21] =	ssyncadd.s32 $0xFFFFC000  }
0x4cd: {  	_ =	swait.ge [sflag:s29], $0x80  }
0x4ce: {  	s17 =	sld [smem:$0x7F9]  }
0x4cf: {  	[sflag:s29] =	ssyncset.done $0x0  }
0x4d0: {  	[sflag:s29] =	ssyncadd.s32 $0xFFFFFF80  }
0x4d1: {  	[tilespmem:s25], [sflag:$0x3] =	stream.linear.gather [hbm4b:s17+s4], $0x80, $0x38;
	[tilespmem:$0x1D200] =	vst v63  }
0x4d2: {  	s17 =	simm.s32 $0x1180  }
0x4d3: {  	[tilespmem:s26], [sflag:$0x2] =	stream.indirect.gather [hbm4b:s1+s24], $0x80, s17, s24, $0xb8;
	[tilespmem:$0x1D200] =	vst v63  }
0x4d4: {  	_ =	swait.ge [sflag:s28], $0x4000  }
0x4d5: {  	[sflag:s28] =	ssyncset.done $0x0  }
0x4d6: {  	[sflag:s28] =	ssyncadd.s32 $0xFFFFC000  }
0x4d7: {  	[spmem:s3] =	stream.indirect.scatter.add.f32 [tilespmem:s20], [sflag:$0x4], $0x80, s22, s24, $0xb8;
	[tilespmem:$0x1D200] =	vst v63  }
0x4d8: {  	_ =	swait.ge [sflag:s21], $0x4000  }
0x4d9: {  	[sflag:s21] =	ssyncset.done $0x0  }
0x4da: {  	[sflag:s21] =	ssyncadd.s32 $0xFFFFC000  }
0x4db: {  	_ =	swait.ge [sflag:s29], $0x80  }
0x4dc: {  	s17 =	sld [smem:$0x7FA]  }
0x4dd: {  	[sflag:s29] =	ssyncset.done $0x0  }
0x4de: {  	[sflag:s29] =	ssyncadd.s32 $0xFFFFFF80  }
0x4df: {  	[tilespmem:s22], [sflag:$0x3] =	stream.linear.gather [hbm4b:s17+s4], $0x80, $0x38;
	[tilespmem:$0x1D200] =	vst v63  }
0x4e0: {  	s17 =	simm.s32 $0x1200  }
0x4e1: {  	[tilespmem:s20], [sflag:$0x1] =	stream.indirect.gather [hbm4b:s1+s24], $0x80, s17, s24, $0xb8;
	[tilespmem:$0x1D200] =	vst v63  }
0x4e2: {  	_ =	swait.ge [sflag:s31], $0x4000  }
0x4e3: {  	[sflag:s31] =	ssyncset.done $0x0  }
0x4e4: {  	[sflag:s31] =	ssyncadd.s32 $0xFFFFC000  }
0x4e5: {  	[spmem:s3] =	stream.indirect.scatter.add.f32 [tilespmem:s26], [sflag:$0x4], $0x80, s25, s24, $0xb8;
	[tilespmem:$0x1D200] =	vst v63  }
0x4e6: {  	_ =	swait.ge [sflag:s21], $0x4000  }
0x4e7: {  	[sflag:s21] =	ssyncset.done $0x0  }
0x4e8: {  	[sflag:s21] =	ssyncadd.s32 $0xFFFFC000  }
0x4e9: {  	_ =	swait.ge [sflag:s29], $0x80  }
0x4ea: {  	s17 =	sld [smem:$0x7FB]  }
0x4eb: {  	[sflag:s29] =	ssyncset.done $0x0  }
0x4ec: {  	[sflag:s29] =	ssyncadd.s32 $0xFFFFFF80  }
0x4ed: {  	[tilespmem:s25], [sflag:$0x3] =	stream.linear.gather [hbm4b:s17+s4], $0x80, $0x38;
	[tilespmem:$0x1D200] =	vst v63  }
0x4ee: {  	s17 =	simm.s32 $0x1280  }
0x4ef: {  	[tilespmem:s26], [sflag:$0x2] =	stream.indirect.gather [hbm4b:s1+s24], $0x80, s17, s24, $0xb8;
	[tilespmem:$0x1D200] =	vst v63  }
0x4f0: {  	_ =	swait.ge [sflag:s28], $0x4000  }
0x4f1: {  	[sflag:s28] =	ssyncset.done $0x0  }
0x4f2: {  	[sflag:s28] =	ssyncadd.s32 $0xFFFFC000  }
0x4f3: {  	[spmem:s3] =	stream.indirect.scatter.add.f32 [tilespmem:s20], [sflag:$0x4], $0x80, s22, s24, $0xb8;
	[tilespmem:$0x1D200] =	vst v63  }
0x4f4: {  	_ =	swait.ge [sflag:s21], $0x4000  }
0x4f5: {  	[sflag:s21] =	ssyncset.done $0x0  }
0x4f6: {  	[sflag:s21] =	ssyncadd.s32 $0xFFFFC000  }
0x4f7: {  	_ =	swait.ge [sflag:s29], $0x80  }
0x4f8: {  	s17 =	sld [smem:$0x7FC]  }
0x4f9: {  	[sflag:s29] =	ssyncset.done $0x0  }
0x4fa: {  	[sflag:s29] =	ssyncadd.s32 $0xFFFFFF80  }
0x4fb: {  	[tilespmem:s22], [sflag:$0x3] =	stream.linear.gather [hbm4b:s17+s4], $0x80, $0x38;
	[tilespmem:$0x1D200] =	vst v63  }
0x4fc: {  	_ = 	snop  }
0x4fd: {  	[tilespmem:s20], [sflag:$0x1] =	stream.indirect.gather [hbm4b:s1+s24], $0x80, s13, s24, $0xb8;
	[tilespmem:$0x1D200] =	vst v63  }
0x4fe: {  	_ =	swait.ge [sflag:s31], $0x4000  }
0x4ff: {  	[sflag:s31] =	ssyncset.done $0x0  }
0x500: {  	[sflag:s31] =	ssyncadd.s32 $0xFFFFC000  }
0x501: {  	[spmem:s3] =	stream.indirect.scatter.add.f32 [tilespmem:s26], [sflag:$0x4], $0x80, s25, s24, $0xb8;
	[tilespmem:$0x1D200] =	vst v63  }
0x502: {  	_ =	swait.ge [sflag:s21], $0x4000  }
0x503: {  	[sflag:s21] =	ssyncset.done $0x0  }
0x504: {  	[sflag:s21] =	ssyncadd.s32 $0xFFFFC000  }
0x505: {  	_ =	swait.ge [sflag:s29], $0x80  }
0x506: {  	s17 =	sld [smem:$0x7FD]  }
0x507: {  	[sflag:s29] =	ssyncset.done $0x0  }
0x508: {  	[sflag:s29] =	ssyncadd.s32 $0xFFFFFF80  }
0x509: {  	[tilespmem:s19], [sflag:$0x3] =	stream.linear.gather [hbm4b:s17+s4], $0x8, $0x38;
	[tilespmem:$0x1D200] =	vst v63  }
0x50a: {  	_ = 	snop  }
0x50b: {  	[tilespmem:s14], [sflag:$0x2] =	stream.indirect.gather [hbm4b:s1+s2], $0x80, s23, s2, $0xb8;
	[tilespmem:$0x1D200] =	vst v63  }
0x50c: {  	_ =	swait.ge [sflag:s28], $0x4000  }
0x50d: {  	[sflag:s28] =	ssyncset.done $0x0  }
0x50e: {  	[sflag:s28] =	ssyncadd.s32 $0xFFFFC000  }
0x50f: {  	[spmem:s3] =	stream.indirect.scatter.add.f32 [tilespmem:s20], [sflag:$0x4], $0x80, s22, s24, $0xb8;
	[tilespmem:$0x1D200] =	vst v63  }
0x510: {  	_ =	swait.ge [sflag:s21], $0x4000  }
0x511: {  	[sflag:s21] =	ssyncset.done $0x0  }
0x512: {  	[sflag:s21] =	ssyncadd.s32 $0xFFFFC000  }
0x513: {  	_ =	swait.ge [sflag:s29], $0x8  }
0x514: {  	[sflag:s29] =	ssyncset.done $0x0  }
0x515: {  	[sflag:s29] =	ssyncadd.s32 $0xFFFFFFF8  }
0x516: {  	_ =	swait.ge [sflag:s31], $0x400  }
0x517: {  	[sflag:s31] =	ssyncset.done $0x0  }
0x518: {  	[sflag:s31] =	ssyncadd.s32 $0xFFFFFC00  }
0x519: {  	[spmem:s3] =	stream.indirect.scatter.add.f32 [tilespmem:s14], [sflag:$0x4], $0x80, s19, s2, $0xb8;
	[tilespmem:$0x1D200] =	vst v63  }
0x51a: {  	_ =	swait.ge [sflag:s21], $0x400  }
0x51b: {  	[sflag:s21] =	ssyncset.done $0x0  }
0x51c: {  	[sflag:s21] =	ssyncadd.s32 $0xFFFFFC00  }
0x51d: {  	[bflag:$0x0] =	sbarrier.arrive $0xFFFF  }
0x51e: {  	s17 =	rddreg [dreg:$0xe]  }
0x51f: {  	[hbm:s17], [sflag:s15] =	dma.local [spmem:s12], $0x2700  }
0x520: {  	_ =	swait.ge [sflag:s21], $0x2700  }
0x521: {  	[sflag:s21] =	ssyncset.done $0x0  }
0x522: {  	s12 =	rddreg [dreg:$0xf];
	[sflag:s21] =	ssyncadd.s32 $0xFFFFD900  }
0x523: {  	[hbm:s12], [sflag:s15] =	dma.local @!p0 [spmem:s16], $0x80  }
0x524: {  	_ =	swait.ge @!p0 [sflag:s0], $0x80  }
0x525: {  	s30 =	sadd.s32 $0x1, s30;
	s17 =	rddreg [dreg:$0x11]  }
0x526: {  	p1 =	sne.s32 s30, s17  }
.Ltmp2:
0x527: {  	_ = 	snop;
	(pc) =	sbr.rel @p1 .LBB2_1-.Ltmp2, $3  }
0x528: {  	_ =	sdelay $0x1  }
0x529: {  	[sflag:s0] =	ssyncset.done @!p0 $0x0  }
0x52a: {  	[sflag:s0] =	ssyncadd.s32 @!p0 $0xFFFFFF80  }
0x52b: {  	_ =	sfence.sel $0x180000  }
0x52c: {  	[bflag:$0x0] =	sbarrier.arrive $0xFFFF  }
0x52d: {  	_ =	strace $0x90000047  }
0x52e: {  	s0 =	stileid.u32;
	[bflag:$0x2] =	sbarrier.arrive $0xFFFF  }
0x52f: {  	p0 =	sne.s32 s0, $0x0;
	s0 =	rddreg [dreg:$0x4]  }
0x530: {  	s0 =	sadd.s32 @!p0 $0x100000, s0  }
0x531: {  	[sflag:s0] =	ssyncadd.tile.s32 @!p0 $0x1;
	_ =	shalt  }
.Lfunc_end2:
_tile_overlayer_lowered:
.L_overlay_start_2:
0x532: {  	(tag) =	ssettag $0x2  }
0x533: {  	s0 =	rddreg [dreg:$0x0];
	s2 =	stileid.u32  }
0x534: {  	s1 =	rddreg [dreg:$0x1];
	p0 =	sne.s32 s2, $0x0  }
0x535: {  	s3 =	rddreg [dreg:$0x2];
	[bflag:$0x3] =	sbarrier.arrive $0xFFFF;
	s2 =	simm.s32 @!p0 $0x1C04  }
0x536: {  	[timem:s3], [sflag:s2] =	dma.local @!p0 [hbm:s0], s1  }
0x537: {  	s0 =	simm.s32 @!p0 $0x4  }
0x538: {  	_ =	swait.ge @!p0 [sflag:s0], s1  }
0x539: {  	s1 =	ssub.s32 @!p0 $0x0, s1;
	[sflag:s0] =	ssyncset.done @!p0 $0x0  }
0x53a: {  	[sflag:s0] =	ssyncadd.s32 @!p0 s1  }
0x53b: {  	[bflag:$0x3] =	sbarrier.arrive $0xFFFF  }
0x53c: {  	_ =	shalt  }

</sc_bundles>
